<compile_context>
chip_gen: v7x
topology: tpu7x:2x2x1
jax: 0.10.2.dev20260603
libtpu: 0.0.44.dev20260713+nightly
codegen_flags: <defaults>
</compile_context>

<pallas_src>
import functools

import jax
import jax.numpy as jnp
from jax import lax
from jax.experimental import pallas as pl
from jax.experimental.pallas import tpu as pltpu
from jax.experimental.pallas import tpu_sc as plsc

N = 50000
E = 800000
N_ACC = 50048
E_PAD = 802816
D2 = 34
DT = 128

NC, NS = 2, 16
_MESH = dict(core_axis_name="c", subcore_axis_name="s")



def _mm_body(x_ref, w_ref, b_ref, out_ref):
    out_ref[...] = (jnp.dot(x_ref[...], w_ref[...],
                            preferred_element_type=jnp.float32) + b_ref[...])


def _mm(x, wcat, bcat):
    n, din = x.shape
    bn = 2048
    return pl.pallas_call(
        _mm_body,
        grid=(pl.cdiv(n, bn),),
        in_specs=[
            pl.BlockSpec((bn, din), lambda i: (i, 0)),
            pl.BlockSpec((din, DT), lambda i: (0, 0)),
            pl.BlockSpec((1, DT), lambda i: (0, 0)),
        ],
        out_specs=pl.BlockSpec((bn, DT), lambda i: (i, 0)),
        out_shape=jax.ShapeDtypeStruct((n, DT), jnp.float32),
    )(x, wcat, bcat)


def _edge12_body(gs_ref, gd_ref, ea_ref, we_ref, att_ref, sel_ref, out_ref, *, be):
    i = pl.program_id(0)
    gl = gs_ref[...][:, :64]
    gr = gd_ref[...][:, 64:]
    s = gl + gr + ea_ref[...] * we_ref[...]
    m = jnp.maximum(s, 0.2 * s)
    t = m * att_ref[...]
    logits = jnp.dot(t, sel_ref[...], preferred_element_type=jnp.float32)
    ea = jnp.exp(logits)
    valid = (i * be + lax.broadcasted_iota(jnp.int32, (be, 1), 0)) < E
    ea = jnp.where(valid, ea, 0.0)
    expand = jnp.dot(ea, sel_ref[...].T, preferred_element_type=jnp.float32)
    y = expand * gl
    out_ref[0, :, :] = jnp.concatenate([y[:, :32], ea[:, 0:2]], axis=1)
    out_ref[1, :, :] = jnp.concatenate([y[:, 32:], ea[:, 2:4]], axis=1)


def _edge12(gs, gd, eattr_pad, we_flat, att_flat, sel):
    be = 2048
    return pl.pallas_call(
        functools.partial(_edge12_body, be=be),
        grid=(E_PAD // be,),
        in_specs=[
            pl.BlockSpec((be, DT), lambda i: (i, 0)),
            pl.BlockSpec((be, DT), lambda i: (i, 0)),
            pl.BlockSpec((be, 1), lambda i: (i, 0)),
            pl.BlockSpec((1, 64), lambda i: (0, 0)),
            pl.BlockSpec((1, 64), lambda i: (0, 0)),
            pl.BlockSpec((64, 4), lambda i: (0, 0)),
        ],
        out_specs=pl.BlockSpec((2, be, D2), lambda i: (0, i, 0)),
        out_shape=jax.ShapeDtypeStruct((2, E_PAD, D2), jnp.float32),
    )(gs, gd, eattr_pad, we_flat, att_flat, sel)


def _edge3_body(gs_ref, gd_ref, ea_ref, we_ref, att_ref, out_ref, *, be):
    i = pl.program_id(0)
    gl = gs_ref[...][:, :32]
    gr = gd_ref[...][:, 32:64]
    s = gl + gr + ea_ref[...] * we_ref[...]
    m = jnp.maximum(s, 0.2 * s)
    t = m * att_ref[...]
    logit = jnp.sum(t, axis=-1, keepdims=True)
    ea = jnp.exp(logit)
    valid = (i * be + lax.broadcasted_iota(jnp.int32, (be, 1), 0)) < E
    ea = jnp.where(valid, ea, 0.0)
    y = ea * gl
    zpad = jnp.zeros((be, D2 - 33), jnp.float32)
    out_ref[...] = jnp.concatenate([y, ea, zpad], axis=1)


def _edge3(gs, gd, eattr_pad, we_flat, att_flat):
    be = 2048
    return pl.pallas_call(
        functools.partial(_edge3_body, be=be),
        grid=(E_PAD // be,),
        in_specs=[
            pl.BlockSpec((be, DT), lambda i: (i, 0)),
            pl.BlockSpec((be, DT), lambda i: (i, 0)),
            pl.BlockSpec((be, 1), lambda i: (i, 0)),
            pl.BlockSpec((1, 32), lambda i: (0, 0)),
            pl.BlockSpec((1, 32), lambda i: (0, 0)),
        ],
        out_specs=pl.BlockSpec((be, D2), lambda i: (i, 0)),
        out_shape=jax.ShapeDtypeStruct((E_PAD, D2), jnp.float32),
    )(gs, gd, eattr_pad, we_flat, att_flat)


def _node12_body(a0_ref, a1_ref, bias_ref, g_ref, b_ref, sel2_ref, out_ref):
    a0 = a0_ref[0]
    a1 = a1_ref[0]
    y = jnp.concatenate([a0[:, :32], a1[:, :32]], axis=1)
    den = jnp.concatenate(
        [jnp.dot(a0[:, 32:34], sel2_ref[...], preferred_element_type=jnp.float32),
         jnp.dot(a1[:, 32:34], sel2_ref[...], preferred_element_type=jnp.float32)],
        axis=1)
    h = y / (den + 1e-16) + bias_ref[...]
    mu = jnp.mean(h, axis=-1, keepdims=True)
    var = jnp.mean((h - mu) ** 2, axis=-1, keepdims=True)
    ln = (h - mu) * lax.rsqrt(var + 1e-5) * g_ref[...] + b_ref[...]
    out_ref[...] = jnp.where(ln > 0, ln, jnp.exp(ln) - 1.0)


def _node12(acc, bias, g, b, sel2):
    bn = 2048
    return pl.pallas_call(
        _node12_body,
        grid=(pl.cdiv(N, bn),),
        in_specs=[
            pl.BlockSpec((1, bn, D2), lambda i: (0, i, 0)),
            pl.BlockSpec((1, bn, D2), lambda i: (1, i, 0)),
            pl.BlockSpec((1, 64), lambda i: (0, 0)),
            pl.BlockSpec((1, 64), lambda i: (0, 0)),
            pl.BlockSpec((1, 64), lambda i: (0, 0)),
            pl.BlockSpec((2, 32), lambda i: (0, 0)),
        ],
        out_specs=pl.BlockSpec((bn, 64), lambda i: (i, 0)),
        out_shape=jax.ShapeDtypeStruct((N, 64), jnp.float32),
    )(acc, acc, bias, g, b, sel2)


def _node3_body(a_ref, bias_ref, g_ref, b_ref, out_ref):
    a = a_ref[...]
    h = a[:, :32] / (a[:, 32:33] + 1e-16) + bias_ref[...]
    mu = jnp.mean(h, axis=-1, keepdims=True)
    var = jnp.mean((h - mu) ** 2, axis=-1, keepdims=True)
    out_ref[...] = (h - mu) * lax.rsqrt(var + 1e-5) * g_ref[...] + b_ref[...]


def _node3(acc, bias, g, b):
    bn = 2048
    return pl.pallas_call(
        _node3_body,
        grid=(pl.cdiv(N, bn),),
        in_specs=[
            pl.BlockSpec((bn, D2), lambda i: (i, 0)),
            pl.BlockSpec((1, 32), lambda i: (0, 0)),
            pl.BlockSpec((1, 32), lambda i: (0, 0)),
            pl.BlockSpec((1, 32), lambda i: (0, 0)),
        ],
        out_specs=pl.BlockSpec((bn, 32), lambda i: (i, 0)),
        out_shape=jax.ShapeDtypeStruct((N, 32), jnp.float32),
    )(acc, bias, g, b)



_CHUNK = 128
_EPW = E_PAD // (NC * NS)
_GCHUNKS = _EPW // _CHUNK


def _gather_sc(table, idx_pad):
    mesh = plsc.VectorSubcoreMesh(**_MESH)

    @functools.partial(
        pl.kernel,
        out_type=jax.ShapeDtypeStruct((E_PAD, DT), jnp.float32),
        mesh=mesh,
        scratch_types=[
            pltpu.VMEM((2, _CHUNK), jnp.int32),
            pltpu.VMEM((2, _CHUNK, DT), jnp.float32),
            pltpu.SemaphoreType.DMA,
            pltpu.SemaphoreType.DMA,
        ],
    )
    def k(table_hbm, idx_hbm, out_hbm, idx_v, rows_v, gsem, wsem):
        wid = lax.axis_index("s") * NC + lax.axis_index("c")
        base = wid * _EPW

        def pair(p, carry):
            eb0 = base + (2 * p) * _CHUNK
            eb1 = eb0 + _CHUNK
            pltpu.sync_copy(idx_hbm.at[pl.ds(eb0, _CHUNK)], idx_v.at[0])
            g0 = pltpu.async_copy(table_hbm.at[idx_v.at[0]], rows_v.at[0], gsem)
            pltpu.sync_copy(idx_hbm.at[pl.ds(eb1, _CHUNK)], idx_v.at[1])
            g1 = pltpu.async_copy(table_hbm.at[idx_v.at[1]], rows_v.at[1], gsem)
            g0.wait()
            w0 = pltpu.async_copy(rows_v.at[0], out_hbm.at[pl.ds(eb0, _CHUNK)], wsem)
            g1.wait()
            w1 = pltpu.async_copy(rows_v.at[1], out_hbm.at[pl.ds(eb1, _CHUNK)], wsem)
            w0.wait()
            w1.wait()
            return carry

        lax.fori_loop(0, _GCHUNKS // 2, pair, 0)

    return k(table, idx_pad)


_CCH = 2048
_NCCH = E_PAD // _CCH
_N8 = N_ACC // 8
_N16 = N_ACC // 16


def _colsum_sc(tab_t, dst_pad, *, mode):
    mesh = plsc.VectorSubcoreMesh(**_MESH)
    ncp = 2 if mode == 12 else 1
    tab_flat = tab_t.reshape(-1)
    i16 = None

    @functools.partial(
        pl.kernel,
        out_type=jax.ShapeDtypeStruct((ncp * D2 * N_ACC,), jnp.float32),
        mesh=mesh,
        compiler_params=pltpu.CompilerParams(needs_layout_passes=False),
        scratch_types=[
            pltpu.VMEM((N_ACC,), jnp.float32),
            pltpu.VMEM((N_ACC,), jnp.float32),
            pltpu.VMEM((_N8,), jnp.float32),
            pltpu.VMEM((_CCH,), jnp.int32),
            pltpu.VMEM((_CCH,), jnp.float32),
            pltpu.VMEM((_CCH,), jnp.float32),
            pltpu.VMEM((_CCH,), jnp.float32),
            pltpu.SemaphoreType.DMA,
        ],
    )
    def k(tab_hbm, dst_hbm, out_hbm, acc0, acc1, accd, dstb, c0b, c1b, cdb, lsem):
        c = lax.axis_index("c")
        t = lax.axis_index("s")
        w = c * NS + t
        zero16 = jnp.zeros((16,), jnp.float32)
        ones16 = jnp.zeros((16,), jnp.int32)

        def zb(i, carry):
            acc0[pl.ds(i * 16, 16)] = zero16
            acc1[pl.ds(i * 16, 16)] = zero16
            return carry

        lax.fori_loop(0, N_ACC // 16, zb, 0)

        def zd(i, carry):
            accd[pl.ds(i * 16, 16)] = zero16
            return carry

        lax.fori_loop(0, _N8 // 16, zd, 0)

        if mode == 12:
            tplane = c
            col0 = 2 * t
            dcol = 32 + t // 8
            r0 = (t % 8) * _N8
            rlen = _N8
            ymask = (ones16 + 1) > 0
            out_plane = c
        else:
            tplane = c * 0
            col0 = 2 * t
            dcol = 32
            r0 = t * _N16
            rlen = _N16
            ymask = (ones16 + w) < NS
            out_plane = c * 0
        dgate = ymask if mode == 12 else jnp.logical_not(ymask)

        tb0 = (tplane * D2 + col0) * E_PAD
        tb1 = (tplane * D2 + col0 + 1) * E_PAD
        tbd = (tplane * D2 + dcol) * E_PAD

        def body(j, carry):
            eb = j * _CCH
            d0 = pltpu.async_copy(dst_hbm.at[pl.ds(eb, _CCH)], dstb, lsem)
            d1 = pltpu.async_copy(tab_hbm.at[pl.ds(tb0 + eb, _CCH)], c0b, lsem)
            d2 = pltpu.async_copy(tab_hbm.at[pl.ds(tb1 + eb, _CCH)], c1b, lsem)
            d3 = pltpu.async_copy(tab_hbm.at[pl.ds(tbd + eb, _CCH)], cdb, lsem)
            d0.wait()
            d1.wait()
            d2.wait()
            d3.wait()

            def gb(g, carry2):
                o = g * 16
                dst16 = dstb[pl.ds(o, 16)]
                plsc.addupdate_scatter(acc0, [dst16], c0b[pl.ds(o, 16)],
                                       mask=ymask)
                plsc.addupdate_scatter(acc1, [dst16], c1b[pl.ds(o, 16)],
                                       mask=ymask)
                dmask = (dst16 >= r0) & (dst16 < r0 + rlen) & dgate
                di = jnp.clip(dst16 - r0, 0, rlen - 1)
                plsc.addupdate_scatter(accd, [di], cdb[pl.ds(o, 16)],
                                       mask=dmask)
                return carry2

            lax.fori_loop(0, _CCH // 16, gb, 0)
            return carry

        lax.fori_loop(0, _NCCH, body, 0)

        ob0 = (out_plane * D2 + col0) * N_ACC
        ob1 = (out_plane * D2 + col0 + 1) * N_ACC
        obd = (out_plane * D2 + dcol) * N_ACC
        if mode == 12:
            pltpu.sync_copy(acc0, out_hbm.at[pl.ds(ob0, N_ACC)])
            pltpu.sync_copy(acc1, out_hbm.at[pl.ds(ob1, N_ACC)])
            pltpu.sync_copy(accd.at[pl.ds(0, rlen)],
                            out_hbm.at[pl.ds(obd + r0, rlen)])
        else:
            @pl.when(w < NS)
            def _():
                pltpu.sync_copy(acc0, out_hbm.at[pl.ds(ob0, N_ACC)])
                pltpu.sync_copy(acc1, out_hbm.at[pl.ds(ob1, N_ACC)])

            @pl.when(w >= NS)
            def _():
                pltpu.sync_copy(accd.at[pl.ds(0, _N16)],
                                out_hbm.at[pl.ds(obd + r0, _N16)])

    return k(tab_flat, dst_pad).reshape(ncp, D2, N_ACC)



def _layer12(h, src_pad, dst_pad, eattr_pad, p, gnorm, bnorm, sel, sel2):
    wcat = jnp.concatenate([p['Wl'], p['Wr']], axis=1)
    bcat = jnp.concatenate([p['bl'], p['br']]).reshape(1, DT)
    comb = _mm(h, wcat, bcat)
    gs = _gather_sc(comb, src_pad)
    gd = _gather_sc(comb, dst_pad)
    tab = _edge12(gs, gd, eattr_pad, p['We'].reshape(1, 64),
                  p['att'].reshape(1, 64), sel)
    tab_t = jnp.swapaxes(tab, 1, 2)
    acc_t = _colsum_sc(tab_t, dst_pad, mode=12)
    acc = jnp.swapaxes(acc_t, 1, 2)
    return _node12(acc, p['bias'].reshape(1, 64),
                   gnorm.reshape(1, 64), bnorm.reshape(1, 64), sel2)


def _layer3(h, src_pad, dst_pad, eattr_pad, p, gnorm, bnorm):
    wcat = jnp.concatenate(
        [p['Wl'], p['Wr'], jnp.zeros((p['Wl'].shape[0], DT - 64), jnp.float32)],
        axis=1)
    bcat = jnp.concatenate(
        [p['bl'], p['br'], jnp.zeros((DT - 64,), jnp.float32)]).reshape(1, DT)
    comb = _mm(h, wcat, bcat)
    gs = _gather_sc(comb, src_pad)
    gd = _gather_sc(comb, dst_pad)
    tab = _edge3(gs, gd, eattr_pad, p['We'].reshape(1, 32), p['att'].reshape(1, 32))
    tab_t = jnp.swapaxes(tab, 0, 1).reshape(1, D2, E_PAD)
    acc_t = _colsum_sc(tab_t, dst_pad, mode=3)
    acc = jnp.swapaxes(acc_t[0], 0, 1)
    return _node3(acc, p['bias'].reshape(1, 32),
                  gnorm.reshape(1, 32), bnorm.reshape(1, 32))


def kernel(x, edge_index, edge_attr, params):
    src = edge_index[0]
    dst = edge_index[1]
    pad = (jnp.arange(E_PAD - E, dtype=jnp.int32) * 61) % N
    src_pad = jnp.concatenate([src, pad])
    dst_pad = jnp.concatenate([dst, pad])
    eattr_pad = jnp.concatenate([edge_attr,
                                 jnp.zeros((E_PAD - E, 1), jnp.float32)])

    hsel = jnp.arange(64, dtype=jnp.int32) // 16
    sel = (hsel[:, None] == jnp.arange(4, dtype=jnp.int32)[None, :]).astype(jnp.float32)
    sel2 = (jnp.arange(2, dtype=jnp.int32)[:, None]
            == (jnp.arange(32, dtype=jnp.int32) // 16)[None, :]).astype(jnp.float32)

    h = _layer12(x, src_pad, dst_pad, eattr_pad, params['conv1'],
                 params['norm1']['g'], params['norm1']['b'], sel, sel2)
    h = _layer12(h, src_pad, dst_pad, eattr_pad, params['conv2'],
                 params['norm2']['g'], params['norm2']['b'], sel, sel2)
    return _layer3(h, src_pad, dst_pad, eattr_pad, params['conv3'],
                   params['norm3']['g'], params['norm3']['b'])

# --- scband reference (transcript-rebuilt; emitter-appended) ---
"""Pipeline reference for scband-gnnencoder-32478542692805 (READ-ONLY COPY).

The authoritative reference and input builder live on the scoring server;
editing this copy changes nothing except your own understanding.
"""

import jax, jax.numpy as jnp
import numpy as np

N = 50000
E = 800000
IN_DIM = 128
HIDDEN = 64
OUT_DIM = 32
HEADS = 4

LAYERS = [
    (IN_DIM, HEADS, HIDDEN // HEADS),
    (HIDDEN, HEADS, HIDDEN // HEADS),
    (HIDDEN, 1, OUT_DIM),
]

def _init_layer(key, in_dim, H, C):
    ks = jax.random.split(key, 4)
    s = 1.0 / np.sqrt(in_dim)
    return {
        'Wl': jax.random.normal(ks[0], (in_dim, H * C), jnp.float32) * s,
        'bl': jnp.zeros((H * C,), jnp.float32),
        'Wr': jax.random.normal(ks[1], (in_dim, H * C), jnp.float32) * s,
        'br': jnp.zeros((H * C,), jnp.float32),
        'We': jax.random.normal(ks[2], (1, H * C), jnp.float32),
        'att': jax.random.normal(ks[3], (H, C), jnp.float32) * (1.0 / np.sqrt(C)),
        'bias': jnp.zeros((H * C,), jnp.float32),
    }

def setup_inputs(seed: int = 0):
    key = jax.random.key(seed)
    ks = jax.random.split(key, 8)
    x = jax.random.normal(ks[0], (N, IN_DIM), jnp.float32)
    edge_index = jax.random.randint(ks[1], (2, E), 0, N, dtype=jnp.int32)
    edge_attr = jax.random.uniform(ks[2], (E, 1), dtype=jnp.float32)
    params = {
        'conv1': _init_layer(ks[3], *LAYERS[0]),
        'conv2': _init_layer(ks[4], *LAYERS[1]),
        'conv3': _init_layer(ks[5], *LAYERS[2]),
        'norm1': {'g': jnp.ones((HIDDEN,), jnp.float32), 'b': jnp.zeros((HIDDEN,), jnp.float32)},
        'norm2': {'g': jnp.ones((HIDDEN,), jnp.float32), 'b': jnp.zeros((HIDDEN,), jnp.float32)},
        'norm3': {'g': jnp.ones((OUT_DIM,), jnp.float32), 'b': jnp.zeros((OUT_DIM,), jnp.float32)},
    }
    return {'x': x, 'edge_index': edge_index, 'edge_attr': edge_attr, 'params': params}

def _gatv2_layer(x, src, dst, edge_attr, p, H, C, num_nodes):
    # GATv2Conv (PyG semantics): x_j -> lin_l, x_i -> lin_r, edge -> lin_edge,
    # e = att . leaky_relu(x_l[src] + x_r[dst] + e_emb), softmax over incoming edges per dst,
    # out = scatter_add(alpha * x_l[src]) over dst, concat heads, add bias.
    xl = (x @ p['Wl'] + p['bl']).reshape(-1, H, C)
    xr = (x @ p['Wr'] + p['br']).reshape(-1, H, C)
    ee = (edge_attr @ p['We']).reshape(-1, H, C)
    m = jax.nn.leaky_relu(xl[src] + xr[dst] + ee, 0.2)
    logits = jnp.sum(m * p['att'][None, :, :], axis=-1)
    amax = jax.ops.segment_max(logits, dst, num_segments=num_nodes)
    amax = jnp.where(jnp.isfinite(amax), amax, 0.0)
    ea = jnp.exp(logits - amax[dst])
    denom = jax.ops.segment_sum(ea, dst, num_segments=num_nodes)
    alpha = ea / (denom[dst] + 1e-16)
    out = jax.ops.segment_sum(alpha[:, :, None] * xl[src], dst, num_segments=num_nodes)
    return out.reshape(num_nodes, H * C) + p['bias']

def _layernorm(x, g, b, eps=1e-5):
    mu = jnp.mean(x, axis=-1, keepdims=True)
    var = jnp.mean((x - mu) ** 2, axis=-1, keepdims=True)
    return (x - mu) / jnp.sqrt(var + eps) * g + b

def _forward(x, edge_attr, params, src, dst):
    h = _gatv2_layer(x, src, dst, edge_attr, params['conv1'], LAYERS[0][1], LAYERS[0][2], N)
    h = _layernorm(h, params['norm1']['g'], params['norm1']['b'])
    h = jax.nn.elu(h)
    # dropout p=0.1 is identity in eval mode
    h = _gatv2_layer(h, src, dst, edge_attr, params['conv2'], LAYERS[1][1], LAYERS[1][2], N)
    h = _layernorm(h, params['norm2']['g'], params['norm2']['b'])
    h = jax.nn.elu(h)
    h = _gatv2_layer(h, src, dst, edge_attr, params['conv3'], LAYERS[2][1], LAYERS[2][2], N)
    h = _layernorm(h, params['norm3']['g'], params['norm3']['b'])
    return h

def reference(x, edge_index, edge_attr, params):
    src = edge_index[0]
    dst = edge_index[1]
    return _forward(x, edge_attr, params, src, dst)

if __name__ == "__main__":
    import jax
    _d = setup_inputs()
    print(jax.jit(kernel)(*tuple(_d.values())))

</pallas_src>

<mosaic_0001>
#map = affine_map<(d0, d1) -> (0)>
module attributes {stable_mosaic.version = 14 : i64} {
  func.func @k(%arg0: i32, %arg1: i32, %arg2: memref<54591488xf32, #tpu.memory_space<hbm>>, %arg3: memref<802816xi32, #tpu.memory_space<hbm>>, %arg4: memref<3403264xf32, #tpu.memory_space<hbm>>, %arg5: memref<50048xf32, #tpu.memory_space<vmem>>, %arg6: memref<50048xf32, #tpu.memory_space<vmem>>, %arg7: memref<6256xf32, #tpu.memory_space<vmem>>, %arg8: memref<2048xi32, #tpu.memory_space<vmem>>, %arg9: memref<2048xf32, #tpu.memory_space<vmem>>, %arg10: memref<2048xf32, #tpu.memory_space<vmem>>, %arg11: memref<2048xf32, #tpu.memory_space<vmem>>, %arg12: memref<!tpu.dma_semaphore, #tpu.memory_space<semaphore_mem>>) attributes {dimension_semantics = [#tpu.dimension_semantics<core_parallel>, #tpu.dimension_semantics<subcore_parallel>], iteration_bounds = array<i64: 2, 16>, scalar_prefetch = 0 : i64, scratch_operands = 8 : i64, tpu.core_type = #tpu.core_type<sc_vector_subcore>, window_params = [{transform_indices = #map}, {transform_indices = #map}, {transform_indices = #map}]} {
    %mul3A = arith.constant 16 : i32
    %mul3A_0 = arith.muli %arg0, %mul3A : i32
    %add3A = arith.addi %mul3A_0, %arg1 : i32
    %broadcast_in_dim3A = arith.constant 0.000000e+00 : f32
    %broadcast_in_dim3A_1 = vector.broadcast %broadcast_in_dim3A : f32 to vector<16xf32>
    %broadcast_in_dim3A_2 = arith.constant 0 : i32
    %broadcast_in_dim3A_3 = vector.broadcast %broadcast_in_dim3A_2 : i32 to vector<16xi32>
    %scan3A = arith.constant 0 : i32
    %scan3A_4 = arith.constant 0 : i32
    %scan3A_5 = arith.constant 3128 : i32
    %scan3A_6 = arith.addi %scan3A_4, %scan3A_5 : i32
    %scan3A_7 = arith.constant 1 : i32
    scf.for %scan3A_97 = %scan3A_4 to %scan3A_6 step %scan3A_7  : i32 {
      %mul3A_98 = arith.constant 16 : i32
      %mul3A_99 = arith.muli %scan3A_97, %mul3A_98 : i32
      %swap3A = arith.index_cast %mul3A_99 : i32 to index
      %swap3A_100 = tpu.vector_load %arg5[%swap3A] {strides = array<i32>} : memref<50048xf32, #tpu.memory_space<vmem>>, vector<16xf32>,
      tpu.vector_store %arg5[%swap3A], %broadcast_in_dim3A_1 {strides = array<i32>} : memref<50048xf32, #tpu.memory_space<vmem>>, vector<16xf32>,
      %mul3A_101 = arith.constant 16 : i32
      %mul3A_102 = arith.muli %scan3A_97, %mul3A_101 : i32
      %swap3A_103 = arith.index_cast %mul3A_102 : i32 to index
      %swap3A_104 = tpu.vector_load %arg6[%swap3A_103] {strides = array<i32>} : memref<50048xf32, #tpu.memory_space<vmem>>, vector<16xf32>,
      tpu.vector_store %arg6[%swap3A_103], %broadcast_in_dim3A_1 {strides = array<i32>} : memref<50048xf32, #tpu.memory_space<vmem>>, vector<16xf32>,
    }
    %scan3A_8 = arith.constant 3128 : i32
    %scan3A_9 = arith.constant 0 : i32
    %scan3A_10 = arith.constant 0 : i32
    %scan3A_11 = arith.constant 391 : i32
    %scan3A_12 = arith.addi %scan3A_10, %scan3A_11 : i32
    %scan3A_13 = arith.constant 1 : i32
    scf.for %scan3A_97 = %scan3A_10 to %scan3A_12 step %scan3A_13  : i32 {
      %mul3A_98 = arith.constant 16 : i32
      %mul3A_99 = arith.muli %scan3A_97, %mul3A_98 : i32
      %swap3A = arith.index_cast %mul3A_99 : i32 to index
      %swap3A_100 = tpu.vector_load %arg7[%swap3A] {strides = array<i32>} : memref<6256xf32, #tpu.memory_space<vmem>>, vector<16xf32>,
      tpu.vector_store %arg7[%swap3A], %broadcast_in_dim3A_1 {strides = array<i32>} : memref<6256xf32, #tpu.memory_space<vmem>>, vector<16xf32>,
    }
    %scan3A_14 = arith.constant 391 : i32
    %mul3A_15 = arith.constant 2 : i32
    %mul3A_16 = arith.muli %mul3A_15, %arg1 : i32
    %jit3A = arith.constant 8 : i32
    %div3A = arith.divsi %arg1, %jit3A : i32
    %sign3A = arith.constant 0 : i32
    %sign3A_17 = arith.cmpi sgt, %arg1, %sign3A : i32
    %sign3A_18 = arith.extui %sign3A_17 : i1 to i32
    %sign3A_19 = arith.constant 0 : i32
    %sign3A_20 = arith.cmpi slt, %arg1, %sign3A_19 : i32
    %sign3A_21 = arith.extui %sign3A_20 : i1 to i32
    %sign3A_22 = arith.subi %sign3A_18, %sign3A_21 : i32
    %sign3A_23 = arith.constant 0 : i32
    %sign3A_24 = arith.cmpi sgt, %jit3A, %sign3A_23 : i32
    %sign3A_25 = arith.extui %sign3A_24 : i1 to i32
    %sign3A_26 = arith.constant 0 : i32
    %sign3A_27 = arith.cmpi slt, %jit3A, %sign3A_26 : i32
    %sign3A_28 = arith.extui %sign3A_27 : i1 to i32
    %sign3A_29 = arith.subi %sign3A_25, %sign3A_28 : i32
    %ne3A = arith.cmpi ne, %sign3A_22, %sign3A_29 : i32
    %rem3A = arith.remsi %arg1, %jit3A : i32
    %ne3A_30 = arith.constant 0 : i32
    %ne3A_31 = arith.cmpi ne, %rem3A, %ne3A_30 : i32
    %and3A = arith.andi %ne3A, %ne3A_31 : i1
    %sub3A = arith.constant 1 : i32
    %sub3A_32 = arith.subi %div3A, %sub3A : i32
    %select_n3A = arith.select %and3A, %sub3A_32, %div3A : i32
    %add3A_33 = arith.constant 32 : i32
    %add3A_34 = arith.addi %add3A_33, %select_n3A : i32
    %jit3A_35 = arith.constant 8 : i32
    %eq3A = arith.constant 0 : i32
    %eq3A_36 = arith.cmpi eq, %jit3A_35, %eq3A : i32
    %jit3A_37 = arith.constant 1 : i32
    %select_n3A_38 = arith.select %eq3A_36, %jit3A_37, %jit3A_35 : i32
    %rem3A_39 = arith.remsi %arg1, %select_n3A_38 : i32
    %ne3A_40 = arith.constant 0 : i32
    %ne3A_41 = arith.cmpi ne, %rem3A_39, %ne3A_40 : i32
    %lt3A = arith.constant 0 : i32
    %lt3A_42 = arith.cmpi slt, %rem3A_39, %lt3A : i32
    %lt3A_43 = arith.constant 0 : i32
    %lt3A_44 = arith.cmpi slt, %select_n3A_38, %lt3A_43 : i32
    %ne3A_45 = arith.xori %lt3A_42, %lt3A_44 : i1
    %and3A_46 = arith.andi %ne3A_45, %ne3A_41 : i1
    %add3A_47 = arith.addi %rem3A_39, %select_n3A_38 : i32
    %select_n3A_48 = arith.select %and3A_46, %add3A_47, %rem3A_39 : i32
    %mul3A_49 = arith.constant 6256 : i32
    %mul3A_50 = arith.muli %select_n3A_48, %mul3A_49 : i32
    %add3A_51 = arith.constant 1 : i32
    %add3A_52 = vector.broadcast %add3A_51 : i32 to vector<16xi32>
    %add3A_53 = arith.addi %broadcast_in_dim3A_3, %add3A_52 : vector<16xi32>
    %gt3A = arith.constant 0 : i32
    %gt3A_54 = vector.broadcast %gt3A : i32 to vector<16xi32>
    %gt3A_55 = arith.cmpi sgt, %add3A_53, %gt3A_54 : vector<16xi32>
    %mul3A_56 = arith.constant 34 : i32
    %mul3A_57 = arith.muli %arg0, %mul3A_56 : i32
    %add3A_58 = arith.addi %mul3A_57, %mul3A_16 : i32
    %mul3A_59 = arith.constant 802816 : i32
    %mul3A_60 = arith.muli %add3A_58, %mul3A_59 : i32
    %mul3A_61 = arith.constant 34 : i32
    %mul3A_62 = arith.muli %arg0, %mul3A_61 : i32
    %add3A_63 = arith.addi %mul3A_62, %mul3A_16 : i32
    %add3A_64 = arith.constant 1 : i32
    %add3A_65 = arith.addi %add3A_63, %add3A_64 : i32
    %mul3A_66 = arith.constant 802816 : i32
    %mul3A_67 = arith.muli %add3A_65, %mul3A_66 : i32
    %mul3A_68 = arith.constant 34 : i32
    %mul3A_69 = arith.muli %arg0, %mul3A_68 : i32
    %add3A_70 = arith.addi %mul3A_69, %add3A_34 : i32
    %mul3A_71 = arith.constant 802816 : i32
    %mul3A_72 = arith.muli %add3A_70, %mul3A_71 : i32
    %scan3A_73 = arith.constant 0 : i32
    %scan3A_74 = arith.constant 0 : i32
    %scan3A_75 = arith.constant 392 : i32
    %scan3A_76 = arith.addi %scan3A_74, %scan3A_75 : i32
    %scan3A_77 = arith.constant 1 : i32
    scf.for %scan3A_97 = %scan3A_74 to %scan3A_76 step %scan3A_77  : i32 {
      %mul3A_98 = arith.constant 2048 : i32
      %mul3A_99 = arith.muli %scan3A_97, %mul3A_98 : i32
      %dma_start3A = tpu.memref_slice %arg3[%mul3A_99] : memref<802816xi32, #tpu.memory_space<hbm>> -> memref<2048xi32, #tpu.memory_space<hbm>>
      %dma_start3A_100 = tpu.memref_slice %arg3[%mul3A_99] : memref<802816xi32, #tpu.memory_space<hbm>> -> memref<2048xi32, #tpu.memory_space<hbm>>
      tpu.enqueue_dma source(%dma_start3A_100 : memref<2048xi32, #tpu.memory_space<hbm>>) target(%arg8 : memref<2048xi32, #tpu.memory_space<vmem>>) target_semaphore(%arg12 : memref<!tpu.dma_semaphore, #tpu.memory_space<semaphore_mem>>)
      %add3A_101 = arith.addi %mul3A_60, %mul3A_99 : i32
      %dma_start3A_102 = tpu.memref_slice %arg2[%add3A_101] : memref<54591488xf32, #tpu.memory_space<hbm>> -> memref<2048xf32, #tpu.memory_space<hbm>>
      %dma_start3A_103 = tpu.memref_slice %arg2[%add3A_101] : memref<54591488xf32, #tpu.memory_space<hbm>> -> memref<2048xf32, #tpu.memory_space<hbm>>
      tpu.enqueue_dma source(%dma_start3A_103 : memref<2048xf32, #tpu.memory_space<hbm>>) target(%arg9 : memref<2048xf32, #tpu.memory_space<vmem>>) target_semaphore(%arg12 : memref<!tpu.dma_semaphore, #tpu.memory_space<semaphore_mem>>)
      %add3A_104 = arith.addi %mul3A_67, %mul3A_99 : i32
      %dma_start3A_105 = tpu.memref_slice %arg2[%add3A_104] : memref<54591488xf32, #tpu.memory_space<hbm>> -> memref<2048xf32, #tpu.memory_space<hbm>>
      %dma_start3A_106 = tpu.memref_slice %arg2[%add3A_104] : memref<54591488xf32, #tpu.memory_space<hbm>> -> memref<2048xf32, #tpu.memory_space<hbm>>
      tpu.enqueue_dma source(%dma_start3A_106 : memref<2048xf32, #tpu.memory_space<hbm>>) target(%arg10 : memref<2048xf32, #tpu.memory_space<vmem>>) target_semaphore(%arg12 : memref<!tpu.dma_semaphore, #tpu.memory_space<semaphore_mem>>)
      %add3A_107 = arith.addi %mul3A_72, %mul3A_99 : i32
      %dma_start3A_108 = tpu.memref_slice %arg2[%add3A_107] : memref<54591488xf32, #tpu.memory_space<hbm>> -> memref<2048xf32, #tpu.memory_space<hbm>>
      %dma_start3A_109 = tpu.memref_slice %arg2[%add3A_107] : memref<54591488xf32, #tpu.memory_space<hbm>> -> memref<2048xf32, #tpu.memory_space<hbm>>
      tpu.enqueue_dma source(%dma_start3A_109 : memref<2048xf32, #tpu.memory_space<hbm>>) target(%arg11 : memref<2048xf32, #tpu.memory_space<vmem>>) target_semaphore(%arg12 : memref<!tpu.dma_semaphore, #tpu.memory_space<semaphore_mem>>)
      %dma_wait3A = tpu.memref_slice %arg3[%mul3A_99] : memref<802816xi32, #tpu.memory_space<hbm>> -> memref<2048xi32, #tpu.memory_space<hbm>>
      %dma_wait3A_110 = tpu.memref_slice %arg3[%mul3A_99] : memref<802816xi32, #tpu.memory_space<hbm>> -> memref<2048xi32, #tpu.memory_space<hbm>>
      tpu.wait_dma2 semaphore(%arg12 : memref<!tpu.dma_semaphore, #tpu.memory_space<semaphore_mem>>) src(%dma_wait3A_110 : memref<2048xi32, #tpu.memory_space<hbm>>) dst(%arg8 : memref<2048xi32, #tpu.memory_space<vmem>>)
      %dma_wait3A_111 = tpu.memref_slice %arg2[%add3A_101] : memref<54591488xf32, #tpu.memory_space<hbm>> -> memref<2048xf32, #tpu.memory_space<hbm>>
      %dma_wait3A_112 = tpu.memref_slice %arg2[%add3A_101] : memref<54591488xf32, #tpu.memory_space<hbm>> -> memref<2048xf32, #tpu.memory_space<hbm>>
      tpu.wait_dma2 semaphore(%arg12 : memref<!tpu.dma_semaphore, #tpu.memory_space<semaphore_mem>>) src(%dma_wait3A_112 : memref<2048xf32, #tpu.memory_space<hbm>>) dst(%arg9 : memref<2048xf32, #tpu.memory_space<vmem>>)
      %dma_wait3A_113 = tpu.memref_slice %arg2[%add3A_104] : memref<54591488xf32, #tpu.memory_space<hbm>> -> memref<2048xf32, #tpu.memory_space<hbm>>
      %dma_wait3A_114 = tpu.memref_slice %arg2[%add3A_104] : memref<54591488xf32, #tpu.memory_space<hbm>> -> memref<2048xf32, #tpu.memory_space<hbm>>
      tpu.wait_dma2 semaphore(%arg12 : memref<!tpu.dma_semaphore, #tpu.memory_space<semaphore_mem>>) src(%dma_wait3A_114 : memref<2048xf32, #tpu.memory_space<hbm>>) dst(%arg10 : memref<2048xf32, #tpu.memory_space<vmem>>)
      %dma_wait3A_115 = tpu.memref_slice %arg2[%add3A_107] : memref<54591488xf32, #tpu.memory_space<hbm>> -> memref<2048xf32, #tpu.memory_space<hbm>>
      %dma_wait3A_116 = tpu.memref_slice %arg2[%add3A_107] : memref<54591488xf32, #tpu.memory_space<hbm>> -> memref<2048xf32, #tpu.memory_space<hbm>>
      tpu.wait_dma2 semaphore(%arg12 : memref<!tpu.dma_semaphore, #tpu.memory_space<semaphore_mem>>) src(%dma_wait3A_116 : memref<2048xf32, #tpu.memory_space<hbm>>) dst(%arg11 : memref<2048xf32, #tpu.memory_space<vmem>>)
      %scan3A_117 = arith.constant 0 : i32
      %scan3A_118 = arith.constant 0 : i32
      %scan3A_119 = arith.constant 128 : i32
      %scan3A_120 = arith.addi %scan3A_118, %scan3A_119 : i32
      %scan3A_121 = arith.constant 1 : i32
      scf.for %scan3A_123 = %scan3A_118 to %scan3A_120 step %scan3A_121  : i32 {
        %mul3A_124 = arith.constant 16 : i32
        %mul3A_125 = arith.muli %scan3A_123, %mul3A_124 : i32
        %get3A = arith.index_cast %mul3A_125 : i32 to index
        %get3A_126 = tpu.vector_load %arg8[%get3A] {strides = array<i32>} : memref<2048xi32, #tpu.memory_space<vmem>>, vector<16xi32>,
        %get3A_127 = arith.index_cast %mul3A_125 : i32 to index
        %get3A_128 = tpu.vector_load %arg9[%get3A_127] {strides = array<i32>} : memref<2048xf32, #tpu.memory_space<vmem>>, vector<16xf32>,
        tpu.vector_store_idx %arg5[%get3A_126], %get3A_128 masked %gt3A_55 {add = true} : memref<50048xf32, #tpu.memory_space<vmem>>[vector<16xi32>], vector<16xf32>, vector<16xi1>
        %get3A_129 = arith.index_cast %mul3A_125 : i32 to index
        %get3A_130 = tpu.vector_load %arg10[%get3A_129] {strides = array<i32>} : memref<2048xf32, #tpu.memory_space<vmem>>, vector<16xf32>,
        tpu.vector_store_idx %arg6[%get3A_126], %get3A_130 masked %gt3A_55 {add = true} : memref<50048xf32, #tpu.memory_space<vmem>>[vector<16xi32>], vector<16xf32>, vector<16xi1>
        %ge3A = vector.broadcast %mul3A_50 : i32 to vector<16xi32>
        %ge3A_131 = arith.cmpi sge, %get3A_126, %ge3A : vector<16xi32>
        %add3A_132 = arith.constant 6256 : i32
        %add3A_133 = arith.addi %mul3A_50, %add3A_132 : i32
        %lt3A_134 = vector.broadcast %add3A_133 : i32 to vector<16xi32>
        %lt3A_135 = arith.cmpi slt, %get3A_126, %lt3A_134 : vector<16xi32>
        %and3A_136 = arith.andi %ge3A_131, %lt3A_135 : vector<16xi1>
        %and3A_137 = arith.andi %and3A_136, %gt3A_55 : vector<16xi1>
        %sub3A_138 = vector.broadcast %mul3A_50 : i32 to vector<16xi32>
        %sub3A_139 = arith.subi %get3A_126, %sub3A_138 : vector<16xi32>
        %jit3A_140 = arith.constant 0 : i32
        %jit3A_141 = arith.constant 6255 : i32
        %max3A = vector.broadcast %jit3A_140 : i32 to vector<16xi32>
        %max3A_142 = arith.maxsi %max3A, %sub3A_139 : vector<16xi32>
        %min3A = vector.broadcast %jit3A_141 : i32 to vector<16xi32>
        %min3A_143 = arith.minsi %min3A, %max3A_142 : vector<16xi32>
        %get3A_144 = arith.index_cast %mul3A_125 : i32 to index
        %get3A_145 = tpu.vector_load %arg11[%get3A_144] {strides = array<i32>} : memref<2048xf32, #tpu.memory_space<vmem>>, vector<16xf32>,
        tpu.vector_store_idx %arg7[%min3A_143], %get3A_145 masked %and3A_137 {add = true} : memref<6256xf32, #tpu.memory_space<vmem>>[vector<16xi32>], vector<16xf32>, vector<16xi1>
      }
      %scan3A_122 = arith.constant 128 : i32
    }
    %scan3A_78 = arith.constant 392 : i32
    %mul3A_79 = arith.constant 34 : i32
    %mul3A_80 = arith.muli %arg0, %mul3A_79 : i32
    %add3A_81 = arith.addi %mul3A_80, %mul3A_16 : i32
    %mul3A_82 = arith.constant 50048 : i32
    %mul3A_83 = arith.muli %add3A_81, %mul3A_82 : i32
    %mul3A_84 = arith.constant 34 : i32
    %mul3A_85 = arith.muli %arg0, %mul3A_84 : i32
    %add3A_86 = arith.addi %mul3A_85, %mul3A_16 : i32
    %add3A_87 = arith.constant 1 : i32
    %add3A_88 = arith.addi %add3A_86, %add3A_87 : i32
    %mul3A_89 = arith.constant 50048 : i32
    %mul3A_90 = arith.muli %add3A_88, %mul3A_89 : i32
    %mul3A_91 = arith.constant 34 : i32
    %mul3A_92 = arith.muli %arg0, %mul3A_91 : i32
    %add3A_93 = arith.addi %mul3A_92, %add3A_34 : i32
    %mul3A_94 = arith.constant 50048 : i32
    %mul3A_95 = arith.muli %add3A_93, %mul3A_94 : i32
    "tpu.region"() ({
      %run_scoped3A = tpu.sem_alloc : memref<!tpu.dma_semaphore, #tpu.memory_space<semaphore_mem>>
      %dma_start3A = tpu.memref_slice %arg4[%mul3A_83] : memref<3403264xf32, #tpu.memory_space<hbm>> -> memref<50048xf32, #tpu.memory_space<hbm>>
      %dma_start3A_97 = tpu.memref_slice %arg4[%mul3A_83] : memref<3403264xf32, #tpu.memory_space<hbm>> -> memref<50048xf32, #tpu.memory_space<hbm>>
      tpu.enqueue_dma source(%arg5 : memref<50048xf32, #tpu.memory_space<vmem>>) target(%dma_start3A_97 : memref<50048xf32, #tpu.memory_space<hbm>>) target_semaphore(%run_scoped3A : memref<!tpu.dma_semaphore, #tpu.memory_space<semaphore_mem>>)
      %dma_wait3A = tpu.memref_slice %arg4[%mul3A_83] : memref<3403264xf32, #tpu.memory_space<hbm>> -> memref<50048xf32, #tpu.memory_space<hbm>>
      %dma_wait3A_98 = tpu.memref_slice %arg4[%mul3A_83] : memref<3403264xf32, #tpu.memory_space<hbm>> -> memref<50048xf32, #tpu.memory_space<hbm>>
      tpu.wait_dma2 semaphore(%run_scoped3A : memref<!tpu.dma_semaphore, #tpu.memory_space<semaphore_mem>>) src(%arg5 : memref<50048xf32, #tpu.memory_space<vmem>>) dst(%dma_wait3A_98 : memref<50048xf32, #tpu.memory_space<hbm>>)
      tpu.yield
    }) : () -> ()
    "tpu.region"() ({
      %run_scoped3A = tpu.sem_alloc : memref<!tpu.dma_semaphore, #tpu.memory_space<semaphore_mem>>
      %dma_start3A = tpu.memref_slice %arg4[%mul3A_90] : memref<3403264xf32, #tpu.memory_space<hbm>> -> memref<50048xf32, #tpu.memory_space<hbm>>
      %dma_start3A_97 = tpu.memref_slice %arg4[%mul3A_90] : memref<3403264xf32, #tpu.memory_space<hbm>> -> memref<50048xf32, #tpu.memory_space<hbm>>
      tpu.enqueue_dma source(%arg6 : memref<50048xf32, #tpu.memory_space<vmem>>) target(%dma_start3A_97 : memref<50048xf32, #tpu.memory_space<hbm>>) target_semaphore(%run_scoped3A : memref<!tpu.dma_semaphore, #tpu.memory_space<semaphore_mem>>)
      %dma_wait3A = tpu.memref_slice %arg4[%mul3A_90] : memref<3403264xf32, #tpu.memory_space<hbm>> -> memref<50048xf32, #tpu.memory_space<hbm>>
      %dma_wait3A_98 = tpu.memref_slice %arg4[%mul3A_90] : memref<3403264xf32, #tpu.memory_space<hbm>> -> memref<50048xf32, #tpu.memory_space<hbm>>
      tpu.wait_dma2 semaphore(%run_scoped3A : memref<!tpu.dma_semaphore, #tpu.memory_space<semaphore_mem>>) src(%arg6 : memref<50048xf32, #tpu.memory_space<vmem>>) dst(%dma_wait3A_98 : memref<50048xf32, #tpu.memory_space<hbm>>)
      tpu.yield
    }) : () -> ()
    %add3A_96 = arith.addi %mul3A_95, %mul3A_50 : i32
    "tpu.region"() ({
      %run_scoped3A = tpu.sem_alloc : memref<!tpu.dma_semaphore, #tpu.memory_space<semaphore_mem>>
      %dma_start3A = arith.constant 0 : i32
      %dma_start3A_97 = tpu.memref_slice %arg7[%dma_start3A] : memref<6256xf32, #tpu.memory_space<vmem>> -> memref<6256xf32, #tpu.memory_space<vmem>>
      %dma_start3A_98 = tpu.memref_slice %arg4[%add3A_96] : memref<3403264xf32, #tpu.memory_space<hbm>> -> memref<6256xf32, #tpu.memory_space<hbm>>
      %dma_start3A_99 = tpu.memref_slice %arg4[%add3A_96] : memref<3403264xf32, #tpu.memory_space<hbm>> -> memref<6256xf32, #tpu.memory_space<hbm>>
      %dma_start3A_100 = arith.constant 0 : i32
      %dma_start3A_101 = tpu.memref_slice %arg7[%dma_start3A_100] : memref<6256xf32, #tpu.memory_space<vmem>> -> memref<6256xf32, #tpu.memory_space<vmem>>
      tpu.enqueue_dma source(%dma_start3A_101 : memref<6256xf32, #tpu.memory_space<vmem>>) target(%dma_start3A_99 : memref<6256xf32, #tpu.memory_space<hbm>>) target_semaphore(%run_scoped3A : memref<!tpu.dma_semaphore, #tpu.memory_space<semaphore_mem>>)
      %dma_wait3A = arith.constant 0 : i32
      %dma_wait3A_102 = tpu.memref_slice %arg7[%dma_wait3A] : memref<6256xf32, #tpu.memory_space<vmem>> -> memref<6256xf32, #tpu.memory_space<vmem>>
      %dma_wait3A_103 = tpu.memref_slice %arg4[%add3A_96] : memref<3403264xf32, #tpu.memory_space<hbm>> -> memref<6256xf32, #tpu.memory_space<hbm>>
      %dma_wait3A_104 = tpu.memref_slice %arg4[%add3A_96] : memref<3403264xf32, #tpu.memory_space<hbm>> -> memref<6256xf32, #tpu.memory_space<hbm>>
      %dma_wait3A_105 = arith.constant 0 : i32
      %dma_wait3A_106 = tpu.memref_slice %arg7[%dma_wait3A_105] : memref<6256xf32, #tpu.memory_space<vmem>> -> memref<6256xf32, #tpu.memory_space<vmem>>
      tpu.wait_dma2 semaphore(%run_scoped3A : memref<!tpu.dma_semaphore, #tpu.memory_space<semaphore_mem>>) src(%dma_wait3A_106 : memref<6256xf32, #tpu.memory_space<vmem>>) dst(%dma_wait3A_104 : memref<6256xf32, #tpu.memory_space<hbm>>)
      tpu.yield
    }) : () -> ()
    return
  }
}

#map = affine_map<(d0, d1) -> (0, 0)>
#map1 = affine_map<(d0, d1) -> (0)>
module attributes {stable_mosaic.version = 14 : i64} {
  func.func @k(%arg0: i32, %arg1: i32, %arg2: memref<50000x128xf32, #tpu.memory_space<hbm>>, %arg3: memref<802816xi32, #tpu.memory_space<hbm>>, %arg4: memref<802816x128xf32, #tpu.memory_space<hbm>>, %arg5: memref<2x128xi32, #tpu.memory_space<vmem>>, %arg6: memref<2x128x128xf32, #tpu.memory_space<vmem>>, %arg7: memref<!tpu.dma_semaphore, #tpu.memory_space<semaphore_mem>>, %arg8: memref<!tpu.dma_semaphore, #tpu.memory_space<semaphore_mem>>) attributes {dimension_semantics = [#tpu.dimension_semantics<core_parallel>, #tpu.dimension_semantics<subcore_parallel>], iteration_bounds = array<i64: 2, 16>, scalar_prefetch = 0 : i64, scratch_operands = 4 : i64, tpu.core_type = #tpu.core_type<sc_vector_subcore>, window_params = [{transform_indices = #map}, {transform_indices = #map1}, {transform_indices = #map}]} {
    %mul3A = arith.constant 2 : i32
    %mul3A_0 = arith.muli %arg1, %mul3A : i32
    %add3A = arith.addi %mul3A_0, %arg0 : i32
    %mul3A_1 = arith.constant 25088 : i32
    %mul3A_2 = arith.muli %add3A, %mul3A_1 : i32
    %scan3A = arith.constant 0 : i32
    %scan3A_3 = arith.constant 0 : i32
    %scan3A_4 = arith.constant 98 : i32
    %scan3A_5 = arith.addi %scan3A_3, %scan3A_4 : i32
    %scan3A_6 = arith.constant 1 : i32
    scf.for %scan3A_8 = %scan3A_3 to %scan3A_5 step %scan3A_6  : i32 {
      %mul3A_9 = arith.constant 2 : i32
      %mul3A_10 = arith.muli %mul3A_9, %scan3A_8 : i32
      %mul3A_11 = arith.constant 128 : i32
      %mul3A_12 = arith.muli %mul3A_10, %mul3A_11 : i32
      %add3A_13 = arith.addi %mul3A_2, %mul3A_12 : i32
      %add3A_14 = arith.constant 128 : i32
      %add3A_15 = arith.addi %add3A_13, %add3A_14 : i32
      %run_scoped3A = arith.constant 0 : i32
      "tpu.region"() ({
        %run_scoped3A_115 = tpu.sem_alloc : memref<!tpu.dma_semaphore, #tpu.memory_space<semaphore_mem>>
        %dma_start3A_116 = arith.constant 0 : i32
        %dma_start3A_117 = tpu.memref_slice %arg5[%run_scoped3A, %dma_start3A_116] : memref<2x128xi32, #tpu.memory_space<vmem>> -> memref<1x128xi32, #tpu.memory_space<vmem>>
        %dma_start3A_118 = tpu.memref_squeeze %dma_start3A_117 : memref<1x128xi32, #tpu.memory_space<vmem>> -> memref<128xi32, #tpu.memory_space<vmem>>
        %dma_start3A_119 = tpu.memref_slice %arg3[%add3A_13] : memref<802816xi32, #tpu.memory_space<hbm>> -> memref<128xi32, #tpu.memory_space<hbm>>
        %dma_start3A_120 = arith.constant 0 : i32
        %dma_start3A_121 = tpu.memref_slice %arg5[%run_scoped3A, %dma_start3A_120] : memref<2x128xi32, #tpu.memory_space<vmem>> -> memref<1x128xi32, #tpu.memory_space<vmem>>
        %dma_start3A_122 = tpu.memref_squeeze %dma_start3A_121 : memref<1x128xi32, #tpu.memory_space<vmem>> -> memref<128xi32, #tpu.memory_space<vmem>>
        %dma_start3A_123 = tpu.memref_slice %arg3[%add3A_13] : memref<802816xi32, #tpu.memory_space<hbm>> -> memref<128xi32, #tpu.memory_space<hbm>>
        tpu.enqueue_dma source(%dma_start3A_123 : memref<128xi32, #tpu.memory_space<hbm>>) target(%dma_start3A_122 : memref<128xi32, #tpu.memory_space<vmem>>) target_semaphore(%run_scoped3A_115 : memref<!tpu.dma_semaphore, #tpu.memory_space<semaphore_mem>>)
        %dma_wait3A_124 = arith.constant 0 : i32
        %dma_wait3A_125 = tpu.memref_slice %arg5[%run_scoped3A, %dma_wait3A_124] : memref<2x128xi32, #tpu.memory_space<vmem>> -> memref<1x128xi32, #tpu.memory_space<vmem>>
        %dma_wait3A_126 = tpu.memref_squeeze %dma_wait3A_125 : memref<1x128xi32, #tpu.memory_space<vmem>> -> memref<128xi32, #tpu.memory_space<vmem>>
        %dma_wait3A_127 = tpu.memref_slice %arg3[%add3A_13] : memref<802816xi32, #tpu.memory_space<hbm>> -> memref<128xi32, #tpu.memory_space<hbm>>
        %dma_wait3A_128 = arith.constant 0 : i32
        %dma_wait3A_129 = tpu.memref_slice %arg5[%run_scoped3A, %dma_wait3A_128] : memref<2x128xi32, #tpu.memory_space<vmem>> -> memref<1x128xi32, #tpu.memory_space<vmem>>
        %dma_wait3A_130 = tpu.memref_squeeze %dma_wait3A_129 : memref<1x128xi32, #tpu.memory_space<vmem>> -> memref<128xi32, #tpu.memory_space<vmem>>
        %dma_wait3A_131 = tpu.memref_slice %arg3[%add3A_13] : memref<802816xi32, #tpu.memory_space<hbm>> -> memref<128xi32, #tpu.memory_space<hbm>>
        tpu.wait_dma2 semaphore(%run_scoped3A_115 : memref<!tpu.dma_semaphore, #tpu.memory_space<semaphore_mem>>) src(%dma_wait3A_131 : memref<128xi32, #tpu.memory_space<hbm>>) dst(%dma_wait3A_130 : memref<128xi32, #tpu.memory_space<vmem>>)
        tpu.yield
      }) : () -> ()
      %dma_start3A = arith.constant 0 : i32
      %dma_start3A_16 = arith.constant 0 : i32
      %dma_start3A_17 = arith.constant 0 : i32
      %dma_start3A_18 = arith.constant 0 : i32
      %dma_start3A_19 = tpu.memref_slice %arg6[%dma_start3A_16, %dma_start3A_17, %dma_start3A_18] : memref<2x128x128xf32, #tpu.memory_space<vmem>> -> memref<1x128x128xf32, #tpu.memory_space<vmem>>
      %dma_start3A_20 = tpu.memref_squeeze %dma_start3A_19 : memref<1x128x128xf32, #tpu.memory_space<vmem>> -> memref<128x128xf32, #tpu.memory_space<vmem>>
      %dma_start3A_21 = arith.constant 0 : i32
      %dma_start3A_22 = tpu.memref_slice %arg5[%dma_start3A, %dma_start3A_21] : memref<2x128xi32, #tpu.memory_space<vmem>> -> memref<1x128xi32, #tpu.memory_space<vmem>>
      %dma_start3A_23 = tpu.memref_squeeze %dma_start3A_22 : memref<1x128xi32, #tpu.memory_space<vmem>> -> memref<128xi32, #tpu.memory_space<vmem>>
      %dma_start3A_24 = arith.constant 0 : i32
      %dma_start3A_25 = arith.constant 0 : i32
      %dma_start3A_26 = tpu.memref_slice %arg2[%dma_start3A_24, %dma_start3A_25] : memref<50000x128xf32, #tpu.memory_space<hbm>> -> memref<50000x128xf32, #tpu.memory_space<hbm>>
      tpu.enqueue_indirect_dma source(%dma_start3A_26 : memref<50000x128xf32, #tpu.memory_space<hbm>>) target(%dma_start3A_20 : memref<128x128xf32, #tpu.memory_space<vmem>>) offsets(%dma_start3A_23 : memref<128xi32, #tpu.memory_space<vmem>>) semaphore(%arg7 : memref<!tpu.dma_semaphore, #tpu.memory_space<semaphore_mem>>)
      %run_scoped3A_27 = arith.constant 1 : i32
      "tpu.region"() ({
        %run_scoped3A_115 = tpu.sem_alloc : memref<!tpu.dma_semaphore, #tpu.memory_space<semaphore_mem>>
        %dma_start3A_116 = arith.constant 0 : i32
        %dma_start3A_117 = tpu.memref_slice %arg5[%run_scoped3A_27, %dma_start3A_116] : memref<2x128xi32, #tpu.memory_space<vmem>> -> memref<1x128xi32, #tpu.memory_space<vmem>>
        %dma_start3A_118 = tpu.memref_squeeze %dma_start3A_117 : memref<1x128xi32, #tpu.memory_space<vmem>> -> memref<128xi32, #tpu.memory_space<vmem>>
        %dma_start3A_119 = tpu.memref_slice %arg3[%add3A_15] : memref<802816xi32, #tpu.memory_space<hbm>> -> memref<128xi32, #tpu.memory_space<hbm>>
        %dma_start3A_120 = arith.constant 0 : i32
        %dma_start3A_121 = tpu.memref_slice %arg5[%run_scoped3A_27, %dma_start3A_120] : memref<2x128xi32, #tpu.memory_space<vmem>> -> memref<1x128xi32, #tpu.memory_space<vmem>>
        %dma_start3A_122 = tpu.memref_squeeze %dma_start3A_121 : memref<1x128xi32, #tpu.memory_space<vmem>> -> memref<128xi32, #tpu.memory_space<vmem>>
        %dma_start3A_123 = tpu.memref_slice %arg3[%add3A_15] : memref<802816xi32, #tpu.memory_space<hbm>> -> memref<128xi32, #tpu.memory_space<hbm>>
        tpu.enqueue_dma source(%dma_start3A_123 : memref<128xi32, #tpu.memory_space<hbm>>) target(%dma_start3A_122 : memref<128xi32, #tpu.memory_space<vmem>>) target_semaphore(%run_scoped3A_115 : memref<!tpu.dma_semaphore, #tpu.memory_space<semaphore_mem>>)
        %dma_wait3A_124 = arith.constant 0 : i32
        %dma_wait3A_125 = tpu.memref_slice %arg5[%run_scoped3A_27, %dma_wait3A_124] : memref<2x128xi32, #tpu.memory_space<vmem>> -> memref<1x128xi32, #tpu.memory_space<vmem>>
        %dma_wait3A_126 = tpu.memref_squeeze %dma_wait3A_125 : memref<1x128xi32, #tpu.memory_space<vmem>> -> memref<128xi32, #tpu.memory_space<vmem>>
        %dma_wait3A_127 = tpu.memref_slice %arg3[%add3A_15] : memref<802816xi32, #tpu.memory_space<hbm>> -> memref<128xi32, #tpu.memory_space<hbm>>
        %dma_wait3A_128 = arith.constant 0 : i32
        %dma_wait3A_129 = tpu.memref_slice %arg5[%run_scoped3A_27, %dma_wait3A_128] : memref<2x128xi32, #tpu.memory_space<vmem>> -> memref<1x128xi32, #tpu.memory_space<vmem>>
        %dma_wait3A_130 = tpu.memref_squeeze %dma_wait3A_129 : memref<1x128xi32, #tpu.memory_space<vmem>> -> memref<128xi32, #tpu.memory_space<vmem>>
        %dma_wait3A_131 = tpu.memref_slice %arg3[%add3A_15] : memref<802816xi32, #tpu.memory_space<hbm>> -> memref<128xi32, #tpu.memory_space<hbm>>
        tpu.wait_dma2 semaphore(%run_scoped3A_115 : memref<!tpu.dma_semaphore, #tpu.memory_space<semaphore_mem>>) src(%dma_wait3A_131 : memref<128xi32, #tpu.memory_space<hbm>>) dst(%dma_wait3A_130 : memref<128xi32, #tpu.memory_space<vmem>>)
        tpu.yield
      }) : () -> ()
      %dma_start3A_28 = arith.constant 1 : i32
      %dma_start3A_29 = arith.constant 1 : i32
      %dma_start3A_30 = arith.constant 0 : i32
      %dma_start3A_31 = arith.constant 0 : i32
      %dma_start3A_32 = tpu.memref_slice %arg6[%dma_start3A_29, %dma_start3A_30, %dma_start3A_31] : memref<2x128x128xf32, #tpu.memory_space<vmem>> -> memref<1x128x128xf32, #tpu.memory_space<vmem>>
      %dma_start3A_33 = tpu.memref_squeeze %dma_start3A_32 : memref<1x128x128xf32, #tpu.memory_space<vmem>> -> memref<128x128xf32, #tpu.memory_space<vmem>>
      %dma_start3A_34 = arith.constant 0 : i32
      %dma_start3A_35 = tpu.memref_slice %arg5[%dma_start3A_28, %dma_start3A_34] : memref<2x128xi32, #tpu.memory_space<vmem>> -> memref<1x128xi32, #tpu.memory_space<vmem>>
      %dma_start3A_36 = tpu.memref_squeeze %dma_start3A_35 : memref<1x128xi32, #tpu.memory_space<vmem>> -> memref<128xi32, #tpu.memory_space<vmem>>
      %dma_start3A_37 = arith.constant 0 : i32
      %dma_start3A_38 = arith.constant 0 : i32
      %dma_start3A_39 = tpu.memref_slice %arg2[%dma_start3A_37, %dma_start3A_38] : memref<50000x128xf32, #tpu.memory_space<hbm>> -> memref<50000x128xf32, #tpu.memory_space<hbm>>
      tpu.enqueue_indirect_dma source(%dma_start3A_39 : memref<50000x128xf32, #tpu.memory_space<hbm>>) target(%dma_start3A_33 : memref<128x128xf32, #tpu.memory_space<vmem>>) offsets(%dma_start3A_36 : memref<128xi32, #tpu.memory_space<vmem>>) semaphore(%arg7 : memref<!tpu.dma_semaphore, #tpu.memory_space<semaphore_mem>>)
      %dma_wait3A = arith.constant 0 : i32
      %dma_wait3A_40 = arith.constant 0 : i32
      %dma_wait3A_41 = arith.constant 0 : i32
      %dma_wait3A_42 = arith.constant 0 : i32
      %dma_wait3A_43 = tpu.memref_slice %arg6[%dma_wait3A_40, %dma_wait3A_41, %dma_wait3A_42] : memref<2x128x128xf32, #tpu.memory_space<vmem>> -> memref<1x128x128xf32, #tpu.memory_space<vmem>>
      %dma_wait3A_44 = tpu.memref_squeeze %dma_wait3A_43 : memref<1x128x128xf32, #tpu.memory_space<vmem>> -> memref<128x128xf32, #tpu.memory_space<vmem>>
      %dma_wait3A_45 = arith.constant 0 : i32
      %dma_wait3A_46 = tpu.memref_slice %arg5[%dma_wait3A, %dma_wait3A_45] : memref<2x128xi32, #tpu.memory_space<vmem>> -> memref<1x128xi32, #tpu.memory_space<vmem>>
      %dma_wait3A_47 = tpu.memref_squeeze %dma_wait3A_46 : memref<1x128xi32, #tpu.memory_space<vmem>> -> memref<128xi32, #tpu.memory_space<vmem>>
      %dma_wait3A_48 = arith.constant 0 : i32
      %dma_wait3A_49 = arith.constant 0 : i32
      %dma_wait3A_50 = tpu.memref_slice %arg2[%dma_wait3A_48, %dma_wait3A_49] : memref<50000x128xf32, #tpu.memory_space<hbm>> -> memref<50000x128xf32, #tpu.memory_space<hbm>>
      tpu.wait_indirect_dma semaphore(%arg7 : memref<!tpu.dma_semaphore, #tpu.memory_space<semaphore_mem>>) src(%dma_wait3A_50 : memref<50000x128xf32, #tpu.memory_space<hbm>>) dst(%dma_wait3A_44 : memref<128x128xf32, #tpu.memory_space<vmem>>)
      %dma_start3A_51 = arith.constant 0 : i32
      %dma_start3A_52 = arith.constant 0 : i32
      %dma_start3A_53 = arith.constant 0 : i32
      %dma_start3A_54 = tpu.memref_slice %arg6[%dma_start3A_51, %dma_start3A_52, %dma_start3A_53] : memref<2x128x128xf32, #tpu.memory_space<vmem>> -> memref<1x128x128xf32, #tpu.memory_space<vmem>>
      %dma_start3A_55 = tpu.memref_squeeze %dma_start3A_54 : memref<1x128x128xf32, #tpu.memory_space<vmem>> -> memref<128x128xf32, #tpu.memory_space<vmem>>
      %dma_start3A_56 = arith.constant 0 : i32
      %dma_start3A_57 = tpu.memref_slice %arg4[%add3A_13, %dma_start3A_56] : memref<802816x128xf32, #tpu.memory_space<hbm>> -> memref<128x128xf32, #tpu.memory_space<hbm>>
      %dma_start3A_58 = arith.constant 0 : i32
      %dma_start3A_59 = tpu.memref_slice %arg4[%add3A_13, %dma_start3A_58] : memref<802816x128xf32, #tpu.memory_space<hbm>> -> memref<128x128xf32, #tpu.memory_space<hbm>>
      %dma_start3A_60 = arith.constant 0 : i32
      %dma_start3A_61 = arith.constant 0 : i32
      %dma_start3A_62 = tpu.memref_slice %arg6[%dma_start3A_51, %dma_start3A_60, %dma_start3A_61] : memref<2x128x128xf32, #tpu.memory_space<vmem>> -> memref<1x128x128xf32, #tpu.memory_space<vmem>>
      %dma_start3A_63 = tpu.memref_squeeze %dma_start3A_62 : memref<1x128x128xf32, #tpu.memory_space<vmem>> -> memref<128x128xf32, #tpu.memory_space<vmem>>
      tpu.enqueue_dma source(%dma_start3A_63 : memref<128x128xf32, #tpu.memory_space<vmem>>) target(%dma_start3A_59 : memref<128x128xf32, #tpu.memory_space<hbm>>) target_semaphore(%arg8 : memref<!tpu.dma_semaphore, #tpu.memory_space<semaphore_mem>>)
      %dma_wait3A_64 = arith.constant 1 : i32
      %dma_wait3A_65 = arith.constant 1 : i32
      %dma_wait3A_66 = arith.constant 0 : i32
      %dma_wait3A_67 = arith.constant 0 : i32
      %dma_wait3A_68 = tpu.memref_slice %arg6[%dma_wait3A_65, %dma_wait3A_66, %dma_wait3A_67] : memref<2x128x128xf32, #tpu.memory_space<vmem>> -> memref<1x128x128xf32, #tpu.memory_space<vmem>>
      %dma_wait3A_69 = tpu.memref_squeeze %dma_wait3A_68 : memref<1x128x128xf32, #tpu.memory_space<vmem>> -> memref<128x128xf32, #tpu.memory_space<vmem>>
      %dma_wait3A_70 = arith.constant 0 : i32
      %dma_wait3A_71 = tpu.memref_slice %arg5[%dma_wait3A_64, %dma_wait3A_70] : memref<2x128xi32, #tpu.memory_space<vmem>> -> memref<1x128xi32, #tpu.memory_space<vmem>>
      %dma_wait3A_72 = tpu.memref_squeeze %dma_wait3A_71 : memref<1x128xi32, #tpu.memory_space<vmem>> -> memref<128xi32, #tpu.memory_space<vmem>>
      %dma_wait3A_73 = arith.constant 0 : i32
      %dma_wait3A_74 = arith.constant 0 : i32
      %dma_wait3A_75 = tpu.memref_slice %arg2[%dma_wait3A_73, %dma_wait3A_74] : memref<50000x128xf32, #tpu.memory_space<hbm>> -> memref<50000x128xf32, #tpu.memory_space<hbm>>
      tpu.wait_indirect_dma semaphore(%arg7 : memref<!tpu.dma_semaphore, #tpu.memory_space<semaphore_mem>>) src(%dma_wait3A_75 : memref<50000x128xf32, #tpu.memory_space<hbm>>) dst(%dma_wait3A_69 : memref<128x128xf32, #tpu.memory_space<vmem>>)
      %dma_start3A_76 = arith.constant 1 : i32
      %dma_start3A_77 = arith.constant 0 : i32
      %dma_start3A_78 = arith.constant 0 : i32
      %dma_start3A_79 = tpu.memref_slice %arg6[%dma_start3A_76, %dma_start3A_77, %dma_start3A_78] : memref<2x128x128xf32, #tpu.memory_space<vmem>> -> memref<1x128x128xf32, #tpu.memory_space<vmem>>
      %dma_start3A_80 = tpu.memref_squeeze %dma_start3A_79 : memref<1x128x128xf32, #tpu.memory_space<vmem>> -> memref<128x128xf32, #tpu.memory_space<vmem>>
      %dma_start3A_81 = arith.constant 0 : i32
      %dma_start3A_82 = tpu.memref_slice %arg4[%add3A_15, %dma_start3A_81] : memref<802816x128xf32, #tpu.memory_space<hbm>> -> memref<128x128xf32, #tpu.memory_space<hbm>>
      %dma_start3A_83 = arith.constant 0 : i32
      %dma_start3A_84 = tpu.memref_slice %arg4[%add3A_15, %dma_start3A_83] : memref<802816x128xf32, #tpu.memory_space<hbm>> -> memref<128x128xf32, #tpu.memory_space<hbm>>
      %dma_start3A_85 = arith.constant 0 : i32
      %dma_start3A_86 = arith.constant 0 : i32
      %dma_start3A_87 = tpu.memref_slice %arg6[%dma_start3A_76, %dma_start3A_85, %dma_start3A_86] : memref<2x128x128xf32, #tpu.memory_space<vmem>> -> memref<1x128x128xf32, #tpu.memory_space<vmem>>
      %dma_start3A_88 = tpu.memref_squeeze %dma_start3A_87 : memref<1x128x128xf32, #tpu.memory_space<vmem>> -> memref<128x128xf32, #tpu.memory_space<vmem>>
      tpu.enqueue_dma source(%dma_start3A_88 : memref<128x128xf32, #tpu.memory_space<vmem>>) target(%dma_start3A_84 : memref<128x128xf32, #tpu.memory_space<hbm>>) target_semaphore(%arg8 : memref<!tpu.dma_semaphore, #tpu.memory_space<semaphore_mem>>)
      %dma_wait3A_89 = arith.constant 0 : i32
      %dma_wait3A_90 = arith.constant 0 : i32
      %dma_wait3A_91 = arith.constant 0 : i32
      %dma_wait3A_92 = tpu.memref_slice %arg6[%dma_wait3A_89, %dma_wait3A_90, %dma_wait3A_91] : memref<2x128x128xf32, #tpu.memory_space<vmem>> -> memref<1x128x128xf32, #tpu.memory_space<vmem>>
      %dma_wait3A_93 = tpu.memref_squeeze %dma_wait3A_92 : memref<1x128x128xf32, #tpu.memory_space<vmem>> -> memref<128x128xf32, #tpu.memory_space<vmem>>
      %dma_wait3A_94 = arith.constant 0 : i32
      %dma_wait3A_95 = tpu.memref_slice %arg4[%add3A_13, %dma_wait3A_94] : memref<802816x128xf32, #tpu.memory_space<hbm>> -> memref<128x128xf32, #tpu.memory_space<hbm>>
      %dma_wait3A_96 = arith.constant 0 : i32
      %dma_wait3A_97 = tpu.memref_slice %arg4[%add3A_13, %dma_wait3A_96] : memref<802816x128xf32, #tpu.memory_space<hbm>> -> memref<128x128xf32, #tpu.memory_space<hbm>>
      %dma_wait3A_98 = arith.constant 0 : i32
      %dma_wait3A_99 = arith.constant 0 : i32
      %dma_wait3A_100 = tpu.memref_slice %arg6[%dma_wait3A_89, %dma_wait3A_98, %dma_wait3A_99] : memref<2x128x128xf32, #tpu.memory_space<vmem>> -> memref<1x128x128xf32, #tpu.memory_space<vmem>>
      %dma_wait3A_101 = tpu.memref_squeeze %dma_wait3A_100 : memref<1x128x128xf32, #tpu.memory_space<vmem>> -> memref<128x128xf32, #tpu.memory_space<vmem>>
      tpu.wait_dma2 semaphore(%arg8 : memref<!tpu.dma_semaphore, #tpu.memory_space<semaphore_mem>>) src(%dma_wait3A_101 : memref<128x128xf32, #tpu.memory_space<vmem>>) dst(%dma_wait3A_97 : memref<128x128xf32, #tpu.memory_space<hbm>>)
      %dma_wait3A_102 = arith.constant 1 : i32
      %dma_wait3A_103 = arith.constant 0 : i32
      %dma_wait3A_104 = arith.constant 0 : i32
      %dma_wait3A_105 = tpu.memref_slice %arg6[%dma_wait3A_102, %dma_wait3A_103, %dma_wait3A_104] : memref<2x128x128xf32, #tpu.memory_space<vmem>> -> memref<1x128x128xf32, #tpu.memory_space<vmem>>
      %dma_wait3A_106 = tpu.memref_squeeze %dma_wait3A_105 : memref<1x128x128xf32, #tpu.memory_space<vmem>> -> memref<128x128xf32, #tpu.memory_space<vmem>>
      %dma_wait3A_107 = arith.constant 0 : i32
      %dma_wait3A_108 = tpu.memref_slice %arg4[%add3A_15, %dma_wait3A_107] : memref<802816x128xf32, #tpu.memory_space<hbm>> -> memref<128x128xf32, #tpu.memory_space<hbm>>
      %dma_wait3A_109 = arith.constant 0 : i32
      %dma_wait3A_110 = tpu.memref_slice %arg4[%add3A_15, %dma_wait3A_109] : memref<802816x128xf32, #tpu.memory_space<hbm>> -> memref<128x128xf32, #tpu.memory_space<hbm>>
      %dma_wait3A_111 = arith.constant 0 : i32
      %dma_wait3A_112 = arith.constant 0 : i32
      %dma_wait3A_113 = tpu.memref_slice %arg6[%dma_wait3A_102, %dma_wait3A_111, %dma_wait3A_112] : memref<2x128x128xf32, #tpu.memory_space<vmem>> -> memref<1x128x128xf32, #tpu.memory_space<vmem>>
      %dma_wait3A_114 = tpu.memref_squeeze %dma_wait3A_113 : memref<1x128x128xf32, #tpu.memory_space<vmem>> -> memref<128x128xf32, #tpu.memory_space<vmem>>
      tpu.wait_dma2 semaphore(%arg8 : memref<!tpu.dma_semaphore, #tpu.memory_space<semaphore_mem>>) src(%dma_wait3A_114 : memref<128x128xf32, #tpu.memory_space<vmem>>) dst(%dma_wait3A_110 : memref<128x128xf32, #tpu.memory_space<hbm>>)
    }
    %scan3A_7 = arith.constant 98 : i32
    return
  }
}

#map = affine_map<(d0, d1) -> (0, 0)>
#map1 = affine_map<(d0, d1) -> (0)>
module attributes {stable_mosaic.version = 14 : i64} {
  func.func @k(%arg0: i32, %arg1: i32, %arg2: memref<50000x128xf32, #tpu.memory_space<hbm>>, %arg3: memref<802816xi32, #tpu.memory_space<hbm>>, %arg4: memref<802816x128xf32, #tpu.memory_space<hbm>>, %arg5: memref<2x128xi32, #tpu.memory_space<vmem>>, %arg6: memref<2x128x128xf32, #tpu.memory_space<vmem>>, %arg7: memref<!tpu.dma_semaphore, #tpu.memory_space<semaphore_mem>>, %arg8: memref<!tpu.dma_semaphore, #tpu.memory_space<semaphore_mem>>) attributes {dimension_semantics = [#tpu.dimension_semantics<core_parallel>, #tpu.dimension_semantics<subcore_parallel>], iteration_bounds = array<i64: 2, 16>, scalar_prefetch = 0 : i64, scratch_operands = 4 : i64, tpu.core_type = #tpu.core_type<sc_vector_subcore>, window_params = [{transform_indices = #map}, {transform_indices = #map1}, {transform_indices = #map}]} {
    %mul3A = arith.constant 2 : i32
    %mul3A_0 = arith.muli %arg1, %mul3A : i32
    %add3A = arith.addi %mul3A_0, %arg0 : i32
    %mul3A_1 = arith.constant 25088 : i32
    %mul3A_2 = arith.muli %add3A, %mul3A_1 : i32
    %scan3A = arith.constant 0 : i32
    %scan3A_3 = arith.constant 0 : i32
    %scan3A_4 = arith.constant 98 : i32
    %scan3A_5 = arith.addi %scan3A_3, %scan3A_4 : i32
    %scan3A_6 = arith.constant 1 : i32
    scf.for %scan3A_8 = %scan3A_3 to %scan3A_5 step %scan3A_6  : i32 {
      %mul3A_9 = arith.constant 2 : i32
      %mul3A_10 = arith.muli %mul3A_9, %scan3A_8 : i32
      %mul3A_11 = arith.constant 128 : i32
      %mul3A_12 = arith.muli %mul3A_10, %mul3A_11 : i32
      %add3A_13 = arith.addi %mul3A_2, %mul3A_12 : i32
      %add3A_14 = arith.constant 128 : i32
      %add3A_15 = arith.addi %add3A_13, %add3A_14 : i32
      %run_scoped3A = arith.constant 0 : i32
      "tpu.region"() ({
        %run_scoped3A_115 = tpu.sem_alloc : memref<!tpu.dma_semaphore, #tpu.memory_space<semaphore_mem>>
        %dma_start3A_116 = arith.constant 0 : i32
        %dma_start3A_117 = tpu.memref_slice %arg5[%run_scoped3A, %dma_start3A_116] : memref<2x128xi32, #tpu.memory_space<vmem>> -> memref<1x128xi32, #tpu.memory_space<vmem>>
        %dma_start3A_118 = tpu.memref_squeeze %dma_start3A_117 : memref<1x128xi32, #tpu.memory_space<vmem>> -> memref<128xi32, #tpu.memory_space<vmem>>
        %dma_start3A_119 = tpu.memref_slice %arg3[%add3A_13] : memref<802816xi32, #tpu.memory_space<hbm>> -> memref<128xi32, #tpu.memory_space<hbm>>
        %dma_start3A_120 = arith.constant 0 : i32
        %dma_start3A_121 = tpu.memref_slice %arg5[%run_scoped3A, %dma_start3A_120] : memref<2x128xi32, #tpu.memory_space<vmem>> -> memref<1x128xi32, #tpu.memory_space<vmem>>
        %dma_start3A_122 = tpu.memref_squeeze %dma_start3A_121 : memref<1x128xi32, #tpu.memory_space<vmem>> -> memref<128xi32, #tpu.memory_space<vmem>>
        %dma_start3A_123 = tpu.memref_slice %arg3[%add3A_13] : memref<802816xi32, #tpu.memory_space<hbm>> -> memref<128xi32, #tpu.memory_space<hbm>>
        tpu.enqueue_dma source(%dma_start3A_123 : memref<128xi32, #tpu.memory_space<hbm>>) target(%dma_start3A_122 : memref<128xi32, #tpu.memory_space<vmem>>) target_semaphore(%run_scoped3A_115 : memref<!tpu.dma_semaphore, #tpu.memory_space<semaphore_mem>>)
        %dma_wait3A_124 = arith.constant 0 : i32
        %dma_wait3A_125 = tpu.memref_slice %arg5[%run_scoped3A, %dma_wait3A_124] : memref<2x128xi32, #tpu.memory_space<vmem>> -> memref<1x128xi32, #tpu.memory_space<vmem>>
        %dma_wait3A_126 = tpu.memref_squeeze %dma_wait3A_125 : memref<1x128xi32, #tpu.memory_space<vmem>> -> memref<128xi32, #tpu.memory_space<vmem>>
        %dma_wait3A_127 = tpu.memref_slice %arg3[%add3A_13] : memref<802816xi32, #tpu.memory_space<hbm>> -> memref<128xi32, #tpu.memory_space<hbm>>
        %dma_wait3A_128 = arith.constant 0 : i32
        %dma_wait3A_129 = tpu.memref_slice %arg5[%run_scoped3A, %dma_wait3A_128] : memref<2x128xi32, #tpu.memory_space<vmem>> -> memref<1x128xi32, #tpu.memory_space<vmem>>
        %dma_wait3A_130 = tpu.memref_squeeze %dma_wait3A_129 : memref<1x128xi32, #tpu.memory_space<vmem>> -> memref<128xi32, #tpu.memory_space<vmem>>
        %dma_wait3A_131 = tpu.memref_slice %arg3[%add3A_13] : memref<802816xi32, #tpu.memory_space<hbm>> -> memref<128xi32, #tpu.memory_space<hbm>>
        tpu.wait_dma2 semaphore(%run_scoped3A_115 : memref<!tpu.dma_semaphore, #tpu.memory_space<semaphore_mem>>) src(%dma_wait3A_131 : memref<128xi32, #tpu.memory_space<hbm>>) dst(%dma_wait3A_130 : memref<128xi32, #tpu.memory_space<vmem>>)
        tpu.yield
      }) : () -> ()
      %dma_start3A = arith.constant 0 : i32
      %dma_start3A_16 = arith.constant 0 : i32
      %dma_start3A_17 = arith.constant 0 : i32
      %dma_start3A_18 = arith.constant 0 : i32
      %dma_start3A_19 = tpu.memref_slice %arg6[%dma_start3A_16, %dma_start3A_17, %dma_start3A_18] : memref<2x128x128xf32, #tpu.memory_space<vmem>> -> memref<1x128x128xf32, #tpu.memory_space<vmem>>
      %dma_start3A_20 = tpu.memref_squeeze %dma_start3A_19 : memref<1x128x128xf32, #tpu.memory_space<vmem>> -> memref<128x128xf32, #tpu.memory_space<vmem>>
      %dma_start3A_21 = arith.constant 0 : i32
      %dma_start3A_22 = tpu.memref_slice %arg5[%dma_start3A, %dma_start3A_21] : memref<2x128xi32, #tpu.memory_space<vmem>> -> memref<1x128xi32, #tpu.memory_space<vmem>>
      %dma_start3A_23 = tpu.memref_squeeze %dma_start3A_22 : memref<1x128xi32, #tpu.memory_space<vmem>> -> memref<128xi32, #tpu.memory_space<vmem>>
      %dma_start3A_24 = arith.constant 0 : i32
      %dma_start3A_25 = arith.constant 0 : i32
      %dma_start3A_26 = tpu.memref_slice %arg2[%dma_start3A_24, %dma_start3A_25] : memref<50000x128xf32, #tpu.memory_space<hbm>> -> memref<50000x128xf32, #tpu.memory_space<hbm>>
      tpu.enqueue_indirect_dma source(%dma_start3A_26 : memref<50000x128xf32, #tpu.memory_space<hbm>>) target(%dma_start3A_20 : memref<128x128xf32, #tpu.memory_space<vmem>>) offsets(%dma_start3A_23 : memref<128xi32, #tpu.memory_space<vmem>>) semaphore(%arg7 : memref<!tpu.dma_semaphore, #tpu.memory_space<semaphore_mem>>)
      %run_scoped3A_27 = arith.constant 1 : i32
      "tpu.region"() ({
        %run_scoped3A_115 = tpu.sem_alloc : memref<!tpu.dma_semaphore, #tpu.memory_space<semaphore_mem>>
        %dma_start3A_116 = arith.constant 0 : i32
        %dma_start3A_117 = tpu.memref_slice %arg5[%run_scoped3A_27, %dma_start3A_116] : memref<2x128xi32, #tpu.memory_space<vmem>> -> memref<1x128xi32, #tpu.memory_space<vmem>>
        %dma_start3A_118 = tpu.memref_squeeze %dma_start3A_117 : memref<1x128xi32, #tpu.memory_space<vmem>> -> memref<128xi32, #tpu.memory_space<vmem>>
        %dma_start3A_119 = tpu.memref_slice %arg3[%add3A_15] : memref<802816xi32, #tpu.memory_space<hbm>> -> memref<128xi32, #tpu.memory_space<hbm>>
        %dma_start3A_120 = arith.constant 0 : i32
        %dma_start3A_121 = tpu.memref_slice %arg5[%run_scoped3A_27, %dma_start3A_120] : memref<2x128xi32, #tpu.memory_space<vmem>> -> memref<1x128xi32, #tpu.memory_space<vmem>>
        %dma_start3A_122 = tpu.memref_squeeze %dma_start3A_121 : memref<1x128xi32, #tpu.memory_space<vmem>> -> memref<128xi32, #tpu.memory_space<vmem>>
        %dma_start3A_123 = tpu.memref_slice %arg3[%add3A_15] : memref<802816xi32, #tpu.memory_space<hbm>> -> memref<128xi32, #tpu.memory_space<hbm>>
        tpu.enqueue_dma source(%dma_start3A_123 : memref<128xi32, #tpu.memory_space<hbm>>) target(%dma_start3A_122 : memref<128xi32, #tpu.memory_space<vmem>>) target_semaphore(%run_scoped3A_115 : memref<!tpu.dma_semaphore, #tpu.memory_space<semaphore_mem>>)
        %dma_wait3A_124 = arith.constant 0 : i32
        %dma_wait3A_125 = tpu.memref_slice %arg5[%run_scoped3A_27, %dma_wait3A_124] : memref<2x128xi32, #tpu.memory_space<vmem>> -> memref<1x128xi32, #tpu.memory_space<vmem>>
        %dma_wait3A_126 = tpu.memref_squeeze %dma_wait3A_125 : memref<1x128xi32, #tpu.memory_space<vmem>> -> memref<128xi32, #tpu.memory_space<vmem>>
        %dma_wait3A_127 = tpu.memref_slice %arg3[%add3A_15] : memref<802816xi32, #tpu.memory_space<hbm>> -> memref<128xi32, #tpu.memory_space<hbm>>
        %dma_wait3A_128 = arith.constant 0 : i32
        %dma_wait3A_129 = tpu.memref_slice %arg5[%run_scoped3A_27, %dma_wait3A_128] : memref<2x128xi32, #tpu.memory_space<vmem>> -> memref<1x128xi32, #tpu.memory_space<vmem>>
        %dma_wait3A_130 = tpu.memref_squeeze %dma_wait3A_129 : memref<1x128xi32, #tpu.memory_space<vmem>> -> memref<128xi32, #tpu.memory_space<vmem>>
        %dma_wait3A_131 = tpu.memref_slice %arg3[%add3A_15] : memref<802816xi32, #tpu.memory_space<hbm>> -> memref<128xi32, #tpu.memory_space<hbm>>
        tpu.wait_dma2 semaphore(%run_scoped3A_115 : memref<!tpu.dma_semaphore, #tpu.memory_space<semaphore_mem>>) src(%dma_wait3A_131 : memref<128xi32, #tpu.memory_space<hbm>>) dst(%dma_wait3A_130 : memref<128xi32, #tpu.memory_space<vmem>>)
        tpu.yield
      }) : () -> ()
      %dma_start3A_28 = arith.constant 1 : i32
      %dma_start3A_29 = arith.constant 1 : i32
      %dma_start3A_30 = arith.constant 0 : i32
      %dma_start3A_31 = arith.constant 0 : i32
      %dma_start3A_32 = tpu.memref_slice %arg6[%dma_start3A_29, %dma_start3A_30, %dma_start3A_31] : memref<2x128x128xf32, #tpu.memory_space<vmem>> -> memref<1x128x128xf32, #tpu.memory_space<vmem>>
      %dma_start3A_33 = tpu.memref_squeeze %dma_start3A_32 : memref<1x128x128xf32, #tpu.memory_space<vmem>> -> memref<128x128xf32, #tpu.memory_space<vmem>>
      %dma_start3A_34 = arith.constant 0 : i32
      %dma_start3A_35 = tpu.memref_slice %arg5[%dma_start3A_28, %dma_start3A_34] : memref<2x128xi32, #tpu.memory_space<vmem>> -> memref<1x128xi32, #tpu.memory_space<vmem>>
      %dma_start3A_36 = tpu.memref_squeeze %dma_start3A_35 : memref<1x128xi32, #tpu.memory_space<vmem>> -> memref<128xi32, #tpu.memory_space<vmem>>
      %dma_start3A_37 = arith.constant 0 : i32
      %dma_start3A_38 = arith.constant 0 : i32
      %dma_start3A_39 = tpu.memref_slice %arg2[%dma_start3A_37, %dma_start3A_38] : memref<50000x128xf32, #tpu.memory_space<hbm>> -> memref<50000x128xf32, #tpu.memory_space<hbm>>
      tpu.enqueue_indirect_dma source(%dma_start3A_39 : memref<50000x128xf32, #tpu.memory_space<hbm>>) target(%dma_start3A_33 : memref<128x128xf32, #tpu.memory_space<vmem>>) offsets(%dma_start3A_36 : memref<128xi32, #tpu.memory_space<vmem>>) semaphore(%arg7 : memref<!tpu.dma_semaphore, #tpu.memory_space<semaphore_mem>>)
      %dma_wait3A = arith.constant 0 : i32
      %dma_wait3A_40 = arith.constant 0 : i32
      %dma_wait3A_41 = arith.constant 0 : i32
      %dma_wait3A_42 = arith.constant 0 : i32
      %dma_wait3A_43 = tpu.memref_slice %arg6[%dma_wait3A_40, %dma_wait3A_41, %dma_wait3A_42] : memref<2x128x128xf32, #tpu.memory_space<vmem>> -> memref<1x128x128xf32, #tpu.memory_space<vmem>>
      %dma_wait3A_44 = tpu.memref_squeeze %dma_wait3A_43 : memref<1x128x128xf32, #tpu.memory_space<vmem>> -> memref<128x128xf32, #tpu.memory_space<vmem>>
      %dma_wait3A_45 = arith.constant 0 : i32
      %dma_wait3A_46 = tpu.memref_slice %arg5[%dma_wait3A, %dma_wait3A_45] : memref<2x128xi32, #tpu.memory_space<vmem>> -> memref<1x128xi32, #tpu.memory_space<vmem>>
      %dma_wait3A_47 = tpu.memref_squeeze %dma_wait3A_46 : memref<1x128xi32, #tpu.memory_space<vmem>> -> memref<128xi32, #tpu.memory_space<vmem>>
      %dma_wait3A_48 = arith.constant 0 : i32
      %dma_wait3A_49 = arith.constant 0 : i32
      %dma_wait3A_50 = tpu.memref_slice %arg2[%dma_wait3A_48, %dma_wait3A_49] : memref<50000x128xf32, #tpu.memory_space<hbm>> -> memref<50000x128xf32, #tpu.memory_space<hbm>>
      tpu.wait_indirect_dma semaphore(%arg7 : memref<!tpu.dma_semaphore, #tpu.memory_space<semaphore_mem>>) src(%dma_wait3A_50 : memref<50000x128xf32, #tpu.memory_space<hbm>>) dst(%dma_wait3A_44 : memref<128x128xf32, #tpu.memory_space<vmem>>)
      %dma_start3A_51 = arith.constant 0 : i32
      %dma_start3A_52 = arith.constant 0 : i32
      %dma_start3A_53 = arith.constant 0 : i32
      %dma_start3A_54 = tpu.memref_slice %arg6[%dma_start3A_51, %dma_start3A_52, %dma_start3A_53] : memref<2x128x128xf32, #tpu.memory_space<vmem>> -> memref<1x128x128xf32, #tpu.memory_space<vmem>>
      %dma_start3A_55 = tpu.memref_squeeze %dma_start3A_54 : memref<1x128x128xf32, #tpu.memory_space<vmem>> -> memref<128x128xf32, #tpu.memory_space<vmem>>
      %dma_start3A_56 = arith.constant 0 : i32
      %dma_start3A_57 = tpu.memref_slice %arg4[%add3A_13, %dma_start3A_56] : memref<802816x128xf32, #tpu.memory_space<hbm>> -> memref<128x128xf32, #tpu.memory_space<hbm>>
      %dma_start3A_58 = arith.constant 0 : i32
      %dma_start3A_59 = tpu.memref_slice %arg4[%add3A_13, %dma_start3A_58] : memref<802816x128xf32, #tpu.memory_space<hbm>> -> memref<128x128xf32, #tpu.memory_space<hbm>>
      %dma_start3A_60 = arith.constant 0 : i32
      %dma_start3A_61 = arith.constant 0 : i32
      %dma_start3A_62 = tpu.memref_slice %arg6[%dma_start3A_51, %dma_start3A_60, %dma_start3A_61] : memref<2x128x128xf32, #tpu.memory_space<vmem>> -> memref<1x128x128xf32, #tpu.memory_space<vmem>>
      %dma_start3A_63 = tpu.memref_squeeze %dma_start3A_62 : memref<1x128x128xf32, #tpu.memory_space<vmem>> -> memref<128x128xf32, #tpu.memory_space<vmem>>
      tpu.enqueue_dma source(%dma_start3A_63 : memref<128x128xf32, #tpu.memory_space<vmem>>) target(%dma_start3A_59 : memref<128x128xf32, #tpu.memory_space<hbm>>) target_semaphore(%arg8 : memref<!tpu.dma_semaphore, #tpu.memory_space<semaphore_mem>>)
      %dma_wait3A_64 = arith.constant 1 : i32
      %dma_wait3A_65 = arith.constant 1 : i32
      %dma_wait3A_66 = arith.constant 0 : i32
      %dma_wait3A_67 = arith.constant 0 : i32
      %dma_wait3A_68 = tpu.memref_slice %arg6[%dma_wait3A_65, %dma_wait3A_66, %dma_wait3A_67] : memref<2x128x128xf32, #tpu.memory_space<vmem>> -> memref<1x128x128xf32, #tpu.memory_space<vmem>>
      %dma_wait3A_69 = tpu.memref_squeeze %dma_wait3A_68 : memref<1x128x128xf32, #tpu.memory_space<vmem>> -> memref<128x128xf32, #tpu.memory_space<vmem>>
      %dma_wait3A_70 = arith.constant 0 : i32
      %dma_wait3A_71 = tpu.memref_slice %arg5[%dma_wait3A_64, %dma_wait3A_70] : memref<2x128xi32, #tpu.memory_space<vmem>> -> memref<1x128xi32, #tpu.memory_space<vmem>>
      %dma_wait3A_72 = tpu.memref_squeeze %dma_wait3A_71 : memref<1x128xi32, #tpu.memory_space<vmem>> -> memref<128xi32, #tpu.memory_space<vmem>>
      %dma_wait3A_73 = arith.constant 0 : i32
      %dma_wait3A_74 = arith.constant 0 : i32
      %dma_wait3A_75 = tpu.memref_slice %arg2[%dma_wait3A_73, %dma_wait3A_74] : memref<50000x128xf32, #tpu.memory_space<hbm>> -> memref<50000x128xf32, #tpu.memory_space<hbm>>
      tpu.wait_indirect_dma semaphore(%arg7 : memref<!tpu.dma_semaphore, #tpu.memory_space<semaphore_mem>>) src(%dma_wait3A_75 : memref<50000x128xf32, #tpu.memory_space<hbm>>) dst(%dma_wait3A_69 : memref<128x128xf32, #tpu.memory_space<vmem>>)
      %dma_start3A_76 = arith.constant 1 : i32
      %dma_start3A_77 = arith.constant 0 : i32
      %dma_start3A_78 = arith.constant 0 : i32
      %dma_start3A_79 = tpu.memref_slice %arg6[%dma_start3A_76, %dma_start3A_77, %dma_start3A_78] : memref<2x128x128xf32, #tpu.memory_space<vmem>> -> memref<1x128x128xf32, #tpu.memory_space<vmem>>
      %dma_start3A_80 = tpu.memref_squeeze %dma_start3A_79 : memref<1x128x128xf32, #tpu.memory_space<vmem>> -> memref<128x128xf32, #tpu.memory_space<vmem>>
      %dma_start3A_81 = arith.constant 0 : i32
      %dma_start3A_82 = tpu.memref_slice %arg4[%add3A_15, %dma_start3A_81] : memref<802816x128xf32, #tpu.memory_space<hbm>> -> memref<128x128xf32, #tpu.memory_space<hbm>>
      %dma_start3A_83 = arith.constant 0 : i32
      %dma_start3A_84 = tpu.memref_slice %arg4[%add3A_15, %dma_start3A_83] : memref<802816x128xf32, #tpu.memory_space<hbm>> -> memref<128x128xf32, #tpu.memory_space<hbm>>
      %dma_start3A_85 = arith.constant 0 : i32
      %dma_start3A_86 = arith.constant 0 : i32
      %dma_start3A_87 = tpu.memref_slice %arg6[%dma_start3A_76, %dma_start3A_85, %dma_start3A_86] : memref<2x128x128xf32, #tpu.memory_space<vmem>> -> memref<1x128x128xf32, #tpu.memory_space<vmem>>
      %dma_start3A_88 = tpu.memref_squeeze %dma_start3A_87 : memref<1x128x128xf32, #tpu.memory_space<vmem>> -> memref<128x128xf32, #tpu.memory_space<vmem>>
      tpu.enqueue_dma source(%dma_start3A_88 : memref<128x128xf32, #tpu.memory_space<vmem>>) target(%dma_start3A_84 : memref<128x128xf32, #tpu.memory_space<hbm>>) target_semaphore(%arg8 : memref<!tpu.dma_semaphore, #tpu.memory_space<semaphore_mem>>)
      %dma_wait3A_89 = arith.constant 0 : i32
      %dma_wait3A_90 = arith.constant 0 : i32
      %dma_wait3A_91 = arith.constant 0 : i32
      %dma_wait3A_92 = tpu.memref_slice %arg6[%dma_wait3A_89, %dma_wait3A_90, %dma_wait3A_91] : memref<2x128x128xf32, #tpu.memory_space<vmem>> -> memref<1x128x128xf32, #tpu.memory_space<vmem>>
      %dma_wait3A_93 = tpu.memref_squeeze %dma_wait3A_92 : memref<1x128x128xf32, #tpu.memory_space<vmem>> -> memref<128x128xf32, #tpu.memory_space<vmem>>
      %dma_wait3A_94 = arith.constant 0 : i32
      %dma_wait3A_95 = tpu.memref_slice %arg4[%add3A_13, %dma_wait3A_94] : memref<802816x128xf32, #tpu.memory_space<hbm>> -> memref<128x128xf32, #tpu.memory_space<hbm>>
      %dma_wait3A_96 = arith.constant 0 : i32
      %dma_wait3A_97 = tpu.memref_slice %arg4[%add3A_13, %dma_wait3A_96] : memref<802816x128xf32, #tpu.memory_space<hbm>> -> memref<128x128xf32, #tpu.memory_space<hbm>>
      %dma_wait3A_98 = arith.constant 0 : i32
      %dma_wait3A_99 = arith.constant 0 : i32
      %dma_wait3A_100 = tpu.memref_slice %arg6[%dma_wait3A_89, %dma_wait3A_98, %dma_wait3A_99] : memref<2x128x128xf32, #tpu.memory_space<vmem>> -> memref<1x128x128xf32, #tpu.memory_space<vmem>>
      %dma_wait3A_101 = tpu.memref_squeeze %dma_wait3A_100 : memref<1x128x128xf32, #tpu.memory_space<vmem>> -> memref<128x128xf32, #tpu.memory_space<vmem>>
      tpu.wait_dma2 semaphore(%arg8 : memref<!tpu.dma_semaphore, #tpu.memory_space<semaphore_mem>>) src(%dma_wait3A_101 : memref<128x128xf32, #tpu.memory_space<vmem>>) dst(%dma_wait3A_97 : memref<128x128xf32, #tpu.memory_space<hbm>>)
      %dma_wait3A_102 = arith.constant 1 : i32
      %dma_wait3A_103 = arith.constant 0 : i32
      %dma_wait3A_104 = arith.constant 0 : i32
      %dma_wait3A_105 = tpu.memref_slice %arg6[%dma_wait3A_102, %dma_wait3A_103, %dma_wait3A_104] : memref<2x128x128xf32, #tpu.memory_space<vmem>> -> memref<1x128x128xf32, #tpu.memory_space<vmem>>
      %dma_wait3A_106 = tpu.memref_squeeze %dma_wait3A_105 : memref<1x128x128xf32, #tpu.memory_space<vmem>> -> memref<128x128xf32, #tpu.memory_space<vmem>>
      %dma_wait3A_107 = arith.constant 0 : i32
      %dma_wait3A_108 = tpu.memref_slice %arg4[%add3A_15, %dma_wait3A_107] : memref<802816x128xf32, #tpu.memory_space<hbm>> -> memref<128x128xf32, #tpu.memory_space<hbm>>
      %dma_wait3A_109 = arith.constant 0 : i32
      %dma_wait3A_110 = tpu.memref_slice %arg4[%add3A_15, %dma_wait3A_109] : memref<802816x128xf32, #tpu.memory_space<hbm>> -> memref<128x128xf32, #tpu.memory_space<hbm>>
      %dma_wait3A_111 = arith.constant 0 : i32
      %dma_wait3A_112 = arith.constant 0 : i32
      %dma_wait3A_113 = tpu.memref_slice %arg6[%dma_wait3A_102, %dma_wait3A_111, %dma_wait3A_112] : memref<2x128x128xf32, #tpu.memory_space<vmem>> -> memref<1x128x128xf32, #tpu.memory_space<vmem>>
      %dma_wait3A_114 = tpu.memref_squeeze %dma_wait3A_113 : memref<1x128x128xf32, #tpu.memory_space<vmem>> -> memref<128x128xf32, #tpu.memory_space<vmem>>
      tpu.wait_dma2 semaphore(%arg8 : memref<!tpu.dma_semaphore, #tpu.memory_space<semaphore_mem>>) src(%dma_wait3A_114 : memref<128x128xf32, #tpu.memory_space<vmem>>) dst(%dma_wait3A_110 : memref<128x128xf32, #tpu.memory_space<hbm>>)
    }
    %scan3A_7 = arith.constant 98 : i32
    return
  }
}

#map = affine_map<(d0, d1) -> (0, 0)>
#map1 = affine_map<(d0, d1) -> (0)>
module attributes {stable_mosaic.version = 14 : i64} {
  func.func @k(%arg0: i32, %arg1: i32, %arg2: memref<50000x128xf32, #tpu.memory_space<hbm>>, %arg3: memref<802816xi32, #tpu.memory_space<hbm>>, %arg4: memref<802816x128xf32, #tpu.memory_space<hbm>>, %arg5: memref<2x128xi32, #tpu.memory_space<vmem>>, %arg6: memref<2x128x128xf32, #tpu.memory_space<vmem>>, %arg7: memref<!tpu.dma_semaphore, #tpu.memory_space<semaphore_mem>>, %arg8: memref<!tpu.dma_semaphore, #tpu.memory_space<semaphore_mem>>) attributes {dimension_semantics = [#tpu.dimension_semantics<core_parallel>, #tpu.dimension_semantics<subcore_parallel>], iteration_bounds = array<i64: 2, 16>, scalar_prefetch = 0 : i64, scratch_operands = 4 : i64, tpu.core_type = #tpu.core_type<sc_vector_subcore>, window_params = [{transform_indices = #map}, {transform_indices = #map1}, {transform_indices = #map}]} {
    %mul3A = arith.constant 2 : i32
    %mul3A_0 = arith.muli %arg1, %mul3A : i32
    %add3A = arith.addi %mul3A_0, %arg0 : i32
    %mul3A_1 = arith.constant 25088 : i32
    %mul3A_2 = arith.muli %add3A, %mul3A_1 : i32
    %scan3A = arith.constant 0 : i32
    %scan3A_3 = arith.constant 0 : i32
    %scan3A_4 = arith.constant 98 : i32
    %scan3A_5 = arith.addi %scan3A_3, %scan3A_4 : i32
    %scan3A_6 = arith.constant 1 : i32
    scf.for %scan3A_8 = %scan3A_3 to %scan3A_5 step %scan3A_6  : i32 {
      %mul3A_9 = arith.constant 2 : i32
      %mul3A_10 = arith.muli %mul3A_9, %scan3A_8 : i32
      %mul3A_11 = arith.constant 128 : i32
      %mul3A_12 = arith.muli %mul3A_10, %mul3A_11 : i32
      %add3A_13 = arith.addi %mul3A_2, %mul3A_12 : i32
      %add3A_14 = arith.constant 128 : i32
      %add3A_15 = arith.addi %add3A_13, %add3A_14 : i32
      %run_scoped3A = arith.constant 0 : i32
      "tpu.region"() ({
        %run_scoped3A_115 = tpu.sem_alloc : memref<!tpu.dma_semaphore, #tpu.memory_space<semaphore_mem>>
        %dma_start3A_116 = arith.constant 0 : i32
        %dma_start3A_117 = tpu.memref_slice %arg5[%run_scoped3A, %dma_start3A_116] : memref<2x128xi32, #tpu.memory_space<vmem>> -> memref<1x128xi32, #tpu.memory_space<vmem>>
        %dma_start3A_118 = tpu.memref_squeeze %dma_start3A_117 : memref<1x128xi32, #tpu.memory_space<vmem>> -> memref<128xi32, #tpu.memory_space<vmem>>
        %dma_start3A_119 = tpu.memref_slice %arg3[%add3A_13] : memref<802816xi32, #tpu.memory_space<hbm>> -> memref<128xi32, #tpu.memory_space<hbm>>
        %dma_start3A_120 = arith.constant 0 : i32
        %dma_start3A_121 = tpu.memref_slice %arg5[%run_scoped3A, %dma_start3A_120] : memref<2x128xi32, #tpu.memory_space<vmem>> -> memref<1x128xi32, #tpu.memory_space<vmem>>
        %dma_start3A_122 = tpu.memref_squeeze %dma_start3A_121 : memref<1x128xi32, #tpu.memory_space<vmem>> -> memref<128xi32, #tpu.memory_space<vmem>>
        %dma_start3A_123 = tpu.memref_slice %arg3[%add3A_13] : memref<802816xi32, #tpu.memory_space<hbm>> -> memref<128xi32, #tpu.memory_space<hbm>>
        tpu.enqueue_dma source(%dma_start3A_123 : memref<128xi32, #tpu.memory_space<hbm>>) target(%dma_start3A_122 : memref<128xi32, #tpu.memory_space<vmem>>) target_semaphore(%run_scoped3A_115 : memref<!tpu.dma_semaphore, #tpu.memory_space<semaphore_mem>>)
        %dma_wait3A_124 = arith.constant 0 : i32
        %dma_wait3A_125 = tpu.memref_slice %arg5[%run_scoped3A, %dma_wait3A_124] : memref<2x128xi32, #tpu.memory_space<vmem>> -> memref<1x128xi32, #tpu.memory_space<vmem>>
        %dma_wait3A_126 = tpu.memref_squeeze %dma_wait3A_125 : memref<1x128xi32, #tpu.memory_space<vmem>> -> memref<128xi32, #tpu.memory_space<vmem>>
        %dma_wait3A_127 = tpu.memref_slice %arg3[%add3A_13] : memref<802816xi32, #tpu.memory_space<hbm>> -> memref<128xi32, #tpu.memory_space<hbm>>
        %dma_wait3A_128 = arith.constant 0 : i32
        %dma_wait3A_129 = tpu.memref_slice %arg5[%run_scoped3A, %dma_wait3A_128] : memref<2x128xi32, #tpu.memory_space<vmem>> -> memref<1x128xi32, #tpu.memory_space<vmem>>
        %dma_wait3A_130 = tpu.memref_squeeze %dma_wait3A_129 : memref<1x128xi32, #tpu.memory_space<vmem>> -> memref<128xi32, #tpu.memory_space<vmem>>
        %dma_wait3A_131 = tpu.memref_slice %arg3[%add3A_13] : memref<802816xi32, #tpu.memory_space<hbm>> -> memref<128xi32, #tpu.memory_space<hbm>>
        tpu.wait_dma2 semaphore(%run_scoped3A_115 : memref<!tpu.dma_semaphore, #tpu.memory_space<semaphore_mem>>) src(%dma_wait3A_131 : memref<128xi32, #tpu.memory_space<hbm>>) dst(%dma_wait3A_130 : memref<128xi32, #tpu.memory_space<vmem>>)
        tpu.yield
      }) : () -> ()
      %dma_start3A = arith.constant 0 : i32
      %dma_start3A_16 = arith.constant 0 : i32
      %dma_start3A_17 = arith.constant 0 : i32
      %dma_start3A_18 = arith.constant 0 : i32
      %dma_start3A_19 = tpu.memref_slice %arg6[%dma_start3A_16, %dma_start3A_17, %dma_start3A_18] : memref<2x128x128xf32, #tpu.memory_space<vmem>> -> memref<1x128x128xf32, #tpu.memory_space<vmem>>
      %dma_start3A_20 = tpu.memref_squeeze %dma_start3A_19 : memref<1x128x128xf32, #tpu.memory_space<vmem>> -> memref<128x128xf32, #tpu.memory_space<vmem>>
      %dma_start3A_21 = arith.constant 0 : i32
      %dma_start3A_22 = tpu.memref_slice %arg5[%dma_start3A, %dma_start3A_21] : memref<2x128xi32, #tpu.memory_space<vmem>> -> memref<1x128xi32, #tpu.memory_space<vmem>>
      %dma_start3A_23 = tpu.memref_squeeze %dma_start3A_22 : memref<1x128xi32, #tpu.memory_space<vmem>> -> memref<128xi32, #tpu.memory_space<vmem>>
      %dma_start3A_24 = arith.constant 0 : i32
      %dma_start3A_25 = arith.constant 0 : i32
      %dma_start3A_26 = tpu.memref_slice %arg2[%dma_start3A_24, %dma_start3A_25] : memref<50000x128xf32, #tpu.memory_space<hbm>> -> memref<50000x128xf32, #tpu.memory_space<hbm>>
      tpu.enqueue_indirect_dma source(%dma_start3A_26 : memref<50000x128xf32, #tpu.memory_space<hbm>>) target(%dma_start3A_20 : memref<128x128xf32, #tpu.memory_space<vmem>>) offsets(%dma_start3A_23 : memref<128xi32, #tpu.memory_space<vmem>>) semaphore(%arg7 : memref<!tpu.dma_semaphore, #tpu.memory_space<semaphore_mem>>)
      %run_scoped3A_27 = arith.constant 1 : i32
      "tpu.region"() ({
        %run_scoped3A_115 = tpu.sem_alloc : memref<!tpu.dma_semaphore, #tpu.memory_space<semaphore_mem>>
        %dma_start3A_116 = arith.constant 0 : i32
        %dma_start3A_117 = tpu.memref_slice %arg5[%run_scoped3A_27, %dma_start3A_116] : memref<2x128xi32, #tpu.memory_space<vmem>> -> memref<1x128xi32, #tpu.memory_space<vmem>>
        %dma_start3A_118 = tpu.memref_squeeze %dma_start3A_117 : memref<1x128xi32, #tpu.memory_space<vmem>> -> memref<128xi32, #tpu.memory_space<vmem>>
        %dma_start3A_119 = tpu.memref_slice %arg3[%add3A_15] : memref<802816xi32, #tpu.memory_space<hbm>> -> memref<128xi32, #tpu.memory_space<hbm>>
        %dma_start3A_120 = arith.constant 0 : i32
        %dma_start3A_121 = tpu.memref_slice %arg5[%run_scoped3A_27, %dma_start3A_120] : memref<2x128xi32, #tpu.memory_space<vmem>> -> memref<1x128xi32, #tpu.memory_space<vmem>>
        %dma_start3A_122 = tpu.memref_squeeze %dma_start3A_121 : memref<1x128xi32, #tpu.memory_space<vmem>> -> memref<128xi32, #tpu.memory_space<vmem>>
        %dma_start3A_123 = tpu.memref_slice %arg3[%add3A_15] : memref<802816xi32, #tpu.memory_space<hbm>> -> memref<128xi32, #tpu.memory_space<hbm>>
        tpu.enqueue_dma source(%dma_start3A_123 : memref<128xi32, #tpu.memory_space<hbm>>) target(%dma_start3A_122 : memref<128xi32, #tpu.memory_space<vmem>>) target_semaphore(%run_scoped3A_115 : memref<!tpu.dma_semaphore, #tpu.memory_space<semaphore_mem>>)
        %dma_wait3A_124 = arith.constant 0 : i32
        %dma_wait3A_125 = tpu.memref_slice %arg5[%run_scoped3A_27, %dma_wait3A_124] : memref<2x128xi32, #tpu.memory_space<vmem>> -> memref<1x128xi32, #tpu.memory_space<vmem>>
        %dma_wait3A_126 = tpu.memref_squeeze %dma_wait3A_125 : memref<1x128xi32, #tpu.memory_space<vmem>> -> memref<128xi32, #tpu.memory_space<vmem>>
        %dma_wait3A_127 = tpu.memref_slice %arg3[%add3A_15] : memref<802816xi32, #tpu.memory_space<hbm>> -> memref<128xi32, #tpu.memory_space<hbm>>
        %dma_wait3A_128 = arith.constant 0 : i32
        %dma_wait3A_129 = tpu.memref_slice %arg5[%run_scoped3A_27, %dma_wait3A_128] : memref<2x128xi32, #tpu.memory_space<vmem>> -> memref<1x128xi32, #tpu.memory_space<vmem>>
        %dma_wait3A_130 = tpu.memref_squeeze %dma_wait3A_129 : memref<1x128xi32, #tpu.memory_space<vmem>> -> memref<128xi32, #tpu.memory_space<vmem>>
        %dma_wait3A_131 = tpu.memref_slice %arg3[%add3A_15] : memref<802816xi32, #tpu.memory_space<hbm>> -> memref<128xi32, #tpu.memory_space<hbm>>
        tpu.wait_dma2 semaphore(%run_scoped3A_115 : memref<!tpu.dma_semaphore, #tpu.memory_space<semaphore_mem>>) src(%dma_wait3A_131 : memref<128xi32, #tpu.memory_space<hbm>>) dst(%dma_wait3A_130 : memref<128xi32, #tpu.memory_space<vmem>>)
        tpu.yield
      }) : () -> ()
      %dma_start3A_28 = arith.constant 1 : i32
      %dma_start3A_29 = arith.constant 1 : i32
      %dma_start3A_30 = arith.constant 0 : i32
      %dma_start3A_31 = arith.constant 0 : i32
      %dma_start3A_32 = tpu.memref_slice %arg6[%dma_start3A_29, %dma_start3A_30, %dma_start3A_31] : memref<2x128x128xf32, #tpu.memory_space<vmem>> -> memref<1x128x128xf32, #tpu.memory_space<vmem>>
      %dma_start3A_33 = tpu.memref_squeeze %dma_start3A_32 : memref<1x128x128xf32, #tpu.memory_space<vmem>> -> memref<128x128xf32, #tpu.memory_space<vmem>>
      %dma_start3A_34 = arith.constant 0 : i32
      %dma_start3A_35 = tpu.memref_slice %arg5[%dma_start3A_28, %dma_start3A_34] : memref<2x128xi32, #tpu.memory_space<vmem>> -> memref<1x128xi32, #tpu.memory_space<vmem>>
      %dma_start3A_36 = tpu.memref_squeeze %dma_start3A_35 : memref<1x128xi32, #tpu.memory_space<vmem>> -> memref<128xi32, #tpu.memory_space<vmem>>
      %dma_start3A_37 = arith.constant 0 : i32
      %dma_start3A_38 = arith.constant 0 : i32
      %dma_start3A_39 = tpu.memref_slice %arg2[%dma_start3A_37, %dma_start3A_38] : memref<50000x128xf32, #tpu.memory_space<hbm>> -> memref<50000x128xf32, #tpu.memory_space<hbm>>
      tpu.enqueue_indirect_dma source(%dma_start3A_39 : memref<50000x128xf32, #tpu.memory_space<hbm>>) target(%dma_start3A_33 : memref<128x128xf32, #tpu.memory_space<vmem>>) offsets(%dma_start3A_36 : memref<128xi32, #tpu.memory_space<vmem>>) semaphore(%arg7 : memref<!tpu.dma_semaphore, #tpu.memory_space<semaphore_mem>>)
      %dma_wait3A = arith.constant 0 : i32
      %dma_wait3A_40 = arith.constant 0 : i32
      %dma_wait3A_41 = arith.constant 0 : i32
      %dma_wait3A_42 = arith.constant 0 : i32
      %dma_wait3A_43 = tpu.memref_slice %arg6[%dma_wait3A_40, %dma_wait3A_41, %dma_wait3A_42] : memref<2x128x128xf32, #tpu.memory_space<vmem>> -> memref<1x128x128xf32, #tpu.memory_space<vmem>>
      %dma_wait3A_44 = tpu.memref_squeeze %dma_wait3A_43 : memref<1x128x128xf32, #tpu.memory_space<vmem>> -> memref<128x128xf32, #tpu.memory_space<vmem>>
      %dma_wait3A_45 = arith.constant 0 : i32
      %dma_wait3A_46 = tpu.memref_slice %arg5[%dma_wait3A, %dma_wait3A_45] : memref<2x128xi32, #tpu.memory_space<vmem>> -> memref<1x128xi32, #tpu.memory_space<vmem>>
      %dma_wait3A_47 = tpu.memref_squeeze %dma_wait3A_46 : memref<1x128xi32, #tpu.memory_space<vmem>> -> memref<128xi32, #tpu.memory_space<vmem>>
      %dma_wait3A_48 = arith.constant 0 : i32
      %dma_wait3A_49 = arith.constant 0 : i32
      %dma_wait3A_50 = tpu.memref_slice %arg2[%dma_wait3A_48, %dma_wait3A_49] : memref<50000x128xf32, #tpu.memory_space<hbm>> -> memref<50000x128xf32, #tpu.memory_space<hbm>>
      tpu.wait_indirect_dma semaphore(%arg7 : memref<!tpu.dma_semaphore, #tpu.memory_space<semaphore_mem>>) src(%dma_wait3A_50 : memref<50000x128xf32, #tpu.memory_space<hbm>>) dst(%dma_wait3A_44 : memref<128x128xf32, #tpu.memory_space<vmem>>)
      %dma_start3A_51 = arith.constant 0 : i32
      %dma_start3A_52 = arith.constant 0 : i32
      %dma_start3A_53 = arith.constant 0 : i32
      %dma_start3A_54 = tpu.memref_slice %arg6[%dma_start3A_51, %dma_start3A_52, %dma_start3A_53] : memref<2x128x128xf32, #tpu.memory_space<vmem>> -> memref<1x128x128xf32, #tpu.memory_space<vmem>>
      %dma_start3A_55 = tpu.memref_squeeze %dma_start3A_54 : memref<1x128x128xf32, #tpu.memory_space<vmem>> -> memref<128x128xf32, #tpu.memory_space<vmem>>
      %dma_start3A_56 = arith.constant 0 : i32
      %dma_start3A_57 = tpu.memref_slice %arg4[%add3A_13, %dma_start3A_56] : memref<802816x128xf32, #tpu.memory_space<hbm>> -> memref<128x128xf32, #tpu.memory_space<hbm>>
      %dma_start3A_58 = arith.constant 0 : i32
      %dma_start3A_59 = tpu.memref_slice %arg4[%add3A_13, %dma_start3A_58] : memref<802816x128xf32, #tpu.memory_space<hbm>> -> memref<128x128xf32, #tpu.memory_space<hbm>>
      %dma_start3A_60 = arith.constant 0 : i32
      %dma_start3A_61 = arith.constant 0 : i32
      %dma_start3A_62 = tpu.memref_slice %arg6[%dma_start3A_51, %dma_start3A_60, %dma_start3A_61] : memref<2x128x128xf32, #tpu.memory_space<vmem>> -> memref<1x128x128xf32, #tpu.memory_space<vmem>>
      %dma_start3A_63 = tpu.memref_squeeze %dma_start3A_62 : memref<1x128x128xf32, #tpu.memory_space<vmem>> -> memref<128x128xf32, #tpu.memory_space<vmem>>
      tpu.enqueue_dma source(%dma_start3A_63 : memref<128x128xf32, #tpu.memory_space<vmem>>) target(%dma_start3A_59 : memref<128x128xf32, #tpu.memory_space<hbm>>) target_semaphore(%arg8 : memref<!tpu.dma_semaphore, #tpu.memory_space<semaphore_mem>>)
      %dma_wait3A_64 = arith.constant 1 : i32
      %dma_wait3A_65 = arith.constant 1 : i32
      %dma_wait3A_66 = arith.constant 0 : i32
      %dma_wait3A_67 = arith.constant 0 : i32
      %dma_wait3A_68 = tpu.memref_slice %arg6[%dma_wait3A_65, %dma_wait3A_66, %dma_wait3A_67] : memref<2x128x128xf32, #tpu.memory_space<vmem>> -> memref<1x128x128xf32, #tpu.memory_space<vmem>>
      %dma_wait3A_69 = tpu.memref_squeeze %dma_wait3A_68 : memref<1x128x128xf32, #tpu.memory_space<vmem>> -> memref<128x128xf32, #tpu.memory_space<vmem>>
      %dma_wait3A_70 = arith.constant 0 : i32
      %dma_wait3A_71 = tpu.memref_slice %arg5[%dma_wait3A_64, %dma_wait3A_70] : memref<2x128xi32, #tpu.memory_space<vmem>> -> memref<1x128xi32, #tpu.memory_space<vmem>>
      %dma_wait3A_72 = tpu.memref_squeeze %dma_wait3A_71 : memref<1x128xi32, #tpu.memory_space<vmem>> -> memref<128xi32, #tpu.memory_space<vmem>>
      %dma_wait3A_73 = arith.constant 0 : i32
      %dma_wait3A_74 = arith.constant 0 : i32
      %dma_wait3A_75 = tpu.memref_slice %arg2[%dma_wait3A_73, %dma_wait3A_74] : memref<50000x128xf32, #tpu.memory_space<hbm>> -> memref<50000x128xf32, #tpu.memory_space<hbm>>
      tpu.wait_indirect_dma semaphore(%arg7 : memref<!tpu.dma_semaphore, #tpu.memory_space<semaphore_mem>>) src(%dma_wait3A_75 : memref<50000x128xf32, #tpu.memory_space<hbm>>) dst(%dma_wait3A_69 : memref<128x128xf32, #tpu.memory_space<vmem>>)
      %dma_start3A_76 = arith.constant 1 : i32
      %dma_start3A_77 = arith.constant 0 : i32
      %dma_start3A_78 = arith.constant 0 : i32
      %dma_start3A_79 = tpu.memref_slice %arg6[%dma_start3A_76, %dma_start3A_77, %dma_start3A_78] : memref<2x128x128xf32, #tpu.memory_space<vmem>> -> memref<1x128x128xf32, #tpu.memory_space<vmem>>
      %dma_start3A_80 = tpu.memref_squeeze %dma_start3A_79 : memref<1x128x128xf32, #tpu.memory_space<vmem>> -> memref<128x128xf32, #tpu.memory_space<vmem>>
      %dma_start3A_81 = arith.constant 0 : i32
      %dma_start3A_82 = tpu.memref_slice %arg4[%add3A_15, %dma_start3A_81] : memref<802816x128xf32, #tpu.memory_space<hbm>> -> memref<128x128xf32, #tpu.memory_space<hbm>>
      %dma_start3A_83 = arith.constant 0 : i32
      %dma_start3A_84 = tpu.memref_slice %arg4[%add3A_15, %dma_start3A_83] : memref<802816x128xf32, #tpu.memory_space<hbm>> -> memref<128x128xf32, #tpu.memory_space<hbm>>
      %dma_start3A_85 = arith.constant 0 : i32
      %dma_start3A_86 = arith.constant 0 : i32
      %dma_start3A_87 = tpu.memref_slice %arg6[%dma_start3A_76, %dma_start3A_85, %dma_start3A_86] : memref<2x128x128xf32, #tpu.memory_space<vmem>> -> memref<1x128x128xf32, #tpu.memory_space<vmem>>
      %dma_start3A_88 = tpu.memref_squeeze %dma_start3A_87 : memref<1x128x128xf32, #tpu.memory_space<vmem>> -> memref<128x128xf32, #tpu.memory_space<vmem>>
      tpu.enqueue_dma source(%dma_start3A_88 : memref<128x128xf32, #tpu.memory_space<vmem>>) target(%dma_start3A_84 : memref<128x128xf32, #tpu.memory_space<hbm>>) target_semaphore(%arg8 : memref<!tpu.dma_semaphore, #tpu.memory_space<semaphore_mem>>)
      %dma_wait3A_89 = arith.constant 0 : i32
      %dma_wait3A_90 = arith.constant 0 : i32
      %dma_wait3A_91 = arith.constant 0 : i32
      %dma_wait3A_92 = tpu.memref_slice %arg6[%dma_wait3A_89, %dma_wait3A_90, %dma_wait3A_91] : memref<2x128x128xf32, #tpu.memory_space<vmem>> -> memref<1x128x128xf32, #tpu.memory_space<vmem>>
      %dma_wait3A_93 = tpu.memref_squeeze %dma_wait3A_92 : memref<1x128x128xf32, #tpu.memory_space<vmem>> -> memref<128x128xf32, #tpu.memory_space<vmem>>
      %dma_wait3A_94 = arith.constant 0 : i32
      %dma_wait3A_95 = tpu.memref_slice %arg4[%add3A_13, %dma_wait3A_94] : memref<802816x128xf32, #tpu.memory_space<hbm>> -> memref<128x128xf32, #tpu.memory_space<hbm>>
      %dma_wait3A_96 = arith.constant 0 : i32
      %dma_wait3A_97 = tpu.memref_slice %arg4[%add3A_13, %dma_wait3A_96] : memref<802816x128xf32, #tpu.memory_space<hbm>> -> memref<128x128xf32, #tpu.memory_space<hbm>>
      %dma_wait3A_98 = arith.constant 0 : i32
      %dma_wait3A_99 = arith.constant 0 : i32
      %dma_wait3A_100 = tpu.memref_slice %arg6[%dma_wait3A_89, %dma_wait3A_98, %dma_wait3A_99] : memref<2x128x128xf32, #tpu.memory_space<vmem>> -> memref<1x128x128xf32, #tpu.memory_space<vmem>>
      %dma_wait3A_101 = tpu.memref_squeeze %dma_wait3A_100 : memref<1x128x128xf32, #tpu.memory_space<vmem>> -> memref<128x128xf32, #tpu.memory_space<vmem>>
      tpu.wait_dma2 semaphore(%arg8 : memref<!tpu.dma_semaphore, #tpu.memory_space<semaphore_mem>>) src(%dma_wait3A_101 : memref<128x128xf32, #tpu.memory_space<vmem>>) dst(%dma_wait3A_97 : memref<128x128xf32, #tpu.memory_space<hbm>>)
      %dma_wait3A_102 = arith.constant 1 : i32
      %dma_wait3A_103 = arith.constant 0 : i32
      %dma_wait3A_104 = arith.constant 0 : i32
      %dma_wait3A_105 = tpu.memref_slice %arg6[%dma_wait3A_102, %dma_wait3A_103, %dma_wait3A_104] : memref<2x128x128xf32, #tpu.memory_space<vmem>> -> memref<1x128x128xf32, #tpu.memory_space<vmem>>
      %dma_wait3A_106 = tpu.memref_squeeze %dma_wait3A_105 : memref<1x128x128xf32, #tpu.memory_space<vmem>> -> memref<128x128xf32, #tpu.memory_space<vmem>>
      %dma_wait3A_107 = arith.constant 0 : i32
      %dma_wait3A_108 = tpu.memref_slice %arg4[%add3A_15, %dma_wait3A_107] : memref<802816x128xf32, #tpu.memory_space<hbm>> -> memref<128x128xf32, #tpu.memory_space<hbm>>
      %dma_wait3A_109 = arith.constant 0 : i32
      %dma_wait3A_110 = tpu.memref_slice %arg4[%add3A_15, %dma_wait3A_109] : memref<802816x128xf32, #tpu.memory_space<hbm>> -> memref<128x128xf32, #tpu.memory_space<hbm>>
      %dma_wait3A_111 = arith.constant 0 : i32
      %dma_wait3A_112 = arith.constant 0 : i32
      %dma_wait3A_113 = tpu.memref_slice %arg6[%dma_wait3A_102, %dma_wait3A_111, %dma_wait3A_112] : memref<2x128x128xf32, #tpu.memory_space<vmem>> -> memref<1x128x128xf32, #tpu.memory_space<vmem>>
      %dma_wait3A_114 = tpu.memref_squeeze %dma_wait3A_113 : memref<1x128x128xf32, #tpu.memory_space<vmem>> -> memref<128x128xf32, #tpu.memory_space<vmem>>
      tpu.wait_dma2 semaphore(%arg8 : memref<!tpu.dma_semaphore, #tpu.memory_space<semaphore_mem>>) src(%dma_wait3A_114 : memref<128x128xf32, #tpu.memory_space<vmem>>) dst(%dma_wait3A_110 : memref<128x128xf32, #tpu.memory_space<hbm>>)
    }
    %scan3A_7 = arith.constant 98 : i32
    return
  }
}

#map = affine_map<(d0, d1) -> (0, 0)>
#map1 = affine_map<(d0, d1) -> (0)>
module attributes {stable_mosaic.version = 14 : i64} {
  func.func @k(%arg0: i32, %arg1: i32, %arg2: memref<50000x128xf32, #tpu.memory_space<hbm>>, %arg3: memref<802816xi32, #tpu.memory_space<hbm>>, %arg4: memref<802816x128xf32, #tpu.memory_space<hbm>>, %arg5: memref<2x128xi32, #tpu.memory_space<vmem>>, %arg6: memref<2x128x128xf32, #tpu.memory_space<vmem>>, %arg7: memref<!tpu.dma_semaphore, #tpu.memory_space<semaphore_mem>>, %arg8: memref<!tpu.dma_semaphore, #tpu.memory_space<semaphore_mem>>) attributes {dimension_semantics = [#tpu.dimension_semantics<core_parallel>, #tpu.dimension_semantics<subcore_parallel>], iteration_bounds = array<i64: 2, 16>, scalar_prefetch = 0 : i64, scratch_operands = 4 : i64, tpu.core_type = #tpu.core_type<sc_vector_subcore>, window_params = [{transform_indices = #map}, {transform_indices = #map1}, {transform_indices = #map}]} {
    %mul3A = arith.constant 2 : i32
    %mul3A_0 = arith.muli %arg1, %mul3A : i32
    %add3A = arith.addi %mul3A_0, %arg0 : i32
    %mul3A_1 = arith.constant 25088 : i32
    %mul3A_2 = arith.muli %add3A, %mul3A_1 : i32
    %scan3A = arith.constant 0 : i32
    %scan3A_3 = arith.constant 0 : i32
    %scan3A_4 = arith.constant 98 : i32
    %scan3A_5 = arith.addi %scan3A_3, %scan3A_4 : i32
    %scan3A_6 = arith.constant 1 : i32
    scf.for %scan3A_8 = %scan3A_3 to %scan3A_5 step %scan3A_6  : i32 {
      %mul3A_9 = arith.constant 2 : i32
      %mul3A_10 = arith.muli %mul3A_9, %scan3A_8 : i32
      %mul3A_11 = arith.constant 128 : i32
      %mul3A_12 = arith.muli %mul3A_10, %mul3A_11 : i32
      %add3A_13 = arith.addi %mul3A_2, %mul3A_12 : i32
      %add3A_14 = arith.constant 128 : i32
      %add3A_15 = arith.addi %add3A_13, %add3A_14 : i32
      %run_scoped3A = arith.constant 0 : i32
      "tpu.region"() ({
        %run_scoped3A_115 = tpu.sem_alloc : memref<!tpu.dma_semaphore, #tpu.memory_space<semaphore_mem>>
        %dma_start3A_116 = arith.constant 0 : i32
        %dma_start3A_117 = tpu.memref_slice %arg5[%run_scoped3A, %dma_start3A_116] : memref<2x128xi32, #tpu.memory_space<vmem>> -> memref<1x128xi32, #tpu.memory_space<vmem>>
        %dma_start3A_118 = tpu.memref_squeeze %dma_start3A_117 : memref<1x128xi32, #tpu.memory_space<vmem>> -> memref<128xi32, #tpu.memory_space<vmem>>
        %dma_start3A_119 = tpu.memref_slice %arg3[%add3A_13] : memref<802816xi32, #tpu.memory_space<hbm>> -> memref<128xi32, #tpu.memory_space<hbm>>
        %dma_start3A_120 = arith.constant 0 : i32
        %dma_start3A_121 = tpu.memref_slice %arg5[%run_scoped3A, %dma_start3A_120] : memref<2x128xi32, #tpu.memory_space<vmem>> -> memref<1x128xi32, #tpu.memory_space<vmem>>
        %dma_start3A_122 = tpu.memref_squeeze %dma_start3A_121 : memref<1x128xi32, #tpu.memory_space<vmem>> -> memref<128xi32, #tpu.memory_space<vmem>>
        %dma_start3A_123 = tpu.memref_slice %arg3[%add3A_13] : memref<802816xi32, #tpu.memory_space<hbm>> -> memref<128xi32, #tpu.memory_space<hbm>>
        tpu.enqueue_dma source(%dma_start3A_123 : memref<128xi32, #tpu.memory_space<hbm>>) target(%dma_start3A_122 : memref<128xi32, #tpu.memory_space<vmem>>) target_semaphore(%run_scoped3A_115 : memref<!tpu.dma_semaphore, #tpu.memory_space<semaphore_mem>>)
        %dma_wait3A_124 = arith.constant 0 : i32
        %dma_wait3A_125 = tpu.memref_slice %arg5[%run_scoped3A, %dma_wait3A_124] : memref<2x128xi32, #tpu.memory_space<vmem>> -> memref<1x128xi32, #tpu.memory_space<vmem>>
        %dma_wait3A_126 = tpu.memref_squeeze %dma_wait3A_125 : memref<1x128xi32, #tpu.memory_space<vmem>> -> memref<128xi32, #tpu.memory_space<vmem>>
        %dma_wait3A_127 = tpu.memref_slice %arg3[%add3A_13] : memref<802816xi32, #tpu.memory_space<hbm>> -> memref<128xi32, #tpu.memory_space<hbm>>
        %dma_wait3A_128 = arith.constant 0 : i32
        %dma_wait3A_129 = tpu.memref_slice %arg5[%run_scoped3A, %dma_wait3A_128] : memref<2x128xi32, #tpu.memory_space<vmem>> -> memref<1x128xi32, #tpu.memory_space<vmem>>
        %dma_wait3A_130 = tpu.memref_squeeze %dma_wait3A_129 : memref<1x128xi32, #tpu.memory_space<vmem>> -> memref<128xi32, #tpu.memory_space<vmem>>
        %dma_wait3A_131 = tpu.memref_slice %arg3[%add3A_13] : memref<802816xi32, #tpu.memory_space<hbm>> -> memref<128xi32, #tpu.memory_space<hbm>>
        tpu.wait_dma2 semaphore(%run_scoped3A_115 : memref<!tpu.dma_semaphore, #tpu.memory_space<semaphore_mem>>) src(%dma_wait3A_131 : memref<128xi32, #tpu.memory_space<hbm>>) dst(%dma_wait3A_130 : memref<128xi32, #tpu.memory_space<vmem>>)
        tpu.yield
      }) : () -> ()
      %dma_start3A = arith.constant 0 : i32
      %dma_start3A_16 = arith.constant 0 : i32
      %dma_start3A_17 = arith.constant 0 : i32
      %dma_start3A_18 = arith.constant 0 : i32
      %dma_start3A_19 = tpu.memref_slice %arg6[%dma_start3A_16, %dma_start3A_17, %dma_start3A_18] : memref<2x128x128xf32, #tpu.memory_space<vmem>> -> memref<1x128x128xf32, #tpu.memory_space<vmem>>
      %dma_start3A_20 = tpu.memref_squeeze %dma_start3A_19 : memref<1x128x128xf32, #tpu.memory_space<vmem>> -> memref<128x128xf32, #tpu.memory_space<vmem>>
      %dma_start3A_21 = arith.constant 0 : i32
      %dma_start3A_22 = tpu.memref_slice %arg5[%dma_start3A, %dma_start3A_21] : memref<2x128xi32, #tpu.memory_space<vmem>> -> memref<1x128xi32, #tpu.memory_space<vmem>>
      %dma_start3A_23 = tpu.memref_squeeze %dma_start3A_22 : memref<1x128xi32, #tpu.memory_space<vmem>> -> memref<128xi32, #tpu.memory_space<vmem>>
      %dma_start3A_24 = arith.constant 0 : i32
      %dma_start3A_25 = arith.constant 0 : i32
      %dma_start3A_26 = tpu.memref_slice %arg2[%dma_start3A_24, %dma_start3A_25] : memref<50000x128xf32, #tpu.memory_space<hbm>> -> memref<50000x128xf32, #tpu.memory_space<hbm>>
      tpu.enqueue_indirect_dma source(%dma_start3A_26 : memref<50000x128xf32, #tpu.memory_space<hbm>>) target(%dma_start3A_20 : memref<128x128xf32, #tpu.memory_space<vmem>>) offsets(%dma_start3A_23 : memref<128xi32, #tpu.memory_space<vmem>>) semaphore(%arg7 : memref<!tpu.dma_semaphore, #tpu.memory_space<semaphore_mem>>)
      %run_scoped3A_27 = arith.constant 1 : i32
      "tpu.region"() ({
        %run_scoped3A_115 = tpu.sem_alloc : memref<!tpu.dma_semaphore, #tpu.memory_space<semaphore_mem>>
        %dma_start3A_116 = arith.constant 0 : i32
        %dma_start3A_117 = tpu.memref_slice %arg5[%run_scoped3A_27, %dma_start3A_116] : memref<2x128xi32, #tpu.memory_space<vmem>> -> memref<1x128xi32, #tpu.memory_space<vmem>>
        %dma_start3A_118 = tpu.memref_squeeze %dma_start3A_117 : memref<1x128xi32, #tpu.memory_space<vmem>> -> memref<128xi32, #tpu.memory_space<vmem>>
        %dma_start3A_119 = tpu.memref_slice %arg3[%add3A_15] : memref<802816xi32, #tpu.memory_space<hbm>> -> memref<128xi32, #tpu.memory_space<hbm>>
        %dma_start3A_120 = arith.constant 0 : i32
        %dma_start3A_121 = tpu.memref_slice %arg5[%run_scoped3A_27, %dma_start3A_120] : memref<2x128xi32, #tpu.memory_space<vmem>> -> memref<1x128xi32, #tpu.memory_space<vmem>>
        %dma_start3A_122 = tpu.memref_squeeze %dma_start3A_121 : memref<1x128xi32, #tpu.memory_space<vmem>> -> memref<128xi32, #tpu.memory_space<vmem>>
        %dma_start3A_123 = tpu.memref_slice %arg3[%add3A_15] : memref<802816xi32, #tpu.memory_space<hbm>> -> memref<128xi32, #tpu.memory_space<hbm>>
        tpu.enqueue_dma source(%dma_start3A_123 : memref<128xi32, #tpu.memory_space<hbm>>) target(%dma_start3A_122 : memref<128xi32, #tpu.memory_space<vmem>>) target_semaphore(%run_scoped3A_115 : memref<!tpu.dma_semaphore, #tpu.memory_space<semaphore_mem>>)
        %dma_wait3A_124 = arith.constant 0 : i32
        %dma_wait3A_125 = tpu.memref_slice %arg5[%run_scoped3A_27, %dma_wait3A_124] : memref<2x128xi32, #tpu.memory_space<vmem>> -> memref<1x128xi32, #tpu.memory_space<vmem>>
        %dma_wait3A_126 = tpu.memref_squeeze %dma_wait3A_125 : memref<1x128xi32, #tpu.memory_space<vmem>> -> memref<128xi32, #tpu.memory_space<vmem>>
        %dma_wait3A_127 = tpu.memref_slice %arg3[%add3A_15] : memref<802816xi32, #tpu.memory_space<hbm>> -> memref<128xi32, #tpu.memory_space<hbm>>
        %dma_wait3A_128 = arith.constant 0 : i32
        %dma_wait3A_129 = tpu.memref_slice %arg5[%run_scoped3A_27, %dma_wait3A_128] : memref<2x128xi32, #tpu.memory_space<vmem>> -> memref<1x128xi32, #tpu.memory_space<vmem>>
        %dma_wait3A_130 = tpu.memref_squeeze %dma_wait3A_129 : memref<1x128xi32, #tpu.memory_space<vmem>> -> memref<128xi32, #tpu.memory_space<vmem>>
        %dma_wait3A_131 = tpu.memref_slice %arg3[%add3A_15] : memref<802816xi32, #tpu.memory_space<hbm>> -> memref<128xi32, #tpu.memory_space<hbm>>
        tpu.wait_dma2 semaphore(%run_scoped3A_115 : memref<!tpu.dma_semaphore, #tpu.memory_space<semaphore_mem>>) src(%dma_wait3A_131 : memref<128xi32, #tpu.memory_space<hbm>>) dst(%dma_wait3A_130 : memref<128xi32, #tpu.memory_space<vmem>>)
        tpu.yield
      }) : () -> ()
      %dma_start3A_28 = arith.constant 1 : i32
      %dma_start3A_29 = arith.constant 1 : i32
      %dma_start3A_30 = arith.constant 0 : i32
      %dma_start3A_31 = arith.constant 0 : i32
      %dma_start3A_32 = tpu.memref_slice %arg6[%dma_start3A_29, %dma_start3A_30, %dma_start3A_31] : memref<2x128x128xf32, #tpu.memory_space<vmem>> -> memref<1x128x128xf32, #tpu.memory_space<vmem>>
      %dma_start3A_33 = tpu.memref_squeeze %dma_start3A_32 : memref<1x128x128xf32, #tpu.memory_space<vmem>> -> memref<128x128xf32, #tpu.memory_space<vmem>>
      %dma_start3A_34 = arith.constant 0 : i32
      %dma_start3A_35 = tpu.memref_slice %arg5[%dma_start3A_28, %dma_start3A_34] : memref<2x128xi32, #tpu.memory_space<vmem>> -> memref<1x128xi32, #tpu.memory_space<vmem>>
      %dma_start3A_36 = tpu.memref_squeeze %dma_start3A_35 : memref<1x128xi32, #tpu.memory_space<vmem>> -> memref<128xi32, #tpu.memory_space<vmem>>
      %dma_start3A_37 = arith.constant 0 : i32
      %dma_start3A_38 = arith.constant 0 : i32
      %dma_start3A_39 = tpu.memref_slice %arg2[%dma_start3A_37, %dma_start3A_38] : memref<50000x128xf32, #tpu.memory_space<hbm>> -> memref<50000x128xf32, #tpu.memory_space<hbm>>
      tpu.enqueue_indirect_dma source(%dma_start3A_39 : memref<50000x128xf32, #tpu.memory_space<hbm>>) target(%dma_start3A_33 : memref<128x128xf32, #tpu.memory_space<vmem>>) offsets(%dma_start3A_36 : memref<128xi32, #tpu.memory_space<vmem>>) semaphore(%arg7 : memref<!tpu.dma_semaphore, #tpu.memory_space<semaphore_mem>>)
      %dma_wait3A = arith.constant 0 : i32
      %dma_wait3A_40 = arith.constant 0 : i32
      %dma_wait3A_41 = arith.constant 0 : i32
      %dma_wait3A_42 = arith.constant 0 : i32
      %dma_wait3A_43 = tpu.memref_slice %arg6[%dma_wait3A_40, %dma_wait3A_41, %dma_wait3A_42] : memref<2x128x128xf32, #tpu.memory_space<vmem>> -> memref<1x128x128xf32, #tpu.memory_space<vmem>>
      %dma_wait3A_44 = tpu.memref_squeeze %dma_wait3A_43 : memref<1x128x128xf32, #tpu.memory_space<vmem>> -> memref<128x128xf32, #tpu.memory_space<vmem>>
      %dma_wait3A_45 = arith.constant 0 : i32
      %dma_wait3A_46 = tpu.memref_slice %arg5[%dma_wait3A, %dma_wait3A_45] : memref<2x128xi32, #tpu.memory_space<vmem>> -> memref<1x128xi32, #tpu.memory_space<vmem>>
      %dma_wait3A_47 = tpu.memref_squeeze %dma_wait3A_46 : memref<1x128xi32, #tpu.memory_space<vmem>> -> memref<128xi32, #tpu.memory_space<vmem>>
      %dma_wait3A_48 = arith.constant 0 : i32
      %dma_wait3A_49 = arith.constant 0 : i32
      %dma_wait3A_50 = tpu.memref_slice %arg2[%dma_wait3A_48, %dma_wait3A_49] : memref<50000x128xf32, #tpu.memory_space<hbm>> -> memref<50000x128xf32, #tpu.memory_space<hbm>>
      tpu.wait_indirect_dma semaphore(%arg7 : memref<!tpu.dma_semaphore, #tpu.memory_space<semaphore_mem>>) src(%dma_wait3A_50 : memref<50000x128xf32, #tpu.memory_space<hbm>>) dst(%dma_wait3A_44 : memref<128x128xf32, #tpu.memory_space<vmem>>)
      %dma_start3A_51 = arith.constant 0 : i32
      %dma_start3A_52 = arith.constant 0 : i32
      %dma_start3A_53 = arith.constant 0 : i32
      %dma_start3A_54 = tpu.memref_slice %arg6[%dma_start3A_51, %dma_start3A_52, %dma_start3A_53] : memref<2x128x128xf32, #tpu.memory_space<vmem>> -> memref<1x128x128xf32, #tpu.memory_space<vmem>>
      %dma_start3A_55 = tpu.memref_squeeze %dma_start3A_54 : memref<1x128x128xf32, #tpu.memory_space<vmem>> -> memref<128x128xf32, #tpu.memory_space<vmem>>
      %dma_start3A_56 = arith.constant 0 : i32
      %dma_start3A_57 = tpu.memref_slice %arg4[%add3A_13, %dma_start3A_56] : memref<802816x128xf32, #tpu.memory_space<hbm>> -> memref<128x128xf32, #tpu.memory_space<hbm>>
      %dma_start3A_58 = arith.constant 0 : i32
      %dma_start3A_59 = tpu.memref_slice %arg4[%add3A_13, %dma_start3A_58] : memref<802816x128xf32, #tpu.memory_space<hbm>> -> memref<128x128xf32, #tpu.memory_space<hbm>>
      %dma_start3A_60 = arith.constant 0 : i32
      %dma_start3A_61 = arith.constant 0 : i32
      %dma_start3A_62 = tpu.memref_slice %arg6[%dma_start3A_51, %dma_start3A_60, %dma_start3A_61] : memref<2x128x128xf32, #tpu.memory_space<vmem>> -> memref<1x128x128xf32, #tpu.memory_space<vmem>>
      %dma_start3A_63 = tpu.memref_squeeze %dma_start3A_62 : memref<1x128x128xf32, #tpu.memory_space<vmem>> -> memref<128x128xf32, #tpu.memory_space<vmem>>
      tpu.enqueue_dma source(%dma_start3A_63 : memref<128x128xf32, #tpu.memory_space<vmem>>) target(%dma_start3A_59 : memref<128x128xf32, #tpu.memory_space<hbm>>) target_semaphore(%arg8 : memref<!tpu.dma_semaphore, #tpu.memory_space<semaphore_mem>>)
      %dma_wait3A_64 = arith.constant 1 : i32
      %dma_wait3A_65 = arith.constant 1 : i32
      %dma_wait3A_66 = arith.constant 0 : i32
      %dma_wait3A_67 = arith.constant 0 : i32
      %dma_wait3A_68 = tpu.memref_slice %arg6[%dma_wait3A_65, %dma_wait3A_66, %dma_wait3A_67] : memref<2x128x128xf32, #tpu.memory_space<vmem>> -> memref<1x128x128xf32, #tpu.memory_space<vmem>>
      %dma_wait3A_69 = tpu.memref_squeeze %dma_wait3A_68 : memref<1x128x128xf32, #tpu.memory_space<vmem>> -> memref<128x128xf32, #tpu.memory_space<vmem>>
      %dma_wait3A_70 = arith.constant 0 : i32
      %dma_wait3A_71 = tpu.memref_slice %arg5[%dma_wait3A_64, %dma_wait3A_70] : memref<2x128xi32, #tpu.memory_space<vmem>> -> memref<1x128xi32, #tpu.memory_space<vmem>>
      %dma_wait3A_72 = tpu.memref_squeeze %dma_wait3A_71 : memref<1x128xi32, #tpu.memory_space<vmem>> -> memref<128xi32, #tpu.memory_space<vmem>>
      %dma_wait3A_73 = arith.constant 0 : i32
      %dma_wait3A_74 = arith.constant 0 : i32
      %dma_wait3A_75 = tpu.memref_slice %arg2[%dma_wait3A_73, %dma_wait3A_74] : memref<50000x128xf32, #tpu.memory_space<hbm>> -> memref<50000x128xf32, #tpu.memory_space<hbm>>
      tpu.wait_indirect_dma semaphore(%arg7 : memref<!tpu.dma_semaphore, #tpu.memory_space<semaphore_mem>>) src(%dma_wait3A_75 : memref<50000x128xf32, #tpu.memory_space<hbm>>) dst(%dma_wait3A_69 : memref<128x128xf32, #tpu.memory_space<vmem>>)
      %dma_start3A_76 = arith.constant 1 : i32
      %dma_start3A_77 = arith.constant 0 : i32
      %dma_start3A_78 = arith.constant 0 : i32
      %dma_start3A_79 = tpu.memref_slice %arg6[%dma_start3A_76, %dma_start3A_77, %dma_start3A_78] : memref<2x128x128xf32, #tpu.memory_space<vmem>> -> memref<1x128x128xf32, #tpu.memory_space<vmem>>
      %dma_start3A_80 = tpu.memref_squeeze %dma_start3A_79 : memref<1x128x128xf32, #tpu.memory_space<vmem>> -> memref<128x128xf32, #tpu.memory_space<vmem>>
      %dma_start3A_81 = arith.constant 0 : i32
      %dma_start3A_82 = tpu.memref_slice %arg4[%add3A_15, %dma_start3A_81] : memref<802816x128xf32, #tpu.memory_space<hbm>> -> memref<128x128xf32, #tpu.memory_space<hbm>>
      %dma_start3A_83 = arith.constant 0 : i32
      %dma_start3A_84 = tpu.memref_slice %arg4[%add3A_15, %dma_start3A_83] : memref<802816x128xf32, #tpu.memory_space<hbm>> -> memref<128x128xf32, #tpu.memory_space<hbm>>
      %dma_start3A_85 = arith.constant 0 : i32
      %dma_start3A_86 = arith.constant 0 : i32
      %dma_start3A_87 = tpu.memref_slice %arg6[%dma_start3A_76, %dma_start3A_85, %dma_start3A_86] : memref<2x128x128xf32, #tpu.memory_space<vmem>> -> memref<1x128x128xf32, #tpu.memory_space<vmem>>
      %dma_start3A_88 = tpu.memref_squeeze %dma_start3A_87 : memref<1x128x128xf32, #tpu.memory_space<vmem>> -> memref<128x128xf32, #tpu.memory_space<vmem>>
      tpu.enqueue_dma source(%dma_start3A_88 : memref<128x128xf32, #tpu.memory_space<vmem>>) target(%dma_start3A_84 : memref<128x128xf32, #tpu.memory_space<hbm>>) target_semaphore(%arg8 : memref<!tpu.dma_semaphore, #tpu.memory_space<semaphore_mem>>)
      %dma_wait3A_89 = arith.constant 0 : i32
      %dma_wait3A_90 = arith.constant 0 : i32
      %dma_wait3A_91 = arith.constant 0 : i32
      %dma_wait3A_92 = tpu.memref_slice %arg6[%dma_wait3A_89, %dma_wait3A_90, %dma_wait3A_91] : memref<2x128x128xf32, #tpu.memory_space<vmem>> -> memref<1x128x128xf32, #tpu.memory_space<vmem>>
      %dma_wait3A_93 = tpu.memref_squeeze %dma_wait3A_92 : memref<1x128x128xf32, #tpu.memory_space<vmem>> -> memref<128x128xf32, #tpu.memory_space<vmem>>
      %dma_wait3A_94 = arith.constant 0 : i32
      %dma_wait3A_95 = tpu.memref_slice %arg4[%add3A_13, %dma_wait3A_94] : memref<802816x128xf32, #tpu.memory_space<hbm>> -> memref<128x128xf32, #tpu.memory_space<hbm>>
      %dma_wait3A_96 = arith.constant 0 : i32
      %dma_wait3A_97 = tpu.memref_slice %arg4[%add3A_13, %dma_wait3A_96] : memref<802816x128xf32, #tpu.memory_space<hbm>> -> memref<128x128xf32, #tpu.memory_space<hbm>>
      %dma_wait3A_98 = arith.constant 0 : i32
      %dma_wait3A_99 = arith.constant 0 : i32
      %dma_wait3A_100 = tpu.memref_slice %arg6[%dma_wait3A_89, %dma_wait3A_98, %dma_wait3A_99] : memref<2x128x128xf32, #tpu.memory_space<vmem>> -> memref<1x128x128xf32, #tpu.memory_space<vmem>>
      %dma_wait3A_101 = tpu.memref_squeeze %dma_wait3A_100 : memref<1x128x128xf32, #tpu.memory_space<vmem>> -> memref<128x128xf32, #tpu.memory_space<vmem>>
      tpu.wait_dma2 semaphore(%arg8 : memref<!tpu.dma_semaphore, #tpu.memory_space<semaphore_mem>>) src(%dma_wait3A_101 : memref<128x128xf32, #tpu.memory_space<vmem>>) dst(%dma_wait3A_97 : memref<128x128xf32, #tpu.memory_space<hbm>>)
      %dma_wait3A_102 = arith.constant 1 : i32
      %dma_wait3A_103 = arith.constant 0 : i32
      %dma_wait3A_104 = arith.constant 0 : i32
      %dma_wait3A_105 = tpu.memref_slice %arg6[%dma_wait3A_102, %dma_wait3A_103, %dma_wait3A_104] : memref<2x128x128xf32, #tpu.memory_space<vmem>> -> memref<1x128x128xf32, #tpu.memory_space<vmem>>
      %dma_wait3A_106 = tpu.memref_squeeze %dma_wait3A_105 : memref<1x128x128xf32, #tpu.memory_space<vmem>> -> memref<128x128xf32, #tpu.memory_space<vmem>>
      %dma_wait3A_107 = arith.constant 0 : i32
      %dma_wait3A_108 = tpu.memref_slice %arg4[%add3A_15, %dma_wait3A_107] : memref<802816x128xf32, #tpu.memory_space<hbm>> -> memref<128x128xf32, #tpu.memory_space<hbm>>
      %dma_wait3A_109 = arith.constant 0 : i32
      %dma_wait3A_110 = tpu.memref_slice %arg4[%add3A_15, %dma_wait3A_109] : memref<802816x128xf32, #tpu.memory_space<hbm>> -> memref<128x128xf32, #tpu.memory_space<hbm>>
      %dma_wait3A_111 = arith.constant 0 : i32
      %dma_wait3A_112 = arith.constant 0 : i32
      %dma_wait3A_113 = tpu.memref_slice %arg6[%dma_wait3A_102, %dma_wait3A_111, %dma_wait3A_112] : memref<2x128x128xf32, #tpu.memory_space<vmem>> -> memref<1x128x128xf32, #tpu.memory_space<vmem>>
      %dma_wait3A_114 = tpu.memref_squeeze %dma_wait3A_113 : memref<1x128x128xf32, #tpu.memory_space<vmem>> -> memref<128x128xf32, #tpu.memory_space<vmem>>
      tpu.wait_dma2 semaphore(%arg8 : memref<!tpu.dma_semaphore, #tpu.memory_space<semaphore_mem>>) src(%dma_wait3A_114 : memref<128x128xf32, #tpu.memory_space<vmem>>) dst(%dma_wait3A_110 : memref<128x128xf32, #tpu.memory_space<hbm>>)
    }
    %scan3A_7 = arith.constant 98 : i32
    return
  }
}

#map = affine_map<(d0, d1) -> (0)>
module attributes {stable_mosaic.version = 14 : i64} {
  func.func @k(%arg0: i32, %arg1: i32, %arg2: memref<54591488xf32, #tpu.memory_space<hbm>>, %arg3: memref<802816xi32, #tpu.memory_space<hbm>>, %arg4: memref<3403264xf32, #tpu.memory_space<hbm>>, %arg5: memref<50048xf32, #tpu.memory_space<vmem>>, %arg6: memref<50048xf32, #tpu.memory_space<vmem>>, %arg7: memref<6256xf32, #tpu.memory_space<vmem>>, %arg8: memref<2048xi32, #tpu.memory_space<vmem>>, %arg9: memref<2048xf32, #tpu.memory_space<vmem>>, %arg10: memref<2048xf32, #tpu.memory_space<vmem>>, %arg11: memref<2048xf32, #tpu.memory_space<vmem>>, %arg12: memref<!tpu.dma_semaphore, #tpu.memory_space<semaphore_mem>>) attributes {dimension_semantics = [#tpu.dimension_semantics<core_parallel>, #tpu.dimension_semantics<subcore_parallel>], iteration_bounds = array<i64: 2, 16>, scalar_prefetch = 0 : i64, scratch_operands = 8 : i64, tpu.core_type = #tpu.core_type<sc_vector_subcore>, window_params = [{transform_indices = #map}, {transform_indices = #map}, {transform_indices = #map}]} {
    %mul3A = arith.constant 16 : i32
    %mul3A_0 = arith.muli %arg0, %mul3A : i32
    %add3A = arith.addi %mul3A_0, %arg1 : i32
    %broadcast_in_dim3A = arith.constant 0.000000e+00 : f32
    %broadcast_in_dim3A_1 = vector.broadcast %broadcast_in_dim3A : f32 to vector<16xf32>
    %broadcast_in_dim3A_2 = arith.constant 0 : i32
    %broadcast_in_dim3A_3 = vector.broadcast %broadcast_in_dim3A_2 : i32 to vector<16xi32>
    %scan3A = arith.constant 0 : i32
    %scan3A_4 = arith.constant 0 : i32
    %scan3A_5 = arith.constant 3128 : i32
    %scan3A_6 = arith.addi %scan3A_4, %scan3A_5 : i32
    %scan3A_7 = arith.constant 1 : i32
    scf.for %scan3A_97 = %scan3A_4 to %scan3A_6 step %scan3A_7  : i32 {
      %mul3A_98 = arith.constant 16 : i32
      %mul3A_99 = arith.muli %scan3A_97, %mul3A_98 : i32
      %swap3A = arith.index_cast %mul3A_99 : i32 to index
      %swap3A_100 = tpu.vector_load %arg5[%swap3A] {strides = array<i32>} : memref<50048xf32, #tpu.memory_space<vmem>>, vector<16xf32>,
      tpu.vector_store %arg5[%swap3A], %broadcast_in_dim3A_1 {strides = array<i32>} : memref<50048xf32, #tpu.memory_space<vmem>>, vector<16xf32>,
      %mul3A_101 = arith.constant 16 : i32
      %mul3A_102 = arith.muli %scan3A_97, %mul3A_101 : i32
      %swap3A_103 = arith.index_cast %mul3A_102 : i32 to index
      %swap3A_104 = tpu.vector_load %arg6[%swap3A_103] {strides = array<i32>} : memref<50048xf32, #tpu.memory_space<vmem>>, vector<16xf32>,
      tpu.vector_store %arg6[%swap3A_103], %broadcast_in_dim3A_1 {strides = array<i32>} : memref<50048xf32, #tpu.memory_space<vmem>>, vector<16xf32>,
    }
    %scan3A_8 = arith.constant 3128 : i32
    %scan3A_9 = arith.constant 0 : i32
    %scan3A_10 = arith.constant 0 : i32
    %scan3A_11 = arith.constant 391 : i32
    %scan3A_12 = arith.addi %scan3A_10, %scan3A_11 : i32
    %scan3A_13 = arith.constant 1 : i32
    scf.for %scan3A_97 = %scan3A_10 to %scan3A_12 step %scan3A_13  : i32 {
      %mul3A_98 = arith.constant 16 : i32
      %mul3A_99 = arith.muli %scan3A_97, %mul3A_98 : i32
      %swap3A = arith.index_cast %mul3A_99 : i32 to index
      %swap3A_100 = tpu.vector_load %arg7[%swap3A] {strides = array<i32>} : memref<6256xf32, #tpu.memory_space<vmem>>, vector<16xf32>,
      tpu.vector_store %arg7[%swap3A], %broadcast_in_dim3A_1 {strides = array<i32>} : memref<6256xf32, #tpu.memory_space<vmem>>, vector<16xf32>,
    }
    %scan3A_14 = arith.constant 391 : i32
    %mul3A_15 = arith.constant 2 : i32
    %mul3A_16 = arith.muli %mul3A_15, %arg1 : i32
    %jit3A = arith.constant 8 : i32
    %div3A = arith.divsi %arg1, %jit3A : i32
    %sign3A = arith.constant 0 : i32
    %sign3A_17 = arith.cmpi sgt, %arg1, %sign3A : i32
    %sign3A_18 = arith.extui %sign3A_17 : i1 to i32
    %sign3A_19 = arith.constant 0 : i32
    %sign3A_20 = arith.cmpi slt, %arg1, %sign3A_19 : i32
    %sign3A_21 = arith.extui %sign3A_20 : i1 to i32
    %sign3A_22 = arith.subi %sign3A_18, %sign3A_21 : i32
    %sign3A_23 = arith.constant 0 : i32
    %sign3A_24 = arith.cmpi sgt, %jit3A, %sign3A_23 : i32
    %sign3A_25 = arith.extui %sign3A_24 : i1 to i32
    %sign3A_26 = arith.constant 0 : i32
    %sign3A_27 = arith.cmpi slt, %jit3A, %sign3A_26 : i32
    %sign3A_28 = arith.extui %sign3A_27 : i1 to i32
    %sign3A_29 = arith.subi %sign3A_25, %sign3A_28 : i32
    %ne3A = arith.cmpi ne, %sign3A_22, %sign3A_29 : i32
    %rem3A = arith.remsi %arg1, %jit3A : i32
    %ne3A_30 = arith.constant 0 : i32
    %ne3A_31 = arith.cmpi ne, %rem3A, %ne3A_30 : i32
    %and3A = arith.andi %ne3A, %ne3A_31 : i1
    %sub3A = arith.constant 1 : i32
    %sub3A_32 = arith.subi %div3A, %sub3A : i32
    %select_n3A = arith.select %and3A, %sub3A_32, %div3A : i32
    %add3A_33 = arith.constant 32 : i32
    %add3A_34 = arith.addi %add3A_33, %select_n3A : i32
    %jit3A_35 = arith.constant 8 : i32
    %eq3A = arith.constant 0 : i32
    %eq3A_36 = arith.cmpi eq, %jit3A_35, %eq3A : i32
    %jit3A_37 = arith.constant 1 : i32
    %select_n3A_38 = arith.select %eq3A_36, %jit3A_37, %jit3A_35 : i32
    %rem3A_39 = arith.remsi %arg1, %select_n3A_38 : i32
    %ne3A_40 = arith.constant 0 : i32
    %ne3A_41 = arith.cmpi ne, %rem3A_39, %ne3A_40 : i32
    %lt3A = arith.constant 0 : i32
    %lt3A_42 = arith.cmpi slt, %rem3A_39, %lt3A : i32
    %lt3A_43 = arith.constant 0 : i32
    %lt3A_44 = arith.cmpi slt, %select_n3A_38, %lt3A_43 : i32
    %ne3A_45 = arith.xori %lt3A_42, %lt3A_44 : i1
    %and3A_46 = arith.andi %ne3A_45, %ne3A_41 : i1
    %add3A_47 = arith.addi %rem3A_39, %select_n3A_38 : i32
    %select_n3A_48 = arith.select %and3A_46, %add3A_47, %rem3A_39 : i32
    %mul3A_49 = arith.constant 6256 : i32
    %mul3A_50 = arith.muli %select_n3A_48, %mul3A_49 : i32
    %add3A_51 = arith.constant 1 : i32
    %add3A_52 = vector.broadcast %add3A_51 : i32 to vector<16xi32>
    %add3A_53 = arith.addi %broadcast_in_dim3A_3, %add3A_52 : vector<16xi32>
    %gt3A = arith.constant 0 : i32
    %gt3A_54 = vector.broadcast %gt3A : i32 to vector<16xi32>
    %gt3A_55 = arith.cmpi sgt, %add3A_53, %gt3A_54 : vector<16xi32>
    %mul3A_56 = arith.constant 34 : i32
    %mul3A_57 = arith.muli %arg0, %mul3A_56 : i32
    %add3A_58 = arith.addi %mul3A_57, %mul3A_16 : i32
    %mul3A_59 = arith.constant 802816 : i32
    %mul3A_60 = arith.muli %add3A_58, %mul3A_59 : i32
    %mul3A_61 = arith.constant 34 : i32
    %mul3A_62 = arith.muli %arg0, %mul3A_61 : i32
    %add3A_63 = arith.addi %mul3A_62, %mul3A_16 : i32
    %add3A_64 = arith.constant 1 : i32
    %add3A_65 = arith.addi %add3A_63, %add3A_64 : i32
    %mul3A_66 = arith.constant 802816 : i32
    %mul3A_67 = arith.muli %add3A_65, %mul3A_66 : i32
    %mul3A_68 = arith.constant 34 : i32
    %mul3A_69 = arith.muli %arg0, %mul3A_68 : i32
    %add3A_70 = arith.addi %mul3A_69, %add3A_34 : i32
    %mul3A_71 = arith.constant 802816 : i32
    %mul3A_72 = arith.muli %add3A_70, %mul3A_71 : i32
    %scan3A_73 = arith.constant 0 : i32
    %scan3A_74 = arith.constant 0 : i32
    %scan3A_75 = arith.constant 392 : i32
    %scan3A_76 = arith.addi %scan3A_74, %scan3A_75 : i32
    %scan3A_77 = arith.constant 1 : i32
    scf.for %scan3A_97 = %scan3A_74 to %scan3A_76 step %scan3A_77  : i32 {
      %mul3A_98 = arith.constant 2048 : i32
      %mul3A_99 = arith.muli %scan3A_97, %mul3A_98 : i32
      %dma_start3A = tpu.memref_slice %arg3[%mul3A_99] : memref<802816xi32, #tpu.memory_space<hbm>> -> memref<2048xi32, #tpu.memory_space<hbm>>
      %dma_start3A_100 = tpu.memref_slice %arg3[%mul3A_99] : memref<802816xi32, #tpu.memory_space<hbm>> -> memref<2048xi32, #tpu.memory_space<hbm>>
      tpu.enqueue_dma source(%dma_start3A_100 : memref<2048xi32, #tpu.memory_space<hbm>>) target(%arg8 : memref<2048xi32, #tpu.memory_space<vmem>>) target_semaphore(%arg12 : memref<!tpu.dma_semaphore, #tpu.memory_space<semaphore_mem>>)
      %add3A_101 = arith.addi %mul3A_60, %mul3A_99 : i32
      %dma_start3A_102 = tpu.memref_slice %arg2[%add3A_101] : memref<54591488xf32, #tpu.memory_space<hbm>> -> memref<2048xf32, #tpu.memory_space<hbm>>
      %dma_start3A_103 = tpu.memref_slice %arg2[%add3A_101] : memref<54591488xf32, #tpu.memory_space<hbm>> -> memref<2048xf32, #tpu.memory_space<hbm>>
      tpu.enqueue_dma source(%dma_start3A_103 : memref<2048xf32, #tpu.memory_space<hbm>>) target(%arg9 : memref<2048xf32, #tpu.memory_space<vmem>>) target_semaphore(%arg12 : memref<!tpu.dma_semaphore, #tpu.memory_space<semaphore_mem>>)
      %add3A_104 = arith.addi %mul3A_67, %mul3A_99 : i32
      %dma_start3A_105 = tpu.memref_slice %arg2[%add3A_104] : memref<54591488xf32, #tpu.memory_space<hbm>> -> memref<2048xf32, #tpu.memory_space<hbm>>
      %dma_start3A_106 = tpu.memref_slice %arg2[%add3A_104] : memref<54591488xf32, #tpu.memory_space<hbm>> -> memref<2048xf32, #tpu.memory_space<hbm>>
      tpu.enqueue_dma source(%dma_start3A_106 : memref<2048xf32, #tpu.memory_space<hbm>>) target(%arg10 : memref<2048xf32, #tpu.memory_space<vmem>>) target_semaphore(%arg12 : memref<!tpu.dma_semaphore, #tpu.memory_space<semaphore_mem>>)
      %add3A_107 = arith.addi %mul3A_72, %mul3A_99 : i32
      %dma_start3A_108 = tpu.memref_slice %arg2[%add3A_107] : memref<54591488xf32, #tpu.memory_space<hbm>> -> memref<2048xf32, #tpu.memory_space<hbm>>
      %dma_start3A_109 = tpu.memref_slice %arg2[%add3A_107] : memref<54591488xf32, #tpu.memory_space<hbm>> -> memref<2048xf32, #tpu.memory_space<hbm>>
      tpu.enqueue_dma source(%dma_start3A_109 : memref<2048xf32, #tpu.memory_space<hbm>>) target(%arg11 : memref<2048xf32, #tpu.memory_space<vmem>>) target_semaphore(%arg12 : memref<!tpu.dma_semaphore, #tpu.memory_space<semaphore_mem>>)
      %dma_wait3A = tpu.memref_slice %arg3[%mul3A_99] : memref<802816xi32, #tpu.memory_space<hbm>> -> memref<2048xi32, #tpu.memory_space<hbm>>
      %dma_wait3A_110 = tpu.memref_slice %arg3[%mul3A_99] : memref<802816xi32, #tpu.memory_space<hbm>> -> memref<2048xi32, #tpu.memory_space<hbm>>
      tpu.wait_dma2 semaphore(%arg12 : memref<!tpu.dma_semaphore, #tpu.memory_space<semaphore_mem>>) src(%dma_wait3A_110 : memref<2048xi32, #tpu.memory_space<hbm>>) dst(%arg8 : memref<2048xi32, #tpu.memory_space<vmem>>)
      %dma_wait3A_111 = tpu.memref_slice %arg2[%add3A_101] : memref<54591488xf32, #tpu.memory_space<hbm>> -> memref<2048xf32, #tpu.memory_space<hbm>>
      %dma_wait3A_112 = tpu.memref_slice %arg2[%add3A_101] : memref<54591488xf32, #tpu.memory_space<hbm>> -> memref<2048xf32, #tpu.memory_space<hbm>>
      tpu.wait_dma2 semaphore(%arg12 : memref<!tpu.dma_semaphore, #tpu.memory_space<semaphore_mem>>) src(%dma_wait3A_112 : memref<2048xf32, #tpu.memory_space<hbm>>) dst(%arg9 : memref<2048xf32, #tpu.memory_space<vmem>>)
      %dma_wait3A_113 = tpu.memref_slice %arg2[%add3A_104] : memref<54591488xf32, #tpu.memory_space<hbm>> -> memref<2048xf32, #tpu.memory_space<hbm>>
      %dma_wait3A_114 = tpu.memref_slice %arg2[%add3A_104] : memref<54591488xf32, #tpu.memory_space<hbm>> -> memref<2048xf32, #tpu.memory_space<hbm>>
      tpu.wait_dma2 semaphore(%arg12 : memref<!tpu.dma_semaphore, #tpu.memory_space<semaphore_mem>>) src(%dma_wait3A_114 : memref<2048xf32, #tpu.memory_space<hbm>>) dst(%arg10 : memref<2048xf32, #tpu.memory_space<vmem>>)
      %dma_wait3A_115 = tpu.memref_slice %arg2[%add3A_107] : memref<54591488xf32, #tpu.memory_space<hbm>> -> memref<2048xf32, #tpu.memory_space<hbm>>
      %dma_wait3A_116 = tpu.memref_slice %arg2[%add3A_107] : memref<54591488xf32, #tpu.memory_space<hbm>> -> memref<2048xf32, #tpu.memory_space<hbm>>
      tpu.wait_dma2 semaphore(%arg12 : memref<!tpu.dma_semaphore, #tpu.memory_space<semaphore_mem>>) src(%dma_wait3A_116 : memref<2048xf32, #tpu.memory_space<hbm>>) dst(%arg11 : memref<2048xf32, #tpu.memory_space<vmem>>)
      %scan3A_117 = arith.constant 0 : i32
      %scan3A_118 = arith.constant 0 : i32
      %scan3A_119 = arith.constant 128 : i32
      %scan3A_120 = arith.addi %scan3A_118, %scan3A_119 : i32
      %scan3A_121 = arith.constant 1 : i32
      scf.for %scan3A_123 = %scan3A_118 to %scan3A_120 step %scan3A_121  : i32 {
        %mul3A_124 = arith.constant 16 : i32
        %mul3A_125 = arith.muli %scan3A_123, %mul3A_124 : i32
        %get3A = arith.index_cast %mul3A_125 : i32 to index
        %get3A_126 = tpu.vector_load %arg8[%get3A] {strides = array<i32>} : memref<2048xi32, #tpu.memory_space<vmem>>, vector<16xi32>,
        %get3A_127 = arith.index_cast %mul3A_125 : i32 to index
        %get3A_128 = tpu.vector_load %arg9[%get3A_127] {strides = array<i32>} : memref<2048xf32, #tpu.memory_space<vmem>>, vector<16xf32>,
        tpu.vector_store_idx %arg5[%get3A_126], %get3A_128 masked %gt3A_55 {add = true} : memref<50048xf32, #tpu.memory_space<vmem>>[vector<16xi32>], vector<16xf32>, vector<16xi1>
        %get3A_129 = arith.index_cast %mul3A_125 : i32 to index
        %get3A_130 = tpu.vector_load %arg10[%get3A_129] {strides = array<i32>} : memref<2048xf32, #tpu.memory_space<vmem>>, vector<16xf32>,
        tpu.vector_store_idx %arg6[%get3A_126], %get3A_130 masked %gt3A_55 {add = true} : memref<50048xf32, #tpu.memory_space<vmem>>[vector<16xi32>], vector<16xf32>, vector<16xi1>
        %ge3A = vector.broadcast %mul3A_50 : i32 to vector<16xi32>
        %ge3A_131 = arith.cmpi sge, %get3A_126, %ge3A : vector<16xi32>
        %add3A_132 = arith.constant 6256 : i32
        %add3A_133 = arith.addi %mul3A_50, %add3A_132 : i32
        %lt3A_134 = vector.broadcast %add3A_133 : i32 to vector<16xi32>
        %lt3A_135 = arith.cmpi slt, %get3A_126, %lt3A_134 : vector<16xi32>
        %and3A_136 = arith.andi %ge3A_131, %lt3A_135 : vector<16xi1>
        %and3A_137 = arith.andi %and3A_136, %gt3A_55 : vector<16xi1>
        %sub3A_138 = vector.broadcast %mul3A_50 : i32 to vector<16xi32>
        %sub3A_139 = arith.subi %get3A_126, %sub3A_138 : vector<16xi32>
        %jit3A_140 = arith.constant 0 : i32
        %jit3A_141 = arith.constant 6255 : i32
        %max3A = vector.broadcast %jit3A_140 : i32 to vector<16xi32>
        %max3A_142 = arith.maxsi %max3A, %sub3A_139 : vector<16xi32>
        %min3A = vector.broadcast %jit3A_141 : i32 to vector<16xi32>
        %min3A_143 = arith.minsi %min3A, %max3A_142 : vector<16xi32>
        %get3A_144 = arith.index_cast %mul3A_125 : i32 to index
        %get3A_145 = tpu.vector_load %arg11[%get3A_144] {strides = array<i32>} : memref<2048xf32, #tpu.memory_space<vmem>>, vector<16xf32>,
        tpu.vector_store_idx %arg7[%min3A_143], %get3A_145 masked %and3A_137 {add = true} : memref<6256xf32, #tpu.memory_space<vmem>>[vector<16xi32>], vector<16xf32>, vector<16xi1>
      }
      %scan3A_122 = arith.constant 128 : i32
    }
    %scan3A_78 = arith.constant 392 : i32
    %mul3A_79 = arith.constant 34 : i32
    %mul3A_80 = arith.muli %arg0, %mul3A_79 : i32
    %add3A_81 = arith.addi %mul3A_80, %mul3A_16 : i32
    %mul3A_82 = arith.constant 50048 : i32
    %mul3A_83 = arith.muli %add3A_81, %mul3A_82 : i32
    %mul3A_84 = arith.constant 34 : i32
    %mul3A_85 = arith.muli %arg0, %mul3A_84 : i32
    %add3A_86 = arith.addi %mul3A_85, %mul3A_16 : i32
    %add3A_87 = arith.constant 1 : i32
    %add3A_88 = arith.addi %add3A_86, %add3A_87 : i32
    %mul3A_89 = arith.constant 50048 : i32
    %mul3A_90 = arith.muli %add3A_88, %mul3A_89 : i32
    %mul3A_91 = arith.constant 34 : i32
    %mul3A_92 = arith.muli %arg0, %mul3A_91 : i32
    %add3A_93 = arith.addi %mul3A_92, %add3A_34 : i32
    %mul3A_94 = arith.constant 50048 : i32
    %mul3A_95 = arith.muli %add3A_93, %mul3A_94 : i32
    "tpu.region"() ({
      %run_scoped3A = tpu.sem_alloc : memref<!tpu.dma_semaphore, #tpu.memory_space<semaphore_mem>>
      %dma_start3A = tpu.memref_slice %arg4[%mul3A_83] : memref<3403264xf32, #tpu.memory_space<hbm>> -> memref<50048xf32, #tpu.memory_space<hbm>>
      %dma_start3A_97 = tpu.memref_slice %arg4[%mul3A_83] : memref<3403264xf32, #tpu.memory_space<hbm>> -> memref<50048xf32, #tpu.memory_space<hbm>>
      tpu.enqueue_dma source(%arg5 : memref<50048xf32, #tpu.memory_space<vmem>>) target(%dma_start3A_97 : memref<50048xf32, #tpu.memory_space<hbm>>) target_semaphore(%run_scoped3A : memref<!tpu.dma_semaphore, #tpu.memory_space<semaphore_mem>>)
      %dma_wait3A = tpu.memref_slice %arg4[%mul3A_83] : memref<3403264xf32, #tpu.memory_space<hbm>> -> memref<50048xf32, #tpu.memory_space<hbm>>
      %dma_wait3A_98 = tpu.memref_slice %arg4[%mul3A_83] : memref<3403264xf32, #tpu.memory_space<hbm>> -> memref<50048xf32, #tpu.memory_space<hbm>>
      tpu.wait_dma2 semaphore(%run_scoped3A : memref<!tpu.dma_semaphore, #tpu.memory_space<semaphore_mem>>) src(%arg5 : memref<50048xf32, #tpu.memory_space<vmem>>) dst(%dma_wait3A_98 : memref<50048xf32, #tpu.memory_space<hbm>>)
      tpu.yield
    }) : () -> ()
    "tpu.region"() ({
      %run_scoped3A = tpu.sem_alloc : memref<!tpu.dma_semaphore, #tpu.memory_space<semaphore_mem>>
      %dma_start3A = tpu.memref_slice %arg4[%mul3A_90] : memref<3403264xf32, #tpu.memory_space<hbm>> -> memref<50048xf32, #tpu.memory_space<hbm>>
      %dma_start3A_97 = tpu.memref_slice %arg4[%mul3A_90] : memref<3403264xf32, #tpu.memory_space<hbm>> -> memref<50048xf32, #tpu.memory_space<hbm>>
      tpu.enqueue_dma source(%arg6 : memref<50048xf32, #tpu.memory_space<vmem>>) target(%dma_start3A_97 : memref<50048xf32, #tpu.memory_space<hbm>>) target_semaphore(%run_scoped3A : memref<!tpu.dma_semaphore, #tpu.memory_space<semaphore_mem>>)
      %dma_wait3A = tpu.memref_slice %arg4[%mul3A_90] : memref<3403264xf32, #tpu.memory_space<hbm>> -> memref<50048xf32, #tpu.memory_space<hbm>>
      %dma_wait3A_98 = tpu.memref_slice %arg4[%mul3A_90] : memref<3403264xf32, #tpu.memory_space<hbm>> -> memref<50048xf32, #tpu.memory_space<hbm>>
      tpu.wait_dma2 semaphore(%run_scoped3A : memref<!tpu.dma_semaphore, #tpu.memory_space<semaphore_mem>>) src(%arg6 : memref<50048xf32, #tpu.memory_space<vmem>>) dst(%dma_wait3A_98 : memref<50048xf32, #tpu.memory_space<hbm>>)
      tpu.yield
    }) : () -> ()
    %add3A_96 = arith.addi %mul3A_95, %mul3A_50 : i32
    "tpu.region"() ({
      %run_scoped3A = tpu.sem_alloc : memref<!tpu.dma_semaphore, #tpu.memory_space<semaphore_mem>>
      %dma_start3A = arith.constant 0 : i32
      %dma_start3A_97 = tpu.memref_slice %arg7[%dma_start3A] : memref<6256xf32, #tpu.memory_space<vmem>> -> memref<6256xf32, #tpu.memory_space<vmem>>
      %dma_start3A_98 = tpu.memref_slice %arg4[%add3A_96] : memref<3403264xf32, #tpu.memory_space<hbm>> -> memref<6256xf32, #tpu.memory_space<hbm>>
      %dma_start3A_99 = tpu.memref_slice %arg4[%add3A_96] : memref<3403264xf32, #tpu.memory_space<hbm>> -> memref<6256xf32, #tpu.memory_space<hbm>>
      %dma_start3A_100 = arith.constant 0 : i32
      %dma_start3A_101 = tpu.memref_slice %arg7[%dma_start3A_100] : memref<6256xf32, #tpu.memory_space<vmem>> -> memref<6256xf32, #tpu.memory_space<vmem>>
      tpu.enqueue_dma source(%dma_start3A_101 : memref<6256xf32, #tpu.memory_space<vmem>>) target(%dma_start3A_99 : memref<6256xf32, #tpu.memory_space<hbm>>) target_semaphore(%run_scoped3A : memref<!tpu.dma_semaphore, #tpu.memory_space<semaphore_mem>>)
      %dma_wait3A = arith.constant 0 : i32
      %dma_wait3A_102 = tpu.memref_slice %arg7[%dma_wait3A] : memref<6256xf32, #tpu.memory_space<vmem>> -> memref<6256xf32, #tpu.memory_space<vmem>>
      %dma_wait3A_103 = tpu.memref_slice %arg4[%add3A_96] : memref<3403264xf32, #tpu.memory_space<hbm>> -> memref<6256xf32, #tpu.memory_space<hbm>>
      %dma_wait3A_104 = tpu.memref_slice %arg4[%add3A_96] : memref<3403264xf32, #tpu.memory_space<hbm>> -> memref<6256xf32, #tpu.memory_space<hbm>>
      %dma_wait3A_105 = arith.constant 0 : i32
      %dma_wait3A_106 = tpu.memref_slice %arg7[%dma_wait3A_105] : memref<6256xf32, #tpu.memory_space<vmem>> -> memref<6256xf32, #tpu.memory_space<vmem>>
      tpu.wait_dma2 semaphore(%run_scoped3A : memref<!tpu.dma_semaphore, #tpu.memory_space<semaphore_mem>>) src(%dma_wait3A_106 : memref<6256xf32, #tpu.memory_space<vmem>>) dst(%dma_wait3A_104 : memref<6256xf32, #tpu.memory_space<hbm>>)
      tpu.yield
    }) : () -> ()
    return
  }
}

#map = affine_map<(d0, d1) -> (0, 0)>
#map1 = affine_map<(d0, d1) -> (0)>
module attributes {stable_mosaic.version = 14 : i64} {
  func.func @k(%arg0: i32, %arg1: i32, %arg2: memref<50000x128xf32, #tpu.memory_space<hbm>>, %arg3: memref<802816xi32, #tpu.memory_space<hbm>>, %arg4: memref<802816x128xf32, #tpu.memory_space<hbm>>, %arg5: memref<2x128xi32, #tpu.memory_space<vmem>>, %arg6: memref<2x128x128xf32, #tpu.memory_space<vmem>>, %arg7: memref<!tpu.dma_semaphore, #tpu.memory_space<semaphore_mem>>, %arg8: memref<!tpu.dma_semaphore, #tpu.memory_space<semaphore_mem>>) attributes {dimension_semantics = [#tpu.dimension_semantics<core_parallel>, #tpu.dimension_semantics<subcore_parallel>], iteration_bounds = array<i64: 2, 16>, scalar_prefetch = 0 : i64, scratch_operands = 4 : i64, tpu.core_type = #tpu.core_type<sc_vector_subcore>, window_params = [{transform_indices = #map}, {transform_indices = #map1}, {transform_indices = #map}]} {
    %mul3A = arith.constant 2 : i32
    %mul3A_0 = arith.muli %arg1, %mul3A : i32
    %add3A = arith.addi %mul3A_0, %arg0 : i32
    %mul3A_1 = arith.constant 25088 : i32
    %mul3A_2 = arith.muli %add3A, %mul3A_1 : i32
    %scan3A = arith.constant 0 : i32
    %scan3A_3 = arith.constant 0 : i32
    %scan3A_4 = arith.constant 98 : i32
    %scan3A_5 = arith.addi %scan3A_3, %scan3A_4 : i32
    %scan3A_6 = arith.constant 1 : i32
    scf.for %scan3A_8 = %scan3A_3 to %scan3A_5 step %scan3A_6  : i32 {
      %mul3A_9 = arith.constant 2 : i32
      %mul3A_10 = arith.muli %mul3A_9, %scan3A_8 : i32
      %mul3A_11 = arith.constant 128 : i32
      %mul3A_12 = arith.muli %mul3A_10, %mul3A_11 : i32
      %add3A_13 = arith.addi %mul3A_2, %mul3A_12 : i32
      %add3A_14 = arith.constant 128 : i32
      %add3A_15 = arith.addi %add3A_13, %add3A_14 : i32
      %run_scoped3A = arith.constant 0 : i32
      "tpu.region"() ({
        %run_scoped3A_115 = tpu.sem_alloc : memref<!tpu.dma_semaphore, #tpu.memory_space<semaphore_mem>>
        %dma_start3A_116 = arith.constant 0 : i32
        %dma_start3A_117 = tpu.memref_slice %arg5[%run_scoped3A, %dma_start3A_116] : memref<2x128xi32, #tpu.memory_space<vmem>> -> memref<1x128xi32, #tpu.memory_space<vmem>>
        %dma_start3A_118 = tpu.memref_squeeze %dma_start3A_117 : memref<1x128xi32, #tpu.memory_space<vmem>> -> memref<128xi32, #tpu.memory_space<vmem>>
        %dma_start3A_119 = tpu.memref_slice %arg3[%add3A_13] : memref<802816xi32, #tpu.memory_space<hbm>> -> memref<128xi32, #tpu.memory_space<hbm>>
        %dma_start3A_120 = arith.constant 0 : i32
        %dma_start3A_121 = tpu.memref_slice %arg5[%run_scoped3A, %dma_start3A_120] : memref<2x128xi32, #tpu.memory_space<vmem>> -> memref<1x128xi32, #tpu.memory_space<vmem>>
        %dma_start3A_122 = tpu.memref_squeeze %dma_start3A_121 : memref<1x128xi32, #tpu.memory_space<vmem>> -> memref<128xi32, #tpu.memory_space<vmem>>
        %dma_start3A_123 = tpu.memref_slice %arg3[%add3A_13] : memref<802816xi32, #tpu.memory_space<hbm>> -> memref<128xi32, #tpu.memory_space<hbm>>
        tpu.enqueue_dma source(%dma_start3A_123 : memref<128xi32, #tpu.memory_space<hbm>>) target(%dma_start3A_122 : memref<128xi32, #tpu.memory_space<vmem>>) target_semaphore(%run_scoped3A_115 : memref<!tpu.dma_semaphore, #tpu.memory_space<semaphore_mem>>)
        %dma_wait3A_124 = arith.constant 0 : i32
        %dma_wait3A_125 = tpu.memref_slice %arg5[%run_scoped3A, %dma_wait3A_124] : memref<2x128xi32, #tpu.memory_space<vmem>> -> memref<1x128xi32, #tpu.memory_space<vmem>>
        %dma_wait3A_126 = tpu.memref_squeeze %dma_wait3A_125 : memref<1x128xi32, #tpu.memory_space<vmem>> -> memref<128xi32, #tpu.memory_space<vmem>>
        %dma_wait3A_127 = tpu.memref_slice %arg3[%add3A_13] : memref<802816xi32, #tpu.memory_space<hbm>> -> memref<128xi32, #tpu.memory_space<hbm>>
        %dma_wait3A_128 = arith.constant 0 : i32
        %dma_wait3A_129 = tpu.memref_slice %arg5[%run_scoped3A, %dma_wait3A_128] : memref<2x128xi32, #tpu.memory_space<vmem>> -> memref<1x128xi32, #tpu.memory_space<vmem>>
        %dma_wait3A_130 = tpu.memref_squeeze %dma_wait3A_129 : memref<1x128xi32, #tpu.memory_space<vmem>> -> memref<128xi32, #tpu.memory_space<vmem>>
        %dma_wait3A_131 = tpu.memref_slice %arg3[%add3A_13] : memref<802816xi32, #tpu.memory_space<hbm>> -> memref<128xi32, #tpu.memory_space<hbm>>
        tpu.wait_dma2 semaphore(%run_scoped3A_115 : memref<!tpu.dma_semaphore, #tpu.memory_space<semaphore_mem>>) src(%dma_wait3A_131 : memref<128xi32, #tpu.memory_space<hbm>>) dst(%dma_wait3A_130 : memref<128xi32, #tpu.memory_space<vmem>>)
        tpu.yield
      }) : () -> ()
      %dma_start3A = arith.constant 0 : i32
      %dma_start3A_16 = arith.constant 0 : i32
      %dma_start3A_17 = arith.constant 0 : i32
      %dma_start3A_18 = arith.constant 0 : i32
      %dma_start3A_19 = tpu.memref_slice %arg6[%dma_start3A_16, %dma_start3A_17, %dma_start3A_18] : memref<2x128x128xf32, #tpu.memory_space<vmem>> -> memref<1x128x128xf32, #tpu.memory_space<vmem>>
      %dma_start3A_20 = tpu.memref_squeeze %dma_start3A_19 : memref<1x128x128xf32, #tpu.memory_space<vmem>> -> memref<128x128xf32, #tpu.memory_space<vmem>>
      %dma_start3A_21 = arith.constant 0 : i32
      %dma_start3A_22 = tpu.memref_slice %arg5[%dma_start3A, %dma_start3A_21] : memref<2x128xi32, #tpu.memory_space<vmem>> -> memref<1x128xi32, #tpu.memory_space<vmem>>
      %dma_start3A_23 = tpu.memref_squeeze %dma_start3A_22 : memref<1x128xi32, #tpu.memory_space<vmem>> -> memref<128xi32, #tpu.memory_space<vmem>>
      %dma_start3A_24 = arith.constant 0 : i32
      %dma_start3A_25 = arith.constant 0 : i32
      %dma_start3A_26 = tpu.memref_slice %arg2[%dma_start3A_24, %dma_start3A_25] : memref<50000x128xf32, #tpu.memory_space<hbm>> -> memref<50000x128xf32, #tpu.memory_space<hbm>>
      tpu.enqueue_indirect_dma source(%dma_start3A_26 : memref<50000x128xf32, #tpu.memory_space<hbm>>) target(%dma_start3A_20 : memref<128x128xf32, #tpu.memory_space<vmem>>) offsets(%dma_start3A_23 : memref<128xi32, #tpu.memory_space<vmem>>) semaphore(%arg7 : memref<!tpu.dma_semaphore, #tpu.memory_space<semaphore_mem>>)
      %run_scoped3A_27 = arith.constant 1 : i32
      "tpu.region"() ({
        %run_scoped3A_115 = tpu.sem_alloc : memref<!tpu.dma_semaphore, #tpu.memory_space<semaphore_mem>>
        %dma_start3A_116 = arith.constant 0 : i32
        %dma_start3A_117 = tpu.memref_slice %arg5[%run_scoped3A_27, %dma_start3A_116] : memref<2x128xi32, #tpu.memory_space<vmem>> -> memref<1x128xi32, #tpu.memory_space<vmem>>
        %dma_start3A_118 = tpu.memref_squeeze %dma_start3A_117 : memref<1x128xi32, #tpu.memory_space<vmem>> -> memref<128xi32, #tpu.memory_space<vmem>>
        %dma_start3A_119 = tpu.memref_slice %arg3[%add3A_15] : memref<802816xi32, #tpu.memory_space<hbm>> -> memref<128xi32, #tpu.memory_space<hbm>>
        %dma_start3A_120 = arith.constant 0 : i32
        %dma_start3A_121 = tpu.memref_slice %arg5[%run_scoped3A_27, %dma_start3A_120] : memref<2x128xi32, #tpu.memory_space<vmem>> -> memref<1x128xi32, #tpu.memory_space<vmem>>
        %dma_start3A_122 = tpu.memref_squeeze %dma_start3A_121 : memref<1x128xi32, #tpu.memory_space<vmem>> -> memref<128xi32, #tpu.memory_space<vmem>>
        %dma_start3A_123 = tpu.memref_slice %arg3[%add3A_15] : memref<802816xi32, #tpu.memory_space<hbm>> -> memref<128xi32, #tpu.memory_space<hbm>>
        tpu.enqueue_dma source(%dma_start3A_123 : memref<128xi32, #tpu.memory_space<hbm>>) target(%dma_start3A_122 : memref<128xi32, #tpu.memory_space<vmem>>) target_semaphore(%run_scoped3A_115 : memref<!tpu.dma_semaphore, #tpu.memory_space<semaphore_mem>>)
        %dma_wait3A_124 = arith.constant 0 : i32
        %dma_wait3A_125 = tpu.memref_slice %arg5[%run_scoped3A_27, %dma_wait3A_124] : memref<2x128xi32, #tpu.memory_space<vmem>> -> memref<1x128xi32, #tpu.memory_space<vmem>>
        %dma_wait3A_126 = tpu.memref_squeeze %dma_wait3A_125 : memref<1x128xi32, #tpu.memory_space<vmem>> -> memref<128xi32, #tpu.memory_space<vmem>>
        %dma_wait3A_127 = tpu.memref_slice %arg3[%add3A_15] : memref<802816xi32, #tpu.memory_space<hbm>> -> memref<128xi32, #tpu.memory_space<hbm>>
        %dma_wait3A_128 = arith.constant 0 : i32
        %dma_wait3A_129 = tpu.memref_slice %arg5[%run_scoped3A_27, %dma_wait3A_128] : memref<2x128xi32, #tpu.memory_space<vmem>> -> memref<1x128xi32, #tpu.memory_space<vmem>>
        %dma_wait3A_130 = tpu.memref_squeeze %dma_wait3A_129 : memref<1x128xi32, #tpu.memory_space<vmem>> -> memref<128xi32, #tpu.memory_space<vmem>>
        %dma_wait3A_131 = tpu.memref_slice %arg3[%add3A_15] : memref<802816xi32, #tpu.memory_space<hbm>> -> memref<128xi32, #tpu.memory_space<hbm>>
        tpu.wait_dma2 semaphore(%run_scoped3A_115 : memref<!tpu.dma_semaphore, #tpu.memory_space<semaphore_mem>>) src(%dma_wait3A_131 : memref<128xi32, #tpu.memory_space<hbm>>) dst(%dma_wait3A_130 : memref<128xi32, #tpu.memory_space<vmem>>)
        tpu.yield
      }) : () -> ()
      %dma_start3A_28 = arith.constant 1 : i32
      %dma_start3A_29 = arith.constant 1 : i32
      %dma_start3A_30 = arith.constant 0 : i32
      %dma_start3A_31 = arith.constant 0 : i32
      %dma_start3A_32 = tpu.memref_slice %arg6[%dma_start3A_29, %dma_start3A_30, %dma_start3A_31] : memref<2x128x128xf32, #tpu.memory_space<vmem>> -> memref<1x128x128xf32, #tpu.memory_space<vmem>>
      %dma_start3A_33 = tpu.memref_squeeze %dma_start3A_32 : memref<1x128x128xf32, #tpu.memory_space<vmem>> -> memref<128x128xf32, #tpu.memory_space<vmem>>
      %dma_start3A_34 = arith.constant 0 : i32
      %dma_start3A_35 = tpu.memref_slice %arg5[%dma_start3A_28, %dma_start3A_34] : memref<2x128xi32, #tpu.memory_space<vmem>> -> memref<1x128xi32, #tpu.memory_space<vmem>>
      %dma_start3A_36 = tpu.memref_squeeze %dma_start3A_35 : memref<1x128xi32, #tpu.memory_space<vmem>> -> memref<128xi32, #tpu.memory_space<vmem>>
      %dma_start3A_37 = arith.constant 0 : i32
      %dma_start3A_38 = arith.constant 0 : i32
      %dma_start3A_39 = tpu.memref_slice %arg2[%dma_start3A_37, %dma_start3A_38] : memref<50000x128xf32, #tpu.memory_space<hbm>> -> memref<50000x128xf32, #tpu.memory_space<hbm>>
      tpu.enqueue_indirect_dma source(%dma_start3A_39 : memref<50000x128xf32, #tpu.memory_space<hbm>>) target(%dma_start3A_33 : memref<128x128xf32, #tpu.memory_space<vmem>>) offsets(%dma_start3A_36 : memref<128xi32, #tpu.memory_space<vmem>>) semaphore(%arg7 : memref<!tpu.dma_semaphore, #tpu.memory_space<semaphore_mem>>)
      %dma_wait3A = arith.constant 0 : i32
      %dma_wait3A_40 = arith.constant 0 : i32
      %dma_wait3A_41 = arith.constant 0 : i32
      %dma_wait3A_42 = arith.constant 0 : i32
      %dma_wait3A_43 = tpu.memref_slice %arg6[%dma_wait3A_40, %dma_wait3A_41, %dma_wait3A_42] : memref<2x128x128xf32, #tpu.memory_space<vmem>> -> memref<1x128x128xf32, #tpu.memory_space<vmem>>
      %dma_wait3A_44 = tpu.memref_squeeze %dma_wait3A_43 : memref<1x128x128xf32, #tpu.memory_space<vmem>> -> memref<128x128xf32, #tpu.memory_space<vmem>>
      %dma_wait3A_45 = arith.constant 0 : i32
      %dma_wait3A_46 = tpu.memref_slice %arg5[%dma_wait3A, %dma_wait3A_45] : memref<2x128xi32, #tpu.memory_space<vmem>> -> memref<1x128xi32, #tpu.memory_space<vmem>>
      %dma_wait3A_47 = tpu.memref_squeeze %dma_wait3A_46 : memref<1x128xi32, #tpu.memory_space<vmem>> -> memref<128xi32, #tpu.memory_space<vmem>>
      %dma_wait3A_48 = arith.constant 0 : i32
      %dma_wait3A_49 = arith.constant 0 : i32
      %dma_wait3A_50 = tpu.memref_slice %arg2[%dma_wait3A_48, %dma_wait3A_49] : memref<50000x128xf32, #tpu.memory_space<hbm>> -> memref<50000x128xf32, #tpu.memory_space<hbm>>
      tpu.wait_indirect_dma semaphore(%arg7 : memref<!tpu.dma_semaphore, #tpu.memory_space<semaphore_mem>>) src(%dma_wait3A_50 : memref<50000x128xf32, #tpu.memory_space<hbm>>) dst(%dma_wait3A_44 : memref<128x128xf32, #tpu.memory_space<vmem>>)
      %dma_start3A_51 = arith.constant 0 : i32
      %dma_start3A_52 = arith.constant 0 : i32
      %dma_start3A_53 = arith.constant 0 : i32
      %dma_start3A_54 = tpu.memref_slice %arg6[%dma_start3A_51, %dma_start3A_52, %dma_start3A_53] : memref<2x128x128xf32, #tpu.memory_space<vmem>> -> memref<1x128x128xf32, #tpu.memory_space<vmem>>
      %dma_start3A_55 = tpu.memref_squeeze %dma_start3A_54 : memref<1x128x128xf32, #tpu.memory_space<vmem>> -> memref<128x128xf32, #tpu.memory_space<vmem>>
      %dma_start3A_56 = arith.constant 0 : i32
      %dma_start3A_57 = tpu.memref_slice %arg4[%add3A_13, %dma_start3A_56] : memref<802816x128xf32, #tpu.memory_space<hbm>> -> memref<128x128xf32, #tpu.memory_space<hbm>>
      %dma_start3A_58 = arith.constant 0 : i32
      %dma_start3A_59 = tpu.memref_slice %arg4[%add3A_13, %dma_start3A_58] : memref<802816x128xf32, #tpu.memory_space<hbm>> -> memref<128x128xf32, #tpu.memory_space<hbm>>
      %dma_start3A_60 = arith.constant 0 : i32
      %dma_start3A_61 = arith.constant 0 : i32
      %dma_start3A_62 = tpu.memref_slice %arg6[%dma_start3A_51, %dma_start3A_60, %dma_start3A_61] : memref<2x128x128xf32, #tpu.memory_space<vmem>> -> memref<1x128x128xf32, #tpu.memory_space<vmem>>
      %dma_start3A_63 = tpu.memref_squeeze %dma_start3A_62 : memref<1x128x128xf32, #tpu.memory_space<vmem>> -> memref<128x128xf32, #tpu.memory_space<vmem>>
      tpu.enqueue_dma source(%dma_start3A_63 : memref<128x128xf32, #tpu.memory_space<vmem>>) target(%dma_start3A_59 : memref<128x128xf32, #tpu.memory_space<hbm>>) target_semaphore(%arg8 : memref<!tpu.dma_semaphore, #tpu.memory_space<semaphore_mem>>)
      %dma_wait3A_64 = arith.constant 1 : i32
      %dma_wait3A_65 = arith.constant 1 : i32
      %dma_wait3A_66 = arith.constant 0 : i32
      %dma_wait3A_67 = arith.constant 0 : i32
      %dma_wait3A_68 = tpu.memref_slice %arg6[%dma_wait3A_65, %dma_wait3A_66, %dma_wait3A_67] : memref<2x128x128xf32, #tpu.memory_space<vmem>> -> memref<1x128x128xf32, #tpu.memory_space<vmem>>
      %dma_wait3A_69 = tpu.memref_squeeze %dma_wait3A_68 : memref<1x128x128xf32, #tpu.memory_space<vmem>> -> memref<128x128xf32, #tpu.memory_space<vmem>>
      %dma_wait3A_70 = arith.constant 0 : i32
      %dma_wait3A_71 = tpu.memref_slice %arg5[%dma_wait3A_64, %dma_wait3A_70] : memref<2x128xi32, #tpu.memory_space<vmem>> -> memref<1x128xi32, #tpu.memory_space<vmem>>
      %dma_wait3A_72 = tpu.memref_squeeze %dma_wait3A_71 : memref<1x128xi32, #tpu.memory_space<vmem>> -> memref<128xi32, #tpu.memory_space<vmem>>
      %dma_wait3A_73 = arith.constant 0 : i32
      %dma_wait3A_74 = arith.constant 0 : i32
      %dma_wait3A_75 = tpu.memref_slice %arg2[%dma_wait3A_73, %dma_wait3A_74] : memref<50000x128xf32, #tpu.memory_space<hbm>> -> memref<50000x128xf32, #tpu.memory_space<hbm>>
      tpu.wait_indirect_dma semaphore(%arg7 : memref<!tpu.dma_semaphore, #tpu.memory_space<semaphore_mem>>) src(%dma_wait3A_75 : memref<50000x128xf32, #tpu.memory_space<hbm>>) dst(%dma_wait3A_69 : memref<128x128xf32, #tpu.memory_space<vmem>>)
      %dma_start3A_76 = arith.constant 1 : i32
      %dma_start3A_77 = arith.constant 0 : i32
      %dma_start3A_78 = arith.constant 0 : i32
      %dma_start3A_79 = tpu.memref_slice %arg6[%dma_start3A_76, %dma_start3A_77, %dma_start3A_78] : memref<2x128x128xf32, #tpu.memory_space<vmem>> -> memref<1x128x128xf32, #tpu.memory_space<vmem>>
      %dma_start3A_80 = tpu.memref_squeeze %dma_start3A_79 : memref<1x128x128xf32, #tpu.memory_space<vmem>> -> memref<128x128xf32, #tpu.memory_space<vmem>>
      %dma_start3A_81 = arith.constant 0 : i32
      %dma_start3A_82 = tpu.memref_slice %arg4[%add3A_15, %dma_start3A_81] : memref<802816x128xf32, #tpu.memory_space<hbm>> -> memref<128x128xf32, #tpu.memory_space<hbm>>
      %dma_start3A_83 = arith.constant 0 : i32
      %dma_start3A_84 = tpu.memref_slice %arg4[%add3A_15, %dma_start3A_83] : memref<802816x128xf32, #tpu.memory_space<hbm>> -> memref<128x128xf32, #tpu.memory_space<hbm>>
      %dma_start3A_85 = arith.constant 0 : i32
      %dma_start3A_86 = arith.constant 0 : i32
      %dma_start3A_87 = tpu.memref_slice %arg6[%dma_start3A_76, %dma_start3A_85, %dma_start3A_86] : memref<2x128x128xf32, #tpu.memory_space<vmem>> -> memref<1x128x128xf32, #tpu.memory_space<vmem>>
      %dma_start3A_88 = tpu.memref_squeeze %dma_start3A_87 : memref<1x128x128xf32, #tpu.memory_space<vmem>> -> memref<128x128xf32, #tpu.memory_space<vmem>>
      tpu.enqueue_dma source(%dma_start3A_88 : memref<128x128xf32, #tpu.memory_space<vmem>>) target(%dma_start3A_84 : memref<128x128xf32, #tpu.memory_space<hbm>>) target_semaphore(%arg8 : memref<!tpu.dma_semaphore, #tpu.memory_space<semaphore_mem>>)
      %dma_wait3A_89 = arith.constant 0 : i32
      %dma_wait3A_90 = arith.constant 0 : i32
      %dma_wait3A_91 = arith.constant 0 : i32
      %dma_wait3A_92 = tpu.memref_slice %arg6[%dma_wait3A_89, %dma_wait3A_90, %dma_wait3A_91] : memref<2x128x128xf32, #tpu.memory_space<vmem>> -> memref<1x128x128xf32, #tpu.memory_space<vmem>>
      %dma_wait3A_93 = tpu.memref_squeeze %dma_wait3A_92 : memref<1x128x128xf32, #tpu.memory_space<vmem>> -> memref<128x128xf32, #tpu.memory_space<vmem>>
      %dma_wait3A_94 = arith.constant 0 : i32
      %dma_wait3A_95 = tpu.memref_slice %arg4[%add3A_13, %dma_wait3A_94] : memref<802816x128xf32, #tpu.memory_space<hbm>> -> memref<128x128xf32, #tpu.memory_space<hbm>>
      %dma_wait3A_96 = arith.constant 0 : i32
      %dma_wait3A_97 = tpu.memref_slice %arg4[%add3A_13, %dma_wait3A_96] : memref<802816x128xf32, #tpu.memory_space<hbm>> -> memref<128x128xf32, #tpu.memory_space<hbm>>
      %dma_wait3A_98 = arith.constant 0 : i32
      %dma_wait3A_99 = arith.constant 0 : i32
      %dma_wait3A_100 = tpu.memref_slice %arg6[%dma_wait3A_89, %dma_wait3A_98, %dma_wait3A_99] : memref<2x128x128xf32, #tpu.memory_space<vmem>> -> memref<1x128x128xf32, #tpu.memory_space<vmem>>
      %dma_wait3A_101 = tpu.memref_squeeze %dma_wait3A_100 : memref<1x128x128xf32, #tpu.memory_space<vmem>> -> memref<128x128xf32, #tpu.memory_space<vmem>>
      tpu.wait_dma2 semaphore(%arg8 : memref<!tpu.dma_semaphore, #tpu.memory_space<semaphore_mem>>) src(%dma_wait3A_101 : memref<128x128xf32, #tpu.memory_space<vmem>>) dst(%dma_wait3A_97 : memref<128x128xf32, #tpu.memory_space<hbm>>)
      %dma_wait3A_102 = arith.constant 1 : i32
      %dma_wait3A_103 = arith.constant 0 : i32
      %dma_wait3A_104 = arith.constant 0 : i32
      %dma_wait3A_105 = tpu.memref_slice %arg6[%dma_wait3A_102, %dma_wait3A_103, %dma_wait3A_104] : memref<2x128x128xf32, #tpu.memory_space<vmem>> -> memref<1x128x128xf32, #tpu.memory_space<vmem>>
      %dma_wait3A_106 = tpu.memref_squeeze %dma_wait3A_105 : memref<1x128x128xf32, #tpu.memory_space<vmem>> -> memref<128x128xf32, #tpu.memory_space<vmem>>
      %dma_wait3A_107 = arith.constant 0 : i32
      %dma_wait3A_108 = tpu.memref_slice %arg4[%add3A_15, %dma_wait3A_107] : memref<802816x128xf32, #tpu.memory_space<hbm>> -> memref<128x128xf32, #tpu.memory_space<hbm>>
      %dma_wait3A_109 = arith.constant 0 : i32
      %dma_wait3A_110 = tpu.memref_slice %arg4[%add3A_15, %dma_wait3A_109] : memref<802816x128xf32, #tpu.memory_space<hbm>> -> memref<128x128xf32, #tpu.memory_space<hbm>>
      %dma_wait3A_111 = arith.constant 0 : i32
      %dma_wait3A_112 = arith.constant 0 : i32
      %dma_wait3A_113 = tpu.memref_slice %arg6[%dma_wait3A_102, %dma_wait3A_111, %dma_wait3A_112] : memref<2x128x128xf32, #tpu.memory_space<vmem>> -> memref<1x128x128xf32, #tpu.memory_space<vmem>>
      %dma_wait3A_114 = tpu.memref_squeeze %dma_wait3A_113 : memref<1x128x128xf32, #tpu.memory_space<vmem>> -> memref<128x128xf32, #tpu.memory_space<vmem>>
      tpu.wait_dma2 semaphore(%arg8 : memref<!tpu.dma_semaphore, #tpu.memory_space<semaphore_mem>>) src(%dma_wait3A_114 : memref<128x128xf32, #tpu.memory_space<vmem>>) dst(%dma_wait3A_110 : memref<128x128xf32, #tpu.memory_space<hbm>>)
    }
    %scan3A_7 = arith.constant 98 : i32
    return
  }
}

#map = affine_map<(d0, d1) -> (0, 0)>
#map1 = affine_map<(d0, d1) -> (0)>
module attributes {stable_mosaic.version = 14 : i64} {
  func.func @k(%arg0: i32, %arg1: i32, %arg2: memref<50000x128xf32, #tpu.memory_space<hbm>>, %arg3: memref<802816xi32, #tpu.memory_space<hbm>>, %arg4: memref<802816x128xf32, #tpu.memory_space<hbm>>, %arg5: memref<2x128xi32, #tpu.memory_space<vmem>>, %arg6: memref<2x128x128xf32, #tpu.memory_space<vmem>>, %arg7: memref<!tpu.dma_semaphore, #tpu.memory_space<semaphore_mem>>, %arg8: memref<!tpu.dma_semaphore, #tpu.memory_space<semaphore_mem>>) attributes {dimension_semantics = [#tpu.dimension_semantics<core_parallel>, #tpu.dimension_semantics<subcore_parallel>], iteration_bounds = array<i64: 2, 16>, scalar_prefetch = 0 : i64, scratch_operands = 4 : i64, tpu.core_type = #tpu.core_type<sc_vector_subcore>, window_params = [{transform_indices = #map}, {transform_indices = #map1}, {transform_indices = #map}]} {
    %mul3A = arith.constant 2 : i32
    %mul3A_0 = arith.muli %arg1, %mul3A : i32
    %add3A = arith.addi %mul3A_0, %arg0 : i32
    %mul3A_1 = arith.constant 25088 : i32
    %mul3A_2 = arith.muli %add3A, %mul3A_1 : i32
    %scan3A = arith.constant 0 : i32
    %scan3A_3 = arith.constant 0 : i32
    %scan3A_4 = arith.constant 98 : i32
    %scan3A_5 = arith.addi %scan3A_3, %scan3A_4 : i32
    %scan3A_6 = arith.constant 1 : i32
    scf.for %scan3A_8 = %scan3A_3 to %scan3A_5 step %scan3A_6  : i32 {
      %mul3A_9 = arith.constant 2 : i32
      %mul3A_10 = arith.muli %mul3A_9, %scan3A_8 : i32
      %mul3A_11 = arith.constant 128 : i32
      %mul3A_12 = arith.muli %mul3A_10, %mul3A_11 : i32
      %add3A_13 = arith.addi %mul3A_2, %mul3A_12 : i32
      %add3A_14 = arith.constant 128 : i32
      %add3A_15 = arith.addi %add3A_13, %add3A_14 : i32
      %run_scoped3A = arith.constant 0 : i32
      "tpu.region"() ({
        %run_scoped3A_115 = tpu.sem_alloc : memref<!tpu.dma_semaphore, #tpu.memory_space<semaphore_mem>>
        %dma_start3A_116 = arith.constant 0 : i32
        %dma_start3A_117 = tpu.memref_slice %arg5[%run_scoped3A, %dma_start3A_116] : memref<2x128xi32, #tpu.memory_space<vmem>> -> memref<1x128xi32, #tpu.memory_space<vmem>>
        %dma_start3A_118 = tpu.memref_squeeze %dma_start3A_117 : memref<1x128xi32, #tpu.memory_space<vmem>> -> memref<128xi32, #tpu.memory_space<vmem>>
        %dma_start3A_119 = tpu.memref_slice %arg3[%add3A_13] : memref<802816xi32, #tpu.memory_space<hbm>> -> memref<128xi32, #tpu.memory_space<hbm>>
        %dma_start3A_120 = arith.constant 0 : i32
        %dma_start3A_121 = tpu.memref_slice %arg5[%run_scoped3A, %dma_start3A_120] : memref<2x128xi32, #tpu.memory_space<vmem>> -> memref<1x128xi32, #tpu.memory_space<vmem>>
        %dma_start3A_122 = tpu.memref_squeeze %dma_start3A_121 : memref<1x128xi32, #tpu.memory_space<vmem>> -> memref<128xi32, #tpu.memory_space<vmem>>
        %dma_start3A_123 = tpu.memref_slice %arg3[%add3A_13] : memref<802816xi32, #tpu.memory_space<hbm>> -> memref<128xi32, #tpu.memory_space<hbm>>
        tpu.enqueue_dma source(%dma_start3A_123 : memref<128xi32, #tpu.memory_space<hbm>>) target(%dma_start3A_122 : memref<128xi32, #tpu.memory_space<vmem>>) target_semaphore(%run_scoped3A_115 : memref<!tpu.dma_semaphore, #tpu.memory_space<semaphore_mem>>)
        %dma_wait3A_124 = arith.constant 0 : i32
        %dma_wait3A_125 = tpu.memref_slice %arg5[%run_scoped3A, %dma_wait3A_124] : memref<2x128xi32, #tpu.memory_space<vmem>> -> memref<1x128xi32, #tpu.memory_space<vmem>>
        %dma_wait3A_126 = tpu.memref_squeeze %dma_wait3A_125 : memref<1x128xi32, #tpu.memory_space<vmem>> -> memref<128xi32, #tpu.memory_space<vmem>>
        %dma_wait3A_127 = tpu.memref_slice %arg3[%add3A_13] : memref<802816xi32, #tpu.memory_space<hbm>> -> memref<128xi32, #tpu.memory_space<hbm>>
        %dma_wait3A_128 = arith.constant 0 : i32
        %dma_wait3A_129 = tpu.memref_slice %arg5[%run_scoped3A, %dma_wait3A_128] : memref<2x128xi32, #tpu.memory_space<vmem>> -> memref<1x128xi32, #tpu.memory_space<vmem>>
        %dma_wait3A_130 = tpu.memref_squeeze %dma_wait3A_129 : memref<1x128xi32, #tpu.memory_space<vmem>> -> memref<128xi32, #tpu.memory_space<vmem>>
        %dma_wait3A_131 = tpu.memref_slice %arg3[%add3A_13] : memref<802816xi32, #tpu.memory_space<hbm>> -> memref<128xi32, #tpu.memory_space<hbm>>
        tpu.wait_dma2 semaphore(%run_scoped3A_115 : memref<!tpu.dma_semaphore, #tpu.memory_space<semaphore_mem>>) src(%dma_wait3A_131 : memref<128xi32, #tpu.memory_space<hbm>>) dst(%dma_wait3A_130 : memref<128xi32, #tpu.memory_space<vmem>>)
        tpu.yield
      }) : () -> ()
      %dma_start3A = arith.constant 0 : i32
      %dma_start3A_16 = arith.constant 0 : i32
      %dma_start3A_17 = arith.constant 0 : i32
      %dma_start3A_18 = arith.constant 0 : i32
      %dma_start3A_19 = tpu.memref_slice %arg6[%dma_start3A_16, %dma_start3A_17, %dma_start3A_18] : memref<2x128x128xf32, #tpu.memory_space<vmem>> -> memref<1x128x128xf32, #tpu.memory_space<vmem>>
      %dma_start3A_20 = tpu.memref_squeeze %dma_start3A_19 : memref<1x128x128xf32, #tpu.memory_space<vmem>> -> memref<128x128xf32, #tpu.memory_space<vmem>>
      %dma_start3A_21 = arith.constant 0 : i32
      %dma_start3A_22 = tpu.memref_slice %arg5[%dma_start3A, %dma_start3A_21] : memref<2x128xi32, #tpu.memory_space<vmem>> -> memref<1x128xi32, #tpu.memory_space<vmem>>
      %dma_start3A_23 = tpu.memref_squeeze %dma_start3A_22 : memref<1x128xi32, #tpu.memory_space<vmem>> -> memref<128xi32, #tpu.memory_space<vmem>>
      %dma_start3A_24 = arith.constant 0 : i32
      %dma_start3A_25 = arith.constant 0 : i32
      %dma_start3A_26 = tpu.memref_slice %arg2[%dma_start3A_24, %dma_start3A_25] : memref<50000x128xf32, #tpu.memory_space<hbm>> -> memref<50000x128xf32, #tpu.memory_space<hbm>>
      tpu.enqueue_indirect_dma source(%dma_start3A_26 : memref<50000x128xf32, #tpu.memory_space<hbm>>) target(%dma_start3A_20 : memref<128x128xf32, #tpu.memory_space<vmem>>) offsets(%dma_start3A_23 : memref<128xi32, #tpu.memory_space<vmem>>) semaphore(%arg7 : memref<!tpu.dma_semaphore, #tpu.memory_space<semaphore_mem>>)
      %run_scoped3A_27 = arith.constant 1 : i32
      "tpu.region"() ({
        %run_scoped3A_115 = tpu.sem_alloc : memref<!tpu.dma_semaphore, #tpu.memory_space<semaphore_mem>>
        %dma_start3A_116 = arith.constant 0 : i32
        %dma_start3A_117 = tpu.memref_slice %arg5[%run_scoped3A_27, %dma_start3A_116] : memref<2x128xi32, #tpu.memory_space<vmem>> -> memref<1x128xi32, #tpu.memory_space<vmem>>
        %dma_start3A_118 = tpu.memref_squeeze %dma_start3A_117 : memref<1x128xi32, #tpu.memory_space<vmem>> -> memref<128xi32, #tpu.memory_space<vmem>>
        %dma_start3A_119 = tpu.memref_slice %arg3[%add3A_15] : memref<802816xi32, #tpu.memory_space<hbm>> -> memref<128xi32, #tpu.memory_space<hbm>>
        %dma_start3A_120 = arith.constant 0 : i32
        %dma_start3A_121 = tpu.memref_slice %arg5[%run_scoped3A_27, %dma_start3A_120] : memref<2x128xi32, #tpu.memory_space<vmem>> -> memref<1x128xi32, #tpu.memory_space<vmem>>
        %dma_start3A_122 = tpu.memref_squeeze %dma_start3A_121 : memref<1x128xi32, #tpu.memory_space<vmem>> -> memref<128xi32, #tpu.memory_space<vmem>>
        %dma_start3A_123 = tpu.memref_slice %arg3[%add3A_15] : memref<802816xi32, #tpu.memory_space<hbm>> -> memref<128xi32, #tpu.memory_space<hbm>>
        tpu.enqueue_dma source(%dma_start3A_123 : memref<128xi32, #tpu.memory_space<hbm>>) target(%dma_start3A_122 : memref<128xi32, #tpu.memory_space<vmem>>) target_semaphore(%run_scoped3A_115 : memref<!tpu.dma_semaphore, #tpu.memory_space<semaphore_mem>>)
        %dma_wait3A_124 = arith.constant 0 : i32
        %dma_wait3A_125 = tpu.memref_slice %arg5[%run_scoped3A_27, %dma_wait3A_124] : memref<2x128xi32, #tpu.memory_space<vmem>> -> memref<1x128xi32, #tpu.memory_space<vmem>>
        %dma_wait3A_126 = tpu.memref_squeeze %dma_wait3A_125 : memref<1x128xi32, #tpu.memory_space<vmem>> -> memref<128xi32, #tpu.memory_space<vmem>>
        %dma_wait3A_127 = tpu.memref_slice %arg3[%add3A_15] : memref<802816xi32, #tpu.memory_space<hbm>> -> memref<128xi32, #tpu.memory_space<hbm>>
        %dma_wait3A_128 = arith.constant 0 : i32
        %dma_wait3A_129 = tpu.memref_slice %arg5[%run_scoped3A_27, %dma_wait3A_128] : memref<2x128xi32, #tpu.memory_space<vmem>> -> memref<1x128xi32, #tpu.memory_space<vmem>>
        %dma_wait3A_130 = tpu.memref_squeeze %dma_wait3A_129 : memref<1x128xi32, #tpu.memory_space<vmem>> -> memref<128xi32, #tpu.memory_space<vmem>>
        %dma_wait3A_131 = tpu.memref_slice %arg3[%add3A_15] : memref<802816xi32, #tpu.memory_space<hbm>> -> memref<128xi32, #tpu.memory_space<hbm>>
        tpu.wait_dma2 semaphore(%run_scoped3A_115 : memref<!tpu.dma_semaphore, #tpu.memory_space<semaphore_mem>>) src(%dma_wait3A_131 : memref<128xi32, #tpu.memory_space<hbm>>) dst(%dma_wait3A_130 : memref<128xi32, #tpu.memory_space<vmem>>)
        tpu.yield
      }) : () -> ()
      %dma_start3A_28 = arith.constant 1 : i32
      %dma_start3A_29 = arith.constant 1 : i32
      %dma_start3A_30 = arith.constant 0 : i32
      %dma_start3A_31 = arith.constant 0 : i32
      %dma_start3A_32 = tpu.memref_slice %arg6[%dma_start3A_29, %dma_start3A_30, %dma_start3A_31] : memref<2x128x128xf32, #tpu.memory_space<vmem>> -> memref<1x128x128xf32, #tpu.memory_space<vmem>>
      %dma_start3A_33 = tpu.memref_squeeze %dma_start3A_32 : memref<1x128x128xf32, #tpu.memory_space<vmem>> -> memref<128x128xf32, #tpu.memory_space<vmem>>
      %dma_start3A_34 = arith.constant 0 : i32
      %dma_start3A_35 = tpu.memref_slice %arg5[%dma_start3A_28, %dma_start3A_34] : memref<2x128xi32, #tpu.memory_space<vmem>> -> memref<1x128xi32, #tpu.memory_space<vmem>>
      %dma_start3A_36 = tpu.memref_squeeze %dma_start3A_35 : memref<1x128xi32, #tpu.memory_space<vmem>> -> memref<128xi32, #tpu.memory_space<vmem>>
      %dma_start3A_37 = arith.constant 0 : i32
      %dma_start3A_38 = arith.constant 0 : i32
      %dma_start3A_39 = tpu.memref_slice %arg2[%dma_start3A_37, %dma_start3A_38] : memref<50000x128xf32, #tpu.memory_space<hbm>> -> memref<50000x128xf32, #tpu.memory_space<hbm>>
      tpu.enqueue_indirect_dma source(%dma_start3A_39 : memref<50000x128xf32, #tpu.memory_space<hbm>>) target(%dma_start3A_33 : memref<128x128xf32, #tpu.memory_space<vmem>>) offsets(%dma_start3A_36 : memref<128xi32, #tpu.memory_space<vmem>>) semaphore(%arg7 : memref<!tpu.dma_semaphore, #tpu.memory_space<semaphore_mem>>)
      %dma_wait3A = arith.constant 0 : i32
      %dma_wait3A_40 = arith.constant 0 : i32
      %dma_wait3A_41 = arith.constant 0 : i32
      %dma_wait3A_42 = arith.constant 0 : i32
      %dma_wait3A_43 = tpu.memref_slice %arg6[%dma_wait3A_40, %dma_wait3A_41, %dma_wait3A_42] : memref<2x128x128xf32, #tpu.memory_space<vmem>> -> memref<1x128x128xf32, #tpu.memory_space<vmem>>
      %dma_wait3A_44 = tpu.memref_squeeze %dma_wait3A_43 : memref<1x128x128xf32, #tpu.memory_space<vmem>> -> memref<128x128xf32, #tpu.memory_space<vmem>>
      %dma_wait3A_45 = arith.constant 0 : i32
      %dma_wait3A_46 = tpu.memref_slice %arg5[%dma_wait3A, %dma_wait3A_45] : memref<2x128xi32, #tpu.memory_space<vmem>> -> memref<1x128xi32, #tpu.memory_space<vmem>>
      %dma_wait3A_47 = tpu.memref_squeeze %dma_wait3A_46 : memref<1x128xi32, #tpu.memory_space<vmem>> -> memref<128xi32, #tpu.memory_space<vmem>>
      %dma_wait3A_48 = arith.constant 0 : i32
      %dma_wait3A_49 = arith.constant 0 : i32
      %dma_wait3A_50 = tpu.memref_slice %arg2[%dma_wait3A_48, %dma_wait3A_49] : memref<50000x128xf32, #tpu.memory_space<hbm>> -> memref<50000x128xf32, #tpu.memory_space<hbm>>
      tpu.wait_indirect_dma semaphore(%arg7 : memref<!tpu.dma_semaphore, #tpu.memory_space<semaphore_mem>>) src(%dma_wait3A_50 : memref<50000x128xf32, #tpu.memory_space<hbm>>) dst(%dma_wait3A_44 : memref<128x128xf32, #tpu.memory_space<vmem>>)
      %dma_start3A_51 = arith.constant 0 : i32
      %dma_start3A_52 = arith.constant 0 : i32
      %dma_start3A_53 = arith.constant 0 : i32
      %dma_start3A_54 = tpu.memref_slice %arg6[%dma_start3A_51, %dma_start3A_52, %dma_start3A_53] : memref<2x128x128xf32, #tpu.memory_space<vmem>> -> memref<1x128x128xf32, #tpu.memory_space<vmem>>
      %dma_start3A_55 = tpu.memref_squeeze %dma_start3A_54 : memref<1x128x128xf32, #tpu.memory_space<vmem>> -> memref<128x128xf32, #tpu.memory_space<vmem>>
      %dma_start3A_56 = arith.constant 0 : i32
      %dma_start3A_57 = tpu.memref_slice %arg4[%add3A_13, %dma_start3A_56] : memref<802816x128xf32, #tpu.memory_space<hbm>> -> memref<128x128xf32, #tpu.memory_space<hbm>>
      %dma_start3A_58 = arith.constant 0 : i32
      %dma_start3A_59 = tpu.memref_slice %arg4[%add3A_13, %dma_start3A_58] : memref<802816x128xf32, #tpu.memory_space<hbm>> -> memref<128x128xf32, #tpu.memory_space<hbm>>
      %dma_start3A_60 = arith.constant 0 : i32
      %dma_start3A_61 = arith.constant 0 : i32
      %dma_start3A_62 = tpu.memref_slice %arg6[%dma_start3A_51, %dma_start3A_60, %dma_start3A_61] : memref<2x128x128xf32, #tpu.memory_space<vmem>> -> memref<1x128x128xf32, #tpu.memory_space<vmem>>
      %dma_start3A_63 = tpu.memref_squeeze %dma_start3A_62 : memref<1x128x128xf32, #tpu.memory_space<vmem>> -> memref<128x128xf32, #tpu.memory_space<vmem>>
      tpu.enqueue_dma source(%dma_start3A_63 : memref<128x128xf32, #tpu.memory_space<vmem>>) target(%dma_start3A_59 : memref<128x128xf32, #tpu.memory_space<hbm>>) target_semaphore(%arg8 : memref<!tpu.dma_semaphore, #tpu.memory_space<semaphore_mem>>)
      %dma_wait3A_64 = arith.constant 1 : i32
      %dma_wait3A_65 = arith.constant 1 : i32
      %dma_wait3A_66 = arith.constant 0 : i32
      %dma_wait3A_67 = arith.constant 0 : i32
      %dma_wait3A_68 = tpu.memref_slice %arg6[%dma_wait3A_65, %dma_wait3A_66, %dma_wait3A_67] : memref<2x128x128xf32, #tpu.memory_space<vmem>> -> memref<1x128x128xf32, #tpu.memory_space<vmem>>
      %dma_wait3A_69 = tpu.memref_squeeze %dma_wait3A_68 : memref<1x128x128xf32, #tpu.memory_space<vmem>> -> memref<128x128xf32, #tpu.memory_space<vmem>>
      %dma_wait3A_70 = arith.constant 0 : i32
      %dma_wait3A_71 = tpu.memref_slice %arg5[%dma_wait3A_64, %dma_wait3A_70] : memref<2x128xi32, #tpu.memory_space<vmem>> -> memref<1x128xi32, #tpu.memory_space<vmem>>
      %dma_wait3A_72 = tpu.memref_squeeze %dma_wait3A_71 : memref<1x128xi32, #tpu.memory_space<vmem>> -> memref<128xi32, #tpu.memory_space<vmem>>
      %dma_wait3A_73 = arith.constant 0 : i32
      %dma_wait3A_74 = arith.constant 0 : i32
      %dma_wait3A_75 = tpu.memref_slice %arg2[%dma_wait3A_73, %dma_wait3A_74] : memref<50000x128xf32, #tpu.memory_space<hbm>> -> memref<50000x128xf32, #tpu.memory_space<hbm>>
      tpu.wait_indirect_dma semaphore(%arg7 : memref<!tpu.dma_semaphore, #tpu.memory_space<semaphore_mem>>) src(%dma_wait3A_75 : memref<50000x128xf32, #tpu.memory_space<hbm>>) dst(%dma_wait3A_69 : memref<128x128xf32, #tpu.memory_space<vmem>>)
      %dma_start3A_76 = arith.constant 1 : i32
      %dma_start3A_77 = arith.constant 0 : i32
      %dma_start3A_78 = arith.constant 0 : i32
      %dma_start3A_79 = tpu.memref_slice %arg6[%dma_start3A_76, %dma_start3A_77, %dma_start3A_78] : memref<2x128x128xf32, #tpu.memory_space<vmem>> -> memref<1x128x128xf32, #tpu.memory_space<vmem>>
      %dma_start3A_80 = tpu.memref_squeeze %dma_start3A_79 : memref<1x128x128xf32, #tpu.memory_space<vmem>> -> memref<128x128xf32, #tpu.memory_space<vmem>>
      %dma_start3A_81 = arith.constant 0 : i32
      %dma_start3A_82 = tpu.memref_slice %arg4[%add3A_15, %dma_start3A_81] : memref<802816x128xf32, #tpu.memory_space<hbm>> -> memref<128x128xf32, #tpu.memory_space<hbm>>
      %dma_start3A_83 = arith.constant 0 : i32
      %dma_start3A_84 = tpu.memref_slice %arg4[%add3A_15, %dma_start3A_83] : memref<802816x128xf32, #tpu.memory_space<hbm>> -> memref<128x128xf32, #tpu.memory_space<hbm>>
      %dma_start3A_85 = arith.constant 0 : i32
      %dma_start3A_86 = arith.constant 0 : i32
      %dma_start3A_87 = tpu.memref_slice %arg6[%dma_start3A_76, %dma_start3A_85, %dma_start3A_86] : memref<2x128x128xf32, #tpu.memory_space<vmem>> -> memref<1x128x128xf32, #tpu.memory_space<vmem>>
      %dma_start3A_88 = tpu.memref_squeeze %dma_start3A_87 : memref<1x128x128xf32, #tpu.memory_space<vmem>> -> memref<128x128xf32, #tpu.memory_space<vmem>>
      tpu.enqueue_dma source(%dma_start3A_88 : memref<128x128xf32, #tpu.memory_space<vmem>>) target(%dma_start3A_84 : memref<128x128xf32, #tpu.memory_space<hbm>>) target_semaphore(%arg8 : memref<!tpu.dma_semaphore, #tpu.memory_space<semaphore_mem>>)
      %dma_wait3A_89 = arith.constant 0 : i32
      %dma_wait3A_90 = arith.constant 0 : i32
      %dma_wait3A_91 = arith.constant 0 : i32
      %dma_wait3A_92 = tpu.memref_slice %arg6[%dma_wait3A_89, %dma_wait3A_90, %dma_wait3A_91] : memref<2x128x128xf32, #tpu.memory_space<vmem>> -> memref<1x128x128xf32, #tpu.memory_space<vmem>>
      %dma_wait3A_93 = tpu.memref_squeeze %dma_wait3A_92 : memref<1x128x128xf32, #tpu.memory_space<vmem>> -> memref<128x128xf32, #tpu.memory_space<vmem>>
      %dma_wait3A_94 = arith.constant 0 : i32
      %dma_wait3A_95 = tpu.memref_slice %arg4[%add3A_13, %dma_wait3A_94] : memref<802816x128xf32, #tpu.memory_space<hbm>> -> memref<128x128xf32, #tpu.memory_space<hbm>>
      %dma_wait3A_96 = arith.constant 0 : i32
      %dma_wait3A_97 = tpu.memref_slice %arg4[%add3A_13, %dma_wait3A_96] : memref<802816x128xf32, #tpu.memory_space<hbm>> -> memref<128x128xf32, #tpu.memory_space<hbm>>
      %dma_wait3A_98 = arith.constant 0 : i32
      %dma_wait3A_99 = arith.constant 0 : i32
      %dma_wait3A_100 = tpu.memref_slice %arg6[%dma_wait3A_89, %dma_wait3A_98, %dma_wait3A_99] : memref<2x128x128xf32, #tpu.memory_space<vmem>> -> memref<1x128x128xf32, #tpu.memory_space<vmem>>
      %dma_wait3A_101 = tpu.memref_squeeze %dma_wait3A_100 : memref<1x128x128xf32, #tpu.memory_space<vmem>> -> memref<128x128xf32, #tpu.memory_space<vmem>>
      tpu.wait_dma2 semaphore(%arg8 : memref<!tpu.dma_semaphore, #tpu.memory_space<semaphore_mem>>) src(%dma_wait3A_101 : memref<128x128xf32, #tpu.memory_space<vmem>>) dst(%dma_wait3A_97 : memref<128x128xf32, #tpu.memory_space<hbm>>)
      %dma_wait3A_102 = arith.constant 1 : i32
      %dma_wait3A_103 = arith.constant 0 : i32
      %dma_wait3A_104 = arith.constant 0 : i32
      %dma_wait3A_105 = tpu.memref_slice %arg6[%dma_wait3A_102, %dma_wait3A_103, %dma_wait3A_104] : memref<2x128x128xf32, #tpu.memory_space<vmem>> -> memref<1x128x128xf32, #tpu.memory_space<vmem>>
      %dma_wait3A_106 = tpu.memref_squeeze %dma_wait3A_105 : memref<1x128x128xf32, #tpu.memory_space<vmem>> -> memref<128x128xf32, #tpu.memory_space<vmem>>
      %dma_wait3A_107 = arith.constant 0 : i32
      %dma_wait3A_108 = tpu.memref_slice %arg4[%add3A_15, %dma_wait3A_107] : memref<802816x128xf32, #tpu.memory_space<hbm>> -> memref<128x128xf32, #tpu.memory_space<hbm>>
      %dma_wait3A_109 = arith.constant 0 : i32
      %dma_wait3A_110 = tpu.memref_slice %arg4[%add3A_15, %dma_wait3A_109] : memref<802816x128xf32, #tpu.memory_space<hbm>> -> memref<128x128xf32, #tpu.memory_space<hbm>>
      %dma_wait3A_111 = arith.constant 0 : i32
      %dma_wait3A_112 = arith.constant 0 : i32
      %dma_wait3A_113 = tpu.memref_slice %arg6[%dma_wait3A_102, %dma_wait3A_111, %dma_wait3A_112] : memref<2x128x128xf32, #tpu.memory_space<vmem>> -> memref<1x128x128xf32, #tpu.memory_space<vmem>>
      %dma_wait3A_114 = tpu.memref_squeeze %dma_wait3A_113 : memref<1x128x128xf32, #tpu.memory_space<vmem>> -> memref<128x128xf32, #tpu.memory_space<vmem>>
      tpu.wait_dma2 semaphore(%arg8 : memref<!tpu.dma_semaphore, #tpu.memory_space<semaphore_mem>>) src(%dma_wait3A_114 : memref<128x128xf32, #tpu.memory_space<vmem>>) dst(%dma_wait3A_110 : memref<128x128xf32, #tpu.memory_space<hbm>>)
    }
    %scan3A_7 = arith.constant 98 : i32
    return
  }
}

#map = affine_map<(d0, d1) -> (0)>
module attributes {stable_mosaic.version = 14 : i64} {
  func.func @k(%arg0: i32, %arg1: i32, %arg2: memref<27295744xf32, #tpu.memory_space<hbm>>, %arg3: memref<802816xi32, #tpu.memory_space<hbm>>, %arg4: memref<1701632xf32, #tpu.memory_space<hbm>>, %arg5: memref<50048xf32, #tpu.memory_space<vmem>>, %arg6: memref<50048xf32, #tpu.memory_space<vmem>>, %arg7: memref<6256xf32, #tpu.memory_space<vmem>>, %arg8: memref<2048xi32, #tpu.memory_space<vmem>>, %arg9: memref<2048xf32, #tpu.memory_space<vmem>>, %arg10: memref<2048xf32, #tpu.memory_space<vmem>>, %arg11: memref<2048xf32, #tpu.memory_space<vmem>>, %arg12: memref<!tpu.dma_semaphore, #tpu.memory_space<semaphore_mem>>) attributes {dimension_semantics = [#tpu.dimension_semantics<core_parallel>, #tpu.dimension_semantics<subcore_parallel>], iteration_bounds = array<i64: 2, 16>, scalar_prefetch = 0 : i64, scratch_operands = 8 : i64, tpu.core_type = #tpu.core_type<sc_vector_subcore>, window_params = [{transform_indices = #map}, {transform_indices = #map}, {transform_indices = #map}]} {
    %mul3A = arith.constant 16 : i32
    %mul3A_0 = arith.muli %arg0, %mul3A : i32
    %add3A = arith.addi %mul3A_0, %arg1 : i32
    %broadcast_in_dim3A = arith.constant 0.000000e+00 : f32
    %broadcast_in_dim3A_1 = vector.broadcast %broadcast_in_dim3A : f32 to vector<16xf32>
    %broadcast_in_dim3A_2 = arith.constant 0 : i32
    %broadcast_in_dim3A_3 = vector.broadcast %broadcast_in_dim3A_2 : i32 to vector<16xi32>
    %scan3A = arith.constant 0 : i32
    %scan3A_4 = arith.constant 0 : i32
    %scan3A_5 = arith.constant 3128 : i32
    %scan3A_6 = arith.addi %scan3A_4, %scan3A_5 : i32
    %scan3A_7 = arith.constant 1 : i32
    scf.for %scan3A_77 = %scan3A_4 to %scan3A_6 step %scan3A_7  : i32 {
      %mul3A_78 = arith.constant 16 : i32
      %mul3A_79 = arith.muli %scan3A_77, %mul3A_78 : i32
      %swap3A = arith.index_cast %mul3A_79 : i32 to index
      %swap3A_80 = tpu.vector_load %arg5[%swap3A] {strides = array<i32>} : memref<50048xf32, #tpu.memory_space<vmem>>, vector<16xf32>,
      tpu.vector_store %arg5[%swap3A], %broadcast_in_dim3A_1 {strides = array<i32>} : memref<50048xf32, #tpu.memory_space<vmem>>, vector<16xf32>,
      %mul3A_81 = arith.constant 16 : i32
      %mul3A_82 = arith.muli %scan3A_77, %mul3A_81 : i32
      %swap3A_83 = arith.index_cast %mul3A_82 : i32 to index
      %swap3A_84 = tpu.vector_load %arg6[%swap3A_83] {strides = array<i32>} : memref<50048xf32, #tpu.memory_space<vmem>>, vector<16xf32>,
      tpu.vector_store %arg6[%swap3A_83], %broadcast_in_dim3A_1 {strides = array<i32>} : memref<50048xf32, #tpu.memory_space<vmem>>, vector<16xf32>,
    }
    %scan3A_8 = arith.constant 3128 : i32
    %scan3A_9 = arith.constant 0 : i32
    %scan3A_10 = arith.constant 0 : i32
    %scan3A_11 = arith.constant 391 : i32
    %scan3A_12 = arith.addi %scan3A_10, %scan3A_11 : i32
    %scan3A_13 = arith.constant 1 : i32
    scf.for %scan3A_77 = %scan3A_10 to %scan3A_12 step %scan3A_13  : i32 {
      %mul3A_78 = arith.constant 16 : i32
      %mul3A_79 = arith.muli %scan3A_77, %mul3A_78 : i32
      %swap3A = arith.index_cast %mul3A_79 : i32 to index
      %swap3A_80 = tpu.vector_load %arg7[%swap3A] {strides = array<i32>} : memref<6256xf32, #tpu.memory_space<vmem>>, vector<16xf32>,
      tpu.vector_store %arg7[%swap3A], %broadcast_in_dim3A_1 {strides = array<i32>} : memref<6256xf32, #tpu.memory_space<vmem>>, vector<16xf32>,
    }
    %scan3A_14 = arith.constant 391 : i32
    %mul3A_15 = arith.constant 0 : i32
    %mul3A_16 = arith.muli %arg0, %mul3A_15 : i32
    %mul3A_17 = arith.constant 2 : i32
    %mul3A_18 = arith.muli %mul3A_17, %arg1 : i32
    %mul3A_19 = arith.constant 3128 : i32
    %mul3A_20 = arith.muli %arg1, %mul3A_19 : i32
    %add3A_21 = vector.broadcast %add3A : i32 to vector<16xi32>
    %add3A_22 = arith.addi %broadcast_in_dim3A_3, %add3A_21 : vector<16xi32>
    %lt3A = arith.constant 16 : i32
    %lt3A_23 = vector.broadcast %lt3A : i32 to vector<16xi32>
    %lt3A_24 = arith.cmpi slt, %add3A_22, %lt3A_23 : vector<16xi32>
    %mul3A_25 = arith.constant 0 : i32
    %mul3A_26 = arith.muli %arg0, %mul3A_25 : i32
    %not3A = arith.constant dense<true> : vector<16xi1>
    %not3A_27 = arith.xori %lt3A_24, %not3A : vector<16xi1>
    %mul3A_28 = arith.constant 34 : i32
    %mul3A_29 = arith.muli %mul3A_16, %mul3A_28 : i32
    %add3A_30 = arith.addi %mul3A_29, %mul3A_18 : i32
    %mul3A_31 = arith.constant 802816 : i32
    %mul3A_32 = arith.muli %add3A_30, %mul3A_31 : i32
    %mul3A_33 = arith.constant 34 : i32
    %mul3A_34 = arith.muli %mul3A_16, %mul3A_33 : i32
    %add3A_35 = arith.addi %mul3A_34, %mul3A_18 : i32
    %add3A_36 = arith.constant 1 : i32
    %add3A_37 = arith.addi %add3A_35, %add3A_36 : i32
    %mul3A_38 = arith.constant 802816 : i32
    %mul3A_39 = arith.muli %add3A_37, %mul3A_38 : i32
    %mul3A_40 = arith.constant 34 : i32
    %mul3A_41 = arith.muli %mul3A_16, %mul3A_40 : i32
    %add3A_42 = arith.constant 32 : i32
    %add3A_43 = arith.addi %mul3A_41, %add3A_42 : i32
    %mul3A_44 = arith.constant 802816 : i32
    %mul3A_45 = arith.muli %add3A_43, %mul3A_44 : i32
    %scan3A_46 = arith.constant 0 : i32
    %scan3A_47 = arith.constant 0 : i32
    %scan3A_48 = arith.constant 392 : i32
    %scan3A_49 = arith.addi %scan3A_47, %scan3A_48 : i32
    %scan3A_50 = arith.constant 1 : i32
    scf.for %scan3A_77 = %scan3A_47 to %scan3A_49 step %scan3A_50  : i32 {
      %mul3A_78 = arith.constant 2048 : i32
      %mul3A_79 = arith.muli %scan3A_77, %mul3A_78 : i32
      %dma_start3A = tpu.memref_slice %arg3[%mul3A_79] : memref<802816xi32, #tpu.memory_space<hbm>> -> memref<2048xi32, #tpu.memory_space<hbm>>
      %dma_start3A_80 = tpu.memref_slice %arg3[%mul3A_79] : memref<802816xi32, #tpu.memory_space<hbm>> -> memref<2048xi32, #tpu.memory_space<hbm>>
      tpu.enqueue_dma source(%dma_start3A_80 : memref<2048xi32, #tpu.memory_space<hbm>>) target(%arg8 : memref<2048xi32, #tpu.memory_space<vmem>>) target_semaphore(%arg12 : memref<!tpu.dma_semaphore, #tpu.memory_space<semaphore_mem>>)
      %add3A_81 = arith.addi %mul3A_32, %mul3A_79 : i32
      %dma_start3A_82 = tpu.memref_slice %arg2[%add3A_81] : memref<27295744xf32, #tpu.memory_space<hbm>> -> memref<2048xf32, #tpu.memory_space<hbm>>
      %dma_start3A_83 = tpu.memref_slice %arg2[%add3A_81] : memref<27295744xf32, #tpu.memory_space<hbm>> -> memref<2048xf32, #tpu.memory_space<hbm>>
      tpu.enqueue_dma source(%dma_start3A_83 : memref<2048xf32, #tpu.memory_space<hbm>>) target(%arg9 : memref<2048xf32, #tpu.memory_space<vmem>>) target_semaphore(%arg12 : memref<!tpu.dma_semaphore, #tpu.memory_space<semaphore_mem>>)
      %add3A_84 = arith.addi %mul3A_39, %mul3A_79 : i32
      %dma_start3A_85 = tpu.memref_slice %arg2[%add3A_84] : memref<27295744xf32, #tpu.memory_space<hbm>> -> memref<2048xf32, #tpu.memory_space<hbm>>
      %dma_start3A_86 = tpu.memref_slice %arg2[%add3A_84] : memref<27295744xf32, #tpu.memory_space<hbm>> -> memref<2048xf32, #tpu.memory_space<hbm>>
      tpu.enqueue_dma source(%dma_start3A_86 : memref<2048xf32, #tpu.memory_space<hbm>>) target(%arg10 : memref<2048xf32, #tpu.memory_space<vmem>>) target_semaphore(%arg12 : memref<!tpu.dma_semaphore, #tpu.memory_space<semaphore_mem>>)
      %add3A_87 = arith.addi %mul3A_45, %mul3A_79 : i32
      %dma_start3A_88 = tpu.memref_slice %arg2[%add3A_87] : memref<27295744xf32, #tpu.memory_space<hbm>> -> memref<2048xf32, #tpu.memory_space<hbm>>
      %dma_start3A_89 = tpu.memref_slice %arg2[%add3A_87] : memref<27295744xf32, #tpu.memory_space<hbm>> -> memref<2048xf32, #tpu.memory_space<hbm>>
      tpu.enqueue_dma source(%dma_start3A_89 : memref<2048xf32, #tpu.memory_space<hbm>>) target(%arg11 : memref<2048xf32, #tpu.memory_space<vmem>>) target_semaphore(%arg12 : memref<!tpu.dma_semaphore, #tpu.memory_space<semaphore_mem>>)
      %dma_wait3A = tpu.memref_slice %arg3[%mul3A_79] : memref<802816xi32, #tpu.memory_space<hbm>> -> memref<2048xi32, #tpu.memory_space<hbm>>
      %dma_wait3A_90 = tpu.memref_slice %arg3[%mul3A_79] : memref<802816xi32, #tpu.memory_space<hbm>> -> memref<2048xi32, #tpu.memory_space<hbm>>
      tpu.wait_dma2 semaphore(%arg12 : memref<!tpu.dma_semaphore, #tpu.memory_space<semaphore_mem>>) src(%dma_wait3A_90 : memref<2048xi32, #tpu.memory_space<hbm>>) dst(%arg8 : memref<2048xi32, #tpu.memory_space<vmem>>)
      %dma_wait3A_91 = tpu.memref_slice %arg2[%add3A_81] : memref<27295744xf32, #tpu.memory_space<hbm>> -> memref<2048xf32, #tpu.memory_space<hbm>>
      %dma_wait3A_92 = tpu.memref_slice %arg2[%add3A_81] : memref<27295744xf32, #tpu.memory_space<hbm>> -> memref<2048xf32, #tpu.memory_space<hbm>>
      tpu.wait_dma2 semaphore(%arg12 : memref<!tpu.dma_semaphore, #tpu.memory_space<semaphore_mem>>) src(%dma_wait3A_92 : memref<2048xf32, #tpu.memory_space<hbm>>) dst(%arg9 : memref<2048xf32, #tpu.memory_space<vmem>>)
      %dma_wait3A_93 = tpu.memref_slice %arg2[%add3A_84] : memref<27295744xf32, #tpu.memory_space<hbm>> -> memref<2048xf32, #tpu.memory_space<hbm>>
      %dma_wait3A_94 = tpu.memref_slice %arg2[%add3A_84] : memref<27295744xf32, #tpu.memory_space<hbm>> -> memref<2048xf32, #tpu.memory_space<hbm>>
      tpu.wait_dma2 semaphore(%arg12 : memref<!tpu.dma_semaphore, #tpu.memory_space<semaphore_mem>>) src(%dma_wait3A_94 : memref<2048xf32, #tpu.memory_space<hbm>>) dst(%arg10 : memref<2048xf32, #tpu.memory_space<vmem>>)
      %dma_wait3A_95 = tpu.memref_slice %arg2[%add3A_87] : memref<27295744xf32, #tpu.memory_space<hbm>> -> memref<2048xf32, #tpu.memory_space<hbm>>
      %dma_wait3A_96 = tpu.memref_slice %arg2[%add3A_87] : memref<27295744xf32, #tpu.memory_space<hbm>> -> memref<2048xf32, #tpu.memory_space<hbm>>
      tpu.wait_dma2 semaphore(%arg12 : memref<!tpu.dma_semaphore, #tpu.memory_space<semaphore_mem>>) src(%dma_wait3A_96 : memref<2048xf32, #tpu.memory_space<hbm>>) dst(%arg11 : memref<2048xf32, #tpu.memory_space<vmem>>)
      %scan3A_97 = arith.constant 0 : i32
      %scan3A_98 = arith.constant 0 : i32
      %scan3A_99 = arith.constant 128 : i32
      %scan3A_100 = arith.addi %scan3A_98, %scan3A_99 : i32
      %scan3A_101 = arith.constant 1 : i32
      scf.for %scan3A_103 = %scan3A_98 to %scan3A_100 step %scan3A_101  : i32 {
        %mul3A_104 = arith.constant 16 : i32
        %mul3A_105 = arith.muli %scan3A_103, %mul3A_104 : i32
        %get3A = arith.index_cast %mul3A_105 : i32 to index
        %get3A_106 = tpu.vector_load %arg8[%get3A] {strides = array<i32>} : memref<2048xi32, #tpu.memory_space<vmem>>, vector<16xi32>,
        %get3A_107 = arith.index_cast %mul3A_105 : i32 to index
        %get3A_108 = tpu.vector_load %arg9[%get3A_107] {strides = array<i32>} : memref<2048xf32, #tpu.memory_space<vmem>>, vector<16xf32>,
        tpu.vector_store_idx %arg5[%get3A_106], %get3A_108 masked %lt3A_24 {add = true} : memref<50048xf32, #tpu.memory_space<vmem>>[vector<16xi32>], vector<16xf32>, vector<16xi1>
        %get3A_109 = arith.index_cast %mul3A_105 : i32 to index
        %get3A_110 = tpu.vector_load %arg10[%get3A_109] {strides = array<i32>} : memref<2048xf32, #tpu.memory_space<vmem>>, vector<16xf32>,
        tpu.vector_store_idx %arg6[%get3A_106], %get3A_110 masked %lt3A_24 {add = true} : memref<50048xf32, #tpu.memory_space<vmem>>[vector<16xi32>], vector<16xf32>, vector<16xi1>
        %ge3A_111 = vector.broadcast %mul3A_20 : i32 to vector<16xi32>
        %ge3A_112 = arith.cmpi sge, %get3A_106, %ge3A_111 : vector<16xi32>
        %add3A_113 = arith.constant 3128 : i32
        %add3A_114 = arith.addi %mul3A_20, %add3A_113 : i32
        %lt3A_115 = vector.broadcast %add3A_114 : i32 to vector<16xi32>
        %lt3A_116 = arith.cmpi slt, %get3A_106, %lt3A_115 : vector<16xi32>
        %and3A = arith.andi %ge3A_112, %lt3A_116 : vector<16xi1>
        %and3A_117 = arith.andi %and3A, %not3A_27 : vector<16xi1>
        %sub3A = vector.broadcast %mul3A_20 : i32 to vector<16xi32>
        %sub3A_118 = arith.subi %get3A_106, %sub3A : vector<16xi32>
        %jit3A = arith.constant 0 : i32
        %jit3A_119 = arith.constant 3127 : i32
        %max3A = vector.broadcast %jit3A : i32 to vector<16xi32>
        %max3A_120 = arith.maxsi %max3A, %sub3A_118 : vector<16xi32>
        %min3A = vector.broadcast %jit3A_119 : i32 to vector<16xi32>
        %min3A_121 = arith.minsi %min3A, %max3A_120 : vector<16xi32>
        %get3A_122 = arith.index_cast %mul3A_105 : i32 to index
        %get3A_123 = tpu.vector_load %arg11[%get3A_122] {strides = array<i32>} : memref<2048xf32, #tpu.memory_space<vmem>>, vector<16xf32>,
        tpu.vector_store_idx %arg7[%min3A_121], %get3A_123 masked %and3A_117 {add = true} : memref<6256xf32, #tpu.memory_space<vmem>>[vector<16xi32>], vector<16xf32>, vector<16xi1>
      }
      %scan3A_102 = arith.constant 128 : i32
    }
    %scan3A_51 = arith.constant 392 : i32
    %mul3A_52 = arith.constant 34 : i32
    %mul3A_53 = arith.muli %mul3A_26, %mul3A_52 : i32
    %add3A_54 = arith.addi %mul3A_53, %mul3A_18 : i32
    %mul3A_55 = arith.constant 50048 : i32
    %mul3A_56 = arith.muli %add3A_54, %mul3A_55 : i32
    %mul3A_57 = arith.constant 34 : i32
    %mul3A_58 = arith.muli %mul3A_26, %mul3A_57 : i32
    %add3A_59 = arith.addi %mul3A_58, %mul3A_18 : i32
    %add3A_60 = arith.constant 1 : i32
    %add3A_61 = arith.addi %add3A_59, %add3A_60 : i32
    %mul3A_62 = arith.constant 50048 : i32
    %mul3A_63 = arith.muli %add3A_61, %mul3A_62 : i32
    %mul3A_64 = arith.constant 34 : i32
    %mul3A_65 = arith.muli %mul3A_26, %mul3A_64 : i32
    %add3A_66 = arith.constant 32 : i32
    %add3A_67 = arith.addi %mul3A_65, %add3A_66 : i32
    %mul3A_68 = arith.constant 50048 : i32
    %mul3A_69 = arith.muli %add3A_67, %mul3A_68 : i32
    %lt3A_70 = arith.constant 16 : i32
    %lt3A_71 = arith.cmpi slt, %add3A, %lt3A_70 : i32
    %convert_element_type3A = arith.extui %lt3A_71 : i1 to i32
    %cond3A = arith.constant 0 : i32
    %cond3A_72 = arith.cmpi ne, %convert_element_type3A, %cond3A : i32
    scf.if %cond3A_72 {
      "tpu.region"() ({
        %run_scoped3A = tpu.sem_alloc : memref<!tpu.dma_semaphore, #tpu.memory_space<semaphore_mem>>
        %dma_start3A = tpu.memref_slice %arg4[%mul3A_56] : memref<1701632xf32, #tpu.memory_space<hbm>> -> memref<50048xf32, #tpu.memory_space<hbm>>
        %dma_start3A_77 = tpu.memref_slice %arg4[%mul3A_56] : memref<1701632xf32, #tpu.memory_space<hbm>> -> memref<50048xf32, #tpu.memory_space<hbm>>
        tpu.enqueue_dma source(%arg5 : memref<50048xf32, #tpu.memory_space<vmem>>) target(%dma_start3A_77 : memref<50048xf32, #tpu.memory_space<hbm>>) target_semaphore(%run_scoped3A : memref<!tpu.dma_semaphore, #tpu.memory_space<semaphore_mem>>)
        %dma_wait3A = tpu.memref_slice %arg4[%mul3A_56] : memref<1701632xf32, #tpu.memory_space<hbm>> -> memref<50048xf32, #tpu.memory_space<hbm>>
        %dma_wait3A_78 = tpu.memref_slice %arg4[%mul3A_56] : memref<1701632xf32, #tpu.memory_space<hbm>> -> memref<50048xf32, #tpu.memory_space<hbm>>
        tpu.wait_dma2 semaphore(%run_scoped3A : memref<!tpu.dma_semaphore, #tpu.memory_space<semaphore_mem>>) src(%arg5 : memref<50048xf32, #tpu.memory_space<vmem>>) dst(%dma_wait3A_78 : memref<50048xf32, #tpu.memory_space<hbm>>)
        tpu.yield
      }) : () -> ()
      "tpu.region"() ({
        %run_scoped3A = tpu.sem_alloc : memref<!tpu.dma_semaphore, #tpu.memory_space<semaphore_mem>>
        %dma_start3A = tpu.memref_slice %arg4[%mul3A_63] : memref<1701632xf32, #tpu.memory_space<hbm>> -> memref<50048xf32, #tpu.memory_space<hbm>>
        %dma_start3A_77 = tpu.memref_slice %arg4[%mul3A_63] : memref<1701632xf32, #tpu.memory_space<hbm>> -> memref<50048xf32, #tpu.memory_space<hbm>>
        tpu.enqueue_dma source(%arg6 : memref<50048xf32, #tpu.memory_space<vmem>>) target(%dma_start3A_77 : memref<50048xf32, #tpu.memory_space<hbm>>) target_semaphore(%run_scoped3A : memref<!tpu.dma_semaphore, #tpu.memory_space<semaphore_mem>>)
        %dma_wait3A = tpu.memref_slice %arg4[%mul3A_63] : memref<1701632xf32, #tpu.memory_space<hbm>> -> memref<50048xf32, #tpu.memory_space<hbm>>
        %dma_wait3A_78 = tpu.memref_slice %arg4[%mul3A_63] : memref<1701632xf32, #tpu.memory_space<hbm>> -> memref<50048xf32, #tpu.memory_space<hbm>>
        tpu.wait_dma2 semaphore(%run_scoped3A : memref<!tpu.dma_semaphore, #tpu.memory_space<semaphore_mem>>) src(%arg6 : memref<50048xf32, #tpu.memory_space<vmem>>) dst(%dma_wait3A_78 : memref<50048xf32, #tpu.memory_space<hbm>>)
        tpu.yield
      }) : () -> ()
    } else {
    }
    %ge3A = arith.constant 16 : i32
    %ge3A_73 = arith.cmpi sge, %add3A, %ge3A : i32
    %convert_element_type3A_74 = arith.extui %ge3A_73 : i1 to i32
    %cond3A_75 = arith.constant 0 : i32
    %cond3A_76 = arith.cmpi ne, %convert_element_type3A_74, %cond3A_75 : i32
    scf.if %cond3A_76 {
      %add3A_77 = arith.addi %mul3A_69, %mul3A_20 : i32
      "tpu.region"() ({
        %run_scoped3A = tpu.sem_alloc : memref<!tpu.dma_semaphore, #tpu.memory_space<semaphore_mem>>
        %dma_start3A = arith.constant 0 : i32
        %dma_start3A_78 = tpu.memref_slice %arg7[%dma_start3A] : memref<6256xf32, #tpu.memory_space<vmem>> -> memref<3128xf32, #tpu.memory_space<vmem>>
        %dma_start3A_79 = tpu.memref_slice %arg4[%add3A_77] : memref<1701632xf32, #tpu.memory_space<hbm>> -> memref<3128xf32, #tpu.memory_space<hbm>>
        %dma_start3A_80 = tpu.memref_slice %arg4[%add3A_77] : memref<1701632xf32, #tpu.memory_space<hbm>> -> memref<3128xf32, #tpu.memory_space<hbm>>
        %dma_start3A_81 = arith.constant 0 : i32
        %dma_start3A_82 = tpu.memref_slice %arg7[%dma_start3A_81] : memref<6256xf32, #tpu.memory_space<vmem>> -> memref<3128xf32, #tpu.memory_space<vmem>>
        tpu.enqueue_dma source(%dma_start3A_82 : memref<3128xf32, #tpu.memory_space<vmem>>) target(%dma_start3A_80 : memref<3128xf32, #tpu.memory_space<hbm>>) target_semaphore(%run_scoped3A : memref<!tpu.dma_semaphore, #tpu.memory_space<semaphore_mem>>)
        %dma_wait3A = arith.constant 0 : i32
        %dma_wait3A_83 = tpu.memref_slice %arg7[%dma_wait3A] : memref<6256xf32, #tpu.memory_space<vmem>> -> memref<3128xf32, #tpu.memory_space<vmem>>
        %dma_wait3A_84 = tpu.memref_slice %arg4[%add3A_77] : memref<1701632xf32, #tpu.memory_space<hbm>> -> memref<3128xf32, #tpu.memory_space<hbm>>
        %dma_wait3A_85 = tpu.memref_slice %arg4[%add3A_77] : memref<1701632xf32, #tpu.memory_space<hbm>> -> memref<3128xf32, #tpu.memory_space<hbm>>
        %dma_wait3A_86 = arith.constant 0 : i32
        %dma_wait3A_87 = tpu.memref_slice %arg7[%dma_wait3A_86] : memref<6256xf32, #tpu.memory_space<vmem>> -> memref<3128xf32, #tpu.memory_space<vmem>>
        tpu.wait_dma2 semaphore(%run_scoped3A : memref<!tpu.dma_semaphore, #tpu.memory_space<semaphore_mem>>) src(%dma_wait3A_87 : memref<3128xf32, #tpu.memory_space<vmem>>) dst(%dma_wait3A_85 : memref<3128xf32, #tpu.memory_space<hbm>>)
        tpu.yield
      }) : () -> ()
    } else {
    }
    return
  }
}

module attributes {stable_mosaic.version = 14 : i64} {
  func.func @_mm_body(%arg0: i32, %arg1: memref<2048x128xf32, #tpu.memory_space<vmem>>, %arg2: memref<128x128xf32, #tpu.memory_space<vmem>>, %arg3: memref<1x128xf32, #tpu.memory_space<vmem>>, %arg4: memref<2048x128xf32, #tpu.memory_space<vmem>>) attributes {dimension_semantics = [#tpu.dimension_semantics<arbitrary>], iteration_bounds = array<i64: 25>, scalar_prefetch = 0 : i64, scratch_operands = 0 : i64, tpu.core_type = #tpu.core_type<tc>, window_params = [{transform_indices = @transform_0, window_bounds = array<i64: 2048, 128>}, {pipeline_mode = #tpu.pipeline_mode<synchronous>, transform_indices = @transform_1, window_bounds = array<i64: 128, 128>}, {pipeline_mode = #tpu.pipeline_mode<synchronous>, transform_indices = @transform_2, window_bounds = array<i64: 1, 128>}, {transform_indices = @transform_3, window_bounds = array<i64: 2048, 128>}]} {
    %get3A = arith.constant 0 : index
    %get3A_0 = arith.constant 0 : index
    %get3A_1 = vector.load %arg1[%get3A, %get3A_0] : memref<2048x128xf32, #tpu.memory_space<vmem>>, vector<2048x128xf32>
    %get3A_2 = arith.constant 0 : index
    %get3A_3 = arith.constant 0 : index
    %get3A_4 = vector.load %arg2[%get3A_2, %get3A_3] : memref<128x128xf32, #tpu.memory_space<vmem>>, vector<128x128xf32>
    %dot_general3A = arith.constant dense<0.000000e+00> : vector<2048x128xf32>
    %dot_general3A_5 = tpu.matmul %get3A_1, %get3A_4, %dot_general3A {dimension_numbers = #tpu.dot_dimension_numbers<[1], [0], [0], [1], [0, 0, 1, 1], [], []>, transpose_lhs_hint = false} : vector<2048x128xf32>, vector<128x128xf32>, vector<2048x128xf32> -> vector<2048x128xf32>
    %get3A_6 = arith.constant 0 : index
    %get3A_7 = arith.constant 0 : index
    %get3A_8 = vector.load %arg3[%get3A_6, %get3A_7] : memref<1x128xf32, #tpu.memory_space<vmem>>, vector<1x128xf32>
    %add3A = vector.broadcast %get3A_8 : vector<1x128xf32> to vector<2048x128xf32>
    %add3A_9 = arith.addf %dot_general3A_5, %add3A : vector<2048x128xf32>
    %swap3A = arith.constant 0 : index
    %swap3A_10 = arith.constant 0 : index
    %swap3A_11 = vector.load %arg4[%swap3A, %swap3A_10] : memref<2048x128xf32, #tpu.memory_space<vmem>>, vector<2048x128xf32>
    tpu.vector_store %arg4[%swap3A, %swap3A_10], %add3A_9 {strides = array<i32>} : memref<2048x128xf32, #tpu.memory_space<vmem>>, vector<2048x128xf32>,
    return
  }
  func.func @transform_0(%arg0: i32) -> (i32, i32) {
    %c0_i32 = arith.constant 0 : i32
    %c0_i32_0 = arith.constant 0 : i32
    return %arg0, %c0_i32 : i32, i32
  }
  func.func @transform_1(%arg0: i32) -> (i32, i32) {
    %c0_i32 = arith.constant 0 : i32
    %c0_i32_0 = arith.constant 0 : i32
    %c0_i32_1 = arith.constant 0 : i32
    return %c0_i32, %c0_i32_0 : i32, i32
  }
  func.func @transform_2(%arg0: i32) -> (i32, i32) {
    %c0_i32 = arith.constant 0 : i32
    %c0_i32_0 = arith.constant 0 : i32
    %c0_i32_1 = arith.constant 0 : i32
    return %c0_i32, %c0_i32_0 : i32, i32
  }
  func.func @transform_3(%arg0: i32) -> (i32, i32) {
    %c0_i32 = arith.constant 0 : i32
    %c0_i32_0 = arith.constant 0 : i32
    return %arg0, %c0_i32 : i32, i32
  }
}

module attributes {stable_mosaic.version = 14 : i64} {
  func.func @_edge12_body(%arg0: i32, %arg1: memref<2048x128xf32, #tpu.memory_space<vmem>>, %arg2: memref<2048x128xf32, #tpu.memory_space<vmem>>, %arg3: memref<2048x1xf32, #tpu.memory_space<vmem>>, %arg4: memref<1x64xf32, #tpu.memory_space<vmem>>, %arg5: memref<1x64xf32, #tpu.memory_space<vmem>>, %arg6: memref<64x4xf32, #tpu.memory_space<vmem>>, %arg7: memref<2x2048x34xf32, #tpu.memory_space<vmem>>) attributes {dimension_semantics = [#tpu.dimension_semantics<arbitrary>], iteration_bounds = array<i64: 392>, scalar_prefetch = 0 : i64, scratch_operands = 0 : i64, tpu.core_type = #tpu.core_type<tc>, window_params = [{transform_indices = @transform_0, window_bounds = array<i64: 2048, 128>}, {transform_indices = @transform_1, window_bounds = array<i64: 2048, 128>}, {transform_indices = @transform_2, window_bounds = array<i64: 2048, 1>}, {pipeline_mode = #tpu.pipeline_mode<synchronous>, transform_indices = @transform_3, window_bounds = array<i64: 1, 64>}, {pipeline_mode = #tpu.pipeline_mode<synchronous>, transform_indices = @transform_4, window_bounds = array<i64: 1, 64>}, {pipeline_mode = #tpu.pipeline_mode<synchronous>, transform_indices = @transform_5, window_bounds = array<i64: 64, 4>}, {transform_indices = @transform_6, window_bounds = array<i64: 2, 2048, 34>}]} {
    %get3A = arith.constant 0 : index
    %get3A_0 = arith.constant 0 : index
    %get3A_1 = vector.load %arg1[%get3A, %get3A_0] : memref<2048x128xf32, #tpu.memory_space<vmem>>, vector<2048x128xf32>
    %slice3A = vector.extract_strided_slice %get3A_1 {offsets = [0, 0], sizes = [2048, 64], strides = [1, 1]} : vector<2048x128xf32> to vector<2048x64xf32>
    %get3A_2 = arith.constant 0 : index
    %get3A_3 = arith.constant 0 : index
    %get3A_4 = vector.load %arg2[%get3A_2, %get3A_3] : memref<2048x128xf32, #tpu.memory_space<vmem>>, vector<2048x128xf32>
    %slice3A_5 = vector.extract_strided_slice %get3A_4 {offsets = [0, 64], sizes = [2048, 64], strides = [1, 1]} : vector<2048x128xf32> to vector<2048x64xf32>
    %add3A = arith.addf %slice3A, %slice3A_5 : vector<2048x64xf32>
    %get3A_6 = arith.constant 0 : index
    %get3A_7 = arith.constant 0 : index
    %get3A_8 = vector.load %arg3[%get3A_6, %get3A_7] : memref<2048x1xf32, #tpu.memory_space<vmem>>, vector<2048x1xf32>
    %get3A_9 = arith.constant 0 : index
    %get3A_10 = arith.constant 0 : index
    %get3A_11 = vector.load %arg4[%get3A_9, %get3A_10] : memref<1x64xf32, #tpu.memory_space<vmem>>, vector<1x64xf32>
    %mul3A = vector.broadcast %get3A_8 : vector<2048x1xf32> to vector<2048x64xf32>
    %mul3A_12 = vector.broadcast %get3A_11 : vector<1x64xf32> to vector<2048x64xf32>
    %mul3A_13 = arith.mulf %mul3A, %mul3A_12 : vector<2048x64xf32>
    %add3A_14 = arith.addf %add3A, %mul3A_13 : vector<2048x64xf32>
    %mul3A_15 = arith.constant 2.000000e-01 : f32
    %mul3A_16 = vector.broadcast %mul3A_15 : f32 to vector<2048x64xf32>
    %mul3A_17 = arith.mulf %mul3A_16, %add3A_14 : vector<2048x64xf32>
    %max3A = arith.maximumf %add3A_14, %mul3A_17 : vector<2048x64xf32>
    %get3A_18 = arith.constant 0 : index
    %get3A_19 = arith.constant 0 : index
    %get3A_20 = vector.load %arg5[%get3A_18, %get3A_19] : memref<1x64xf32, #tpu.memory_space<vmem>>, vector<1x64xf32>
    %mul3A_21 = vector.broadcast %get3A_20 : vector<1x64xf32> to vector<2048x64xf32>
    %mul3A_22 = arith.mulf %max3A, %mul3A_21 : vector<2048x64xf32>
    %get3A_23 = arith.constant 0 : index
    %get3A_24 = arith.constant 0 : index
    %get3A_25 = vector.load %arg6[%get3A_23, %get3A_24] : memref<64x4xf32, #tpu.memory_space<vmem>>, vector<64x4xf32>
    %dot_general3A = arith.constant dense<0.000000e+00> : vector<2048x4xf32>
    %dot_general3A_26 = tpu.matmul %mul3A_22, %get3A_25, %dot_general3A {dimension_numbers = #tpu.dot_dimension_numbers<[1], [0], [0], [1], [0, 0, 1, 1], [], []>, transpose_lhs_hint = false} : vector<2048x64xf32>, vector<64x4xf32>, vector<2048x4xf32> -> vector<2048x4xf32>
    %exp3A = math.exp %dot_general3A_26 : vector<2048x4xf32>
    %mul3A_27 = arith.constant 2048 : i32
    %mul3A_28 = arith.muli %arg0, %mul3A_27 : i32
    %iota3A = tpu.iota {dimensions = array<i32: 0>} : vector<2048x1xi32>
    %add3A_29 = vector.broadcast %mul3A_28 : i32 to vector<2048x1xi32>
    %add3A_30 = arith.addi %add3A_29, %iota3A : vector<2048x1xi32>
    %lt3A = arith.constant 800000 : i32
    %lt3A_31 = vector.broadcast %lt3A : i32 to vector<2048x1xi32>
    %lt3A_32 = arith.cmpi slt, %add3A_30, %lt3A_31 : vector<2048x1xi32>
    %jit3A = arith.constant 0.000000e+00 : f32
    %broadcast_in_dim3A = vector.shape_cast %lt3A_32 : vector<2048x1xi1> to vector<2048x1xi1>
    %broadcast_in_dim3A_33 = vector.broadcast %broadcast_in_dim3A : vector<2048x1xi1> to vector<2048x4xi1>
    %broadcast_in_dim3A_34 = vector.broadcast %jit3A : f32 to vector<2048x4xf32>
    %select_n3A = arith.select %broadcast_in_dim3A_33, %exp3A, %broadcast_in_dim3A_34 : vector<2048x4xi1>, vector<2048x4xf32>
    %get3A_35 = arith.constant 0 : index
    %get3A_36 = arith.constant 0 : index
    %get3A_37 = vector.load %arg6[%get3A_35, %get3A_36] : memref<64x4xf32, #tpu.memory_space<vmem>>, vector<64x4xf32>
    %transpose3A = tpu.transpose %get3A_37, [1, 0] : vector<64x4xf32> -> vector<4x64xf32>
    %dot_general3A_38 = arith.constant dense<0.000000e+00> : vector<2048x64xf32>
    %dot_general3A_39 = tpu.matmul %select_n3A, %transpose3A, %dot_general3A_38 {dimension_numbers = #tpu.dot_dimension_numbers<[1], [0], [0], [1], [0, 0, 1, 1], [], []>, transpose_lhs_hint = false} : vector<2048x4xf32>, vector<4x64xf32>, vector<2048x64xf32> -> vector<2048x64xf32>
    %mul3A_40 = arith.mulf %dot_general3A_39, %slice3A : vector<2048x64xf32>
    %slice3A_41 = vector.extract_strided_slice %mul3A_40 {offsets = [0, 0], sizes = [2048, 32], strides = [1, 1]} : vector<2048x64xf32> to vector<2048x32xf32>
    %slice3A_42 = vector.extract_strided_slice %select_n3A {offsets = [0, 0], sizes = [2048, 2], strides = [1, 1]} : vector<2048x4xf32> to vector<2048x2xf32>
    %concatenate3A = tpu.concatenate %slice3A_41, %slice3A_42 in 1 : vector<2048x32xf32>, vector<2048x2xf32> -> vector<2048x34xf32>
    %swap3A = arith.constant 0 : index
    %swap3A_43 = arith.constant 0 : index
    %swap3A_44 = arith.constant 0 : index
    %swap3A_45 = vector.load %arg7[%swap3A, %swap3A_43, %swap3A_44] : memref<2x2048x34xf32, #tpu.memory_space<vmem>>, vector<1x2048x34xf32>
    %swap3A_46 = vector.shape_cast %swap3A_45 : vector<1x2048x34xf32> to vector<2048x34xf32>
    %swap3A_47 = vector.shape_cast %concatenate3A : vector<2048x34xf32> to vector<1x2048x34xf32>
    tpu.vector_store %arg7[%swap3A, %swap3A_43, %swap3A_44], %swap3A_47 {strides = array<i32>} : memref<2x2048x34xf32, #tpu.memory_space<vmem>>, vector<1x2048x34xf32>,
    %slice3A_48 = vector.extract_strided_slice %mul3A_40 {offsets = [0, 32], sizes = [2048, 32], strides = [1, 1]} : vector<2048x64xf32> to vector<2048x32xf32>
    %slice3A_49 = vector.extract_strided_slice %select_n3A {offsets = [0, 2], sizes = [2048, 2], strides = [1, 1]} : vector<2048x4xf32> to vector<2048x2xf32>
    %concatenate3A_50 = tpu.concatenate %slice3A_48, %slice3A_49 in 1 : vector<2048x32xf32>, vector<2048x2xf32> -> vector<2048x34xf32>
    %swap3A_51 = arith.constant 1 : index
    %swap3A_52 = arith.constant 0 : index
    %swap3A_53 = arith.constant 0 : index
    %swap3A_54 = vector.load %arg7[%swap3A_51, %swap3A_52, %swap3A_53] : memref<2x2048x34xf32, #tpu.memory_space<vmem>>, vector<1x2048x34xf32>
    %swap3A_55 = vector.shape_cast %swap3A_54 : vector<1x2048x34xf32> to vector<2048x34xf32>
    %swap3A_56 = vector.shape_cast %concatenate3A_50 : vector<2048x34xf32> to vector<1x2048x34xf32>
    tpu.vector_store %arg7[%swap3A_51, %swap3A_52, %swap3A_53], %swap3A_56 {strides = array<i32>} : memref<2x2048x34xf32, #tpu.memory_space<vmem>>, vector<1x2048x34xf32>,
    return
  }
  func.func @transform_0(%arg0: i32) -> (i32, i32) {
    %c0_i32 = arith.constant 0 : i32
    %c0_i32_0 = arith.constant 0 : i32
    return %arg0, %c0_i32 : i32, i32
  }
  func.func @transform_1(%arg0: i32) -> (i32, i32) {
    %c0_i32 = arith.constant 0 : i32
    %c0_i32_0 = arith.constant 0 : i32
    return %arg0, %c0_i32 : i32, i32
  }
  func.func @transform_2(%arg0: i32) -> (i32, i32) {
    %c0_i32 = arith.constant 0 : i32
    %c0_i32_0 = arith.constant 0 : i32
    return %arg0, %c0_i32 : i32, i32
  }
  func.func @transform_3(%arg0: i32) -> (i32, i32) {
    %c0_i32 = arith.constant 0 : i32
    %c0_i32_0 = arith.constant 0 : i32
    %c0_i32_1 = arith.constant 0 : i32
    return %c0_i32, %c0_i32_0 : i32, i32
  }
  func.func @transform_4(%arg0: i32) -> (i32, i32) {
    %c0_i32 = arith.constant 0 : i32
    %c0_i32_0 = arith.constant 0 : i32
    %c0_i32_1 = arith.constant 0 : i32
    return %c0_i32, %c0_i32_0 : i32, i32
  }
  func.func @transform_5(%arg0: i32) -> (i32, i32) {
    %c0_i32 = arith.constant 0 : i32
    %c0_i32_0 = arith.constant 0 : i32
    %c0_i32_1 = arith.constant 0 : i32
    return %c0_i32, %c0_i32_0 : i32, i32
  }
  func.func @transform_6(%arg0: i32) -> (i32, i32, i32) {
    %c0_i32 = arith.constant 0 : i32
    %c0_i32_0 = arith.constant 0 : i32
    %c0_i32_1 = arith.constant 0 : i32
    return %c0_i32, %arg0, %c0_i32_0 : i32, i32, i32
  }
}

module attributes {stable_mosaic.version = 14 : i64} {
  func.func @_node12_body(%arg0: i32, %arg1: memref<1x2048x34xf32, #tpu.memory_space<vmem>>, %arg2: memref<1x2048x34xf32, #tpu.memory_space<vmem>>, %arg3: memref<1x64xf32, #tpu.memory_space<vmem>>, %arg4: memref<1x64xf32, #tpu.memory_space<vmem>>, %arg5: memref<1x64xf32, #tpu.memory_space<vmem>>, %arg6: memref<2x32xf32, #tpu.memory_space<vmem>>, %arg7: memref<2048x64xf32, #tpu.memory_space<vmem>>) attributes {dimension_semantics = [#tpu.dimension_semantics<arbitrary>], iteration_bounds = array<i64: 25>, scalar_prefetch = 0 : i64, scratch_operands = 0 : i64, tpu.core_type = #tpu.core_type<tc>, window_params = [{transform_indices = @transform_0, window_bounds = array<i64: 1, 2048, 34>}, {transform_indices = @transform_1, window_bounds = array<i64: 1, 2048, 34>}, {pipeline_mode = #tpu.pipeline_mode<synchronous>, transform_indices = @transform_2, window_bounds = array<i64: 1, 64>}, {pipeline_mode = #tpu.pipeline_mode<synchronous>, transform_indices = @transform_3, window_bounds = array<i64: 1, 64>}, {pipeline_mode = #tpu.pipeline_mode<synchronous>, transform_indices = @transform_4, window_bounds = array<i64: 1, 64>}, {pipeline_mode = #tpu.pipeline_mode<synchronous>, transform_indices = @transform_5, window_bounds = array<i64: 2, 32>}, {transform_indices = @transform_6, window_bounds = array<i64: 2048, 64>}]} {
    %get3A = arith.constant 0 : index
    %get3A_0 = arith.constant 0 : index
    %get3A_1 = arith.constant 0 : index
    %get3A_2 = vector.load %arg1[%get3A, %get3A_0, %get3A_1] : memref<1x2048x34xf32, #tpu.memory_space<vmem>>, vector<1x2048x34xf32>
    %get3A_3 = vector.shape_cast %get3A_2 : vector<1x2048x34xf32> to vector<2048x34xf32>
    %get3A_4 = arith.constant 0 : index
    %get3A_5 = arith.constant 0 : index
    %get3A_6 = arith.constant 0 : index
    %get3A_7 = vector.load %arg2[%get3A_4, %get3A_5, %get3A_6] : memref<1x2048x34xf32, #tpu.memory_space<vmem>>, vector<1x2048x34xf32>
    %get3A_8 = vector.shape_cast %get3A_7 : vector<1x2048x34xf32> to vector<2048x34xf32>
    %slice3A = vector.extract_strided_slice %get3A_3 {offsets = [0, 0], sizes = [2048, 32], strides = [1, 1]} : vector<2048x34xf32> to vector<2048x32xf32>
    %slice3A_9 = vector.extract_strided_slice %get3A_8 {offsets = [0, 0], sizes = [2048, 32], strides = [1, 1]} : vector<2048x34xf32> to vector<2048x32xf32>
    %concatenate3A = tpu.concatenate %slice3A, %slice3A_9 in 1 : vector<2048x32xf32>, vector<2048x32xf32> -> vector<2048x64xf32>
    %slice3A_10 = vector.extract_strided_slice %get3A_3 {offsets = [0, 32], sizes = [2048, 2], strides = [1, 1]} : vector<2048x34xf32> to vector<2048x2xf32>
    %get3A_11 = arith.constant 0 : index
    %get3A_12 = arith.constant 0 : index
    %get3A_13 = vector.load %arg6[%get3A_11, %get3A_12] : memref<2x32xf32, #tpu.memory_space<vmem>>, vector<2x32xf32>
    %dot_general3A = arith.constant dense<0.000000e+00> : vector<2048x32xf32>
    %dot_general3A_14 = tpu.matmul %slice3A_10, %get3A_13, %dot_general3A {dimension_numbers = #tpu.dot_dimension_numbers<[1], [0], [0], [1], [0, 0, 1, 1], [], []>, transpose_lhs_hint = false} : vector<2048x2xf32>, vector<2x32xf32>, vector<2048x32xf32> -> vector<2048x32xf32>
    %slice3A_15 = vector.extract_strided_slice %get3A_8 {offsets = [0, 32], sizes = [2048, 2], strides = [1, 1]} : vector<2048x34xf32> to vector<2048x2xf32>
    %get3A_16 = arith.constant 0 : index
    %get3A_17 = arith.constant 0 : index
    %get3A_18 = vector.load %arg6[%get3A_16, %get3A_17] : memref<2x32xf32, #tpu.memory_space<vmem>>, vector<2x32xf32>
    %dot_general3A_19 = arith.constant dense<0.000000e+00> : vector<2048x32xf32>
    %dot_general3A_20 = tpu.matmul %slice3A_15, %get3A_18, %dot_general3A_19 {dimension_numbers = #tpu.dot_dimension_numbers<[1], [0], [0], [1], [0, 0, 1, 1], [], []>, transpose_lhs_hint = false} : vector<2048x2xf32>, vector<2x32xf32>, vector<2048x32xf32> -> vector<2048x32xf32>
    %concatenate3A_21 = tpu.concatenate %dot_general3A_14, %dot_general3A_20 in 1 : vector<2048x32xf32>, vector<2048x32xf32> -> vector<2048x64xf32>
    %add3A = arith.constant 1.000000e-16 : f32
    %add3A_22 = vector.broadcast %add3A : f32 to vector<2048x64xf32>
    %add3A_23 = arith.addf %concatenate3A_21, %add3A_22 : vector<2048x64xf32>
    %div3A = arith.divf %concatenate3A, %add3A_23 : vector<2048x64xf32>
    %get3A_24 = arith.constant 0 : index
    %get3A_25 = arith.constant 0 : index
    %get3A_26 = vector.load %arg3[%get3A_24, %get3A_25] : memref<1x64xf32, #tpu.memory_space<vmem>>, vector<1x64xf32>
    %add3A_27 = vector.broadcast %get3A_26 : vector<1x64xf32> to vector<2048x64xf32>
    %add3A_28 = arith.addf %div3A, %add3A_27 : vector<2048x64xf32>
    %reduce_sum3A = arith.constant dense<0.000000e+00> : vector<2048xf32>
    %reduce_sum3A_29 = vector.multi_reduction <add>, %add3A_28, %reduce_sum3A [1] : vector<2048x64xf32> to vector<2048xf32>
    %broadcast_in_dim3A = vector.shape_cast %reduce_sum3A_29 : vector<2048xf32> to vector<2048x1xf32>
    %div3A_30 = arith.constant 6.400000e+01 : f32
    %div3A_31 = vector.broadcast %div3A_30 : f32 to vector<2048x1xf32>
    %div3A_32 = arith.divf %broadcast_in_dim3A, %div3A_31 : vector<2048x1xf32>
    %sub3A = vector.broadcast %div3A_32 : vector<2048x1xf32> to vector<2048x64xf32>
    %sub3A_33 = arith.subf %add3A_28, %sub3A : vector<2048x64xf32>
    %integer_pow3A = arith.mulf %sub3A_33, %sub3A_33 : vector<2048x64xf32>
    %reduce_sum3A_34 = arith.constant dense<0.000000e+00> : vector<2048xf32>
    %reduce_sum3A_35 = vector.multi_reduction <add>, %integer_pow3A, %reduce_sum3A_34 [1] : vector<2048x64xf32> to vector<2048xf32>
    %broadcast_in_dim3A_36 = vector.shape_cast %reduce_sum3A_35 : vector<2048xf32> to vector<2048x1xf32>
    %div3A_37 = arith.constant 6.400000e+01 : f32
    %div3A_38 = vector.broadcast %div3A_37 : f32 to vector<2048x1xf32>
    %div3A_39 = arith.divf %broadcast_in_dim3A_36, %div3A_38 : vector<2048x1xf32>
    %sub3A_40 = vector.broadcast %div3A_32 : vector<2048x1xf32> to vector<2048x64xf32>
    %sub3A_41 = arith.subf %add3A_28, %sub3A_40 : vector<2048x64xf32>
    %add3A_42 = arith.constant 9.99999974E-6 : f32
    %add3A_43 = vector.broadcast %add3A_42 : f32 to vector<2048x1xf32>
    %add3A_44 = arith.addf %div3A_39, %add3A_43 : vector<2048x1xf32>
    %rsqrt3A = math.rsqrt %add3A_44 : vector<2048x1xf32>
    %mul3A = vector.broadcast %rsqrt3A : vector<2048x1xf32> to vector<2048x64xf32>
    %mul3A_45 = arith.mulf %sub3A_41, %mul3A : vector<2048x64xf32>
    %get3A_46 = arith.constant 0 : index
    %get3A_47 = arith.constant 0 : index
    %get3A_48 = vector.load %arg4[%get3A_46, %get3A_47] : memref<1x64xf32, #tpu.memory_space<vmem>>, vector<1x64xf32>
    %mul3A_49 = vector.broadcast %get3A_48 : vector<1x64xf32> to vector<2048x64xf32>
    %mul3A_50 = arith.mulf %mul3A_45, %mul3A_49 : vector<2048x64xf32>
    %get3A_51 = arith.constant 0 : index
    %get3A_52 = arith.constant 0 : index
    %get3A_53 = vector.load %arg5[%get3A_51, %get3A_52] : memref<1x64xf32, #tpu.memory_space<vmem>>, vector<1x64xf32>
    %add3A_54 = vector.broadcast %get3A_53 : vector<1x64xf32> to vector<2048x64xf32>
    %add3A_55 = arith.addf %mul3A_50, %add3A_54 : vector<2048x64xf32>
    %gt3A = arith.constant 0.000000e+00 : f32
    %gt3A_56 = vector.broadcast %gt3A : f32 to vector<2048x64xf32>
    %gt3A_57 = arith.cmpf ogt, %add3A_55, %gt3A_56 : vector<2048x64xf32>
    %exp3A = math.exp %add3A_55 : vector<2048x64xf32>
    %sub3A_58 = arith.constant 1.000000e+00 : f32
    %sub3A_59 = vector.broadcast %sub3A_58 : f32 to vector<2048x64xf32>
    %sub3A_60 = arith.subf %exp3A, %sub3A_59 : vector<2048x64xf32>
    %select_n3A = arith.select %gt3A_57, %add3A_55, %sub3A_60 : vector<2048x64xi1>, vector<2048x64xf32>
    %swap3A = arith.constant 0 : index
    %swap3A_61 = arith.constant 0 : index
    %swap3A_62 = vector.load %arg7[%swap3A, %swap3A_61] : memref<2048x64xf32, #tpu.memory_space<vmem>>, vector<2048x64xf32>
    tpu.vector_store %arg7[%swap3A, %swap3A_61], %select_n3A {strides = array<i32>} : memref<2048x64xf32, #tpu.memory_space<vmem>>, vector<2048x64xf32>,
    return
  }
  func.func @transform_0(%arg0: i32) -> (i32, i32, i32) {
    %c0_i32 = arith.constant 0 : i32
    %c0_i32_0 = arith.constant 0 : i32
    %c0_i32_1 = arith.constant 0 : i32
    return %c0_i32, %arg0, %c0_i32_0 : i32, i32, i32
  }
  func.func @transform_1(%arg0: i32) -> (i32, i32, i32) {
    %c1_i32 = arith.constant 1 : i32
    %c0_i32 = arith.constant 0 : i32
    %c0_i32_0 = arith.constant 0 : i32
    return %c1_i32, %arg0, %c0_i32 : i32, i32, i32
  }
  func.func @transform_2(%arg0: i32) -> (i32, i32) {
    %c0_i32 = arith.constant 0 : i32
    %c0_i32_0 = arith.constant 0 : i32
    %c0_i32_1 = arith.constant 0 : i32
    return %c0_i32, %c0_i32_0 : i32, i32
  }
  func.func @transform_3(%arg0: i32) -> (i32, i32) {
    %c0_i32 = arith.constant 0 : i32
    %c0_i32_0 = arith.constant 0 : i32
    %c0_i32_1 = arith.constant 0 : i32
    return %c0_i32, %c0_i32_0 : i32, i32
  }
  func.func @transform_4(%arg0: i32) -> (i32, i32) {
    %c0_i32 = arith.constant 0 : i32
    %c0_i32_0 = arith.constant 0 : i32
    %c0_i32_1 = arith.constant 0 : i32
    return %c0_i32, %c0_i32_0 : i32, i32
  }
  func.func @transform_5(%arg0: i32) -> (i32, i32) {
    %c0_i32 = arith.constant 0 : i32
    %c0_i32_0 = arith.constant 0 : i32
    %c0_i32_1 = arith.constant 0 : i32
    return %c0_i32, %c0_i32_0 : i32, i32
  }
  func.func @transform_6(%arg0: i32) -> (i32, i32) {
    %c0_i32 = arith.constant 0 : i32
    %c0_i32_0 = arith.constant 0 : i32
    return %arg0, %c0_i32 : i32, i32
  }
}

module attributes {stable_mosaic.version = 14 : i64} {
  func.func @_mm_body(%arg0: i32, %arg1: memref<2048x64xf32, #tpu.memory_space<vmem>>, %arg2: memref<64x128xf32, #tpu.memory_space<vmem>>, %arg3: memref<1x128xf32, #tpu.memory_space<vmem>>, %arg4: memref<2048x128xf32, #tpu.memory_space<vmem>>) attributes {dimension_semantics = [#tpu.dimension_semantics<arbitrary>], iteration_bounds = array<i64: 25>, scalar_prefetch = 0 : i64, scratch_operands = 0 : i64, tpu.core_type = #tpu.core_type<tc>, window_params = [{transform_indices = @transform_0, window_bounds = array<i64: 2048, 64>}, {pipeline_mode = #tpu.pipeline_mode<synchronous>, transform_indices = @transform_1, window_bounds = array<i64: 64, 128>}, {pipeline_mode = #tpu.pipeline_mode<synchronous>, transform_indices = @transform_2, window_bounds = array<i64: 1, 128>}, {transform_indices = @transform_3, window_bounds = array<i64: 2048, 128>}]} {
    %get3A = arith.constant 0 : index
    %get3A_0 = arith.constant 0 : index
    %get3A_1 = vector.load %arg1[%get3A, %get3A_0] : memref<2048x64xf32, #tpu.memory_space<vmem>>, vector<2048x64xf32>
    %get3A_2 = arith.constant 0 : index
    %get3A_3 = arith.constant 0 : index
    %get3A_4 = vector.load %arg2[%get3A_2, %get3A_3] : memref<64x128xf32, #tpu.memory_space<vmem>>, vector<64x128xf32>
    %dot_general3A = arith.constant dense<0.000000e+00> : vector<2048x128xf32>
    %dot_general3A_5 = tpu.matmul %get3A_1, %get3A_4, %dot_general3A {dimension_numbers = #tpu.dot_dimension_numbers<[1], [0], [0], [1], [0, 0, 1, 1], [], []>, transpose_lhs_hint = false} : vector<2048x64xf32>, vector<64x128xf32>, vector<2048x128xf32> -> vector<2048x128xf32>
    %get3A_6 = arith.constant 0 : index
    %get3A_7 = arith.constant 0 : index
    %get3A_8 = vector.load %arg3[%get3A_6, %get3A_7] : memref<1x128xf32, #tpu.memory_space<vmem>>, vector<1x128xf32>
    %add3A = vector.broadcast %get3A_8 : vector<1x128xf32> to vector<2048x128xf32>
    %add3A_9 = arith.addf %dot_general3A_5, %add3A : vector<2048x128xf32>
    %swap3A = arith.constant 0 : index
    %swap3A_10 = arith.constant 0 : index
    %swap3A_11 = vector.load %arg4[%swap3A, %swap3A_10] : memref<2048x128xf32, #tpu.memory_space<vmem>>, vector<2048x128xf32>
    tpu.vector_store %arg4[%swap3A, %swap3A_10], %add3A_9 {strides = array<i32>} : memref<2048x128xf32, #tpu.memory_space<vmem>>, vector<2048x128xf32>,
    return
  }
  func.func @transform_0(%arg0: i32) -> (i32, i32) {
    %c0_i32 = arith.constant 0 : i32
    %c0_i32_0 = arith.constant 0 : i32
    return %arg0, %c0_i32 : i32, i32
  }
  func.func @transform_1(%arg0: i32) -> (i32, i32) {
    %c0_i32 = arith.constant 0 : i32
    %c0_i32_0 = arith.constant 0 : i32
    %c0_i32_1 = arith.constant 0 : i32
    return %c0_i32, %c0_i32_0 : i32, i32
  }
  func.func @transform_2(%arg0: i32) -> (i32, i32) {
    %c0_i32 = arith.constant 0 : i32
    %c0_i32_0 = arith.constant 0 : i32
    %c0_i32_1 = arith.constant 0 : i32
    return %c0_i32, %c0_i32_0 : i32, i32
  }
  func.func @transform_3(%arg0: i32) -> (i32, i32) {
    %c0_i32 = arith.constant 0 : i32
    %c0_i32_0 = arith.constant 0 : i32
    return %arg0, %c0_i32 : i32, i32
  }
}

module attributes {stable_mosaic.version = 14 : i64} {
  func.func @_edge3_body(%arg0: i32, %arg1: memref<2048x128xf32, #tpu.memory_space<vmem>>, %arg2: memref<2048x128xf32, #tpu.memory_space<vmem>>, %arg3: memref<2048x1xf32, #tpu.memory_space<vmem>>, %arg4: memref<1x32xf32, #tpu.memory_space<vmem>>, %arg5: memref<1x32xf32, #tpu.memory_space<vmem>>, %arg6: memref<2048x34xf32, #tpu.memory_space<vmem>>) attributes {dimension_semantics = [#tpu.dimension_semantics<arbitrary>], iteration_bounds = array<i64: 392>, scalar_prefetch = 0 : i64, scratch_operands = 0 : i64, tpu.core_type = #tpu.core_type<tc>, window_params = [{transform_indices = @transform_0, window_bounds = array<i64: 2048, 128>}, {transform_indices = @transform_1, window_bounds = array<i64: 2048, 128>}, {transform_indices = @transform_2, window_bounds = array<i64: 2048, 1>}, {pipeline_mode = #tpu.pipeline_mode<synchronous>, transform_indices = @transform_3, window_bounds = array<i64: 1, 32>}, {pipeline_mode = #tpu.pipeline_mode<synchronous>, transform_indices = @transform_4, window_bounds = array<i64: 1, 32>}, {transform_indices = @transform_5, window_bounds = array<i64: 2048, 34>}]} {
    %get3A = arith.constant 0 : index
    %get3A_0 = arith.constant 0 : index
    %get3A_1 = vector.load %arg1[%get3A, %get3A_0] : memref<2048x128xf32, #tpu.memory_space<vmem>>, vector<2048x128xf32>
    %slice3A = vector.extract_strided_slice %get3A_1 {offsets = [0, 0], sizes = [2048, 32], strides = [1, 1]} : vector<2048x128xf32> to vector<2048x32xf32>
    %get3A_2 = arith.constant 0 : index
    %get3A_3 = arith.constant 0 : index
    %get3A_4 = vector.load %arg2[%get3A_2, %get3A_3] : memref<2048x128xf32, #tpu.memory_space<vmem>>, vector<2048x128xf32>
    %slice3A_5 = vector.extract_strided_slice %get3A_4 {offsets = [0, 32], sizes = [2048, 32], strides = [1, 1]} : vector<2048x128xf32> to vector<2048x32xf32>
    %add3A = arith.addf %slice3A, %slice3A_5 : vector<2048x32xf32>
    %get3A_6 = arith.constant 0 : index
    %get3A_7 = arith.constant 0 : index
    %get3A_8 = vector.load %arg3[%get3A_6, %get3A_7] : memref<2048x1xf32, #tpu.memory_space<vmem>>, vector<2048x1xf32>
    %get3A_9 = arith.constant 0 : index
    %get3A_10 = arith.constant 0 : index
    %get3A_11 = vector.load %arg4[%get3A_9, %get3A_10] : memref<1x32xf32, #tpu.memory_space<vmem>>, vector<1x32xf32>
    %mul3A = vector.broadcast %get3A_8 : vector<2048x1xf32> to vector<2048x32xf32>
    %mul3A_12 = vector.broadcast %get3A_11 : vector<1x32xf32> to vector<2048x32xf32>
    %mul3A_13 = arith.mulf %mul3A, %mul3A_12 : vector<2048x32xf32>
    %add3A_14 = arith.addf %add3A, %mul3A_13 : vector<2048x32xf32>
    %mul3A_15 = arith.constant 2.000000e-01 : f32
    %mul3A_16 = vector.broadcast %mul3A_15 : f32 to vector<2048x32xf32>
    %mul3A_17 = arith.mulf %mul3A_16, %add3A_14 : vector<2048x32xf32>
    %max3A = arith.maximumf %add3A_14, %mul3A_17 : vector<2048x32xf32>
    %get3A_18 = arith.constant 0 : index
    %get3A_19 = arith.constant 0 : index
    %get3A_20 = vector.load %arg5[%get3A_18, %get3A_19] : memref<1x32xf32, #tpu.memory_space<vmem>>, vector<1x32xf32>
    %mul3A_21 = vector.broadcast %get3A_20 : vector<1x32xf32> to vector<2048x32xf32>
    %mul3A_22 = arith.mulf %max3A, %mul3A_21 : vector<2048x32xf32>
    %reduce_sum3A = arith.constant dense<0.000000e+00> : vector<2048xf32>
    %reduce_sum3A_23 = vector.multi_reduction <add>, %mul3A_22, %reduce_sum3A [1] : vector<2048x32xf32> to vector<2048xf32>
    %broadcast_in_dim3A = vector.shape_cast %reduce_sum3A_23 : vector<2048xf32> to vector<2048x1xf32>
    %exp3A = math.exp %broadcast_in_dim3A : vector<2048x1xf32>
    %mul3A_24 = arith.constant 2048 : i32
    %mul3A_25 = arith.muli %arg0, %mul3A_24 : i32
    %iota3A = tpu.iota {dimensions = array<i32: 0>} : vector<2048x1xi32>
    %add3A_26 = vector.broadcast %mul3A_25 : i32 to vector<2048x1xi32>
    %add3A_27 = arith.addi %add3A_26, %iota3A : vector<2048x1xi32>
    %lt3A = arith.constant 800000 : i32
    %lt3A_28 = vector.broadcast %lt3A : i32 to vector<2048x1xi32>
    %lt3A_29 = arith.cmpi slt, %add3A_27, %lt3A_28 : vector<2048x1xi32>
    %jit3A = arith.constant 0.000000e+00 : f32
    %broadcast_in_dim3A_30 = vector.broadcast %jit3A : f32 to vector<2048x1xf32>
    %select_n3A = arith.select %lt3A_29, %exp3A, %broadcast_in_dim3A_30 : vector<2048x1xi1>, vector<2048x1xf32>
    %mul3A_31 = vector.broadcast %select_n3A : vector<2048x1xf32> to vector<2048x32xf32>
    %mul3A_32 = arith.mulf %mul3A_31, %slice3A : vector<2048x32xf32>
    %broadcast_in_dim3A_33 = arith.constant 0.000000e+00 : f32
    %broadcast_in_dim3A_34 = vector.broadcast %broadcast_in_dim3A_33 : f32 to vector<2048x1xf32>
    %concatenate3A = tpu.concatenate %mul3A_32, %select_n3A, %broadcast_in_dim3A_34 in 1 : vector<2048x32xf32>, vector<2048x1xf32>, vector<2048x1xf32> -> vector<2048x34xf32>
    %swap3A = arith.constant 0 : index
    %swap3A_35 = arith.constant 0 : index
    %swap3A_36 = vector.load %arg6[%swap3A, %swap3A_35] : memref<2048x34xf32, #tpu.memory_space<vmem>>, vector<2048x34xf32>
    tpu.vector_store %arg6[%swap3A, %swap3A_35], %concatenate3A {strides = array<i32>} : memref<2048x34xf32, #tpu.memory_space<vmem>>, vector<2048x34xf32>,
    return
  }
  func.func @transform_0(%arg0: i32) -> (i32, i32) {
    %c0_i32 = arith.constant 0 : i32
    %c0_i32_0 = arith.constant 0 : i32
    return %arg0, %c0_i32 : i32, i32
  }
  func.func @transform_1(%arg0: i32) -> (i32, i32) {
    %c0_i32 = arith.constant 0 : i32
    %c0_i32_0 = arith.constant 0 : i32
    return %arg0, %c0_i32 : i32, i32
  }
  func.func @transform_2(%arg0: i32) -> (i32, i32) {
    %c0_i32 = arith.constant 0 : i32
    %c0_i32_0 = arith.constant 0 : i32
    return %arg0, %c0_i32 : i32, i32
  }
  func.func @transform_3(%arg0: i32) -> (i32, i32) {
    %c0_i32 = arith.constant 0 : i32
    %c0_i32_0 = arith.constant 0 : i32
    %c0_i32_1 = arith.constant 0 : i32
    return %c0_i32, %c0_i32_0 : i32, i32
  }
  func.func @transform_4(%arg0: i32) -> (i32, i32) {
    %c0_i32 = arith.constant 0 : i32
    %c0_i32_0 = arith.constant 0 : i32
    %c0_i32_1 = arith.constant 0 : i32
    return %c0_i32, %c0_i32_0 : i32, i32
  }
  func.func @transform_5(%arg0: i32) -> (i32, i32) {
    %c0_i32 = arith.constant 0 : i32
    %c0_i32_0 = arith.constant 0 : i32
    return %arg0, %c0_i32 : i32, i32
  }
}

module attributes {stable_mosaic.version = 14 : i64} {
  func.func @_node3_body(%arg0: i32, %arg1: memref<2048x34xf32, #tpu.memory_space<vmem>>, %arg2: memref<1x32xf32, #tpu.memory_space<vmem>>, %arg3: memref<1x32xf32, #tpu.memory_space<vmem>>, %arg4: memref<1x32xf32, #tpu.memory_space<vmem>>, %arg5: memref<2048x32xf32, #tpu.memory_space<vmem>>) attributes {dimension_semantics = [#tpu.dimension_semantics<arbitrary>], iteration_bounds = array<i64: 25>, scalar_prefetch = 0 : i64, scratch_operands = 0 : i64, tpu.core_type = #tpu.core_type<tc>, window_params = [{transform_indices = @transform_0, window_bounds = array<i64: 2048, 34>}, {pipeline_mode = #tpu.pipeline_mode<synchronous>, transform_indices = @transform_1, window_bounds = array<i64: 1, 32>}, {pipeline_mode = #tpu.pipeline_mode<synchronous>, transform_indices = @transform_2, window_bounds = array<i64: 1, 32>}, {pipeline_mode = #tpu.pipeline_mode<synchronous>, transform_indices = @transform_3, window_bounds = array<i64: 1, 32>}, {transform_indices = @transform_4, window_bounds = array<i64: 2048, 32>}]} {
    %get3A = arith.constant 0 : index
    %get3A_0 = arith.constant 0 : index
    %get3A_1 = vector.load %arg1[%get3A, %get3A_0] : memref<2048x34xf32, #tpu.memory_space<vmem>>, vector<2048x34xf32>
    %slice3A = vector.extract_strided_slice %get3A_1 {offsets = [0, 0], sizes = [2048, 32], strides = [1, 1]} : vector<2048x34xf32> to vector<2048x32xf32>
    %slice3A_2 = vector.extract_strided_slice %get3A_1 {offsets = [0, 32], sizes = [2048, 1], strides = [1, 1]} : vector<2048x34xf32> to vector<2048x1xf32>
    %add3A = arith.constant 1.000000e-16 : f32
    %add3A_3 = vector.broadcast %add3A : f32 to vector<2048x1xf32>
    %add3A_4 = arith.addf %slice3A_2, %add3A_3 : vector<2048x1xf32>
    %div3A = vector.broadcast %add3A_4 : vector<2048x1xf32> to vector<2048x32xf32>
    %div3A_5 = arith.divf %slice3A, %div3A : vector<2048x32xf32>
    %get3A_6 = arith.constant 0 : index
    %get3A_7 = arith.constant 0 : index
    %get3A_8 = vector.load %arg2[%get3A_6, %get3A_7] : memref<1x32xf32, #tpu.memory_space<vmem>>, vector<1x32xf32>
    %add3A_9 = vector.broadcast %get3A_8 : vector<1x32xf32> to vector<2048x32xf32>
    %add3A_10 = arith.addf %div3A_5, %add3A_9 : vector<2048x32xf32>
    %reduce_sum3A = arith.constant dense<0.000000e+00> : vector<2048xf32>
    %reduce_sum3A_11 = vector.multi_reduction <add>, %add3A_10, %reduce_sum3A [1] : vector<2048x32xf32> to vector<2048xf32>
    %broadcast_in_dim3A = vector.shape_cast %reduce_sum3A_11 : vector<2048xf32> to vector<2048x1xf32>
    %div3A_12 = arith.constant 3.200000e+01 : f32
    %div3A_13 = vector.broadcast %div3A_12 : f32 to vector<2048x1xf32>
    %div3A_14 = arith.divf %broadcast_in_dim3A, %div3A_13 : vector<2048x1xf32>
    %sub3A = vector.broadcast %div3A_14 : vector<2048x1xf32> to vector<2048x32xf32>
    %sub3A_15 = arith.subf %add3A_10, %sub3A : vector<2048x32xf32>
    %integer_pow3A = arith.mulf %sub3A_15, %sub3A_15 : vector<2048x32xf32>
    %reduce_sum3A_16 = arith.constant dense<0.000000e+00> : vector<2048xf32>
    %reduce_sum3A_17 = vector.multi_reduction <add>, %integer_pow3A, %reduce_sum3A_16 [1] : vector<2048x32xf32> to vector<2048xf32>
    %broadcast_in_dim3A_18 = vector.shape_cast %reduce_sum3A_17 : vector<2048xf32> to vector<2048x1xf32>
    %div3A_19 = arith.constant 3.200000e+01 : f32
    %div3A_20 = vector.broadcast %div3A_19 : f32 to vector<2048x1xf32>
    %div3A_21 = arith.divf %broadcast_in_dim3A_18, %div3A_20 : vector<2048x1xf32>
    %sub3A_22 = vector.broadcast %div3A_14 : vector<2048x1xf32> to vector<2048x32xf32>
    %sub3A_23 = arith.subf %add3A_10, %sub3A_22 : vector<2048x32xf32>
    %add3A_24 = arith.constant 9.99999974E-6 : f32
    %add3A_25 = vector.broadcast %add3A_24 : f32 to vector<2048x1xf32>
    %add3A_26 = arith.addf %div3A_21, %add3A_25 : vector<2048x1xf32>
    %rsqrt3A = math.rsqrt %add3A_26 : vector<2048x1xf32>
    %mul3A = vector.broadcast %rsqrt3A : vector<2048x1xf32> to vector<2048x32xf32>
    %mul3A_27 = arith.mulf %sub3A_23, %mul3A : vector<2048x32xf32>
    %get3A_28 = arith.constant 0 : index
    %get3A_29 = arith.constant 0 : index
    %get3A_30 = vector.load %arg3[%get3A_28, %get3A_29] : memref<1x32xf32, #tpu.memory_space<vmem>>, vector<1x32xf32>
    %mul3A_31 = vector.broadcast %get3A_30 : vector<1x32xf32> to vector<2048x32xf32>
    %mul3A_32 = arith.mulf %mul3A_27, %mul3A_31 : vector<2048x32xf32>
    %get3A_33 = arith.constant 0 : index
    %get3A_34 = arith.constant 0 : index
    %get3A_35 = vector.load %arg4[%get3A_33, %get3A_34] : memref<1x32xf32, #tpu.memory_space<vmem>>, vector<1x32xf32>
    %add3A_36 = vector.broadcast %get3A_35 : vector<1x32xf32> to vector<2048x32xf32>
    %add3A_37 = arith.addf %mul3A_32, %add3A_36 : vector<2048x32xf32>
    %swap3A = arith.constant 0 : index
    %swap3A_38 = arith.constant 0 : index
    %swap3A_39 = vector.load %arg5[%swap3A, %swap3A_38] : memref<2048x32xf32, #tpu.memory_space<vmem>>, vector<2048x32xf32>
    tpu.vector_store %arg5[%swap3A, %swap3A_38], %add3A_37 {strides = array<i32>} : memref<2048x32xf32, #tpu.memory_space<vmem>>, vector<2048x32xf32>,
    return
  }
  func.func @transform_0(%arg0: i32) -> (i32, i32) {
    %c0_i32 = arith.constant 0 : i32
    %c0_i32_0 = arith.constant 0 : i32
    return %arg0, %c0_i32 : i32, i32
  }
  func.func @transform_1(%arg0: i32) -> (i32, i32) {
    %c0_i32 = arith.constant 0 : i32
    %c0_i32_0 = arith.constant 0 : i32
    %c0_i32_1 = arith.constant 0 : i32
    return %c0_i32, %c0_i32_0 : i32, i32
  }
  func.func @transform_2(%arg0: i32) -> (i32, i32) {
    %c0_i32 = arith.constant 0 : i32
    %c0_i32_0 = arith.constant 0 : i32
    %c0_i32_1 = arith.constant 0 : i32
    return %c0_i32, %c0_i32_0 : i32, i32
  }
  func.func @transform_3(%arg0: i32) -> (i32, i32) {
    %c0_i32 = arith.constant 0 : i32
    %c0_i32_0 = arith.constant 0 : i32
    %c0_i32_1 = arith.constant 0 : i32
    return %c0_i32, %c0_i32_0 : i32, i32
  }
  func.func @transform_4(%arg0: i32) -> (i32, i32) {
    %c0_i32 = arith.constant 0 : i32
    %c0_i32_0 = arith.constant 0 : i32
    return %arg0, %c0_i32 : i32, i32
  }
}

</mosaic_0001>

<sc_bundles>
// kernel: kernel.20.cloned.1.call-start
scs
__scs_entry_jumppad:
0x0: {  	(pc) =	sbr.rel $0x88, $3  }
0x1: {  	(tag) =	ssettag $0x0;
	lr =	simm.s32 $0x1  }
0x2: {  	[smem:$0x3F83] =	sst lr;
	_ =	strace $0xD0000000  }
0x3: {  	_ = 	snop  }
0x4: {  	_ = 	snop  }
0x5: {  	_ = 	snop  }
0x6: {  	_ = 	snop  }
0x7: {  	_ = 	snop  }
__scs_overlays_trampoline_lowered:
0x8: {  	[smem:$0x3F92] =	sst s0  }
0x9: {  	[smem:$0x3F93] =	sst s1  }
0xa: {  	[smem:$0x3F94] =	sst s2  }
0xb: {  	[smem:$0x3F95] =	sst s3  }
0xc: {  	[smem:$0x3F96] =	sst s4  }
0xd: {  	[smem:$0x3F97] =	sst s5  }
0xe: {  	[smem:$0x3F98] =	sst s6  }
0xf: {  	[smem:$0x3F99] =	sst s7  }
0x10: {  	[smem:$0x3F9A] =	sst s8  }
0x11: {  	[smem:$0x3F9B] =	sst s9;
	s0 =	simm.s32 @!p0 $0x0  }
0x12: {  	s1 =	sld [smem:$0x3F81];
	s0 =	simm.s32 @p0 $0x1  }
0x13: {  	[smem:$0x3F9C] =	sst s0;
	s0 =	simm.s32 @!p1 $0x0  }
0x14: {  	s2 =	sld [smem:$0x3F80];
	s0 =	simm.s32 @p1 $0x1  }
0x15: {  	[smem:$0x3F9D] =	sst s0;
	s0 =	simm.s32 @!p2 $0x0  }
0x16: {  	s3 =	sld [smem:$0x3FDB];
	s0 =	simm.s32 @p2 $0x1  }
0x17: {  	s4 =	simm.s32 $0x1BF5;
	[smem:$0x3F9F] =	sst s0  }
0x18: {  	s0 =	sld [smem:$0x3F82];
	_ =	swait.ge [sflag:s4], $0x0  }
0x19: {  	s7 =	sld [smem:$0x3F83]  }
0x1a: {  	s8 =	sadd.s32 $0xFFFFE003, lr  }
0x1b: {  	s9 =	sadd.s32 $0xFFFFFEF7, lr;
	s5 =	simm.s32 $0xFFFFFFFF;
	p2 =	slt.u32 s8, $0xFFFFF086  }
0x1c: {  	p1 =	slt.u32 s9, $0xF7A;
	s5 =	simm.s32 @!p2 $0x0  }
0x1d: {  	s5 =	simm.s32 @p1 $0x1;
	p0 =	seq.s32 s7, s2  }
0x1e: {  	s7 =	smul.u32 @!p0 $0xF7A, s2;
	p2 =	seq.s32 @!p0 s5, $0x0  }
0x1f: {  	s9 =	smul.u32 $0xF7A, s1;
	s8 =	simm.s32 @!p0 $0x1BF5;
	p2 =	por !p2, p0  }
0x20: {  	[sflag:s8] =	ssyncset.s32 @!p0 $0xFFFFF086;
	s6 =	sadd.s32 @!p0 s3, s7;
	s7 =	simm.s32 @!p0 $0x108  }
0x21: {  	s3 =	sadd.s32 s3, s9;
	s6 =	sadd.s32 @!p0 $0x88, s6;
	s7 =	simm.s32 @p2 $0x1082  }
0x22: {  	[simem:s7], [sflag:s8] =	dma.local @!p0 [hbm:s6], $0xF7A  }
0x23: {  	s9 =	sor.u32 $0xD0000000, s2;
	s6 =	simm.s32 $0x108;
	_ =	swait.ge @!p0 [sflag:s8], $0x0  }
0x24: {  	s3 =	sadd.s32 $0x88, s3;
	s6 =	simm.s32 @!p1 $0x1082;
	[sflag:s4] =	ssyncset.s32 $0xFFFFF086  }
0x25: {  	[simem:s6], [sflag:s4] =	dma.local [hbm:s3], $0xF7A  }
0x26: {  	[smem:$0x3F83] =	sst s1;
	(tag) =	ssettag s2;
	_ =	strace s9  }
0x27: {  	s1 =	sld [smem:$0x3F93]  }
0x28: {  	s2 =	sld [smem:$0x3F94]  }
0x29: {  	s4 =	sld [smem:$0x3F96]  }
0x2a: {  	p0 =	seq.s32 s5, $0x0;
	s5 =	sld [smem:$0x3F97]  }
0x2b: {  	s6 =	sld [smem:$0x3F98]  }
0x2c: {  	s7 =	sld [smem:$0x3F99]  }
0x2d: {  	s3 =	simm.s32 $0x108;
	s8 =	sld [smem:$0x3F9A]  }
0x2e: {  	s3 =	simm.s32 @!p0 $0x1082;
	s9 =	sld [smem:$0x3F9B]  }
0x2f: {  	lr =	sadd.s32 s0, s3;
	s0 =	sld [smem:$0x3F92]  }
0x30: {  	s3 =	sld [smem:$0x3F95]  }
0x31: {  	[smem:$0x3F9E] =	sst s10  }
0x32: {  	s10 =	sld [smem:$0x3F9C];
	_ =	sdelay $0x3  }
0x33: {  	p0 =	seq.s32 s10, $0x1;
	s10 =	sld [smem:$0x3F9E];
	_ =	sdelay $0x3  }
0x34: {  	[smem:$0x3F9E] =	sst s10  }
0x35: {  	s10 =	sld [smem:$0x3F9D];
	_ =	sdelay $0x3  }
0x36: {  	p1 =	seq.s32 s10, $0x1;
	s10 =	sld [smem:$0x3F9E];
	_ =	sdelay $0x3  }
0x37: {  	[smem:$0x3F9E] =	sst s10  }
0x38: {  	s10 =	sld [smem:$0x3F9F]  }
0x39: {  	_ = 	snop;
	(pc) =	sbr.ind lr, $3  }
0x3a: {  	_ = 	snop  }
0x3b: {  	_ = 	snop  }
0x3c: {  	p2 =	seq.s32 s10, $0x1;
	s10 =	sld [smem:$0x3F9E]  }
0x3d: {  	_ =	shalt  }
0x3e: {  	_ =	shalt  }
0x3f: {  	_ =	shalt  }
0x40: {  	_ =	shalt  }
0x41: {  	_ =	shalt  }
0x42: {  	_ =	shalt  }
0x43: {  	_ =	shalt  }
0x44: {  	_ =	shalt  }
0x45: {  	_ =	shalt  }
0x46: {  	_ =	shalt  }
0x47: {  	_ =	shalt  }
0x48: {  	_ =	shalt  }
0x49: {  	_ =	shalt  }
0x4a: {  	_ =	shalt  }
0x4b: {  	_ =	shalt  }
0x4c: {  	_ =	shalt  }
0x4d: {  	_ =	shalt  }
0x4e: {  	_ =	shalt  }
0x4f: {  	_ =	shalt  }
0x50: {  	_ =	shalt  }
0x51: {  	_ =	shalt  }
0x52: {  	_ =	shalt  }
0x53: {  	_ =	shalt  }
0x54: {  	_ =	shalt  }
0x55: {  	_ =	shalt  }
0x56: {  	_ =	shalt  }
0x57: {  	_ =	shalt  }
0x58: {  	_ =	shalt  }
0x59: {  	_ =	shalt  }
0x5a: {  	_ =	shalt  }
0x5b: {  	_ =	shalt  }
0x5c: {  	_ =	shalt  }
0x5d: {  	_ =	shalt  }
0x5e: {  	_ =	shalt  }
0x5f: {  	_ =	shalt  }
0x60: {  	_ =	shalt  }
0x61: {  	_ =	shalt  }
0x62: {  	_ =	shalt  }
0x63: {  	_ =	shalt  }
0x64: {  	_ =	shalt  }
0x65: {  	_ =	shalt  }
0x66: {  	_ =	shalt  }
0x67: {  	_ =	shalt  }
0x68: {  	_ =	shalt  }
0x69: {  	_ =	shalt  }
0x6a: {  	_ =	shalt  }
0x6b: {  	_ =	shalt  }
0x6c: {  	_ =	shalt  }
0x6d: {  	_ =	shalt  }
0x6e: {  	_ =	shalt  }
0x6f: {  	_ =	shalt  }
0x70: {  	_ =	shalt  }
0x71: {  	_ =	shalt  }
0x72: {  	_ =	shalt  }
0x73: {  	_ =	shalt  }
0x74: {  	_ =	shalt  }
0x75: {  	_ =	shalt  }
0x76: {  	_ =	shalt  }
0x77: {  	_ =	shalt  }
0x78: {  	_ =	shalt  }
0x79: {  	_ =	shalt  }
0x7a: {  	_ =	shalt  }
0x7b: {  	_ =	shalt  }
0x7c: {  	_ =	shalt  }
0x7d: {  	_ =	shalt  }
0x7e: {  	_ =	shalt  }
0x7f: {  	_ =	shalt  }
0x80: {  	_ =	shalt  }
0x81: {  	_ =	shalt  }
0x82: {  	_ =	shalt  }
0x83: {  	_ =	shalt  }
0x84: {  	_ =	shalt  }
0x85: {  	_ =	shalt  }
0x86: {  	_ =	shalt  }
0x87: {  	_ =	shalt  }
.Lfunc_end0:
.L_simem_size_0:
called_computation.3_lowered:
.L_overlay_start_0:
0x88: {  	s2 =	sld [smem:$0x3FD9]  }
0x89: {  	s3 =	sld [smem:$0x3FFE];
	_ =	sdelay $0x1  }
0x8a: {  	s1 =	srdreg.scid  }
0x8b: {  	s0 =	sand.u32 $0x1, s1  }
0x8c: {  	s17 =	sshll.u32 s0, $0xA;
	s2 =	sadd.s32 s3, s2  }
0x8d: {  	s2 =	sadd.s32 s2, s17  }
0x8e: {  	[smem:$0x3FAA] =	sst s2  }
0x8f: {  	_ = 	snop  }
0x90: {  	(tm) =	ssettm $0x1  }
0x91: {  	s18 =	sld [smem:$0x3FFB];
	_ =	sdelay $0x3  }
0x92: {  	_ =	strace s18  }
0x93: {  	s2 =	sld [smem:$0x3FFC];
	_ =	sdelay $0x3  }
0x94: {  	_ =	strace s2  }
0x95: {  	s2 =	sld [smem:$0x3FFD];
	_ =	sdelay $0x3  }
0x96: {  	_ =	strace s2  }
0x97: {  	_ =	strace $0x8FFFFFFF  }
0x98: {  	s19 =	sld [smem:$0x3FDB];
	_ =	sdelay $0x1  }
0x99: {  	s20 =	simm.s32 $_scs_section_size  }
0x9a: {  	s4 =	simm.s32 $_size__tile_overlayer_lowered;
	s5 =	simm.s32 $_tile_overlayer_lowered  }
0x9b: {  	s6 =	simm.s32 $0x1BFF;
	s21 =	sshll.u32 s5, $0x1;
	s3 =	sadd.s32 s20, s19  }
0x9c: {  	s22 =	simm.s32 $0x0;
	s4 =	sshll.u32 s4, $0x1;
	s5 =	sadd.s32 s21, s3  }
0x9d: {  	[timem:s22], [sflag:s6] =	dma.local [hbm:s5], s4  }
0x9e: {  	_ =	swait.ge [sflag:s6], s4  }
0x9f: {  	s4 =	ssub.s32 $0x0, s4;
	[sflag:s6] =	ssyncset.done $0x0  }
0xa0: {  	[sflag:s6] =	ssyncadd.s32 s4;
	_ =	sdelay $0x1  }
0xa1: {  	s23 =	simm.s32 $0x1B8B  }
0xa2: {  	_ =	swait.ge [sflag:s23], $0x1  }
0xa3: {  	[sflag:s23] =	ssyncset.done $0x0  }
0xa4: {  	[sflag:s23] =	ssyncadd.s32 $0xFFFFFFFF  }
0xa5: {  	s4 =	sld [smem:$0x0]  }
0xa6: {  	s5 =	sand.u32 $0xFFFFFFFE, s1  }
0xa7: {  	p0 =	sne.s32 s1, s5  }
0xa8: {  	s5 =	sshll.u32 @p0 s5, $0xE  }
0xa9: {  	s5 =	sadd.s32 @p0 $0x11B8D, s5;
	s6 =	sshll.u32 @p0 s4, $0x11  }
0xaa: {  	s5 =	sor.u32 @p0 s6, s5  }
0xab: {  	[sflag:s5] =	ssyncadd.remote.s32 @p0 $0x1;
	_ =	sdelay $0x1  }
0xac: {  	s5 =	simm.s32 @p0 $0x1B8D  }
0xad: {  	_ =	swait.eq @p0 [sflag:s5], $0x1  }
0xae: {  	[sflag:s5] =	ssyncadd.s32 @p0 $0xFFFFFFFF  }
0xaf: {  	s6 =	sshll.u32 @!p0 s1, $0xE  }
0xb0: {  	s6 =	sor.u32 @!p0 $0x4000, s6;
	s5 =	simm.s32 @!p0 $0x1B8D  }
0xb1: {  	s4 =	sshll.u32 @!p0 s4, $0x11;
	s6 =	sadd.s32 @!p0 $0x11B8D, s6;
	_ =	swait.eq @!p0 [sflag:s5], $0x1  }
0xb2: {  	s4 =	sor.u32 @!p0 s4, s6;
	[sflag:s5] =	ssyncadd.s32 @!p0 $0xFFFFFFFF  }
0xb3: {  	s25 =	simm.s32 $0x1B8E;
	s24 =	sld [smem:$0x3FFE];
	[sflag:s4] =	ssyncadd.remote.s32 @!p0 $0x1  }
0xb4: {  	s26 =	simm.s32 $execute0_lowered;
	[smem:$0x3FD2] =	sst s25  }
0xb5: {  	s5 =	sshll.u32 s26, $0x1;
	_ =	strace $0x80000049;
	[dreg:$0x1] =	wrdreg $0xFFFFFFFF  }
0xb6: {  	s28 =	simm.s32 $_size_execute0_lowered;
	s3 =	sadd.s32 s3, s5;
	[dreg:$0x0] =	wrdreg $0x0  }
0xb7: {  	s5 =	sshll.u32 s28, $0x1;
	[dreg:$0x2] =	wrdreg s3  }
0xb8: {  	[dreg:$0x3] =	wrdreg s5  }
0xb9: {  	[dreg:$0x4] =	wrdreg $0xC0  }
0xba: {  	_ =	task [dreg:s22], $0x5FFFF  }
0xbb: {  	[dreg:$0x1] =	wrdreg $0xFFFFFFFF  }
0xbc: {  	[dreg:$0x0] =	wrdreg $0x60  }
0xbd: {  	[dreg:$0x2] =	wrdreg s24  }
0xbe: {  	[dreg:$0x3] =	wrdreg $0x9  }
0xbf: {  	_ =	task.clear_ibuf [dreg:s22], $0x4FFFF;
	_ =	strace $0x90000049  }
0xc0: {  	s29 =	simm.s32 $0x9;
	_ =	strace $0x8000004B  }
0xc1: {  	_ =	swait.ge [sflag:s29], $0x1  }
0xc2: {  	[sflag:s29] =	ssyncadd.s32 $0xFFFFFFFF  }
0xc3: {  	_ =	strace $0x9000004B  }
0xc4: {  	_ =	sfence  }
0xc5: {  	s30 =	sld [smem:$0x0];
	_ =	sdelay $0x2  }
0xc6: {  	s31 =	sshll.u32 s1, $0xD;
	s1 =	sshrl.u32 s1, $0x2  }
0xc7: {  	s4 =	sand.u32 $0x4000, s31;
	s1 =	sadd.s32 s1, s30  }
0xc8: {  	s0 =	sor.u32 s4, s0;
	s1 =	sshll.u32 s1, $0x11  }
0xc9: {  	s0 =	sor.u32 s1, s0  }
0xca: {  	s0 =	sadd.s32 $0x8F2B, s0  }
0xcb: {  	[sflag:s0] =	ssyncadd.remote.s32 $0x1  }
0xcc: {  	_ =	sfence.sel $0xFFFF  }
0xcd: {  	[dreg:$0x0] =	wrdreg $0xFFFFFFFF;
	(pc) =	sbr.abs _section_cstart, $3  }
0xce: {  	[dreg:$0x1] =	wrdreg $0xFFFFFFFF  }
0xcf: {  	_ =	task.clear_ibuf [dreg:s22], $0x2FFFF;
	_ =	strace $0x9FFFFFFF  }
0xd0: {  	(tm) =	ssettm $0x7FFFFFFF  }
0xd1: {  	_ =	shalt  }
tec
execute0_lowered:
.L_overlay_start_1:
0x0: {  	(tag) =	ssettag $0x1  }
0x1: {  	s4 =	rddreg [dreg:$0x0]  }
0x2: {  	s0 =	rddreg [dreg:$0x1];
	s2 =	simm.s32 $0x0;
	s1 =	stileid.u32  }
0x3: {  	s3 =	srdreg.scid;
	s12 =	simm.s32 $0x1;
	s13 =	simm.s32 $0x2  }
0x4: {  	s14 =	simm.s32 $0x0;
	[smem:$0x7FF] =	sst s2;
	s5 =	smul.u32 $0xC4000, s1  }
0x5: {  	s6 =	sand.u32 $0x1, s3;
	s7 =	smul.u32 $0xC400, s1;
	s3 =	sadd.s32 $0x1E200, s4  }
0x6: {  	s10 =	sadd.s32 $0x5A00, s4;
	s8 =	ssub.s32 $0x2, s6;
	s9 =	smul.u32 $0x6200, s6  }
0x7: {  	_ =	strace $0x8000004A;
	s6 =	smul.u32 $0x62000, s6;
	s11 =	sshrl.u32 s8, $0x1  }
0x8: {  	s5 =	sadd.s32 s5, s4;
	s29 =	ssub.s32 s8, s11;
	s7 =	sadd.s32 s9, s7  }
0x9: {  	s5 =	sadd.s32 s6, s5;
	s8 =	simm.s32 $0x3;
	s9 =	simm.s32 $0x80  }
0xa: {  	s11 =	simm.s32 $0x4100;
	s4 =	smax.u32 s29, $0x1;
	s30 =	sor.u32 $0x80, s7  }
0xb: {  	s5 =	sadd.s32 $0xD21800, s5;
	s7 =	sshrl.u32 s7, $0x3;
	s31 =	sshrl.u32 s30, $0x3  }
0xc: {  	s6 =	sadd.s32 s7, s10;
	s7 =	sadd.s32 s31, s10;
	s10 =	simm.s32 $0x100  }
.LBB2_1:
0xd: {  	s15 =	sadd.s32 $0x0, s6  }
0xe: {  	[tilespmem:s2], [sflag:$0x3] =	stream.linear.gather [hbm4b:s15+s2], $0x80, $0x38;
	[tilespmem:$0x8100] =	vst v63  }
0xf: {  	_ =	swait.ge [sflag:s8], $0x80  }
0x10: {  	[sflag:s8] =	ssyncset.done $0x0  }
0x11: {  	[sflag:s8] =	ssyncadd.s32 $0xFFFFFF80  }
0x12: {  	[tilespmem:s10], [sflag:$0x1] =	stream.indirect.gather [hbm4b:s3+s9], $0x80, s2, s9, $0xb8;
	[tilespmem:$0x8100] =	vst v63  }
0x13: {  	s30 =	sadd.s32 $0x0, s7  }
0x14: {  	[tilespmem:s9], [sflag:$0x3] =	stream.linear.gather [hbm4b:s30+s2], $0x80, $0x38;
	[tilespmem:$0x8100] =	vst v63  }
0x15: {  	_ =	swait.ge [sflag:s8], $0x80  }
0x16: {  	[sflag:s8] =	ssyncset.done $0x0  }
0x17: {  	[sflag:s8] =	ssyncadd.s32 $0xFFFFFF80  }
0x18: {  	[tilespmem:s11], [sflag:$0x1] =	stream.indirect.gather [hbm4b:s3+s9], $0x80, s9, s9, $0xb8;
	[tilespmem:$0x8100] =	vst v63  }
0x19: {  	_ =	swait.ge [sflag:s12], $0x4000  }
0x1a: {  	[sflag:s12] =	ssyncset.done $0x0  }
0x1b: {  	[sflag:s12] =	ssyncadd.s32 $0xFFFFC000  }
0x1c: {  	[hbm4b:s5+s2] =	stream.linear.scatter [tilespmem:s10], [sflag:$0x2], $0x4000, $0x38;
	[tilespmem:$0x8100] =	vst v63  }
0x1d: {  	_ =	swait.ge [sflag:s12], $0x4000  }
0x1e: {  	[sflag:s12] =	ssyncset.done $0x0  }
0x1f: {  	s31 =	sadd.s32 $0x800, s5;
	[sflag:s12] =	ssyncadd.s32 $0xFFFFC000  }
0x20: {  	[hbm4b:s31+s2] =	stream.linear.scatter [tilespmem:s11], [sflag:$0x2], $0x4000, $0x38;
	[tilespmem:$0x8100] =	vst v63  }
0x21: {  	_ =	swait.ge [sflag:s13], $0x4000  }
0x22: {  	[sflag:s13] =	ssyncset.done $0x0  }
0x23: {  	[sflag:s13] =	ssyncadd.s32 $0xFFFFC000  }
0x24: {  	s16 =	simm.s32 $0x20;
	_ =	swait.ge [sflag:s13], $0x4000  }
0x25: {  	s17 =	simm.s32 $0x40;
	s15 =	sadd.s32 $0x1000, s5;
	[sflag:s13] =	ssyncset.done $0x0  }
.LBB2_2:
0x26: {  	s18 =	sadd.s32 s16, s6  }
0x27: {  	[sflag:s13] =	ssyncadd.s32 $0xFFFFC000;
	s19 =	smov.u32 s17;
	s20 =	sadd.s32 $0x20, s17  }
0x28: {  	[tilespmem:s2], [sflag:$0x3] =	stream.linear.gather [hbm4b:s18+s2], $0x80, $0x38;
	[tilespmem:$0x8100] =	vst v63  }
0x29: {  	p0 =	sne.s32 s17, $0xC20;
	_ =	swait.ge [sflag:s8], $0x80  }
0x2a: {  	[sflag:s8] =	ssyncset.done $0x0  }
0x2b: {  	[sflag:s8] =	ssyncadd.s32 $0xFFFFFF80  }
0x2c: {  	[tilespmem:s10], [sflag:$0x1] =	stream.indirect.gather [hbm4b:s3+s9], $0x80, s2, s9, $0xb8;
	[tilespmem:$0x8100] =	vst v63  }
0x2d: {  	s17 =	sadd.s32 s16, s7;
	s16 =	smov.u32 s19  }
0x2e: {  	[tilespmem:s9], [sflag:$0x3] =	stream.linear.gather [hbm4b:s17+s2], $0x80, $0x38;
	[tilespmem:$0x8100] =	vst v63  }
0x2f: {  	_ =	swait.ge [sflag:s8], $0x80  }
0x30: {  	[sflag:s8] =	ssyncset.done $0x0  }
0x31: {  	[sflag:s8] =	ssyncadd.s32 $0xFFFFFF80  }
0x32: {  	[tilespmem:s11], [sflag:$0x1] =	stream.indirect.gather [hbm4b:s3+s9], $0x80, s9, s9, $0xb8;
	[tilespmem:$0x8100] =	vst v63  }
0x33: {  	_ =	swait.ge [sflag:s12], $0x4000  }
0x34: {  	[sflag:s12] =	ssyncset.done $0x0  }
0x35: {  	[sflag:s12] =	ssyncadd.s32 $0xFFFFC000  }
0x36: {  	[hbm4b:s15+s2] =	stream.linear.scatter [tilespmem:s10], [sflag:$0x2], $0x4000, $0x38;
	[tilespmem:$0x8100] =	vst v63  }
0x37: {  	_ =	swait.ge [sflag:s12], $0x4000  }
0x38: {  	[sflag:s12] =	ssyncset.done $0x0  }
0x39: {  	s17 =	sadd.s32 $0x800, s15;
	[sflag:s12] =	ssyncadd.s32 $0xFFFFC000  }
0x3a: {  	[hbm4b:s17+s2] =	stream.linear.scatter [tilespmem:s11], [sflag:$0x2], $0x4000, $0x38;
	[tilespmem:$0x8100] =	vst v63  }
.Ltmp0:
0x3b: {  	_ =	swait.ge [sflag:s13], $0x4000;
	(pc) =	sbr.rel @p0 .LBB2_2-.Ltmp0, $4  }
0x3c: {  	[sflag:s13] =	ssyncset.done $0x0  }
0x3d: {  	[sflag:s13] =	ssyncadd.s32 $0xFFFFC000  }
0x3e: {  	_ =	swait.ge [sflag:s13], $0x4000  }
0x3f: {  	s15 =	sadd.s32 $0x1000, s15;
	s17 =	smov.u32 s20;
	[sflag:s13] =	ssyncset.done $0x0  }
0x40: {  	s17 =	sadd.s32 s16, s6;
	[sflag:s13] =	ssyncadd.s32 $0xFFFFC000  }
0x41: {  	[tilespmem:s2], [sflag:$0x3] =	stream.linear.gather [hbm4b:s17+s2], $0x80, $0x38;
	[tilespmem:$0x8100] =	vst v63  }
0x42: {  	_ =	swait.ge [sflag:s8], $0x80  }
0x43: {  	[sflag:s8] =	ssyncset.done $0x0  }
0x44: {  	[sflag:s8] =	ssyncadd.s32 $0xFFFFFF80  }
0x45: {  	[tilespmem:s10], [sflag:$0x1] =	stream.indirect.gather [hbm4b:s3+s9], $0x80, s2, s9, $0xb8;
	[tilespmem:$0x8100] =	vst v63  }
0x46: {  	s30 =	sadd.s32 s16, s7  }
0x47: {  	[tilespmem:s9], [sflag:$0x3] =	stream.linear.gather [hbm4b:s30+s2], $0x80, $0x38;
	[tilespmem:$0x8100] =	vst v63  }
0x48: {  	_ =	swait.ge [sflag:s8], $0x80  }
0x49: {  	[sflag:s8] =	ssyncset.done $0x0  }
0x4a: {  	[sflag:s8] =	ssyncadd.s32 $0xFFFFFF80  }
0x4b: {  	[tilespmem:s11], [sflag:$0x1] =	stream.indirect.gather [hbm4b:s3+s9], $0x80, s9, s9, $0xb8;
	[tilespmem:$0x8100] =	vst v63  }
0x4c: {  	_ =	swait.ge [sflag:s12], $0x4000  }
0x4d: {  	[sflag:s12] =	ssyncset.done $0x0  }
0x4e: {  	[sflag:s12] =	ssyncadd.s32 $0xFFFFC000  }
0x4f: {  	[hbm4b:s15+s2] =	stream.linear.scatter [tilespmem:s10], [sflag:$0x2], $0x4000, $0x38;
	[tilespmem:$0x8100] =	vst v63  }
0x50: {  	_ =	swait.ge [sflag:s12], $0x4000  }
0x51: {  	[sflag:s12] =	ssyncset.done $0x0  }
0x52: {  	s31 =	sadd.s32 $0x800, s15;
	s14 =	sadd.s32 $0x1, s14;
	[sflag:s12] =	ssyncadd.s32 $0xFFFFC000  }
0x53: {  	[hbm4b:s31+s2] =	stream.linear.scatter [tilespmem:s11], [sflag:$0x2], $0x4000, $0x38;
	[tilespmem:$0x8100] =	vst v63  }
0x54: {  	p0 =	sne.s32 s14, s4;
	_ =	swait.ge [sflag:s13], $0x4000  }
.Ltmp1:
0x55: {  	[sflag:s13] =	ssyncset.done $0x0;
	(pc) =	sbr.rel @p0 .LBB2_1-.Ltmp1, $4  }
0x56: {  	[sflag:s13] =	ssyncadd.s32 $0xFFFFC000  }
0x57: {  	_ =	swait.ge [sflag:s13], $0x4000  }
0x58: {  	[sflag:s13] =	ssyncset.done $0x0  }
0x59: {  	[sflag:s13] =	ssyncadd.s32 $0xFFFFC000  }
0x5a: {  	_ =	sfence.sel $0x180000  }
0x5b: {  	[bflag:$0x0] =	sbarrier.arrive $0xFFFF  }
0x5c: {  	p0 =	sne.s32 s1, $0x0;
	_ =	strace $0x9000004A  }
0x5d: {  	s0 =	sadd.s32 @!p0 $0x100000, s0;
	[bflag:$0x2] =	sbarrier.arrive $0xFFFF  }
0x5e: {  	[sflag:s0] =	ssyncadd.tile.s32 @!p0 $0x1;
	_ =	shalt  }
.Lfunc_end2:
_tile_overlayer_lowered:
.L_overlay_start_2:
0x5f: {  	(tag) =	ssettag $0x2  }
0x60: {  	s0 =	rddreg [dreg:$0x0];
	s2 =	stileid.u32  }
0x61: {  	s1 =	rddreg [dreg:$0x1];
	p0 =	sne.s32 s2, $0x0  }
0x62: {  	s3 =	rddreg [dreg:$0x2];
	[bflag:$0x3] =	sbarrier.arrive $0xFFFF;
	s2 =	simm.s32 @!p0 $0x1C03  }
0x63: {  	[timem:s3], [sflag:s2] =	dma.local @!p0 [hbm:s0], s1  }
0x64: {  	s0 =	simm.s32 @!p0 $0x3  }
0x65: {  	_ =	swait.ge @!p0 [sflag:s0], s1  }
0x66: {  	s1 =	ssub.s32 @!p0 $0x0, s1;
	[sflag:s0] =	ssyncset.done @!p0 $0x0  }
0x67: {  	[sflag:s0] =	ssyncadd.s32 @!p0 s1  }
0x68: {  	[bflag:$0x3] =	sbarrier.arrive $0xFFFF  }
0x69: {  	_ =	shalt  }

// kernel: kernel.23.cloned.1.call-start
scs
__scs_entry_jumppad:
0x0: {  	(pc) =	sbr.rel $0x88, $3  }
0x1: {  	(tag) =	ssettag $0x0;
	lr =	simm.s32 $0x1  }
0x2: {  	[smem:$0x3F83] =	sst lr;
	_ =	strace $0xD0000000  }
0x3: {  	_ = 	snop  }
0x4: {  	_ = 	snop  }
0x5: {  	_ = 	snop  }
0x6: {  	_ = 	snop  }
0x7: {  	_ = 	snop  }
__scs_overlays_trampoline_lowered:
0x8: {  	[smem:$0x3F92] =	sst s0  }
0x9: {  	[smem:$0x3F93] =	sst s1  }
0xa: {  	[smem:$0x3F94] =	sst s2  }
0xb: {  	[smem:$0x3F95] =	sst s3  }
0xc: {  	[smem:$0x3F96] =	sst s4  }
0xd: {  	[smem:$0x3F97] =	sst s5  }
0xe: {  	[smem:$0x3F98] =	sst s6  }
0xf: {  	[smem:$0x3F99] =	sst s7  }
0x10: {  	[smem:$0x3F9A] =	sst s8  }
0x11: {  	[smem:$0x3F9B] =	sst s9;
	s0 =	simm.s32 @!p0 $0x0  }
0x12: {  	s1 =	sld [smem:$0x3F81];
	s0 =	simm.s32 @p0 $0x1  }
0x13: {  	[smem:$0x3F9C] =	sst s0;
	s0 =	simm.s32 @!p1 $0x0  }
0x14: {  	s2 =	sld [smem:$0x3F80];
	s0 =	simm.s32 @p1 $0x1  }
0x15: {  	[smem:$0x3F9D] =	sst s0;
	s0 =	simm.s32 @!p2 $0x0  }
0x16: {  	s3 =	sld [smem:$0x3FDB];
	s0 =	simm.s32 @p2 $0x1  }
0x17: {  	s4 =	simm.s32 $0x1BF5;
	[smem:$0x3F9F] =	sst s0  }
0x18: {  	s0 =	sld [smem:$0x3F82];
	_ =	swait.ge [sflag:s4], $0x0  }
0x19: {  	s7 =	sld [smem:$0x3F83]  }
0x1a: {  	s8 =	sadd.s32 $0xFFFFE003, lr  }
0x1b: {  	s9 =	sadd.s32 $0xFFFFFEF7, lr;
	s5 =	simm.s32 $0xFFFFFFFF;
	p2 =	slt.u32 s8, $0xFFFFF086  }
0x1c: {  	p1 =	slt.u32 s9, $0xF7A;
	s5 =	simm.s32 @!p2 $0x0  }
0x1d: {  	s5 =	simm.s32 @p1 $0x1;
	p0 =	seq.s32 s7, s2  }
0x1e: {  	s7 =	smul.u32 @!p0 $0xF7A, s2;
	p2 =	seq.s32 @!p0 s5, $0x0  }
0x1f: {  	s9 =	smul.u32 $0xF7A, s1;
	s8 =	simm.s32 @!p0 $0x1BF5;
	p2 =	por !p2, p0  }
0x20: {  	[sflag:s8] =	ssyncset.s32 @!p0 $0xFFFFF086;
	s6 =	sadd.s32 @!p0 s3, s7;
	s7 =	simm.s32 @!p0 $0x108  }
0x21: {  	s3 =	sadd.s32 s3, s9;
	s6 =	sadd.s32 @!p0 $0x88, s6;
	s7 =	simm.s32 @p2 $0x1082  }
0x22: {  	[simem:s7], [sflag:s8] =	dma.local @!p0 [hbm:s6], $0xF7A  }
0x23: {  	s9 =	sor.u32 $0xD0000000, s2;
	s6 =	simm.s32 $0x108;
	_ =	swait.ge @!p0 [sflag:s8], $0x0  }
0x24: {  	s3 =	sadd.s32 $0x88, s3;
	s6 =	simm.s32 @!p1 $0x1082;
	[sflag:s4] =	ssyncset.s32 $0xFFFFF086  }
0x25: {  	[simem:s6], [sflag:s4] =	dma.local [hbm:s3], $0xF7A  }
0x26: {  	[smem:$0x3F83] =	sst s1;
	(tag) =	ssettag s2;
	_ =	strace s9  }
0x27: {  	s1 =	sld [smem:$0x3F93]  }
0x28: {  	s2 =	sld [smem:$0x3F94]  }
0x29: {  	s4 =	sld [smem:$0x3F96]  }
0x2a: {  	p0 =	seq.s32 s5, $0x0;
	s5 =	sld [smem:$0x3F97]  }
0x2b: {  	s6 =	sld [smem:$0x3F98]  }
0x2c: {  	s7 =	sld [smem:$0x3F99]  }
0x2d: {  	s3 =	simm.s32 $0x108;
	s8 =	sld [smem:$0x3F9A]  }
0x2e: {  	s3 =	simm.s32 @!p0 $0x1082;
	s9 =	sld [smem:$0x3F9B]  }
0x2f: {  	lr =	sadd.s32 s0, s3;
	s0 =	sld [smem:$0x3F92]  }
0x30: {  	s3 =	sld [smem:$0x3F95]  }
0x31: {  	[smem:$0x3F9E] =	sst s10  }
0x32: {  	s10 =	sld [smem:$0x3F9C];
	_ =	sdelay $0x3  }
0x33: {  	p0 =	seq.s32 s10, $0x1;
	s10 =	sld [smem:$0x3F9E];
	_ =	sdelay $0x3  }
0x34: {  	[smem:$0x3F9E] =	sst s10  }
0x35: {  	s10 =	sld [smem:$0x3F9D];
	_ =	sdelay $0x3  }
0x36: {  	p1 =	seq.s32 s10, $0x1;
	s10 =	sld [smem:$0x3F9E];
	_ =	sdelay $0x3  }
0x37: {  	[smem:$0x3F9E] =	sst s10  }
0x38: {  	s10 =	sld [smem:$0x3F9F]  }
0x39: {  	_ = 	snop;
	(pc) =	sbr.ind lr, $3  }
0x3a: {  	_ = 	snop  }
0x3b: {  	_ = 	snop  }
0x3c: {  	p2 =	seq.s32 s10, $0x1;
	s10 =	sld [smem:$0x3F9E]  }
0x3d: {  	_ =	shalt  }
0x3e: {  	_ =	shalt  }
0x3f: {  	_ =	shalt  }
0x40: {  	_ =	shalt  }
0x41: {  	_ =	shalt  }
0x42: {  	_ =	shalt  }
0x43: {  	_ =	shalt  }
0x44: {  	_ =	shalt  }
0x45: {  	_ =	shalt  }
0x46: {  	_ =	shalt  }
0x47: {  	_ =	shalt  }
0x48: {  	_ =	shalt  }
0x49: {  	_ =	shalt  }
0x4a: {  	_ =	shalt  }
0x4b: {  	_ =	shalt  }
0x4c: {  	_ =	shalt  }
0x4d: {  	_ =	shalt  }
0x4e: {  	_ =	shalt  }
0x4f: {  	_ =	shalt  }
0x50: {  	_ =	shalt  }
0x51: {  	_ =	shalt  }
0x52: {  	_ =	shalt  }
0x53: {  	_ =	shalt  }
0x54: {  	_ =	shalt  }
0x55: {  	_ =	shalt  }
0x56: {  	_ =	shalt  }
0x57: {  	_ =	shalt  }
0x58: {  	_ =	shalt  }
0x59: {  	_ =	shalt  }
0x5a: {  	_ =	shalt  }
0x5b: {  	_ =	shalt  }
0x5c: {  	_ =	shalt  }
0x5d: {  	_ =	shalt  }
0x5e: {  	_ =	shalt  }
0x5f: {  	_ =	shalt  }
0x60: {  	_ =	shalt  }
0x61: {  	_ =	shalt  }
0x62: {  	_ =	shalt  }
0x63: {  	_ =	shalt  }
0x64: {  	_ =	shalt  }
0x65: {  	_ =	shalt  }
0x66: {  	_ =	shalt  }
0x67: {  	_ =	shalt  }
0x68: {  	_ =	shalt  }
0x69: {  	_ =	shalt  }
0x6a: {  	_ =	shalt  }
0x6b: {  	_ =	shalt  }
0x6c: {  	_ =	shalt  }
0x6d: {  	_ =	shalt  }
0x6e: {  	_ =	shalt  }
0x6f: {  	_ =	shalt  }
0x70: {  	_ =	shalt  }
0x71: {  	_ =	shalt  }
0x72: {  	_ =	shalt  }
0x73: {  	_ =	shalt  }
0x74: {  	_ =	shalt  }
0x75: {  	_ =	shalt  }
0x76: {  	_ =	shalt  }
0x77: {  	_ =	shalt  }
0x78: {  	_ =	shalt  }
0x79: {  	_ =	shalt  }
0x7a: {  	_ =	shalt  }
0x7b: {  	_ =	shalt  }
0x7c: {  	_ =	shalt  }
0x7d: {  	_ =	shalt  }
0x7e: {  	_ =	shalt  }
0x7f: {  	_ =	shalt  }
0x80: {  	_ =	shalt  }
0x81: {  	_ =	shalt  }
0x82: {  	_ =	shalt  }
0x83: {  	_ =	shalt  }
0x84: {  	_ =	shalt  }
0x85: {  	_ =	shalt  }
0x86: {  	_ =	shalt  }
0x87: {  	_ =	shalt  }
.Lfunc_end0:
.L_simem_size_0:
called_computation.4_lowered:
.L_overlay_start_0:
0x88: {  	s2 =	sld [smem:$0x3FD9]  }
0x89: {  	s3 =	sld [smem:$0x3FFE];
	_ =	sdelay $0x1  }
0x8a: {  	s1 =	srdreg.scid  }
0x8b: {  	s0 =	sand.u32 $0x1, s1  }
0x8c: {  	s17 =	sshll.u32 s0, $0xA;
	s2 =	sadd.s32 s3, s2  }
0x8d: {  	s2 =	sadd.s32 s2, s17  }
0x8e: {  	[smem:$0x3FAA] =	sst s2  }
0x8f: {  	_ = 	snop  }
0x90: {  	s2 =	sld [smem:$0x3FD0];
	(tm) =	ssettm $0x1  }
0x91: {  	s18 =	sld [smem:$0x3FFB];
	_ =	sdelay $0x3  }
0x92: {  	_ =	strace s18  }
0x93: {  	s3 =	sld [smem:$0x3FFC];
	_ =	sdelay $0x3  }
0x94: {  	_ =	strace s3  }
0x95: {  	s3 =	sld [smem:$0x3FFD];
	_ =	sdelay $0x3  }
0x96: {  	_ =	strace s3  }
0x97: {  	_ =	strace $0x8FFFFFFF  }
0x98: {  	s19 =	sld [smem:$0x3FDB];
	_ =	sdelay $0x1  }
0x99: {  	s4 =	simm.s32 $_scs_section_size  }
0x9a: {  	s5 =	simm.s32 $_size__tile_overlayer_lowered;
	s6 =	simm.s32 $_tile_overlayer_lowered  }
0x9b: {  	s22 =	simm.s32 $0x1BFF;
	s21 =	sshll.u32 s6, $0x1;
	s3 =	sadd.s32 s4, s19  }
0x9c: {  	s7 =	simm.s32 $0x0;
	s20 =	sshll.u32 s5, $0x1;
	s5 =	sadd.s32 s21, s3  }
0x9d: {  	[timem:s7], [sflag:s22] =	dma.local [hbm:s5], s20  }
0x9e: {  	_ =	swait.ge [sflag:s22], s20  }
0x9f: {  	s4 =	ssub.s32 $0x0, s20;
	[sflag:s22] =	ssyncset.done $0x0  }
0xa0: {  	[sflag:s22] =	ssyncadd.s32 s4;
	_ =	sdelay $0x1  }
0xa1: {  	s23 =	simm.s32 $0x1B8B  }
0xa2: {  	_ =	swait.ge [sflag:s23], $0x1  }
0xa3: {  	[sflag:s23] =	ssyncset.done $0x0  }
0xa4: {  	s25 =	simm.s32 $0x1B8E;
	s24 =	sld [smem:$0x3FFE];
	[sflag:s23] =	ssyncadd.s32 $0xFFFFFFFF  }
0xa5: {  	s26 =	simm.s32 $execute0_lowered;
	[smem:$0x3FD2] =	sst s25  }
0xa6: {  	s5 =	sshll.u32 s26, $0x1;
	_ =	strace $0x80000046;
	[dreg:$0x1] =	wrdreg $0xFFFFFFFF  }
0xa7: {  	s28 =	simm.s32 $_size_execute0_lowered;
	s3 =	sadd.s32 s3, s5;
	[dreg:$0x0] =	wrdreg $0x0  }
0xa8: {  	s5 =	sshll.u32 s28, $0x1;
	[dreg:$0x2] =	wrdreg s3  }
0xa9: {  	[dreg:$0x3] =	wrdreg s5  }
0xaa: {  	[dreg:$0x4] =	wrdreg $0xC0  }
0xab: {  	_ =	task [dreg:s7], $0x5FFFF  }
0xac: {  	[dreg:$0x1] =	wrdreg $0xFFFFFFFF  }
0xad: {  	[dreg:$0x0] =	wrdreg $0x60  }
0xae: {  	[dreg:$0x2] =	wrdreg s24  }
0xaf: {  	[dreg:$0x3] =	wrdreg s2  }
0xb0: {  	[dreg:$0x4] =	wrdreg $0xA  }
0xb1: {  	_ =	task.clear_ibuf [dreg:s7], $0x5FFFF;
	_ =	strace $0x90000046  }
0xb2: {  	s29 =	simm.s32 $0xA;
	_ =	strace $0x80000048  }
0xb3: {  	_ =	swait.ge [sflag:s29], $0x1  }
0xb4: {  	[sflag:s29] =	ssyncadd.s32 $0xFFFFFFFF  }
0xb5: {  	_ =	strace $0x90000048  }
0xb6: {  	_ =	sfence  }
0xb7: {  	s30 =	sld [smem:$0x0];
	_ =	sdelay $0x2  }
0xb8: {  	s31 =	sshll.u32 s1, $0xD;
	s1 =	sshrl.u32 s1, $0x2  }
0xb9: {  	s3 =	sand.u32 $0x4000, s31;
	s1 =	sadd.s32 s1, s30  }
0xba: {  	s0 =	sor.u32 s3, s0;
	s1 =	sshll.u32 s1, $0x11  }
0xbb: {  	s0 =	sor.u32 s1, s0  }
0xbc: {  	s0 =	sadd.s32 $0x8F2B, s0  }
0xbd: {  	[sflag:s0] =	ssyncadd.remote.s32 $0x1  }
0xbe: {  	_ =	sfence.sel $0xFFFF  }
0xbf: {  	[dreg:$0x0] =	wrdreg $0xFFFFFFFF;
	(pc) =	sbr.abs _section_cstart, $3  }
0xc0: {  	[dreg:$0x1] =	wrdreg $0xFFFFFFFF  }
0xc1: {  	_ =	task.clear_ibuf [dreg:s7], $0x2FFFF;
	_ =	strace $0x9FFFFFFF  }
0xc2: {  	(tm) =	ssettm $0x7FFFFFFF  }
0xc3: {  	_ =	shalt  }
tec
execute0_lowered:
.L_overlay_start_1:
0x0: {  	(tag) =	ssettag $0x1  }
0x1: {  	s4 =	rddreg [dreg:$0x0]  }
0x2: {  	s7 =	rddreg [dreg:$0x1]  }
0x3: {  	s0 =	rddreg [dreg:$0x2];
	s1 =	stileid.u32  }
0x4: {  	s2 =	simm.s32 $0x0;
	s3 =	srdreg.scid;
	s12 =	simm.s32 $0x1  }
0x5: {  	s13 =	simm.s32 $0x2;
	s14 =	simm.s32 $0x0;
	s5 =	smul.u32 $0xC4000, s1  }
0x6: {  	[smem:$0x7FF] =	sst s2;
	s6 =	sand.u32 $0x1, s3;
	s8 =	smul.u32 $0xC400, s1  }
0x7: {  	s3 =	sadd.s32 $0x1E200, s4;
	s9 =	ssub.s32 $0x2, s6;
	s10 =	smul.u32 $0x6200, s6  }
0x8: {  	_ =	strace $0x80000047;
	s6 =	smul.u32 $0x62000, s6;
	s11 =	sshrl.u32 s9, $0x1  }
0x9: {  	s5 =	sadd.s32 s5, s4;
	s29 =	ssub.s32 s9, s11;
	s8 =	sadd.s32 s10, s8  }
0xa: {  	s5 =	sadd.s32 s6, s5;
	s9 =	simm.s32 $0x80;
	s10 =	simm.s32 $0x100  }
0xb: {  	s11 =	simm.s32 $0x4100;
	s4 =	smax.u32 s29, $0x1;
	s30 =	sor.u32 $0x80, s8  }
0xc: {  	s5 =	sadd.s32 $0xE1800, s5;
	s8 =	sshrl.u32 s8, $0x3;
	s31 =	sshrl.u32 s30, $0x3  }
0xd: {  	s6 =	sadd.s32 s8, s7;
	s8 =	simm.s32 $0x3;
	s7 =	sadd.s32 s31, s7  }
.LBB2_1:
0xe: {  	s15 =	sadd.s32 $0x0, s6  }
0xf: {  	[tilespmem:s2], [sflag:$0x3] =	stream.linear.gather [hbm4b:s15+s2], $0x80, $0x38;
	[tilespmem:$0x8100] =	vst v63  }
0x10: {  	_ =	swait.ge [sflag:s8], $0x80  }
0x11: {  	[sflag:s8] =	ssyncset.done $0x0  }
0x12: {  	[sflag:s8] =	ssyncadd.s32 $0xFFFFFF80  }
0x13: {  	[tilespmem:s10], [sflag:$0x1] =	stream.indirect.gather [hbm4b:s3+s9], $0x80, s2, s9, $0xb8;
	[tilespmem:$0x8100] =	vst v63  }
0x14: {  	s30 =	sadd.s32 $0x0, s7  }
0x15: {  	[tilespmem:s9], [sflag:$0x3] =	stream.linear.gather [hbm4b:s30+s2], $0x80, $0x38;
	[tilespmem:$0x8100] =	vst v63  }
0x16: {  	_ =	swait.ge [sflag:s8], $0x80  }
0x17: {  	[sflag:s8] =	ssyncset.done $0x0  }
0x18: {  	[sflag:s8] =	ssyncadd.s32 $0xFFFFFF80  }
0x19: {  	[tilespmem:s11], [sflag:$0x1] =	stream.indirect.gather [hbm4b:s3+s9], $0x80, s9, s9, $0xb8;
	[tilespmem:$0x8100] =	vst v63  }
0x1a: {  	_ =	swait.ge [sflag:s12], $0x4000  }
0x1b: {  	[sflag:s12] =	ssyncset.done $0x0  }
0x1c: {  	[sflag:s12] =	ssyncadd.s32 $0xFFFFC000  }
0x1d: {  	[hbm4b:s5+s2] =	stream.linear.scatter [tilespmem:s10], [sflag:$0x2], $0x4000, $0x38;
	[tilespmem:$0x8100] =	vst v63  }
0x1e: {  	_ =	swait.ge [sflag:s12], $0x4000  }
0x1f: {  	[sflag:s12] =	ssyncset.done $0x0  }
0x20: {  	s31 =	sadd.s32 $0x800, s5;
	[sflag:s12] =	ssyncadd.s32 $0xFFFFC000  }
0x21: {  	[hbm4b:s31+s2] =	stream.linear.scatter [tilespmem:s11], [sflag:$0x2], $0x4000, $0x38;
	[tilespmem:$0x8100] =	vst v63  }
0x22: {  	_ =	swait.ge [sflag:s13], $0x4000  }
0x23: {  	[sflag:s13] =	ssyncset.done $0x0  }
0x24: {  	[sflag:s13] =	ssyncadd.s32 $0xFFFFC000  }
0x25: {  	s16 =	simm.s32 $0x20;
	_ =	swait.ge [sflag:s13], $0x4000  }
0x26: {  	s17 =	simm.s32 $0x40;
	s15 =	sadd.s32 $0x1000, s5;
	[sflag:s13] =	ssyncset.done $0x0  }
.LBB2_2:
0x27: {  	s18 =	sadd.s32 s16, s6  }
0x28: {  	[sflag:s13] =	ssyncadd.s32 $0xFFFFC000;
	s19 =	smov.u32 s17;
	s20 =	sadd.s32 $0x20, s17  }
0x29: {  	[tilespmem:s2], [sflag:$0x3] =	stream.linear.gather [hbm4b:s18+s2], $0x80, $0x38;
	[tilespmem:$0x8100] =	vst v63  }
0x2a: {  	p0 =	sne.s32 s17, $0xC20;
	_ =	swait.ge [sflag:s8], $0x80  }
0x2b: {  	[sflag:s8] =	ssyncset.done $0x0  }
0x2c: {  	[sflag:s8] =	ssyncadd.s32 $0xFFFFFF80  }
0x2d: {  	[tilespmem:s10], [sflag:$0x1] =	stream.indirect.gather [hbm4b:s3+s9], $0x80, s2, s9, $0xb8;
	[tilespmem:$0x8100] =	vst v63  }
0x2e: {  	s17 =	sadd.s32 s16, s7;
	s16 =	smov.u32 s19  }
0x2f: {  	[tilespmem:s9], [sflag:$0x3] =	stream.linear.gather [hbm4b:s17+s2], $0x80, $0x38;
	[tilespmem:$0x8100] =	vst v63  }
0x30: {  	_ =	swait.ge [sflag:s8], $0x80  }
0x31: {  	[sflag:s8] =	ssyncset.done $0x0  }
0x32: {  	[sflag:s8] =	ssyncadd.s32 $0xFFFFFF80  }
0x33: {  	[tilespmem:s11], [sflag:$0x1] =	stream.indirect.gather [hbm4b:s3+s9], $0x80, s9, s9, $0xb8;
	[tilespmem:$0x8100] =	vst v63  }
0x34: {  	_ =	swait.ge [sflag:s12], $0x4000  }
0x35: {  	[sflag:s12] =	ssyncset.done $0x0  }
0x36: {  	[sflag:s12] =	ssyncadd.s32 $0xFFFFC000  }
0x37: {  	[hbm4b:s15+s2] =	stream.linear.scatter [tilespmem:s10], [sflag:$0x2], $0x4000, $0x38;
	[tilespmem:$0x8100] =	vst v63  }
0x38: {  	_ =	swait.ge [sflag:s12], $0x4000  }
0x39: {  	[sflag:s12] =	ssyncset.done $0x0  }
0x3a: {  	s17 =	sadd.s32 $0x800, s15;
	[sflag:s12] =	ssyncadd.s32 $0xFFFFC000  }
0x3b: {  	[hbm4b:s17+s2] =	stream.linear.scatter [tilespmem:s11], [sflag:$0x2], $0x4000, $0x38;
	[tilespmem:$0x8100] =	vst v63  }
.Ltmp0:
0x3c: {  	_ =	swait.ge [sflag:s13], $0x4000;
	(pc) =	sbr.rel @p0 .LBB2_2-.Ltmp0, $4  }
0x3d: {  	[sflag:s13] =	ssyncset.done $0x0  }
0x3e: {  	[sflag:s13] =	ssyncadd.s32 $0xFFFFC000  }
0x3f: {  	_ =	swait.ge [sflag:s13], $0x4000  }
0x40: {  	s15 =	sadd.s32 $0x1000, s15;
	s17 =	smov.u32 s20;
	[sflag:s13] =	ssyncset.done $0x0  }
0x41: {  	s17 =	sadd.s32 s16, s6;
	[sflag:s13] =	ssyncadd.s32 $0xFFFFC000  }
0x42: {  	[tilespmem:s2], [sflag:$0x3] =	stream.linear.gather [hbm4b:s17+s2], $0x80, $0x38;
	[tilespmem:$0x8100] =	vst v63  }
0x43: {  	_ =	swait.ge [sflag:s8], $0x80  }
0x44: {  	[sflag:s8] =	ssyncset.done $0x0  }
0x45: {  	[sflag:s8] =	ssyncadd.s32 $0xFFFFFF80  }
0x46: {  	[tilespmem:s10], [sflag:$0x1] =	stream.indirect.gather [hbm4b:s3+s9], $0x80, s2, s9, $0xb8;
	[tilespmem:$0x8100] =	vst v63  }
0x47: {  	s30 =	sadd.s32 s16, s7  }
0x48: {  	[tilespmem:s9], [sflag:$0x3] =	stream.linear.gather [hbm4b:s30+s2], $0x80, $0x38;
	[tilespmem:$0x8100] =	vst v63  }
0x49: {  	_ =	swait.ge [sflag:s8], $0x80  }
0x4a: {  	[sflag:s8] =	ssyncset.done $0x0  }
0x4b: {  	[sflag:s8] =	ssyncadd.s32 $0xFFFFFF80  }
0x4c: {  	[tilespmem:s11], [sflag:$0x1] =	stream.indirect.gather [hbm4b:s3+s9], $0x80, s9, s9, $0xb8;
	[tilespmem:$0x8100] =	vst v63  }
0x4d: {  	_ =	swait.ge [sflag:s12], $0x4000  }
0x4e: {  	[sflag:s12] =	ssyncset.done $0x0  }
0x4f: {  	[sflag:s12] =	ssyncadd.s32 $0xFFFFC000  }
0x50: {  	[hbm4b:s15+s2] =	stream.linear.scatter [tilespmem:s10], [sflag:$0x2], $0x4000, $0x38;
	[tilespmem:$0x8100] =	vst v63  }
0x51: {  	_ =	swait.ge [sflag:s12], $0x4000  }
0x52: {  	[sflag:s12] =	ssyncset.done $0x0  }
0x53: {  	s31 =	sadd.s32 $0x800, s15;
	s14 =	sadd.s32 $0x1, s14;
	[sflag:s12] =	ssyncadd.s32 $0xFFFFC000  }
0x54: {  	[hbm4b:s31+s2] =	stream.linear.scatter [tilespmem:s11], [sflag:$0x2], $0x4000, $0x38;
	[tilespmem:$0x8100] =	vst v63  }
0x55: {  	p0 =	sne.s32 s14, s4;
	_ =	swait.ge [sflag:s13], $0x4000  }
.Ltmp1:
0x56: {  	[sflag:s13] =	ssyncset.done $0x0;
	(pc) =	sbr.rel @p0 .LBB2_1-.Ltmp1, $4  }
0x57: {  	[sflag:s13] =	ssyncadd.s32 $0xFFFFC000  }
0x58: {  	_ =	swait.ge [sflag:s13], $0x4000  }
0x59: {  	[sflag:s13] =	ssyncset.done $0x0  }
0x5a: {  	[sflag:s13] =	ssyncadd.s32 $0xFFFFC000  }
0x5b: {  	_ =	sfence.sel $0x180000  }
0x5c: {  	[bflag:$0x0] =	sbarrier.arrive $0xFFFF  }
0x5d: {  	p0 =	sne.s32 s1, $0x0;
	_ =	strace $0x90000047  }
0x5e: {  	s0 =	sadd.s32 @!p0 $0x100000, s0;
	[bflag:$0x2] =	sbarrier.arrive $0xFFFF  }
0x5f: {  	[sflag:s0] =	ssyncadd.tile.s32 @!p0 $0x1;
	_ =	shalt  }
.Lfunc_end2:
_tile_overlayer_lowered:
.L_overlay_start_2:
0x60: {  	(tag) =	ssettag $0x2  }
0x61: {  	s0 =	rddreg [dreg:$0x0];
	s2 =	stileid.u32  }
0x62: {  	s1 =	rddreg [dreg:$0x1];
	p0 =	sne.s32 s2, $0x0  }
0x63: {  	s3 =	rddreg [dreg:$0x2];
	[bflag:$0x3] =	sbarrier.arrive $0xFFFF;
	s2 =	simm.s32 @!p0 $0x1C03  }
0x64: {  	[timem:s3], [sflag:s2] =	dma.local @!p0 [hbm:s0], s1  }
0x65: {  	s0 =	simm.s32 @!p0 $0x3  }
0x66: {  	_ =	swait.ge @!p0 [sflag:s0], s1  }
0x67: {  	s1 =	ssub.s32 @!p0 $0x0, s1;
	[sflag:s0] =	ssyncset.done @!p0 $0x0  }
0x68: {  	[sflag:s0] =	ssyncadd.s32 @!p0 s1  }
0x69: {  	[bflag:$0x3] =	sbarrier.arrive $0xFFFF  }
0x6a: {  	_ =	shalt  }

// kernel: kernel.26.cloned.1.call-start
scs
__scs_entry_jumppad:
0x0: {  	(pc) =	sbr.rel $0x88, $3  }
0x1: {  	(tag) =	ssettag $0x0;
	lr =	simm.s32 $0x1  }
0x2: {  	[smem:$0x3F83] =	sst lr;
	_ =	strace $0xD0000000  }
0x3: {  	_ = 	snop  }
0x4: {  	_ = 	snop  }
0x5: {  	_ = 	snop  }
0x6: {  	_ = 	snop  }
0x7: {  	_ = 	snop  }
__scs_overlays_trampoline_lowered:
0x8: {  	[smem:$0x3F92] =	sst s0  }
0x9: {  	[smem:$0x3F93] =	sst s1  }
0xa: {  	[smem:$0x3F94] =	sst s2  }
0xb: {  	[smem:$0x3F95] =	sst s3  }
0xc: {  	[smem:$0x3F96] =	sst s4  }
0xd: {  	[smem:$0x3F97] =	sst s5  }
0xe: {  	[smem:$0x3F98] =	sst s6  }
0xf: {  	[smem:$0x3F99] =	sst s7  }
0x10: {  	[smem:$0x3F9A] =	sst s8  }
0x11: {  	[smem:$0x3F9B] =	sst s9;
	s0 =	simm.s32 @!p0 $0x0  }
0x12: {  	s1 =	sld [smem:$0x3F81];
	s0 =	simm.s32 @p0 $0x1  }
0x13: {  	[smem:$0x3F9C] =	sst s0;
	s0 =	simm.s32 @!p1 $0x0  }
0x14: {  	s2 =	sld [smem:$0x3F80];
	s0 =	simm.s32 @p1 $0x1  }
0x15: {  	[smem:$0x3F9D] =	sst s0;
	s0 =	simm.s32 @!p2 $0x0  }
0x16: {  	s3 =	sld [smem:$0x3FDB];
	s0 =	simm.s32 @p2 $0x1  }
0x17: {  	s4 =	simm.s32 $0x1BF5;
	[smem:$0x3F9F] =	sst s0  }
0x18: {  	s0 =	sld [smem:$0x3F82];
	_ =	swait.ge [sflag:s4], $0x0  }
0x19: {  	s7 =	sld [smem:$0x3F83]  }
0x1a: {  	s8 =	sadd.s32 $0xFFFFE003, lr  }
0x1b: {  	s9 =	sadd.s32 $0xFFFFFEF7, lr;
	s5 =	simm.s32 $0xFFFFFFFF;
	p2 =	slt.u32 s8, $0xFFFFF086  }
0x1c: {  	p1 =	slt.u32 s9, $0xF7A;
	s5 =	simm.s32 @!p2 $0x0  }
0x1d: {  	s5 =	simm.s32 @p1 $0x1;
	p0 =	seq.s32 s7, s2  }
0x1e: {  	s7 =	smul.u32 @!p0 $0xF7A, s2;
	p2 =	seq.s32 @!p0 s5, $0x0  }
0x1f: {  	s9 =	smul.u32 $0xF7A, s1;
	s8 =	simm.s32 @!p0 $0x1BF5;
	p2 =	por !p2, p0  }
0x20: {  	[sflag:s8] =	ssyncset.s32 @!p0 $0xFFFFF086;
	s6 =	sadd.s32 @!p0 s3, s7;
	s7 =	simm.s32 @!p0 $0x108  }
0x21: {  	s3 =	sadd.s32 s3, s9;
	s6 =	sadd.s32 @!p0 $0x88, s6;
	s7 =	simm.s32 @p2 $0x1082  }
0x22: {  	[simem:s7], [sflag:s8] =	dma.local @!p0 [hbm:s6], $0xF7A  }
0x23: {  	s9 =	sor.u32 $0xD0000000, s2;
	s6 =	simm.s32 $0x108;
	_ =	swait.ge @!p0 [sflag:s8], $0x0  }
0x24: {  	s3 =	sadd.s32 $0x88, s3;
	s6 =	simm.s32 @!p1 $0x1082;
	[sflag:s4] =	ssyncset.s32 $0xFFFFF086  }
0x25: {  	[simem:s6], [sflag:s4] =	dma.local [hbm:s3], $0xF7A  }
0x26: {  	[smem:$0x3F83] =	sst s1;
	(tag) =	ssettag s2;
	_ =	strace s9  }
0x27: {  	s1 =	sld [smem:$0x3F93]  }
0x28: {  	s2 =	sld [smem:$0x3F94]  }
0x29: {  	s4 =	sld [smem:$0x3F96]  }
0x2a: {  	p0 =	seq.s32 s5, $0x0;
	s5 =	sld [smem:$0x3F97]  }
0x2b: {  	s6 =	sld [smem:$0x3F98]  }
0x2c: {  	s7 =	sld [smem:$0x3F99]  }
0x2d: {  	s3 =	simm.s32 $0x108;
	s8 =	sld [smem:$0x3F9A]  }
0x2e: {  	s3 =	simm.s32 @!p0 $0x1082;
	s9 =	sld [smem:$0x3F9B]  }
0x2f: {  	lr =	sadd.s32 s0, s3;
	s0 =	sld [smem:$0x3F92]  }
0x30: {  	s3 =	sld [smem:$0x3F95]  }
0x31: {  	[smem:$0x3F9E] =	sst s10  }
0x32: {  	s10 =	sld [smem:$0x3F9C];
	_ =	sdelay $0x3  }
0x33: {  	p0 =	seq.s32 s10, $0x1;
	s10 =	sld [smem:$0x3F9E];
	_ =	sdelay $0x3  }
0x34: {  	[smem:$0x3F9E] =	sst s10  }
0x35: {  	s10 =	sld [smem:$0x3F9D];
	_ =	sdelay $0x3  }
0x36: {  	p1 =	seq.s32 s10, $0x1;
	s10 =	sld [smem:$0x3F9E];
	_ =	sdelay $0x3  }
0x37: {  	[smem:$0x3F9E] =	sst s10  }
0x38: {  	s10 =	sld [smem:$0x3F9F]  }
0x39: {  	_ = 	snop;
	(pc) =	sbr.ind lr, $3  }
0x3a: {  	_ = 	snop  }
0x3b: {  	_ = 	snop  }
0x3c: {  	p2 =	seq.s32 s10, $0x1;
	s10 =	sld [smem:$0x3F9E]  }
0x3d: {  	_ =	shalt  }
0x3e: {  	_ =	shalt  }
0x3f: {  	_ =	shalt  }
0x40: {  	_ =	shalt  }
0x41: {  	_ =	shalt  }
0x42: {  	_ =	shalt  }
0x43: {  	_ =	shalt  }
0x44: {  	_ =	shalt  }
0x45: {  	_ =	shalt  }
0x46: {  	_ =	shalt  }
0x47: {  	_ =	shalt  }
0x48: {  	_ =	shalt  }
0x49: {  	_ =	shalt  }
0x4a: {  	_ =	shalt  }
0x4b: {  	_ =	shalt  }
0x4c: {  	_ =	shalt  }
0x4d: {  	_ =	shalt  }
0x4e: {  	_ =	shalt  }
0x4f: {  	_ =	shalt  }
0x50: {  	_ =	shalt  }
0x51: {  	_ =	shalt  }
0x52: {  	_ =	shalt  }
0x53: {  	_ =	shalt  }
0x54: {  	_ =	shalt  }
0x55: {  	_ =	shalt  }
0x56: {  	_ =	shalt  }
0x57: {  	_ =	shalt  }
0x58: {  	_ =	shalt  }
0x59: {  	_ =	shalt  }
0x5a: {  	_ =	shalt  }
0x5b: {  	_ =	shalt  }
0x5c: {  	_ =	shalt  }
0x5d: {  	_ =	shalt  }
0x5e: {  	_ =	shalt  }
0x5f: {  	_ =	shalt  }
0x60: {  	_ =	shalt  }
0x61: {  	_ =	shalt  }
0x62: {  	_ =	shalt  }
0x63: {  	_ =	shalt  }
0x64: {  	_ =	shalt  }
0x65: {  	_ =	shalt  }
0x66: {  	_ =	shalt  }
0x67: {  	_ =	shalt  }
0x68: {  	_ =	shalt  }
0x69: {  	_ =	shalt  }
0x6a: {  	_ =	shalt  }
0x6b: {  	_ =	shalt  }
0x6c: {  	_ =	shalt  }
0x6d: {  	_ =	shalt  }
0x6e: {  	_ =	shalt  }
0x6f: {  	_ =	shalt  }
0x70: {  	_ =	shalt  }
0x71: {  	_ =	shalt  }
0x72: {  	_ =	shalt  }
0x73: {  	_ =	shalt  }
0x74: {  	_ =	shalt  }
0x75: {  	_ =	shalt  }
0x76: {  	_ =	shalt  }
0x77: {  	_ =	shalt  }
0x78: {  	_ =	shalt  }
0x79: {  	_ =	shalt  }
0x7a: {  	_ =	shalt  }
0x7b: {  	_ =	shalt  }
0x7c: {  	_ =	shalt  }
0x7d: {  	_ =	shalt  }
0x7e: {  	_ =	shalt  }
0x7f: {  	_ =	shalt  }
0x80: {  	_ =	shalt  }
0x81: {  	_ =	shalt  }
0x82: {  	_ =	shalt  }
0x83: {  	_ =	shalt  }
0x84: {  	_ =	shalt  }
0x85: {  	_ =	shalt  }
0x86: {  	_ =	shalt  }
0x87: {  	_ =	shalt  }
.Lfunc_end0:
.L_simem_size_0:
called_computation.5_lowered:
.L_overlay_start_0:
0x88: {  	s2 =	sld [smem:$0x3FD9]  }
0x89: {  	s3 =	sld [smem:$0x3FFE];
	_ =	sdelay $0x1  }
0x8a: {  	s1 =	srdreg.scid  }
0x8b: {  	s0 =	sand.u32 $0x1, s1  }
0x8c: {  	s17 =	sshll.u32 s0, $0xA;
	s2 =	sadd.s32 s3, s2  }
0x8d: {  	s2 =	sadd.s32 s2, s17  }
0x8e: {  	[smem:$0x3FAA] =	sst s2  }
0x8f: {  	_ = 	snop  }
0x90: {  	s2 =	sld [smem:$0x3FD0];
	(tm) =	ssettm $0x1  }
0x91: {  	s18 =	sld [smem:$0x3FFB];
	_ =	sdelay $0x3  }
0x92: {  	_ =	strace s18  }
0x93: {  	s3 =	sld [smem:$0x3FFC];
	_ =	sdelay $0x3  }
0x94: {  	_ =	strace s3  }
0x95: {  	s3 =	sld [smem:$0x3FFD];
	_ =	sdelay $0x3  }
0x96: {  	_ =	strace s3  }
0x97: {  	_ =	strace $0x8FFFFFFF  }
0x98: {  	s19 =	sld [smem:$0x3FDB];
	_ =	sdelay $0x1  }
0x99: {  	s4 =	simm.s32 $_scs_section_size  }
0x9a: {  	s5 =	simm.s32 $_size__tile_overlayer_lowered;
	s6 =	simm.s32 $_tile_overlayer_lowered  }
0x9b: {  	s22 =	simm.s32 $0x1BFF;
	s21 =	sshll.u32 s6, $0x1;
	s3 =	sadd.s32 s4, s19  }
0x9c: {  	s7 =	simm.s32 $0x0;
	s20 =	sshll.u32 s5, $0x1;
	s5 =	sadd.s32 s21, s3  }
0x9d: {  	[timem:s7], [sflag:s22] =	dma.local [hbm:s5], s20  }
0x9e: {  	_ =	swait.ge [sflag:s22], s20  }
0x9f: {  	s4 =	ssub.s32 $0x0, s20;
	[sflag:s22] =	ssyncset.done $0x0  }
0xa0: {  	[sflag:s22] =	ssyncadd.s32 s4;
	_ =	sdelay $0x1  }
0xa1: {  	s23 =	simm.s32 $0x1B8B  }
0xa2: {  	_ =	swait.ge [sflag:s23], $0x1  }
0xa3: {  	[sflag:s23] =	ssyncset.done $0x0  }
0xa4: {  	s25 =	simm.s32 $0x1B8E;
	s24 =	sld [smem:$0x3FFE];
	[sflag:s23] =	ssyncadd.s32 $0xFFFFFFFF  }
0xa5: {  	s26 =	simm.s32 $execute0_lowered;
	[smem:$0x3FD2] =	sst s25  }
0xa6: {  	s5 =	sshll.u32 s26, $0x1;
	_ =	strace $0x8000004F;
	[dreg:$0x1] =	wrdreg $0xFFFFFFFF  }
0xa7: {  	s28 =	simm.s32 $_size_execute0_lowered;
	s3 =	sadd.s32 s3, s5;
	[dreg:$0x0] =	wrdreg $0x0  }
0xa8: {  	s5 =	sshll.u32 s28, $0x1;
	[dreg:$0x2] =	wrdreg s3  }
0xa9: {  	[dreg:$0x3] =	wrdreg s5  }
0xaa: {  	[dreg:$0x4] =	wrdreg $0xC0  }
0xab: {  	_ =	task [dreg:s7], $0x5FFFF  }
0xac: {  	[dreg:$0x1] =	wrdreg $0xFFFFFFFF  }
0xad: {  	[dreg:$0x0] =	wrdreg $0x60  }
0xae: {  	[dreg:$0x2] =	wrdreg s24  }
0xaf: {  	[dreg:$0x3] =	wrdreg s2  }
0xb0: {  	[dreg:$0x4] =	wrdreg $0x9  }
0xb1: {  	_ =	task.clear_ibuf [dreg:s7], $0x5FFFF;
	_ =	strace $0x9000004F  }
0xb2: {  	s29 =	simm.s32 $0x9;
	_ =	strace $0x80000051  }
0xb3: {  	_ =	swait.ge [sflag:s29], $0x1  }
0xb4: {  	[sflag:s29] =	ssyncadd.s32 $0xFFFFFFFF  }
0xb5: {  	_ =	strace $0x90000051  }
0xb6: {  	_ =	sfence  }
0xb7: {  	s30 =	sld [smem:$0x0];
	_ =	sdelay $0x2  }
0xb8: {  	s31 =	sshll.u32 s1, $0xD;
	s1 =	sshrl.u32 s1, $0x2  }
0xb9: {  	s3 =	sand.u32 $0x4000, s31;
	s1 =	sadd.s32 s1, s30  }
0xba: {  	s0 =	sor.u32 s3, s0;
	s1 =	sshll.u32 s1, $0x11  }
0xbb: {  	s0 =	sor.u32 s1, s0  }
0xbc: {  	s0 =	sadd.s32 $0x8F2B, s0  }
0xbd: {  	[sflag:s0] =	ssyncadd.remote.s32 $0x1  }
0xbe: {  	_ =	sfence.sel $0xFFFF  }
0xbf: {  	[dreg:$0x0] =	wrdreg $0xFFFFFFFF;
	(pc) =	sbr.abs _section_cstart, $3  }
0xc0: {  	[dreg:$0x1] =	wrdreg $0xFFFFFFFF  }
0xc1: {  	_ =	task.clear_ibuf [dreg:s7], $0x2FFFF;
	_ =	strace $0x9FFFFFFF  }
0xc2: {  	(tm) =	ssettm $0x7FFFFFFF  }
0xc3: {  	_ =	shalt  }
tec
execute0_lowered:
.L_overlay_start_1:
0x0: {  	(tag) =	ssettag $0x1  }
0x1: {  	s8 =	rddreg [dreg:$0x0]  }
0x2: {  	s2 =	rddreg [dreg:$0x1];
	s1 =	srdreg.scid  }
0x3: {  	s0 =	rddreg [dreg:$0x2];
	s3 =	simm.s32 $0x0;
	s15 =	simm.s32 $0x1B780  }
0x4: {  	s16 =	simm.s32 $0x1;
	s17 =	simm.s32 $0xC380;
	s9 =	sand.u32 $0x1, s1  }
0x5: {  	s20 =	simm.s32 $0x0;
	s1 =	stileid.u32;
	s5 =	smul.u32 $0x22, s9  }
0x6: {  	[smem:$0x7FF] =	sst s3;
	s4 =	sshll.u32 s1, $0x1;
	s6 =	sand.u32 $0x7, s1  }
0x7: {  	s13 =	sadd.s32 $0x2109E00, s8;
	s18 =	smul.u32 $0x1870, s6;
	s10 =	sadd.s32 s4, s5  }
0x8: {  	s7 =	sshrl.u32 s1, $0x3;
	_ =	strace $0x80000050;
	s4 =	smul.u32 $0xC4000, s10  }
0x9: {  	s26 =	sor.u32 s7, s5;
	s11 =	sor.u32 $0x1, s10;
	s10 =	smul.u32 $0x1870, s10  }
0xa: {  	s9 =	ssub.s32 $0x2, s9;
	s12 =	sadd.s32 $0x20, s26;
	s5 =	smul.u32 $0xC4000, s11  }
0xb: {  	s28 =	sshrl.u32 s9, $0x1;
	s7 =	sadd.s32 $0x1E200, s8;
	s6 =	smul.u32 $0xC4000, s12  }
0xc: {  	s14 =	ssub.s32 s9, s28;
	s19 =	sadd.s32 $0x1870, s18;
	s12 =	smul.u32 $0xC380, s12  }
0xd: {  	s29 =	smul.u32 $0x1870, s11;
	s11 =	smax.u32 s14, $0x1;
	s14 =	simm.s32 $0x1AF80  }
0xe: {  	v1 =	vmov s19;
	s19 =	simm.s32 $0x2;
	s8 =	sadd.s32 s13, s10;
	s30 =	sadd.s32 s18, s12  }
0xf: {  	s9 =	sadd.s32 s13, s29;
	s12 =	simm.s32 $0x19F80;
	s31 =	sshrl.u32 s30, $0x3  }
0x10: {  	v2 =	vimm.f32 $0.0e+00;
	v0 =	vmov s18;
	s18 =	simm.s32 $0x18700;
	s10 =	sadd.s32 s13, s31;
	s13 =	simm.s32 $0x1A780  }
.LBB2_1:
0x11: {  	s21 =	simm.s32 $0x40;
	s22 =	simm.s32 $0x0  }
.LBB2_2:
0x12: {  	p0 =	sne.s32 s21, $0x30DC0;
	[tilespmem:s22+$0x0] =	vst v2;
	s23 =	smov.u32 s21;
	s21 =	sadd.s32 $0x40, s21  }
.Ltmp0:
0x13: {  	[tilespmem:s22+$0xC380] =	vst v2;
	(pc) =	sbr.rel @p0 .LBB2_2-.Ltmp0, $2  }
0x14: {  	_ =	sdelay $0x2  }
0x15: {  	s22 =	sshra.s32 s23, $0x2  }
0x16: {  	[tilespmem:s22+$0x0] =	vst v2  }
0x17: {  	s21 =	simm.s32 $0x0;
	[tilespmem:s22+$0xC380] =	vst v2;
	s22 =	simm.s32 $0x40;
	s23 =	simm.s32 $0x0  }
.LBB2_4:
0x18: {  	p0 =	sne.s32 s22, $0x6180;
	[tilespmem:s23+$0x18700] =	vst v2;
	s23 =	smov.u32 s22;
	s22 =	sadd.s32 $0x40, s22  }
.Ltmp1:
0x19: {  	(pc) =	sbr.rel @p0 .LBB2_4-.Ltmp1, $2  }
0x1a: {  	_ =	sdelay $0x2  }
0x1b: {  	s23 =	sshra.s32 s23, $0x2  }
0x1c: {  	[tilespmem:s23+$0x18700] =	vst v2  }
.LBB2_6:
0x1d: {  	s22 =	sshll.u32 s21, $0x8;
	s23 =	sshll.u32 s21, $0xB  }
0x1e: {  	s24 =	simm.s32 $0x0;
	s22 =	sadd.s32 s2, s22;
	s28 =	sadd.s32 s4, s23  }
0x1f: {  	[tilespmem:s12], [sflag:$0x1] =	stream.linear.gather [hbm4b:s22+s24], $0x800, $0x38;
	[tilespmem:$0x1BF80] =	vst v63  }
0x20: {  	s22 =	sshrl.u32 s28, $0x3  }
0x21: {  	s29 =	sadd.s32 s5, s23;
	s22 =	sadd.s32 s7, s22  }
0x22: {  	[tilespmem:s13], [sflag:$0x1] =	stream.linear.gather [hbm4b:s22+s24], $0x800, $0x38;
	[tilespmem:$0x1BF80] =	vst v63  }
0x23: {  	s22 =	sshrl.u32 s29, $0x3  }
0x24: {  	s30 =	sadd.s32 s6, s23;
	s22 =	sadd.s32 s7, s22  }
0x25: {  	[tilespmem:s14], [sflag:$0x1] =	stream.linear.gather [hbm4b:s22+s24], $0x800, $0x38;
	[tilespmem:$0x1BF80] =	vst v63  }
0x26: {  	s22 =	sshrl.u32 s30, $0x3  }
0x27: {  	s22 =	sadd.s32 s7, s22  }
0x28: {  	[tilespmem:s15], [sflag:$0x1] =	stream.linear.gather [hbm4b:s22+s24], $0x800, $0x38;
	[tilespmem:$0x1BF80] =	vst v63  }
0x29: {  	_ =	swait.ge [sflag:s16], $0x800  }
0x2a: {  	[sflag:s16] =	ssyncset.done $0x0  }
0x2b: {  	[sflag:s16] =	ssyncadd.s32 $0xFFFFF800  }
0x2c: {  	_ =	swait.ge [sflag:s16], $0x800  }
0x2d: {  	[sflag:s16] =	ssyncset.done $0x0  }
0x2e: {  	[sflag:s16] =	ssyncadd.s32 $0xFFFFF800  }
0x2f: {  	_ =	swait.ge [sflag:s16], $0x800  }
0x30: {  	[sflag:s16] =	ssyncset.done $0x0  }
0x31: {  	[sflag:s16] =	ssyncadd.s32 $0xFFFFF800  }
0x32: {  	_ =	swait.ge [sflag:s16], $0x800  }
0x33: {  	[sflag:s16] =	ssyncset.done $0x0  }
0x34: {  	s31 =	simm.s32 $0x0;
	[sflag:s16] =	ssyncadd.s32 $0xFFFFF800  }
0x35: {  	v3 =	vld [tilespmem:s31+$0x19F80];
	_ =	sdelay $0x2  }
0x36: {  	v4 =	vld [tilespmem:s31+$0x1A780];
	_ =	sdelay $0x4  }
0x37: {  	[tilespmem:v3+s3+$0x0] =	vst.idx.add.f32.msk $0xffff, v4  }
0x38: {  	v4 =	vld [tilespmem:s31+$0x1AF80];
	_ =	sdelay $0x1  }
0x39: {  	v5 =	vsub.s32 v3, v0  }
0x3a: {  	vm0 =	vgt.s32 v5, $0x0  }
0x3b: {  	vm1 =	vge.s32 v3, v0;
	v5 =	vnsel vm0, $0x0, v5;
	vm0 =	vlt.s32 v3, v1  }
0x3c: {  	vm0 =	vmand vm1, vm0;
	[tilespmem:v3+s17+$0x0] =	vst.idx.add.f32.msk $0xffff, v4  }
0x3d: {  	s23 =	simm.s32 $0x80;
	s22 =	simm.s32 $0x40;
	v3 =	vmin.u32 v5, $0x186F;
	v4 =	vld [tilespmem:s31+$0x1B780]  }
.LBB2_7:
0x3e: {  	_ =	sdelay $0x2  }
0x3f: {  	p0 =	sne.s32 s23, $0x1FC0  }
0x40: {  	s24 =	sshra.s32 s22, $0x2;
	s22 =	smov.u32 s23;
	s23 =	sadd.s32 $0x40, s23;
	[tilespmem:v3+s18+$0x0] =	vst.idx.add.f32.msk vm0, v4  }
0x41: {  	v3 =	vld [tilespmem:s24+$0x19F80];
	_ =	sdelay $0x2  }
0x42: {  	v4 =	vld [tilespmem:s24+$0x1A780];
	_ =	sdelay $0x1  }
0x43: {  	vm0 =	vge.s32 v3, v0;
	vm1 =	vlt.s32 v3, v1;
	v5 =	vsub.s32 v3, v0  }
0x44: {  	vm0 =	vmand vm0, vm1;
	vm1 =	vgt.s32 v5, $0x0  }
0x45: {  	v5 =	vnsel vm1, $0x0, v5  }
0x46: {  	[tilespmem:v3+s3+$0x0] =	vst.idx.add.f32.msk $0xffff, v4  }
0x47: {  	v4 =	vld [tilespmem:s24+$0x1AF80];
	_ =	sdelay $0x1  }
.Ltmp2:
0x48: {  	(pc) =	sbr.rel @p0 .LBB2_7-.Ltmp2, $3  }
0x49: {  	_ =	sdelay $0x1  }
0x4a: {  	[tilespmem:v3+s17+$0x0] =	vst.idx.add.f32.msk $0xffff, v4  }
0x4b: {  	v3 =	vmin.u32 v5, $0x186F;
	v4 =	vld [tilespmem:s24+$0x1B780]  }
0x4c: {  	_ =	sdelay $0x4  }
0x4d: {  	s22 =	sshra.s32 s22, $0x2;
	[tilespmem:v3+s18+$0x0] =	vst.idx.add.f32.msk vm0, v4  }
0x4e: {  	v3 =	vld [tilespmem:s22+$0x19F80];
	_ =	sdelay $0x2  }
0x4f: {  	v4 =	vld [tilespmem:s22+$0x1A780];
	_ =	sdelay $0x4  }
0x50: {  	[tilespmem:v3+s3+$0x0] =	vst.idx.add.f32.msk $0xffff, v4  }
0x51: {  	v4 =	vld [tilespmem:s22+$0x1AF80];
	_ =	sdelay $0x2  }
0x52: {  	v5 =	vsub.s32 v3, v0  }
0x53: {  	vm15 =	vge.s32 v3, v0;
	vm1 =	vlt.s32 v3, v1;
	vm2 =	vgt.s32 v5, $0x0  }
0x54: {  	s21 =	sadd.s32 $0x1, s21;
	vm0 =	vmand vm15, vm1;
	v5 =	vnsel vm2, $0x0, v5;
	[tilespmem:v3+s17+$0x0] =	vst.idx.add.f32.msk $0xffff, v4  }
0x55: {  	p0 =	sne.s32 s21, $0x188;
	v3 =	vmin.u32 v5, $0x186F;
	v4 =	vld [tilespmem:s22+$0x1B780]  }
.Ltmp3:
0x56: {  	_ = 	snop;
	(pc) =	sbr.rel @p0 .LBB2_6-.Ltmp3, $2  }
0x57: {  	_ =	sdelay $0x2  }
0x58: {  	[tilespmem:v3+s18+$0x0] =	vst.idx.add.f32.msk vm0, v4  }
0x59: {  	[hbm4b:s8+s3] =	stream.linear.scatter [tilespmem:s3], [sflag:$0x2], $0xC380, $0x38;
	[tilespmem:$0x1BF80] =	vst v63  }
0x5a: {  	_ =	swait.ge [sflag:s19], $0xC380  }
0x5b: {  	[sflag:s19] =	ssyncset.done $0x0  }
0x5c: {  	[sflag:s19] =	ssyncadd.s32 $0xFFFF3C80  }
0x5d: {  	[hbm4b:s9+s3] =	stream.linear.scatter [tilespmem:s17], [sflag:$0x2], $0xC380, $0x38;
	[tilespmem:$0x1BF80] =	vst v63  }
0x5e: {  	s20 =	sadd.s32 $0x1, s20;
	_ =	swait.ge [sflag:s19], $0xC380  }
0x5f: {  	p0 =	sne.s32 s20, s11;
	[sflag:s19] =	ssyncset.done $0x0  }
.Ltmp4:
0x60: {  	[sflag:s19] =	ssyncadd.s32 $0xFFFF3C80;
	(pc) =	sbr.rel @p0 .LBB2_1-.Ltmp4, $4  }
0x61: {  	[hbm4b:s10+s3] =	stream.linear.scatter [tilespmem:s18], [sflag:$0x2], $0x1870, $0x38;
	[tilespmem:$0x1BF80] =	vst v63  }
0x62: {  	_ =	swait.ge [sflag:s19], $0x1870  }
0x63: {  	[sflag:s19] =	ssyncset.done $0x0  }
0x64: {  	[sflag:s19] =	ssyncadd.s32 $0xFFFFE790  }
0x65: {  	_ =	sfence.sel $0x180000  }
0x66: {  	[bflag:$0x0] =	sbarrier.arrive $0xFFFF  }
0x67: {  	p0 =	sne.s32 s1, $0x0;
	_ =	strace $0x90000050  }
0x68: {  	s0 =	sadd.s32 @!p0 $0x100000, s0;
	[bflag:$0x2] =	sbarrier.arrive $0xFFFF  }
0x69: {  	[sflag:s0] =	ssyncadd.tile.s32 @!p0 $0x1;
	_ =	shalt  }
.Lfunc_end2:
_tile_overlayer_lowered:
.L_overlay_start_2:
0x6a: {  	(tag) =	ssettag $0x2  }
0x6b: {  	s0 =	rddreg [dreg:$0x0];
	s2 =	stileid.u32  }
0x6c: {  	s1 =	rddreg [dreg:$0x1];
	p0 =	sne.s32 s2, $0x0  }
0x6d: {  	s3 =	rddreg [dreg:$0x2];
	[bflag:$0x3] =	sbarrier.arrive $0xFFFF;
	s2 =	simm.s32 @!p0 $0x1C02  }
0x6e: {  	[timem:s3], [sflag:s2] =	dma.local @!p0 [hbm:s0], s1  }
0x6f: {  	s0 =	simm.s32 @!p0 $0x2  }
0x70: {  	_ =	swait.ge @!p0 [sflag:s0], s1  }
0x71: {  	s1 =	ssub.s32 @!p0 $0x0, s1;
	[sflag:s0] =	ssyncset.done @!p0 $0x0  }
0x72: {  	[sflag:s0] =	ssyncadd.s32 @!p0 s1  }
0x73: {  	[bflag:$0x3] =	sbarrier.arrive $0xFFFF  }
0x74: {  	_ =	shalt  }

// kernel: kernel.29.cloned.1.call-start
scs
__scs_entry_jumppad:
0x0: {  	(pc) =	sbr.rel $0x88, $3  }
0x1: {  	(tag) =	ssettag $0x0;
	lr =	simm.s32 $0x1  }
0x2: {  	[smem:$0x3F83] =	sst lr;
	_ =	strace $0xD0000000  }
0x3: {  	_ = 	snop  }
0x4: {  	_ = 	snop  }
0x5: {  	_ = 	snop  }
0x6: {  	_ = 	snop  }
0x7: {  	_ = 	snop  }
__scs_overlays_trampoline_lowered:
0x8: {  	[smem:$0x3F92] =	sst s0  }
0x9: {  	[smem:$0x3F93] =	sst s1  }
0xa: {  	[smem:$0x3F94] =	sst s2  }
0xb: {  	[smem:$0x3F95] =	sst s3  }
0xc: {  	[smem:$0x3F96] =	sst s4  }
0xd: {  	[smem:$0x3F97] =	sst s5  }
0xe: {  	[smem:$0x3F98] =	sst s6  }
0xf: {  	[smem:$0x3F99] =	sst s7  }
0x10: {  	[smem:$0x3F9A] =	sst s8  }
0x11: {  	[smem:$0x3F9B] =	sst s9;
	s0 =	simm.s32 @!p0 $0x0  }
0x12: {  	s1 =	sld [smem:$0x3F81];
	s0 =	simm.s32 @p0 $0x1  }
0x13: {  	[smem:$0x3F9C] =	sst s0;
	s0 =	simm.s32 @!p1 $0x0  }
0x14: {  	s2 =	sld [smem:$0x3F80];
	s0 =	simm.s32 @p1 $0x1  }
0x15: {  	[smem:$0x3F9D] =	sst s0;
	s0 =	simm.s32 @!p2 $0x0  }
0x16: {  	s3 =	sld [smem:$0x3FDB];
	s0 =	simm.s32 @p2 $0x1  }
0x17: {  	s4 =	simm.s32 $0x1BF5;
	[smem:$0x3F9F] =	sst s0  }
0x18: {  	s0 =	sld [smem:$0x3F82];
	_ =	swait.ge [sflag:s4], $0x0  }
0x19: {  	s7 =	sld [smem:$0x3F83]  }
0x1a: {  	s8 =	sadd.s32 $0xFFFFE003, lr  }
0x1b: {  	s9 =	sadd.s32 $0xFFFFFEF7, lr;
	s5 =	simm.s32 $0xFFFFFFFF;
	p2 =	slt.u32 s8, $0xFFFFF086  }
0x1c: {  	p1 =	slt.u32 s9, $0xF7A;
	s5 =	simm.s32 @!p2 $0x0  }
0x1d: {  	s5 =	simm.s32 @p1 $0x1;
	p0 =	seq.s32 s7, s2  }
0x1e: {  	s7 =	smul.u32 @!p0 $0xF7A, s2;
	p2 =	seq.s32 @!p0 s5, $0x0  }
0x1f: {  	s9 =	smul.u32 $0xF7A, s1;
	s8 =	simm.s32 @!p0 $0x1BF5;
	p2 =	por !p2, p0  }
0x20: {  	[sflag:s8] =	ssyncset.s32 @!p0 $0xFFFFF086;
	s6 =	sadd.s32 @!p0 s3, s7;
	s7 =	simm.s32 @!p0 $0x108  }
0x21: {  	s3 =	sadd.s32 s3, s9;
	s6 =	sadd.s32 @!p0 $0x88, s6;
	s7 =	simm.s32 @p2 $0x1082  }
0x22: {  	[simem:s7], [sflag:s8] =	dma.local @!p0 [hbm:s6], $0xF7A  }
0x23: {  	s9 =	sor.u32 $0xD0000000, s2;
	s6 =	simm.s32 $0x108;
	_ =	swait.ge @!p0 [sflag:s8], $0x0  }
0x24: {  	s3 =	sadd.s32 $0x88, s3;
	s6 =	simm.s32 @!p1 $0x1082;
	[sflag:s4] =	ssyncset.s32 $0xFFFFF086  }
0x25: {  	[simem:s6], [sflag:s4] =	dma.local [hbm:s3], $0xF7A  }
0x26: {  	[smem:$0x3F83] =	sst s1;
	(tag) =	ssettag s2;
	_ =	strace s9  }
0x27: {  	s1 =	sld [smem:$0x3F93]  }
0x28: {  	s2 =	sld [smem:$0x3F94]  }
0x29: {  	s4 =	sld [smem:$0x3F96]  }
0x2a: {  	p0 =	seq.s32 s5, $0x0;
	s5 =	sld [smem:$0x3F97]  }
0x2b: {  	s6 =	sld [smem:$0x3F98]  }
0x2c: {  	s7 =	sld [smem:$0x3F99]  }
0x2d: {  	s3 =	simm.s32 $0x108;
	s8 =	sld [smem:$0x3F9A]  }
0x2e: {  	s3 =	simm.s32 @!p0 $0x1082;
	s9 =	sld [smem:$0x3F9B]  }
0x2f: {  	lr =	sadd.s32 s0, s3;
	s0 =	sld [smem:$0x3F92]  }
0x30: {  	s3 =	sld [smem:$0x3F95]  }
0x31: {  	[smem:$0x3F9E] =	sst s10  }
0x32: {  	s10 =	sld [smem:$0x3F9C];
	_ =	sdelay $0x3  }
0x33: {  	p0 =	seq.s32 s10, $0x1;
	s10 =	sld [smem:$0x3F9E];
	_ =	sdelay $0x3  }
0x34: {  	[smem:$0x3F9E] =	sst s10  }
0x35: {  	s10 =	sld [smem:$0x3F9D];
	_ =	sdelay $0x3  }
0x36: {  	p1 =	seq.s32 s10, $0x1;
	s10 =	sld [smem:$0x3F9E];
	_ =	sdelay $0x3  }
0x37: {  	[smem:$0x3F9E] =	sst s10  }
0x38: {  	s10 =	sld [smem:$0x3F9F]  }
0x39: {  	_ = 	snop;
	(pc) =	sbr.ind lr, $3  }
0x3a: {  	_ = 	snop  }
0x3b: {  	_ = 	snop  }
0x3c: {  	p2 =	seq.s32 s10, $0x1;
	s10 =	sld [smem:$0x3F9E]  }
0x3d: {  	_ =	shalt  }
0x3e: {  	_ =	shalt  }
0x3f: {  	_ =	shalt  }
0x40: {  	_ =	shalt  }
0x41: {  	_ =	shalt  }
0x42: {  	_ =	shalt  }
0x43: {  	_ =	shalt  }
0x44: {  	_ =	shalt  }
0x45: {  	_ =	shalt  }
0x46: {  	_ =	shalt  }
0x47: {  	_ =	shalt  }
0x48: {  	_ =	shalt  }
0x49: {  	_ =	shalt  }
0x4a: {  	_ =	shalt  }
0x4b: {  	_ =	shalt  }
0x4c: {  	_ =	shalt  }
0x4d: {  	_ =	shalt  }
0x4e: {  	_ =	shalt  }
0x4f: {  	_ =	shalt  }
0x50: {  	_ =	shalt  }
0x51: {  	_ =	shalt  }
0x52: {  	_ =	shalt  }
0x53: {  	_ =	shalt  }
0x54: {  	_ =	shalt  }
0x55: {  	_ =	shalt  }
0x56: {  	_ =	shalt  }
0x57: {  	_ =	shalt  }
0x58: {  	_ =	shalt  }
0x59: {  	_ =	shalt  }
0x5a: {  	_ =	shalt  }
0x5b: {  	_ =	shalt  }
0x5c: {  	_ =	shalt  }
0x5d: {  	_ =	shalt  }
0x5e: {  	_ =	shalt  }
0x5f: {  	_ =	shalt  }
0x60: {  	_ =	shalt  }
0x61: {  	_ =	shalt  }
0x62: {  	_ =	shalt  }
0x63: {  	_ =	shalt  }
0x64: {  	_ =	shalt  }
0x65: {  	_ =	shalt  }
0x66: {  	_ =	shalt  }
0x67: {  	_ =	shalt  }
0x68: {  	_ =	shalt  }
0x69: {  	_ =	shalt  }
0x6a: {  	_ =	shalt  }
0x6b: {  	_ =	shalt  }
0x6c: {  	_ =	shalt  }
0x6d: {  	_ =	shalt  }
0x6e: {  	_ =	shalt  }
0x6f: {  	_ =	shalt  }
0x70: {  	_ =	shalt  }
0x71: {  	_ =	shalt  }
0x72: {  	_ =	shalt  }
0x73: {  	_ =	shalt  }
0x74: {  	_ =	shalt  }
0x75: {  	_ =	shalt  }
0x76: {  	_ =	shalt  }
0x77: {  	_ =	shalt  }
0x78: {  	_ =	shalt  }
0x79: {  	_ =	shalt  }
0x7a: {  	_ =	shalt  }
0x7b: {  	_ =	shalt  }
0x7c: {  	_ =	shalt  }
0x7d: {  	_ =	shalt  }
0x7e: {  	_ =	shalt  }
0x7f: {  	_ =	shalt  }
0x80: {  	_ =	shalt  }
0x81: {  	_ =	shalt  }
0x82: {  	_ =	shalt  }
0x83: {  	_ =	shalt  }
0x84: {  	_ =	shalt  }
0x85: {  	_ =	shalt  }
0x86: {  	_ =	shalt  }
0x87: {  	_ =	shalt  }
.Lfunc_end0:
.L_simem_size_0:
called_computation.6_lowered:
.L_overlay_start_0:
0x88: {  	s2 =	sld [smem:$0x3FD9]  }
0x89: {  	s3 =	sld [smem:$0x3FFE];
	_ =	sdelay $0x1  }
0x8a: {  	s1 =	srdreg.scid  }
0x8b: {  	s0 =	sand.u32 $0x1, s1  }
0x8c: {  	s17 =	sshll.u32 s0, $0xA;
	s2 =	sadd.s32 s3, s2  }
0x8d: {  	s2 =	sadd.s32 s2, s17  }
0x8e: {  	[smem:$0x3FAA] =	sst s2  }
0x8f: {  	_ = 	snop  }
0x90: {  	(tm) =	ssettm $0x1  }
0x91: {  	s18 =	sld [smem:$0x3FFB];
	_ =	sdelay $0x3  }
0x92: {  	_ =	strace s18  }
0x93: {  	s2 =	sld [smem:$0x3FFC];
	_ =	sdelay $0x3  }
0x94: {  	_ =	strace s2  }
0x95: {  	s2 =	sld [smem:$0x3FFD];
	_ =	sdelay $0x3  }
0x96: {  	_ =	strace s2  }
0x97: {  	_ =	strace $0x8FFFFFFF  }
0x98: {  	s19 =	sld [smem:$0x3FDB];
	_ =	sdelay $0x1  }
0x99: {  	s20 =	simm.s32 $_scs_section_size  }
0x9a: {  	s4 =	simm.s32 $_size__tile_overlayer_lowered;
	s5 =	simm.s32 $_tile_overlayer_lowered  }
0x9b: {  	s6 =	simm.s32 $0x1BFF;
	s21 =	sshll.u32 s5, $0x1;
	s3 =	sadd.s32 s20, s19  }
0x9c: {  	s22 =	simm.s32 $0x0;
	s4 =	sshll.u32 s4, $0x1;
	s5 =	sadd.s32 s21, s3  }
0x9d: {  	[timem:s22], [sflag:s6] =	dma.local [hbm:s5], s4  }
0x9e: {  	_ =	swait.ge [sflag:s6], s4  }
0x9f: {  	s4 =	ssub.s32 $0x0, s4;
	[sflag:s6] =	ssyncset.done $0x0  }
0xa0: {  	[sflag:s6] =	ssyncadd.s32 s4;
	_ =	sdelay $0x1  }
0xa1: {  	s23 =	simm.s32 $0x1B8B  }
0xa2: {  	_ =	swait.ge [sflag:s23], $0x1  }
0xa3: {  	[sflag:s23] =	ssyncset.done $0x0  }
0xa4: {  	[sflag:s23] =	ssyncadd.s32 $0xFFFFFFFF  }
0xa5: {  	s4 =	sld [smem:$0x0]  }
0xa6: {  	s5 =	sand.u32 $0xFFFFFFFE, s1  }
0xa7: {  	p0 =	sne.s32 s1, s5  }
0xa8: {  	s5 =	sshll.u32 @p0 s5, $0xE  }
0xa9: {  	s5 =	sadd.s32 @p0 $0x11B8D, s5;
	s6 =	sshll.u32 @p0 s4, $0x11  }
0xaa: {  	s5 =	sor.u32 @p0 s6, s5  }
0xab: {  	[sflag:s5] =	ssyncadd.remote.s32 @p0 $0x1;
	_ =	sdelay $0x1  }
0xac: {  	s5 =	simm.s32 @p0 $0x1B8D  }
0xad: {  	_ =	swait.eq @p0 [sflag:s5], $0x1  }
0xae: {  	[sflag:s5] =	ssyncadd.s32 @p0 $0xFFFFFFFF  }
0xaf: {  	s6 =	sshll.u32 @!p0 s1, $0xE  }
0xb0: {  	s6 =	sor.u32 @!p0 $0x4000, s6;
	s5 =	simm.s32 @!p0 $0x1B8D  }
0xb1: {  	s4 =	sshll.u32 @!p0 s4, $0x11;
	s6 =	sadd.s32 @!p0 $0x11B8D, s6;
	_ =	swait.eq @!p0 [sflag:s5], $0x1  }
0xb2: {  	s4 =	sor.u32 @!p0 s4, s6;
	[sflag:s5] =	ssyncadd.s32 @!p0 $0xFFFFFFFF  }
0xb3: {  	s25 =	simm.s32 $0x1B8E;
	s24 =	sld [smem:$0x3FFE];
	[sflag:s4] =	ssyncadd.remote.s32 @!p0 $0x1  }
0xb4: {  	s26 =	simm.s32 $execute0_lowered;
	[smem:$0x3FD2] =	sst s25  }
0xb5: {  	s5 =	sshll.u32 s26, $0x1;
	_ =	strace $0x80000055;
	[dreg:$0x1] =	wrdreg $0xFFFFFFFF  }
0xb6: {  	s28 =	simm.s32 $_size_execute0_lowered;
	s3 =	sadd.s32 s3, s5;
	[dreg:$0x0] =	wrdreg $0x0  }
0xb7: {  	s5 =	sshll.u32 s28, $0x1;
	[dreg:$0x2] =	wrdreg s3  }
0xb8: {  	[dreg:$0x3] =	wrdreg s5  }
0xb9: {  	[dreg:$0x4] =	wrdreg $0xC0  }
0xba: {  	_ =	task [dreg:s22], $0x5FFFF  }
0xbb: {  	[dreg:$0x1] =	wrdreg $0xFFFFFFFF  }
0xbc: {  	[dreg:$0x0] =	wrdreg $0x60  }
0xbd: {  	[dreg:$0x2] =	wrdreg s24  }
0xbe: {  	[dreg:$0x3] =	wrdreg $0x9  }
0xbf: {  	_ =	task.clear_ibuf [dreg:s22], $0x4FFFF;
	_ =	strace $0x90000055  }
0xc0: {  	s29 =	simm.s32 $0x9;
	_ =	strace $0x80000057  }
0xc1: {  	_ =	swait.ge [sflag:s29], $0x1  }
0xc2: {  	[sflag:s29] =	ssyncadd.s32 $0xFFFFFFFF  }
0xc3: {  	_ =	strace $0x90000057  }
0xc4: {  	_ =	sfence  }
0xc5: {  	s30 =	sld [smem:$0x0];
	_ =	sdelay $0x2  }
0xc6: {  	s31 =	sshll.u32 s1, $0xD;
	s1 =	sshrl.u32 s1, $0x2  }
0xc7: {  	s4 =	sand.u32 $0x4000, s31;
	s1 =	sadd.s32 s1, s30  }
0xc8: {  	s0 =	sor.u32 s4, s0;
	s1 =	sshll.u32 s1, $0x11  }
0xc9: {  	s0 =	sor.u32 s1, s0  }
0xca: {  	s0 =	sadd.s32 $0x8F2B, s0  }
0xcb: {  	[sflag:s0] =	ssyncadd.remote.s32 $0x1  }
0xcc: {  	_ =	sfence.sel $0xFFFF  }
0xcd: {  	[dreg:$0x0] =	wrdreg $0xFFFFFFFF;
	(pc) =	sbr.abs _section_cstart, $3  }
0xce: {  	[dreg:$0x1] =	wrdreg $0xFFFFFFFF  }
0xcf: {  	_ =	task.clear_ibuf [dreg:s22], $0x2FFFF;
	_ =	strace $0x9FFFFFFF  }
0xd0: {  	(tm) =	ssettm $0x7FFFFFFF  }
0xd1: {  	_ =	shalt  }
tec
execute0_lowered:
.L_overlay_start_1:
0x0: {  	(tag) =	ssettag $0x1  }
0x1: {  	s4 =	rddreg [dreg:$0x0]  }
0x2: {  	s0 =	rddreg [dreg:$0x1];
	s2 =	simm.s32 $0x0;
	s1 =	stileid.u32  }
0x3: {  	s3 =	srdreg.scid;
	s12 =	simm.s32 $0x1;
	s13 =	simm.s32 $0x2  }
0x4: {  	s14 =	simm.s32 $0x0;
	[smem:$0x7FF] =	sst s2;
	s5 =	smul.u32 $0xC4000, s1  }
0x5: {  	s6 =	sand.u32 $0x1, s3;
	s7 =	smul.u32 $0xC400, s1;
	s3 =	sadd.s32 $0x2171E00, s4  }
0x6: {  	s10 =	sadd.s32 $0x5A00, s4;
	s8 =	ssub.s32 $0x2, s6;
	s9 =	smul.u32 $0x6200, s6  }
0x7: {  	_ =	strace $0x80000056;
	s6 =	smul.u32 $0x62000, s6;
	s11 =	sshrl.u32 s8, $0x1  }
0x8: {  	s5 =	sadd.s32 s5, s4;
	s29 =	ssub.s32 s8, s11;
	s7 =	sadd.s32 s9, s7  }
0x9: {  	s5 =	sadd.s32 s6, s5;
	s8 =	simm.s32 $0x3;
	s9 =	simm.s32 $0x80  }
0xa: {  	s11 =	simm.s32 $0x4100;
	s4 =	smax.u32 s29, $0x1;
	s30 =	sor.u32 $0x80, s7  }
0xb: {  	s5 =	sadd.s32 $0xC5E200, s5;
	s7 =	sshrl.u32 s7, $0x3;
	s31 =	sshrl.u32 s30, $0x3  }
0xc: {  	s6 =	sadd.s32 s7, s10;
	s7 =	sadd.s32 s31, s10;
	s10 =	simm.s32 $0x100  }
.LBB2_1:
0xd: {  	s15 =	sadd.s32 $0x0, s6  }
0xe: {  	[tilespmem:s2], [sflag:$0x3] =	stream.linear.gather [hbm4b:s15+s2], $0x80, $0x38;
	[tilespmem:$0x8100] =	vst v63  }
0xf: {  	_ =	swait.ge [sflag:s8], $0x80  }
0x10: {  	[sflag:s8] =	ssyncset.done $0x0  }
0x11: {  	[sflag:s8] =	ssyncadd.s32 $0xFFFFFF80  }
0x12: {  	[tilespmem:s10], [sflag:$0x1] =	stream.indirect.gather [hbm4b:s3+s9], $0x80, s2, s9, $0xb8;
	[tilespmem:$0x8100] =	vst v63  }
0x13: {  	s30 =	sadd.s32 $0x0, s7  }
0x14: {  	[tilespmem:s9], [sflag:$0x3] =	stream.linear.gather [hbm4b:s30+s2], $0x80, $0x38;
	[tilespmem:$0x8100] =	vst v63  }
0x15: {  	_ =	swait.ge [sflag:s8], $0x80  }
0x16: {  	[sflag:s8] =	ssyncset.done $0x0  }
0x17: {  	[sflag:s8] =	ssyncadd.s32 $0xFFFFFF80  }
0x18: {  	[tilespmem:s11], [sflag:$0x1] =	stream.indirect.gather [hbm4b:s3+s9], $0x80, s9, s9, $0xb8;
	[tilespmem:$0x8100] =	vst v63  }
0x19: {  	_ =	swait.ge [sflag:s12], $0x4000  }
0x1a: {  	[sflag:s12] =	ssyncset.done $0x0  }
0x1b: {  	[sflag:s12] =	ssyncadd.s32 $0xFFFFC000  }
0x1c: {  	[hbm4b:s5+s2] =	stream.linear.scatter [tilespmem:s10], [sflag:$0x2], $0x4000, $0x38;
	[tilespmem:$0x8100] =	vst v63  }
0x1d: {  	_ =	swait.ge [sflag:s12], $0x4000  }
0x1e: {  	[sflag:s12] =	ssyncset.done $0x0  }
0x1f: {  	s31 =	sadd.s32 $0x800, s5;
	[sflag:s12] =	ssyncadd.s32 $0xFFFFC000  }
0x20: {  	[hbm4b:s31+s2] =	stream.linear.scatter [tilespmem:s11], [sflag:$0x2], $0x4000, $0x38;
	[tilespmem:$0x8100] =	vst v63  }
0x21: {  	_ =	swait.ge [sflag:s13], $0x4000  }
0x22: {  	[sflag:s13] =	ssyncset.done $0x0  }
0x23: {  	[sflag:s13] =	ssyncadd.s32 $0xFFFFC000  }
0x24: {  	s16 =	simm.s32 $0x20;
	_ =	swait.ge [sflag:s13], $0x4000  }
0x25: {  	s17 =	simm.s32 $0x40;
	s15 =	sadd.s32 $0x1000, s5;
	[sflag:s13] =	ssyncset.done $0x0  }
.LBB2_2:
0x26: {  	s18 =	sadd.s32 s16, s6  }
0x27: {  	[sflag:s13] =	ssyncadd.s32 $0xFFFFC000;
	s19 =	smov.u32 s17;
	s20 =	sadd.s32 $0x20, s17  }
0x28: {  	[tilespmem:s2], [sflag:$0x3] =	stream.linear.gather [hbm4b:s18+s2], $0x80, $0x38;
	[tilespmem:$0x8100] =	vst v63  }
0x29: {  	p0 =	sne.s32 s17, $0xC20;
	_ =	swait.ge [sflag:s8], $0x80  }
0x2a: {  	[sflag:s8] =	ssyncset.done $0x0  }
0x2b: {  	[sflag:s8] =	ssyncadd.s32 $0xFFFFFF80  }
0x2c: {  	[tilespmem:s10], [sflag:$0x1] =	stream.indirect.gather [hbm4b:s3+s9], $0x80, s2, s9, $0xb8;
	[tilespmem:$0x8100] =	vst v63  }
0x2d: {  	s17 =	sadd.s32 s16, s7;
	s16 =	smov.u32 s19  }
0x2e: {  	[tilespmem:s9], [sflag:$0x3] =	stream.linear.gather [hbm4b:s17+s2], $0x80, $0x38;
	[tilespmem:$0x8100] =	vst v63  }
0x2f: {  	_ =	swait.ge [sflag:s8], $0x80  }
0x30: {  	[sflag:s8] =	ssyncset.done $0x0  }
0x31: {  	[sflag:s8] =	ssyncadd.s32 $0xFFFFFF80  }
0x32: {  	[tilespmem:s11], [sflag:$0x1] =	stream.indirect.gather [hbm4b:s3+s9], $0x80, s9, s9, $0xb8;
	[tilespmem:$0x8100] =	vst v63  }
0x33: {  	_ =	swait.ge [sflag:s12], $0x4000  }
0x34: {  	[sflag:s12] =	ssyncset.done $0x0  }
0x35: {  	[sflag:s12] =	ssyncadd.s32 $0xFFFFC000  }
0x36: {  	[hbm4b:s15+s2] =	stream.linear.scatter [tilespmem:s10], [sflag:$0x2], $0x4000, $0x38;
	[tilespmem:$0x8100] =	vst v63  }
0x37: {  	_ =	swait.ge [sflag:s12], $0x4000  }
0x38: {  	[sflag:s12] =	ssyncset.done $0x0  }
0x39: {  	s17 =	sadd.s32 $0x800, s15;
	[sflag:s12] =	ssyncadd.s32 $0xFFFFC000  }
0x3a: {  	[hbm4b:s17+s2] =	stream.linear.scatter [tilespmem:s11], [sflag:$0x2], $0x4000, $0x38;
	[tilespmem:$0x8100] =	vst v63  }
.Ltmp0:
0x3b: {  	_ =	swait.ge [sflag:s13], $0x4000;
	(pc) =	sbr.rel @p0 .LBB2_2-.Ltmp0, $4  }
0x3c: {  	[sflag:s13] =	ssyncset.done $0x0  }
0x3d: {  	[sflag:s13] =	ssyncadd.s32 $0xFFFFC000  }
0x3e: {  	_ =	swait.ge [sflag:s13], $0x4000  }
0x3f: {  	s15 =	sadd.s32 $0x1000, s15;
	s17 =	smov.u32 s20;
	[sflag:s13] =	ssyncset.done $0x0  }
0x40: {  	s17 =	sadd.s32 s16, s6;
	[sflag:s13] =	ssyncadd.s32 $0xFFFFC000  }
0x41: {  	[tilespmem:s2], [sflag:$0x3] =	stream.linear.gather [hbm4b:s17+s2], $0x80, $0x38;
	[tilespmem:$0x8100] =	vst v63  }
0x42: {  	_ =	swait.ge [sflag:s8], $0x80  }
0x43: {  	[sflag:s8] =	ssyncset.done $0x0  }
0x44: {  	[sflag:s8] =	ssyncadd.s32 $0xFFFFFF80  }
0x45: {  	[tilespmem:s10], [sflag:$0x1] =	stream.indirect.gather [hbm4b:s3+s9], $0x80, s2, s9, $0xb8;
	[tilespmem:$0x8100] =	vst v63  }
0x46: {  	s30 =	sadd.s32 s16, s7  }
0x47: {  	[tilespmem:s9], [sflag:$0x3] =	stream.linear.gather [hbm4b:s30+s2], $0x80, $0x38;
	[tilespmem:$0x8100] =	vst v63  }
0x48: {  	_ =	swait.ge [sflag:s8], $0x80  }
0x49: {  	[sflag:s8] =	ssyncset.done $0x0  }
0x4a: {  	[sflag:s8] =	ssyncadd.s32 $0xFFFFFF80  }
0x4b: {  	[tilespmem:s11], [sflag:$0x1] =	stream.indirect.gather [hbm4b:s3+s9], $0x80, s9, s9, $0xb8;
	[tilespmem:$0x8100] =	vst v63  }
0x4c: {  	_ =	swait.ge [sflag:s12], $0x4000  }
0x4d: {  	[sflag:s12] =	ssyncset.done $0x0  }
0x4e: {  	[sflag:s12] =	ssyncadd.s32 $0xFFFFC000  }
0x4f: {  	[hbm4b:s15+s2] =	stream.linear.scatter [tilespmem:s10], [sflag:$0x2], $0x4000, $0x38;
	[tilespmem:$0x8100] =	vst v63  }
0x50: {  	_ =	swait.ge [sflag:s12], $0x4000  }
0x51: {  	[sflag:s12] =	ssyncset.done $0x0  }
0x52: {  	s31 =	sadd.s32 $0x800, s15;
	s14 =	sadd.s32 $0x1, s14;
	[sflag:s12] =	ssyncadd.s32 $0xFFFFC000  }
0x53: {  	[hbm4b:s31+s2] =	stream.linear.scatter [tilespmem:s11], [sflag:$0x2], $0x4000, $0x38;
	[tilespmem:$0x8100] =	vst v63  }
0x54: {  	p0 =	sne.s32 s14, s4;
	_ =	swait.ge [sflag:s13], $0x4000  }
.Ltmp1:
0x55: {  	[sflag:s13] =	ssyncset.done $0x0;
	(pc) =	sbr.rel @p0 .LBB2_1-.Ltmp1, $4  }
0x56: {  	[sflag:s13] =	ssyncadd.s32 $0xFFFFC000  }
0x57: {  	_ =	swait.ge [sflag:s13], $0x4000  }
0x58: {  	[sflag:s13] =	ssyncset.done $0x0  }
0x59: {  	[sflag:s13] =	ssyncadd.s32 $0xFFFFC000  }
0x5a: {  	_ =	sfence.sel $0x180000  }
0x5b: {  	[bflag:$0x0] =	sbarrier.arrive $0xFFFF  }
0x5c: {  	p0 =	sne.s32 s1, $0x0;
	_ =	strace $0x90000056  }
0x5d: {  	s0 =	sadd.s32 @!p0 $0x100000, s0;
	[bflag:$0x2] =	sbarrier.arrive $0xFFFF  }
0x5e: {  	[sflag:s0] =	ssyncadd.tile.s32 @!p0 $0x1;
	_ =	shalt  }
.Lfunc_end2:
_tile_overlayer_lowered:
.L_overlay_start_2:
0x5f: {  	(tag) =	ssettag $0x2  }
0x60: {  	s0 =	rddreg [dreg:$0x0];
	s2 =	stileid.u32  }
0x61: {  	s1 =	rddreg [dreg:$0x1];
	p0 =	sne.s32 s2, $0x0  }
0x62: {  	s3 =	rddreg [dreg:$0x2];
	[bflag:$0x3] =	sbarrier.arrive $0xFFFF;
	s2 =	simm.s32 @!p0 $0x1C03  }
0x63: {  	[timem:s3], [sflag:s2] =	dma.local @!p0 [hbm:s0], s1  }
0x64: {  	s0 =	simm.s32 @!p0 $0x3  }
0x65: {  	_ =	swait.ge @!p0 [sflag:s0], s1  }
0x66: {  	s1 =	ssub.s32 @!p0 $0x0, s1;
	[sflag:s0] =	ssyncset.done @!p0 $0x0  }
0x67: {  	[sflag:s0] =	ssyncadd.s32 @!p0 s1  }
0x68: {  	[bflag:$0x3] =	sbarrier.arrive $0xFFFF  }
0x69: {  	_ =	shalt  }

// kernel: kernel.32.cloned.1.call-start
scs
__scs_entry_jumppad:
0x0: {  	(pc) =	sbr.rel $0x88, $3  }
0x1: {  	(tag) =	ssettag $0x0;
	lr =	simm.s32 $0x1  }
0x2: {  	[smem:$0x3F83] =	sst lr;
	_ =	strace $0xD0000000  }
0x3: {  	_ = 	snop  }
0x4: {  	_ = 	snop  }
0x5: {  	_ = 	snop  }
0x6: {  	_ = 	snop  }
0x7: {  	_ = 	snop  }
__scs_overlays_trampoline_lowered:
0x8: {  	[smem:$0x3F92] =	sst s0  }
0x9: {  	[smem:$0x3F93] =	sst s1  }
0xa: {  	[smem:$0x3F94] =	sst s2  }
0xb: {  	[smem:$0x3F95] =	sst s3  }
0xc: {  	[smem:$0x3F96] =	sst s4  }
0xd: {  	[smem:$0x3F97] =	sst s5  }
0xe: {  	[smem:$0x3F98] =	sst s6  }
0xf: {  	[smem:$0x3F99] =	sst s7  }
0x10: {  	[smem:$0x3F9A] =	sst s8  }
0x11: {  	[smem:$0x3F9B] =	sst s9;
	s0 =	simm.s32 @!p0 $0x0  }
0x12: {  	s1 =	sld [smem:$0x3F81];
	s0 =	simm.s32 @p0 $0x1  }
0x13: {  	[smem:$0x3F9C] =	sst s0;
	s0 =	simm.s32 @!p1 $0x0  }
0x14: {  	s2 =	sld [smem:$0x3F80];
	s0 =	simm.s32 @p1 $0x1  }
0x15: {  	[smem:$0x3F9D] =	sst s0;
	s0 =	simm.s32 @!p2 $0x0  }
0x16: {  	s3 =	sld [smem:$0x3FDB];
	s0 =	simm.s32 @p2 $0x1  }
0x17: {  	s4 =	simm.s32 $0x1BF5;
	[smem:$0x3F9F] =	sst s0  }
0x18: {  	s0 =	sld [smem:$0x3F82];
	_ =	swait.ge [sflag:s4], $0x0  }
0x19: {  	s7 =	sld [smem:$0x3F83]  }
0x1a: {  	s8 =	sadd.s32 $0xFFFFE003, lr  }
0x1b: {  	s9 =	sadd.s32 $0xFFFFFEF7, lr;
	s5 =	simm.s32 $0xFFFFFFFF;
	p2 =	slt.u32 s8, $0xFFFFF086  }
0x1c: {  	p1 =	slt.u32 s9, $0xF7A;
	s5 =	simm.s32 @!p2 $0x0  }
0x1d: {  	s5 =	simm.s32 @p1 $0x1;
	p0 =	seq.s32 s7, s2  }
0x1e: {  	s7 =	smul.u32 @!p0 $0xF7A, s2;
	p2 =	seq.s32 @!p0 s5, $0x0  }
0x1f: {  	s9 =	smul.u32 $0xF7A, s1;
	s8 =	simm.s32 @!p0 $0x1BF5;
	p2 =	por !p2, p0  }
0x20: {  	[sflag:s8] =	ssyncset.s32 @!p0 $0xFFFFF086;
	s6 =	sadd.s32 @!p0 s3, s7;
	s7 =	simm.s32 @!p0 $0x108  }
0x21: {  	s3 =	sadd.s32 s3, s9;
	s6 =	sadd.s32 @!p0 $0x88, s6;
	s7 =	simm.s32 @p2 $0x1082  }
0x22: {  	[simem:s7], [sflag:s8] =	dma.local @!p0 [hbm:s6], $0xF7A  }
0x23: {  	s9 =	sor.u32 $0xD0000000, s2;
	s6 =	simm.s32 $0x108;
	_ =	swait.ge @!p0 [sflag:s8], $0x0  }
0x24: {  	s3 =	sadd.s32 $0x88, s3;
	s6 =	simm.s32 @!p1 $0x1082;
	[sflag:s4] =	ssyncset.s32 $0xFFFFF086  }
0x25: {  	[simem:s6], [sflag:s4] =	dma.local [hbm:s3], $0xF7A  }
0x26: {  	[smem:$0x3F83] =	sst s1;
	(tag) =	ssettag s2;
	_ =	strace s9  }
0x27: {  	s1 =	sld [smem:$0x3F93]  }
0x28: {  	s2 =	sld [smem:$0x3F94]  }
0x29: {  	s4 =	sld [smem:$0x3F96]  }
0x2a: {  	p0 =	seq.s32 s5, $0x0;
	s5 =	sld [smem:$0x3F97]  }
0x2b: {  	s6 =	sld [smem:$0x3F98]  }
0x2c: {  	s7 =	sld [smem:$0x3F99]  }
0x2d: {  	s3 =	simm.s32 $0x108;
	s8 =	sld [smem:$0x3F9A]  }
0x2e: {  	s3 =	simm.s32 @!p0 $0x1082;
	s9 =	sld [smem:$0x3F9B]  }
0x2f: {  	lr =	sadd.s32 s0, s3;
	s0 =	sld [smem:$0x3F92]  }
0x30: {  	s3 =	sld [smem:$0x3F95]  }
0x31: {  	[smem:$0x3F9E] =	sst s10  }
0x32: {  	s10 =	sld [smem:$0x3F9C];
	_ =	sdelay $0x3  }
0x33: {  	p0 =	seq.s32 s10, $0x1;
	s10 =	sld [smem:$0x3F9E];
	_ =	sdelay $0x3  }
0x34: {  	[smem:$0x3F9E] =	sst s10  }
0x35: {  	s10 =	sld [smem:$0x3F9D];
	_ =	sdelay $0x3  }
0x36: {  	p1 =	seq.s32 s10, $0x1;
	s10 =	sld [smem:$0x3F9E];
	_ =	sdelay $0x3  }
0x37: {  	[smem:$0x3F9E] =	sst s10  }
0x38: {  	s10 =	sld [smem:$0x3F9F]  }
0x39: {  	_ = 	snop;
	(pc) =	sbr.ind lr, $3  }
0x3a: {  	_ = 	snop  }
0x3b: {  	_ = 	snop  }
0x3c: {  	p2 =	seq.s32 s10, $0x1;
	s10 =	sld [smem:$0x3F9E]  }
0x3d: {  	_ =	shalt  }
0x3e: {  	_ =	shalt  }
0x3f: {  	_ =	shalt  }
0x40: {  	_ =	shalt  }
0x41: {  	_ =	shalt  }
0x42: {  	_ =	shalt  }
0x43: {  	_ =	shalt  }
0x44: {  	_ =	shalt  }
0x45: {  	_ =	shalt  }
0x46: {  	_ =	shalt  }
0x47: {  	_ =	shalt  }
0x48: {  	_ =	shalt  }
0x49: {  	_ =	shalt  }
0x4a: {  	_ =	shalt  }
0x4b: {  	_ =	shalt  }
0x4c: {  	_ =	shalt  }
0x4d: {  	_ =	shalt  }
0x4e: {  	_ =	shalt  }
0x4f: {  	_ =	shalt  }
0x50: {  	_ =	shalt  }
0x51: {  	_ =	shalt  }
0x52: {  	_ =	shalt  }
0x53: {  	_ =	shalt  }
0x54: {  	_ =	shalt  }
0x55: {  	_ =	shalt  }
0x56: {  	_ =	shalt  }
0x57: {  	_ =	shalt  }
0x58: {  	_ =	shalt  }
0x59: {  	_ =	shalt  }
0x5a: {  	_ =	shalt  }
0x5b: {  	_ =	shalt  }
0x5c: {  	_ =	shalt  }
0x5d: {  	_ =	shalt  }
0x5e: {  	_ =	shalt  }
0x5f: {  	_ =	shalt  }
0x60: {  	_ =	shalt  }
0x61: {  	_ =	shalt  }
0x62: {  	_ =	shalt  }
0x63: {  	_ =	shalt  }
0x64: {  	_ =	shalt  }
0x65: {  	_ =	shalt  }
0x66: {  	_ =	shalt  }
0x67: {  	_ =	shalt  }
0x68: {  	_ =	shalt  }
0x69: {  	_ =	shalt  }
0x6a: {  	_ =	shalt  }
0x6b: {  	_ =	shalt  }
0x6c: {  	_ =	shalt  }
0x6d: {  	_ =	shalt  }
0x6e: {  	_ =	shalt  }
0x6f: {  	_ =	shalt  }
0x70: {  	_ =	shalt  }
0x71: {  	_ =	shalt  }
0x72: {  	_ =	shalt  }
0x73: {  	_ =	shalt  }
0x74: {  	_ =	shalt  }
0x75: {  	_ =	shalt  }
0x76: {  	_ =	shalt  }
0x77: {  	_ =	shalt  }
0x78: {  	_ =	shalt  }
0x79: {  	_ =	shalt  }
0x7a: {  	_ =	shalt  }
0x7b: {  	_ =	shalt  }
0x7c: {  	_ =	shalt  }
0x7d: {  	_ =	shalt  }
0x7e: {  	_ =	shalt  }
0x7f: {  	_ =	shalt  }
0x80: {  	_ =	shalt  }
0x81: {  	_ =	shalt  }
0x82: {  	_ =	shalt  }
0x83: {  	_ =	shalt  }
0x84: {  	_ =	shalt  }
0x85: {  	_ =	shalt  }
0x86: {  	_ =	shalt  }
0x87: {  	_ =	shalt  }
.Lfunc_end0:
.L_simem_size_0:
called_computation.7_lowered:
.L_overlay_start_0:
0x88: {  	s2 =	sld [smem:$0x3FD9]  }
0x89: {  	s3 =	sld [smem:$0x3FFE];
	_ =	sdelay $0x1  }
0x8a: {  	s1 =	srdreg.scid  }
0x8b: {  	s0 =	sand.u32 $0x1, s1  }
0x8c: {  	s17 =	sshll.u32 s0, $0xA;
	s2 =	sadd.s32 s3, s2  }
0x8d: {  	s2 =	sadd.s32 s2, s17  }
0x8e: {  	[smem:$0x3FAA] =	sst s2  }
0x8f: {  	_ = 	snop  }
0x90: {  	s2 =	sld [smem:$0x3FD0];
	(tm) =	ssettm $0x1  }
0x91: {  	s18 =	sld [smem:$0x3FFB];
	_ =	sdelay $0x3  }
0x92: {  	_ =	strace s18  }
0x93: {  	s3 =	sld [smem:$0x3FFC];
	_ =	sdelay $0x3  }
0x94: {  	_ =	strace s3  }
0x95: {  	s3 =	sld [smem:$0x3FFD];
	_ =	sdelay $0x3  }
0x96: {  	_ =	strace s3  }
0x97: {  	_ =	strace $0x8FFFFFFF  }
0x98: {  	s19 =	sld [smem:$0x3FDB];
	_ =	sdelay $0x1  }
0x99: {  	s4 =	simm.s32 $_scs_section_size  }
0x9a: {  	s5 =	simm.s32 $_size__tile_overlayer_lowered;
	s6 =	simm.s32 $_tile_overlayer_lowered  }
0x9b: {  	s22 =	simm.s32 $0x1BFF;
	s21 =	sshll.u32 s6, $0x1;
	s3 =	sadd.s32 s4, s19  }
0x9c: {  	s7 =	simm.s32 $0x0;
	s20 =	sshll.u32 s5, $0x1;
	s5 =	sadd.s32 s21, s3  }
0x9d: {  	[timem:s7], [sflag:s22] =	dma.local [hbm:s5], s20  }
0x9e: {  	_ =	swait.ge [sflag:s22], s20  }
0x9f: {  	s4 =	ssub.s32 $0x0, s20;
	[sflag:s22] =	ssyncset.done $0x0  }
0xa0: {  	[sflag:s22] =	ssyncadd.s32 s4;
	_ =	sdelay $0x1  }
0xa1: {  	s23 =	simm.s32 $0x1B8B  }
0xa2: {  	_ =	swait.ge [sflag:s23], $0x1  }
0xa3: {  	[sflag:s23] =	ssyncset.done $0x0  }
0xa4: {  	s25 =	simm.s32 $0x1B8E;
	s24 =	sld [smem:$0x3FFE];
	[sflag:s23] =	ssyncadd.s32 $0xFFFFFFFF  }
0xa5: {  	s26 =	simm.s32 $execute0_lowered;
	[smem:$0x3FD2] =	sst s25  }
0xa6: {  	s5 =	sshll.u32 s26, $0x1;
	_ =	strace $0x80000052;
	[dreg:$0x1] =	wrdreg $0xFFFFFFFF  }
0xa7: {  	s28 =	simm.s32 $_size_execute0_lowered;
	s3 =	sadd.s32 s3, s5;
	[dreg:$0x0] =	wrdreg $0x0  }
0xa8: {  	s5 =	sshll.u32 s28, $0x1;
	[dreg:$0x2] =	wrdreg s3  }
0xa9: {  	[dreg:$0x3] =	wrdreg s5  }
0xaa: {  	[dreg:$0x4] =	wrdreg $0xC0  }
0xab: {  	_ =	task [dreg:s7], $0x5FFFF  }
0xac: {  	[dreg:$0x1] =	wrdreg $0xFFFFFFFF  }
0xad: {  	[dreg:$0x0] =	wrdreg $0x60  }
0xae: {  	[dreg:$0x2] =	wrdreg s24  }
0xaf: {  	[dreg:$0x3] =	wrdreg s2  }
0xb0: {  	[dreg:$0x4] =	wrdreg $0xA  }
0xb1: {  	_ =	task.clear_ibuf [dreg:s7], $0x5FFFF;
	_ =	strace $0x90000052  }
0xb2: {  	s29 =	simm.s32 $0xA;
	_ =	strace $0x80000054  }
0xb3: {  	_ =	swait.ge [sflag:s29], $0x1  }
0xb4: {  	[sflag:s29] =	ssyncadd.s32 $0xFFFFFFFF  }
0xb5: {  	_ =	strace $0x90000054  }
0xb6: {  	_ =	sfence  }
0xb7: {  	s30 =	sld [smem:$0x0];
	_ =	sdelay $0x2  }
0xb8: {  	s31 =	sshll.u32 s1, $0xD;
	s1 =	sshrl.u32 s1, $0x2  }
0xb9: {  	s3 =	sand.u32 $0x4000, s31;
	s1 =	sadd.s32 s1, s30  }
0xba: {  	s0 =	sor.u32 s3, s0;
	s1 =	sshll.u32 s1, $0x11  }
0xbb: {  	s0 =	sor.u32 s1, s0  }
0xbc: {  	s0 =	sadd.s32 $0x8F2B, s0  }
0xbd: {  	[sflag:s0] =	ssyncadd.remote.s32 $0x1  }
0xbe: {  	_ =	sfence.sel $0xFFFF  }
0xbf: {  	[dreg:$0x0] =	wrdreg $0xFFFFFFFF;
	(pc) =	sbr.abs _section_cstart, $3  }
0xc0: {  	[dreg:$0x1] =	wrdreg $0xFFFFFFFF  }
0xc1: {  	_ =	task.clear_ibuf [dreg:s7], $0x2FFFF;
	_ =	strace $0x9FFFFFFF  }
0xc2: {  	(tm) =	ssettm $0x7FFFFFFF  }
0xc3: {  	_ =	shalt  }
tec
execute0_lowered:
.L_overlay_start_1:
0x0: {  	(tag) =	ssettag $0x1  }
0x1: {  	s4 =	rddreg [dreg:$0x0]  }
0x2: {  	s7 =	rddreg [dreg:$0x1]  }
0x3: {  	s0 =	rddreg [dreg:$0x2];
	s1 =	stileid.u32  }
0x4: {  	s2 =	simm.s32 $0x0;
	s3 =	srdreg.scid;
	s12 =	simm.s32 $0x1  }
0x5: {  	s13 =	simm.s32 $0x2;
	s14 =	simm.s32 $0x0;
	s5 =	smul.u32 $0xC4000, s1  }
0x6: {  	[smem:$0x7FF] =	sst s2;
	s6 =	sand.u32 $0x1, s3;
	s8 =	smul.u32 $0xC400, s1  }
0x7: {  	s3 =	sadd.s32 $0x2171E00, s4;
	s9 =	ssub.s32 $0x2, s6;
	s10 =	smul.u32 $0x6200, s6  }
0x8: {  	_ =	strace $0x80000053;
	s6 =	smul.u32 $0x62000, s6;
	s11 =	sshrl.u32 s9, $0x1  }
0x9: {  	s5 =	sadd.s32 s5, s4;
	s29 =	ssub.s32 s9, s11;
	s8 =	sadd.s32 s10, s8  }
0xa: {  	s5 =	sadd.s32 s6, s5;
	s9 =	simm.s32 $0x80;
	s10 =	simm.s32 $0x100  }
0xb: {  	s11 =	simm.s32 $0x4100;
	s4 =	smax.u32 s29, $0x1;
	s30 =	sor.u32 $0x80, s8  }
0xc: {  	s5 =	sadd.s32 $0x1E200, s5;
	s8 =	sshrl.u32 s8, $0x3;
	s31 =	sshrl.u32 s30, $0x3  }
0xd: {  	s6 =	sadd.s32 s8, s7;
	s8 =	simm.s32 $0x3;
	s7 =	sadd.s32 s31, s7  }
.LBB2_1:
0xe: {  	s15 =	sadd.s32 $0x0, s6  }
0xf: {  	[tilespmem:s2], [sflag:$0x3] =	stream.linear.gather [hbm4b:s15+s2], $0x80, $0x38;
	[tilespmem:$0x8100] =	vst v63  }
0x10: {  	_ =	swait.ge [sflag:s8], $0x80  }
0x11: {  	[sflag:s8] =	ssyncset.done $0x0  }
0x12: {  	[sflag:s8] =	ssyncadd.s32 $0xFFFFFF80  }
0x13: {  	[tilespmem:s10], [sflag:$0x1] =	stream.indirect.gather [hbm4b:s3+s9], $0x80, s2, s9, $0xb8;
	[tilespmem:$0x8100] =	vst v63  }
0x14: {  	s30 =	sadd.s32 $0x0, s7  }
0x15: {  	[tilespmem:s9], [sflag:$0x3] =	stream.linear.gather [hbm4b:s30+s2], $0x80, $0x38;
	[tilespmem:$0x8100] =	vst v63  }
0x16: {  	_ =	swait.ge [sflag:s8], $0x80  }
0x17: {  	[sflag:s8] =	ssyncset.done $0x0  }
0x18: {  	[sflag:s8] =	ssyncadd.s32 $0xFFFFFF80  }
0x19: {  	[tilespmem:s11], [sflag:$0x1] =	stream.indirect.gather [hbm4b:s3+s9], $0x80, s9, s9, $0xb8;
	[tilespmem:$0x8100] =	vst v63  }
0x1a: {  	_ =	swait.ge [sflag:s12], $0x4000  }
0x1b: {  	[sflag:s12] =	ssyncset.done $0x0  }
0x1c: {  	[sflag:s12] =	ssyncadd.s32 $0xFFFFC000  }
0x1d: {  	[hbm4b:s5+s2] =	stream.linear.scatter [tilespmem:s10], [sflag:$0x2], $0x4000, $0x38;
	[tilespmem:$0x8100] =	vst v63  }
0x1e: {  	_ =	swait.ge [sflag:s12], $0x4000  }
0x1f: {  	[sflag:s12] =	ssyncset.done $0x0  }
0x20: {  	s31 =	sadd.s32 $0x800, s5;
	[sflag:s12] =	ssyncadd.s32 $0xFFFFC000  }
0x21: {  	[hbm4b:s31+s2] =	stream.linear.scatter [tilespmem:s11], [sflag:$0x2], $0x4000, $0x38;
	[tilespmem:$0x8100] =	vst v63  }
0x22: {  	_ =	swait.ge [sflag:s13], $0x4000  }
0x23: {  	[sflag:s13] =	ssyncset.done $0x0  }
0x24: {  	[sflag:s13] =	ssyncadd.s32 $0xFFFFC000  }
0x25: {  	s16 =	simm.s32 $0x20;
	_ =	swait.ge [sflag:s13], $0x4000  }
0x26: {  	s17 =	simm.s32 $0x40;
	s15 =	sadd.s32 $0x1000, s5;
	[sflag:s13] =	ssyncset.done $0x0  }
.LBB2_2:
0x27: {  	s18 =	sadd.s32 s16, s6  }
0x28: {  	[sflag:s13] =	ssyncadd.s32 $0xFFFFC000;
	s19 =	smov.u32 s17;
	s20 =	sadd.s32 $0x20, s17  }
0x29: {  	[tilespmem:s2], [sflag:$0x3] =	stream.linear.gather [hbm4b:s18+s2], $0x80, $0x38;
	[tilespmem:$0x8100] =	vst v63  }
0x2a: {  	p0 =	sne.s32 s17, $0xC20;
	_ =	swait.ge [sflag:s8], $0x80  }
0x2b: {  	[sflag:s8] =	ssyncset.done $0x0  }
0x2c: {  	[sflag:s8] =	ssyncadd.s32 $0xFFFFFF80  }
0x2d: {  	[tilespmem:s10], [sflag:$0x1] =	stream.indirect.gather [hbm4b:s3+s9], $0x80, s2, s9, $0xb8;
	[tilespmem:$0x8100] =	vst v63  }
0x2e: {  	s17 =	sadd.s32 s16, s7;
	s16 =	smov.u32 s19  }
0x2f: {  	[tilespmem:s9], [sflag:$0x3] =	stream.linear.gather [hbm4b:s17+s2], $0x80, $0x38;
	[tilespmem:$0x8100] =	vst v63  }
0x30: {  	_ =	swait.ge [sflag:s8], $0x80  }
0x31: {  	[sflag:s8] =	ssyncset.done $0x0  }
0x32: {  	[sflag:s8] =	ssyncadd.s32 $0xFFFFFF80  }
0x33: {  	[tilespmem:s11], [sflag:$0x1] =	stream.indirect.gather [hbm4b:s3+s9], $0x80, s9, s9, $0xb8;
	[tilespmem:$0x8100] =	vst v63  }
0x34: {  	_ =	swait.ge [sflag:s12], $0x4000  }
0x35: {  	[sflag:s12] =	ssyncset.done $0x0  }
0x36: {  	[sflag:s12] =	ssyncadd.s32 $0xFFFFC000  }
0x37: {  	[hbm4b:s15+s2] =	stream.linear.scatter [tilespmem:s10], [sflag:$0x2], $0x4000, $0x38;
	[tilespmem:$0x8100] =	vst v63  }
0x38: {  	_ =	swait.ge [sflag:s12], $0x4000  }
0x39: {  	[sflag:s12] =	ssyncset.done $0x0  }
0x3a: {  	s17 =	sadd.s32 $0x800, s15;
	[sflag:s12] =	ssyncadd.s32 $0xFFFFC000  }
0x3b: {  	[hbm4b:s17+s2] =	stream.linear.scatter [tilespmem:s11], [sflag:$0x2], $0x4000, $0x38;
	[tilespmem:$0x8100] =	vst v63  }
.Ltmp0:
0x3c: {  	_ =	swait.ge [sflag:s13], $0x4000;
	(pc) =	sbr.rel @p0 .LBB2_2-.Ltmp0, $4  }
0x3d: {  	[sflag:s13] =	ssyncset.done $0x0  }
0x3e: {  	[sflag:s13] =	ssyncadd.s32 $0xFFFFC000  }
0x3f: {  	_ =	swait.ge [sflag:s13], $0x4000  }
0x40: {  	s15 =	sadd.s32 $0x1000, s15;
	s17 =	smov.u32 s20;
	[sflag:s13] =	ssyncset.done $0x0  }
0x41: {  	s17 =	sadd.s32 s16, s6;
	[sflag:s13] =	ssyncadd.s32 $0xFFFFC000  }
0x42: {  	[tilespmem:s2], [sflag:$0x3] =	stream.linear.gather [hbm4b:s17+s2], $0x80, $0x38;
	[tilespmem:$0x8100] =	vst v63  }
0x43: {  	_ =	swait.ge [sflag:s8], $0x80  }
0x44: {  	[sflag:s8] =	ssyncset.done $0x0  }
0x45: {  	[sflag:s8] =	ssyncadd.s32 $0xFFFFFF80  }
0x46: {  	[tilespmem:s10], [sflag:$0x1] =	stream.indirect.gather [hbm4b:s3+s9], $0x80, s2, s9, $0xb8;
	[tilespmem:$0x8100] =	vst v63  }
0x47: {  	s30 =	sadd.s32 s16, s7  }
0x48: {  	[tilespmem:s9], [sflag:$0x3] =	stream.linear.gather [hbm4b:s30+s2], $0x80, $0x38;
	[tilespmem:$0x8100] =	vst v63  }
0x49: {  	_ =	swait.ge [sflag:s8], $0x80  }
0x4a: {  	[sflag:s8] =	ssyncset.done $0x0  }
0x4b: {  	[sflag:s8] =	ssyncadd.s32 $0xFFFFFF80  }
0x4c: {  	[tilespmem:s11], [sflag:$0x1] =	stream.indirect.gather [hbm4b:s3+s9], $0x80, s9, s9, $0xb8;
	[tilespmem:$0x8100] =	vst v63  }
0x4d: {  	_ =	swait.ge [sflag:s12], $0x4000  }
0x4e: {  	[sflag:s12] =	ssyncset.done $0x0  }
0x4f: {  	[sflag:s12] =	ssyncadd.s32 $0xFFFFC000  }
0x50: {  	[hbm4b:s15+s2] =	stream.linear.scatter [tilespmem:s10], [sflag:$0x2], $0x4000, $0x38;
	[tilespmem:$0x8100] =	vst v63  }
0x51: {  	_ =	swait.ge [sflag:s12], $0x4000  }
0x52: {  	[sflag:s12] =	ssyncset.done $0x0  }
0x53: {  	s31 =	sadd.s32 $0x800, s15;
	s14 =	sadd.s32 $0x1, s14;
	[sflag:s12] =	ssyncadd.s32 $0xFFFFC000  }
0x54: {  	[hbm4b:s31+s2] =	stream.linear.scatter [tilespmem:s11], [sflag:$0x2], $0x4000, $0x38;
	[tilespmem:$0x8100] =	vst v63  }
0x55: {  	p0 =	sne.s32 s14, s4;
	_ =	swait.ge [sflag:s13], $0x4000  }
.Ltmp1:
0x56: {  	[sflag:s13] =	ssyncset.done $0x0;
	(pc) =	sbr.rel @p0 .LBB2_1-.Ltmp1, $4  }
0x57: {  	[sflag:s13] =	ssyncadd.s32 $0xFFFFC000  }
0x58: {  	_ =	swait.ge [sflag:s13], $0x4000  }
0x59: {  	[sflag:s13] =	ssyncset.done $0x0  }
0x5a: {  	[sflag:s13] =	ssyncadd.s32 $0xFFFFC000  }
0x5b: {  	_ =	sfence.sel $0x180000  }
0x5c: {  	[bflag:$0x0] =	sbarrier.arrive $0xFFFF  }
0x5d: {  	p0 =	sne.s32 s1, $0x0;
	_ =	strace $0x90000053  }
0x5e: {  	s0 =	sadd.s32 @!p0 $0x100000, s0;
	[bflag:$0x2] =	sbarrier.arrive $0xFFFF  }
0x5f: {  	[sflag:s0] =	ssyncadd.tile.s32 @!p0 $0x1;
	_ =	shalt  }
.Lfunc_end2:
_tile_overlayer_lowered:
.L_overlay_start_2:
0x60: {  	(tag) =	ssettag $0x2  }
0x61: {  	s0 =	rddreg [dreg:$0x0];
	s2 =	stileid.u32  }
0x62: {  	s1 =	rddreg [dreg:$0x1];
	p0 =	sne.s32 s2, $0x0  }
0x63: {  	s3 =	rddreg [dreg:$0x2];
	[bflag:$0x3] =	sbarrier.arrive $0xFFFF;
	s2 =	simm.s32 @!p0 $0x1C03  }
0x64: {  	[timem:s3], [sflag:s2] =	dma.local @!p0 [hbm:s0], s1  }
0x65: {  	s0 =	simm.s32 @!p0 $0x3  }
0x66: {  	_ =	swait.ge @!p0 [sflag:s0], s1  }
0x67: {  	s1 =	ssub.s32 @!p0 $0x0, s1;
	[sflag:s0] =	ssyncset.done @!p0 $0x0  }
0x68: {  	[sflag:s0] =	ssyncadd.s32 @!p0 s1  }
0x69: {  	[bflag:$0x3] =	sbarrier.arrive $0xFFFF  }
0x6a: {  	_ =	shalt  }

// kernel: kernel.35.cloned.1.call-start
scs
__scs_entry_jumppad:
0x0: {  	(pc) =	sbr.rel $0x88, $3  }
0x1: {  	(tag) =	ssettag $0x0;
	lr =	simm.s32 $0x1  }
0x2: {  	[smem:$0x3F83] =	sst lr;
	_ =	strace $0xD0000000  }
0x3: {  	_ = 	snop  }
0x4: {  	_ = 	snop  }
0x5: {  	_ = 	snop  }
0x6: {  	_ = 	snop  }
0x7: {  	_ = 	snop  }
__scs_overlays_trampoline_lowered:
0x8: {  	[smem:$0x3F92] =	sst s0  }
0x9: {  	[smem:$0x3F93] =	sst s1  }
0xa: {  	[smem:$0x3F94] =	sst s2  }
0xb: {  	[smem:$0x3F95] =	sst s3  }
0xc: {  	[smem:$0x3F96] =	sst s4  }
0xd: {  	[smem:$0x3F97] =	sst s5  }
0xe: {  	[smem:$0x3F98] =	sst s6  }
0xf: {  	[smem:$0x3F99] =	sst s7  }
0x10: {  	[smem:$0x3F9A] =	sst s8  }
0x11: {  	[smem:$0x3F9B] =	sst s9;
	s0 =	simm.s32 @!p0 $0x0  }
0x12: {  	s1 =	sld [smem:$0x3F81];
	s0 =	simm.s32 @p0 $0x1  }
0x13: {  	[smem:$0x3F9C] =	sst s0;
	s0 =	simm.s32 @!p1 $0x0  }
0x14: {  	s2 =	sld [smem:$0x3F80];
	s0 =	simm.s32 @p1 $0x1  }
0x15: {  	[smem:$0x3F9D] =	sst s0;
	s0 =	simm.s32 @!p2 $0x0  }
0x16: {  	s3 =	sld [smem:$0x3FDB];
	s0 =	simm.s32 @p2 $0x1  }
0x17: {  	s4 =	simm.s32 $0x1BF5;
	[smem:$0x3F9F] =	sst s0  }
0x18: {  	s0 =	sld [smem:$0x3F82];
	_ =	swait.ge [sflag:s4], $0x0  }
0x19: {  	s7 =	sld [smem:$0x3F83]  }
0x1a: {  	s8 =	sadd.s32 $0xFFFFE003, lr  }
0x1b: {  	s9 =	sadd.s32 $0xFFFFFEF7, lr;
	s5 =	simm.s32 $0xFFFFFFFF;
	p2 =	slt.u32 s8, $0xFFFFF086  }
0x1c: {  	p1 =	slt.u32 s9, $0xF7A;
	s5 =	simm.s32 @!p2 $0x0  }
0x1d: {  	s5 =	simm.s32 @p1 $0x1;
	p0 =	seq.s32 s7, s2  }
0x1e: {  	s7 =	smul.u32 @!p0 $0xF7A, s2;
	p2 =	seq.s32 @!p0 s5, $0x0  }
0x1f: {  	s9 =	smul.u32 $0xF7A, s1;
	s8 =	simm.s32 @!p0 $0x1BF5;
	p2 =	por !p2, p0  }
0x20: {  	[sflag:s8] =	ssyncset.s32 @!p0 $0xFFFFF086;
	s6 =	sadd.s32 @!p0 s3, s7;
	s7 =	simm.s32 @!p0 $0x108  }
0x21: {  	s3 =	sadd.s32 s3, s9;
	s6 =	sadd.s32 @!p0 $0x88, s6;
	s7 =	simm.s32 @p2 $0x1082  }
0x22: {  	[simem:s7], [sflag:s8] =	dma.local @!p0 [hbm:s6], $0xF7A  }
0x23: {  	s9 =	sor.u32 $0xD0000000, s2;
	s6 =	simm.s32 $0x108;
	_ =	swait.ge @!p0 [sflag:s8], $0x0  }
0x24: {  	s3 =	sadd.s32 $0x88, s3;
	s6 =	simm.s32 @!p1 $0x1082;
	[sflag:s4] =	ssyncset.s32 $0xFFFFF086  }
0x25: {  	[simem:s6], [sflag:s4] =	dma.local [hbm:s3], $0xF7A  }
0x26: {  	[smem:$0x3F83] =	sst s1;
	(tag) =	ssettag s2;
	_ =	strace s9  }
0x27: {  	s1 =	sld [smem:$0x3F93]  }
0x28: {  	s2 =	sld [smem:$0x3F94]  }
0x29: {  	s4 =	sld [smem:$0x3F96]  }
0x2a: {  	p0 =	seq.s32 s5, $0x0;
	s5 =	sld [smem:$0x3F97]  }
0x2b: {  	s6 =	sld [smem:$0x3F98]  }
0x2c: {  	s7 =	sld [smem:$0x3F99]  }
0x2d: {  	s3 =	simm.s32 $0x108;
	s8 =	sld [smem:$0x3F9A]  }
0x2e: {  	s3 =	simm.s32 @!p0 $0x1082;
	s9 =	sld [smem:$0x3F9B]  }
0x2f: {  	lr =	sadd.s32 s0, s3;
	s0 =	sld [smem:$0x3F92]  }
0x30: {  	s3 =	sld [smem:$0x3F95]  }
0x31: {  	[smem:$0x3F9E] =	sst s10  }
0x32: {  	s10 =	sld [smem:$0x3F9C];
	_ =	sdelay $0x3  }
0x33: {  	p0 =	seq.s32 s10, $0x1;
	s10 =	sld [smem:$0x3F9E];
	_ =	sdelay $0x3  }
0x34: {  	[smem:$0x3F9E] =	sst s10  }
0x35: {  	s10 =	sld [smem:$0x3F9D];
	_ =	sdelay $0x3  }
0x36: {  	p1 =	seq.s32 s10, $0x1;
	s10 =	sld [smem:$0x3F9E];
	_ =	sdelay $0x3  }
0x37: {  	[smem:$0x3F9E] =	sst s10  }
0x38: {  	s10 =	sld [smem:$0x3F9F]  }
0x39: {  	_ = 	snop;
	(pc) =	sbr.ind lr, $3  }
0x3a: {  	_ = 	snop  }
0x3b: {  	_ = 	snop  }
0x3c: {  	p2 =	seq.s32 s10, $0x1;
	s10 =	sld [smem:$0x3F9E]  }
0x3d: {  	_ =	shalt  }
0x3e: {  	_ =	shalt  }
0x3f: {  	_ =	shalt  }
0x40: {  	_ =	shalt  }
0x41: {  	_ =	shalt  }
0x42: {  	_ =	shalt  }
0x43: {  	_ =	shalt  }
0x44: {  	_ =	shalt  }
0x45: {  	_ =	shalt  }
0x46: {  	_ =	shalt  }
0x47: {  	_ =	shalt  }
0x48: {  	_ =	shalt  }
0x49: {  	_ =	shalt  }
0x4a: {  	_ =	shalt  }
0x4b: {  	_ =	shalt  }
0x4c: {  	_ =	shalt  }
0x4d: {  	_ =	shalt  }
0x4e: {  	_ =	shalt  }
0x4f: {  	_ =	shalt  }
0x50: {  	_ =	shalt  }
0x51: {  	_ =	shalt  }
0x52: {  	_ =	shalt  }
0x53: {  	_ =	shalt  }
0x54: {  	_ =	shalt  }
0x55: {  	_ =	shalt  }
0x56: {  	_ =	shalt  }
0x57: {  	_ =	shalt  }
0x58: {  	_ =	shalt  }
0x59: {  	_ =	shalt  }
0x5a: {  	_ =	shalt  }
0x5b: {  	_ =	shalt  }
0x5c: {  	_ =	shalt  }
0x5d: {  	_ =	shalt  }
0x5e: {  	_ =	shalt  }
0x5f: {  	_ =	shalt  }
0x60: {  	_ =	shalt  }
0x61: {  	_ =	shalt  }
0x62: {  	_ =	shalt  }
0x63: {  	_ =	shalt  }
0x64: {  	_ =	shalt  }
0x65: {  	_ =	shalt  }
0x66: {  	_ =	shalt  }
0x67: {  	_ =	shalt  }
0x68: {  	_ =	shalt  }
0x69: {  	_ =	shalt  }
0x6a: {  	_ =	shalt  }
0x6b: {  	_ =	shalt  }
0x6c: {  	_ =	shalt  }
0x6d: {  	_ =	shalt  }
0x6e: {  	_ =	shalt  }
0x6f: {  	_ =	shalt  }
0x70: {  	_ =	shalt  }
0x71: {  	_ =	shalt  }
0x72: {  	_ =	shalt  }
0x73: {  	_ =	shalt  }
0x74: {  	_ =	shalt  }
0x75: {  	_ =	shalt  }
0x76: {  	_ =	shalt  }
0x77: {  	_ =	shalt  }
0x78: {  	_ =	shalt  }
0x79: {  	_ =	shalt  }
0x7a: {  	_ =	shalt  }
0x7b: {  	_ =	shalt  }
0x7c: {  	_ =	shalt  }
0x7d: {  	_ =	shalt  }
0x7e: {  	_ =	shalt  }
0x7f: {  	_ =	shalt  }
0x80: {  	_ =	shalt  }
0x81: {  	_ =	shalt  }
0x82: {  	_ =	shalt  }
0x83: {  	_ =	shalt  }
0x84: {  	_ =	shalt  }
0x85: {  	_ =	shalt  }
0x86: {  	_ =	shalt  }
0x87: {  	_ =	shalt  }
.Lfunc_end0:
.L_simem_size_0:
called_computation.8_lowered:
.L_overlay_start_0:
0x88: {  	s2 =	sld [smem:$0x3FD9]  }
0x89: {  	s3 =	sld [smem:$0x3FFE];
	_ =	sdelay $0x1  }
0x8a: {  	s1 =	srdreg.scid  }
0x8b: {  	s0 =	sand.u32 $0x1, s1  }
0x8c: {  	s17 =	sshll.u32 s0, $0xA;
	s2 =	sadd.s32 s3, s2  }
0x8d: {  	s2 =	sadd.s32 s2, s17  }
0x8e: {  	[smem:$0x3FAA] =	sst s2  }
0x8f: {  	_ = 	snop  }
0x90: {  	s2 =	sld [smem:$0x3FD0];
	(tm) =	ssettm $0x1  }
0x91: {  	s18 =	sld [smem:$0x3FFB];
	_ =	sdelay $0x3  }
0x92: {  	_ =	strace s18  }
0x93: {  	s3 =	sld [smem:$0x3FFC];
	_ =	sdelay $0x3  }
0x94: {  	_ =	strace s3  }
0x95: {  	s3 =	sld [smem:$0x3FFD];
	_ =	sdelay $0x3  }
0x96: {  	_ =	strace s3  }
0x97: {  	_ =	strace $0x8FFFFFFF  }
0x98: {  	s19 =	sld [smem:$0x3FDB];
	_ =	sdelay $0x1  }
0x99: {  	s4 =	simm.s32 $_scs_section_size  }
0x9a: {  	s5 =	simm.s32 $_size__tile_overlayer_lowered;
	s6 =	simm.s32 $_tile_overlayer_lowered  }
0x9b: {  	s22 =	simm.s32 $0x1BFF;
	s21 =	sshll.u32 s6, $0x1;
	s3 =	sadd.s32 s4, s19  }
0x9c: {  	s7 =	simm.s32 $0x0;
	s20 =	sshll.u32 s5, $0x1;
	s5 =	sadd.s32 s21, s3  }
0x9d: {  	[timem:s7], [sflag:s22] =	dma.local [hbm:s5], s20  }
0x9e: {  	_ =	swait.ge [sflag:s22], s20  }
0x9f: {  	s4 =	ssub.s32 $0x0, s20;
	[sflag:s22] =	ssyncset.done $0x0  }
0xa0: {  	[sflag:s22] =	ssyncadd.s32 s4;
	_ =	sdelay $0x1  }
0xa1: {  	s23 =	simm.s32 $0x1B8B  }
0xa2: {  	_ =	swait.ge [sflag:s23], $0x1  }
0xa3: {  	[sflag:s23] =	ssyncset.done $0x0  }
0xa4: {  	s25 =	simm.s32 $0x1B8E;
	s24 =	sld [smem:$0x3FFE];
	[sflag:s23] =	ssyncadd.s32 $0xFFFFFFFF  }
0xa5: {  	s26 =	simm.s32 $execute0_lowered;
	[smem:$0x3FD2] =	sst s25  }
0xa6: {  	s5 =	sshll.u32 s26, $0x1;
	_ =	strace $0x8000005B;
	[dreg:$0x1] =	wrdreg $0xFFFFFFFF  }
0xa7: {  	s28 =	simm.s32 $_size_execute0_lowered;
	s3 =	sadd.s32 s3, s5;
	[dreg:$0x0] =	wrdreg $0x0  }
0xa8: {  	s5 =	sshll.u32 s28, $0x1;
	[dreg:$0x2] =	wrdreg s3  }
0xa9: {  	[dreg:$0x3] =	wrdreg s5  }
0xaa: {  	[dreg:$0x4] =	wrdreg $0xC0  }
0xab: {  	_ =	task [dreg:s7], $0x5FFFF  }
0xac: {  	[dreg:$0x1] =	wrdreg $0xFFFFFFFF  }
0xad: {  	[dreg:$0x0] =	wrdreg $0x60  }
0xae: {  	[dreg:$0x2] =	wrdreg s24  }
0xaf: {  	[dreg:$0x3] =	wrdreg s2  }
0xb0: {  	[dreg:$0x4] =	wrdreg $0x9  }
0xb1: {  	_ =	task.clear_ibuf [dreg:s7], $0x5FFFF;
	_ =	strace $0x9000005B  }
0xb2: {  	s29 =	simm.s32 $0x9;
	_ =	strace $0x8000005D  }
0xb3: {  	_ =	swait.ge [sflag:s29], $0x1  }
0xb4: {  	[sflag:s29] =	ssyncadd.s32 $0xFFFFFFFF  }
0xb5: {  	_ =	strace $0x9000005D  }
0xb6: {  	_ =	sfence  }
0xb7: {  	s30 =	sld [smem:$0x0];
	_ =	sdelay $0x2  }
0xb8: {  	s31 =	sshll.u32 s1, $0xD;
	s1 =	sshrl.u32 s1, $0x2  }
0xb9: {  	s3 =	sand.u32 $0x4000, s31;
	s1 =	sadd.s32 s1, s30  }
0xba: {  	s0 =	sor.u32 s3, s0;
	s1 =	sshll.u32 s1, $0x11  }
0xbb: {  	s0 =	sor.u32 s1, s0  }
0xbc: {  	s0 =	sadd.s32 $0x8F2B, s0  }
0xbd: {  	[sflag:s0] =	ssyncadd.remote.s32 $0x1  }
0xbe: {  	_ =	sfence.sel $0xFFFF  }
0xbf: {  	[dreg:$0x0] =	wrdreg $0xFFFFFFFF;
	(pc) =	sbr.abs _section_cstart, $3  }
0xc0: {  	[dreg:$0x1] =	wrdreg $0xFFFFFFFF  }
0xc1: {  	_ =	task.clear_ibuf [dreg:s7], $0x2FFFF;
	_ =	strace $0x9FFFFFFF  }
0xc2: {  	(tm) =	ssettm $0x7FFFFFFF  }
0xc3: {  	_ =	shalt  }
tec
execute0_lowered:
.L_overlay_start_1:
0x0: {  	(tag) =	ssettag $0x1  }
0x1: {  	s8 =	rddreg [dreg:$0x0]  }
0x2: {  	s2 =	rddreg [dreg:$0x1];
	s1 =	srdreg.scid  }
0x3: {  	s0 =	rddreg [dreg:$0x2];
	s3 =	simm.s32 $0x0;
	s15 =	simm.s32 $0x1B780  }
0x4: {  	s16 =	simm.s32 $0x1;
	s17 =	simm.s32 $0xC380;
	s9 =	sand.u32 $0x1, s1  }
0x5: {  	s20 =	simm.s32 $0x0;
	s1 =	stileid.u32;
	s5 =	smul.u32 $0x22, s9  }
0x6: {  	[smem:$0x7FF] =	sst s3;
	s4 =	sshll.u32 s1, $0x1;
	s6 =	sand.u32 $0x7, s1  }
0x7: {  	s13 =	sadd.s32 $0x2109E00, s8;
	s18 =	smul.u32 $0x1870, s6;
	s10 =	sadd.s32 s4, s5  }
0x8: {  	s7 =	sshrl.u32 s1, $0x3;
	_ =	strace $0x8000005C;
	s4 =	smul.u32 $0xC4000, s10  }
0x9: {  	s26 =	sor.u32 s7, s5;
	s11 =	sor.u32 $0x1, s10;
	s10 =	smul.u32 $0x1870, s10  }
0xa: {  	s9 =	ssub.s32 $0x2, s9;
	s12 =	sadd.s32 $0x20, s26;
	s5 =	smul.u32 $0xC4000, s11  }
0xb: {  	s28 =	sshrl.u32 s9, $0x1;
	s7 =	sadd.s32 $0x7C6200, s8;
	s6 =	smul.u32 $0xC4000, s12  }
0xc: {  	s14 =	ssub.s32 s9, s28;
	s19 =	sadd.s32 $0x1870, s18;
	s12 =	smul.u32 $0xC380, s12  }
0xd: {  	s29 =	smul.u32 $0x1870, s11;
	s11 =	smax.u32 s14, $0x1;
	s14 =	simm.s32 $0x1AF80  }
0xe: {  	v1 =	vmov s19;
	s19 =	simm.s32 $0x2;
	s8 =	sadd.s32 s13, s10;
	s30 =	sadd.s32 s18, s12  }
0xf: {  	s9 =	sadd.s32 s13, s29;
	s12 =	simm.s32 $0x19F80;
	s31 =	sshrl.u32 s30, $0x3  }
0x10: {  	v2 =	vimm.f32 $0.0e+00;
	v0 =	vmov s18;
	s18 =	simm.s32 $0x18700;
	s10 =	sadd.s32 s13, s31;
	s13 =	simm.s32 $0x1A780  }
.LBB2_1:
0x11: {  	s21 =	simm.s32 $0x40;
	s22 =	simm.s32 $0x0  }
.LBB2_2:
0x12: {  	p0 =	sne.s32 s21, $0x30DC0;
	[tilespmem:s22+$0x0] =	vst v2;
	s23 =	smov.u32 s21;
	s21 =	sadd.s32 $0x40, s21  }
.Ltmp0:
0x13: {  	[tilespmem:s22+$0xC380] =	vst v2;
	(pc) =	sbr.rel @p0 .LBB2_2-.Ltmp0, $2  }
0x14: {  	_ =	sdelay $0x2  }
0x15: {  	s22 =	sshra.s32 s23, $0x2  }
0x16: {  	[tilespmem:s22+$0x0] =	vst v2  }
0x17: {  	s21 =	simm.s32 $0x0;
	[tilespmem:s22+$0xC380] =	vst v2;
	s22 =	simm.s32 $0x40;
	s23 =	simm.s32 $0x0  }
.LBB2_4:
0x18: {  	p0 =	sne.s32 s22, $0x6180;
	[tilespmem:s23+$0x18700] =	vst v2;
	s23 =	smov.u32 s22;
	s22 =	sadd.s32 $0x40, s22  }
.Ltmp1:
0x19: {  	(pc) =	sbr.rel @p0 .LBB2_4-.Ltmp1, $2  }
0x1a: {  	_ =	sdelay $0x2  }
0x1b: {  	s23 =	sshra.s32 s23, $0x2  }
0x1c: {  	[tilespmem:s23+$0x18700] =	vst v2  }
.LBB2_6:
0x1d: {  	s22 =	sshll.u32 s21, $0x8;
	s23 =	sshll.u32 s21, $0xB  }
0x1e: {  	s24 =	simm.s32 $0x0;
	s22 =	sadd.s32 s2, s22;
	s28 =	sadd.s32 s4, s23  }
0x1f: {  	[tilespmem:s12], [sflag:$0x1] =	stream.linear.gather [hbm4b:s22+s24], $0x800, $0x38;
	[tilespmem:$0x1BF80] =	vst v63  }
0x20: {  	s22 =	sshrl.u32 s28, $0x3  }
0x21: {  	s29 =	sadd.s32 s5, s23;
	s22 =	sadd.s32 s7, s22  }
0x22: {  	[tilespmem:s13], [sflag:$0x1] =	stream.linear.gather [hbm4b:s22+s24], $0x800, $0x38;
	[tilespmem:$0x1BF80] =	vst v63  }
0x23: {  	s22 =	sshrl.u32 s29, $0x3  }
0x24: {  	s30 =	sadd.s32 s6, s23;
	s22 =	sadd.s32 s7, s22  }
0x25: {  	[tilespmem:s14], [sflag:$0x1] =	stream.linear.gather [hbm4b:s22+s24], $0x800, $0x38;
	[tilespmem:$0x1BF80] =	vst v63  }
0x26: {  	s22 =	sshrl.u32 s30, $0x3  }
0x27: {  	s22 =	sadd.s32 s7, s22  }
0x28: {  	[tilespmem:s15], [sflag:$0x1] =	stream.linear.gather [hbm4b:s22+s24], $0x800, $0x38;
	[tilespmem:$0x1BF80] =	vst v63  }
0x29: {  	_ =	swait.ge [sflag:s16], $0x800  }
0x2a: {  	[sflag:s16] =	ssyncset.done $0x0  }
0x2b: {  	[sflag:s16] =	ssyncadd.s32 $0xFFFFF800  }
0x2c: {  	_ =	swait.ge [sflag:s16], $0x800  }
0x2d: {  	[sflag:s16] =	ssyncset.done $0x0  }
0x2e: {  	[sflag:s16] =	ssyncadd.s32 $0xFFFFF800  }
0x2f: {  	_ =	swait.ge [sflag:s16], $0x800  }
0x30: {  	[sflag:s16] =	ssyncset.done $0x0  }
0x31: {  	[sflag:s16] =	ssyncadd.s32 $0xFFFFF800  }
0x32: {  	_ =	swait.ge [sflag:s16], $0x800  }
0x33: {  	[sflag:s16] =	ssyncset.done $0x0  }
0x34: {  	s31 =	simm.s32 $0x0;
	[sflag:s16] =	ssyncadd.s32 $0xFFFFF800  }
0x35: {  	v3 =	vld [tilespmem:s31+$0x19F80];
	_ =	sdelay $0x2  }
0x36: {  	v4 =	vld [tilespmem:s31+$0x1A780];
	_ =	sdelay $0x4  }
0x37: {  	[tilespmem:v3+s3+$0x0] =	vst.idx.add.f32.msk $0xffff, v4  }
0x38: {  	v4 =	vld [tilespmem:s31+$0x1AF80];
	_ =	sdelay $0x1  }
0x39: {  	v5 =	vsub.s32 v3, v0  }
0x3a: {  	vm0 =	vgt.s32 v5, $0x0  }
0x3b: {  	vm1 =	vge.s32 v3, v0;
	v5 =	vnsel vm0, $0x0, v5;
	vm0 =	vlt.s32 v3, v1  }
0x3c: {  	vm0 =	vmand vm1, vm0;
	[tilespmem:v3+s17+$0x0] =	vst.idx.add.f32.msk $0xffff, v4  }
0x3d: {  	s23 =	simm.s32 $0x80;
	s22 =	simm.s32 $0x40;
	v3 =	vmin.u32 v5, $0x186F;
	v4 =	vld [tilespmem:s31+$0x1B780]  }
.LBB2_7:
0x3e: {  	_ =	sdelay $0x2  }
0x3f: {  	p0 =	sne.s32 s23, $0x1FC0  }
0x40: {  	s24 =	sshra.s32 s22, $0x2;
	s22 =	smov.u32 s23;
	s23 =	sadd.s32 $0x40, s23;
	[tilespmem:v3+s18+$0x0] =	vst.idx.add.f32.msk vm0, v4  }
0x41: {  	v3 =	vld [tilespmem:s24+$0x19F80];
	_ =	sdelay $0x2  }
0x42: {  	v4 =	vld [tilespmem:s24+$0x1A780];
	_ =	sdelay $0x1  }
0x43: {  	vm0 =	vge.s32 v3, v0;
	vm1 =	vlt.s32 v3, v1;
	v5 =	vsub.s32 v3, v0  }
0x44: {  	vm0 =	vmand vm0, vm1;
	vm1 =	vgt.s32 v5, $0x0  }
0x45: {  	v5 =	vnsel vm1, $0x0, v5  }
0x46: {  	[tilespmem:v3+s3+$0x0] =	vst.idx.add.f32.msk $0xffff, v4  }
0x47: {  	v4 =	vld [tilespmem:s24+$0x1AF80];
	_ =	sdelay $0x1  }
.Ltmp2:
0x48: {  	(pc) =	sbr.rel @p0 .LBB2_7-.Ltmp2, $3  }
0x49: {  	_ =	sdelay $0x1  }
0x4a: {  	[tilespmem:v3+s17+$0x0] =	vst.idx.add.f32.msk $0xffff, v4  }
0x4b: {  	v3 =	vmin.u32 v5, $0x186F;
	v4 =	vld [tilespmem:s24+$0x1B780]  }
0x4c: {  	_ =	sdelay $0x4  }
0x4d: {  	s22 =	sshra.s32 s22, $0x2;
	[tilespmem:v3+s18+$0x0] =	vst.idx.add.f32.msk vm0, v4  }
0x4e: {  	v3 =	vld [tilespmem:s22+$0x19F80];
	_ =	sdelay $0x2  }
0x4f: {  	v4 =	vld [tilespmem:s22+$0x1A780];
	_ =	sdelay $0x4  }
0x50: {  	[tilespmem:v3+s3+$0x0] =	vst.idx.add.f32.msk $0xffff, v4  }
0x51: {  	v4 =	vld [tilespmem:s22+$0x1AF80];
	_ =	sdelay $0x2  }
0x52: {  	v5 =	vsub.s32 v3, v0  }
0x53: {  	vm15 =	vge.s32 v3, v0;
	vm1 =	vlt.s32 v3, v1;
	vm2 =	vgt.s32 v5, $0x0  }
0x54: {  	s21 =	sadd.s32 $0x1, s21;
	vm0 =	vmand vm15, vm1;
	v5 =	vnsel vm2, $0x0, v5;
	[tilespmem:v3+s17+$0x0] =	vst.idx.add.f32.msk $0xffff, v4  }
0x55: {  	p0 =	sne.s32 s21, $0x188;
	v3 =	vmin.u32 v5, $0x186F;
	v4 =	vld [tilespmem:s22+$0x1B780]  }
.Ltmp3:
0x56: {  	_ = 	snop;
	(pc) =	sbr.rel @p0 .LBB2_6-.Ltmp3, $2  }
0x57: {  	_ =	sdelay $0x2  }
0x58: {  	[tilespmem:v3+s18+$0x0] =	vst.idx.add.f32.msk vm0, v4  }
0x59: {  	[hbm4b:s8+s3] =	stream.linear.scatter [tilespmem:s3], [sflag:$0x2], $0xC380, $0x38;
	[tilespmem:$0x1BF80] =	vst v63  }
0x5a: {  	_ =	swait.ge [sflag:s19], $0xC380  }
0x5b: {  	[sflag:s19] =	ssyncset.done $0x0  }
0x5c: {  	[sflag:s19] =	ssyncadd.s32 $0xFFFF3C80  }
0x5d: {  	[hbm4b:s9+s3] =	stream.linear.scatter [tilespmem:s17], [sflag:$0x2], $0xC380, $0x38;
	[tilespmem:$0x1BF80] =	vst v63  }
0x5e: {  	s20 =	sadd.s32 $0x1, s20;
	_ =	swait.ge [sflag:s19], $0xC380  }
0x5f: {  	p0 =	sne.s32 s20, s11;
	[sflag:s19] =	ssyncset.done $0x0  }
.Ltmp4:
0x60: {  	[sflag:s19] =	ssyncadd.s32 $0xFFFF3C80;
	(pc) =	sbr.rel @p0 .LBB2_1-.Ltmp4, $4  }
0x61: {  	[hbm4b:s10+s3] =	stream.linear.scatter [tilespmem:s18], [sflag:$0x2], $0x1870, $0x38;
	[tilespmem:$0x1BF80] =	vst v63  }
0x62: {  	_ =	swait.ge [sflag:s19], $0x1870  }
0x63: {  	[sflag:s19] =	ssyncset.done $0x0  }
0x64: {  	[sflag:s19] =	ssyncadd.s32 $0xFFFFE790  }
0x65: {  	_ =	sfence.sel $0x180000  }
0x66: {  	[bflag:$0x0] =	sbarrier.arrive $0xFFFF  }
0x67: {  	p0 =	sne.s32 s1, $0x0;
	_ =	strace $0x9000005C  }
0x68: {  	s0 =	sadd.s32 @!p0 $0x100000, s0;
	[bflag:$0x2] =	sbarrier.arrive $0xFFFF  }
0x69: {  	[sflag:s0] =	ssyncadd.tile.s32 @!p0 $0x1;
	_ =	shalt  }
.Lfunc_end2:
_tile_overlayer_lowered:
.L_overlay_start_2:
0x6a: {  	(tag) =	ssettag $0x2  }
0x6b: {  	s0 =	rddreg [dreg:$0x0];
	s2 =	stileid.u32  }
0x6c: {  	s1 =	rddreg [dreg:$0x1];
	p0 =	sne.s32 s2, $0x0  }
0x6d: {  	s3 =	rddreg [dreg:$0x2];
	[bflag:$0x3] =	sbarrier.arrive $0xFFFF;
	s2 =	simm.s32 @!p0 $0x1C02  }
0x6e: {  	[timem:s3], [sflag:s2] =	dma.local @!p0 [hbm:s0], s1  }
0x6f: {  	s0 =	simm.s32 @!p0 $0x2  }
0x70: {  	_ =	swait.ge @!p0 [sflag:s0], s1  }
0x71: {  	s1 =	ssub.s32 @!p0 $0x0, s1;
	[sflag:s0] =	ssyncset.done @!p0 $0x0  }
0x72: {  	[sflag:s0] =	ssyncadd.s32 @!p0 s1  }
0x73: {  	[bflag:$0x3] =	sbarrier.arrive $0xFFFF  }
0x74: {  	_ =	shalt  }

// kernel: kernel.38.cloned.1.call-start
scs
__scs_entry_jumppad:
0x0: {  	(pc) =	sbr.rel $0x88, $3  }
0x1: {  	(tag) =	ssettag $0x0;
	lr =	simm.s32 $0x1  }
0x2: {  	[smem:$0x3F83] =	sst lr;
	_ =	strace $0xD0000000  }
0x3: {  	_ = 	snop  }
0x4: {  	_ = 	snop  }
0x5: {  	_ = 	snop  }
0x6: {  	_ = 	snop  }
0x7: {  	_ = 	snop  }
__scs_overlays_trampoline_lowered:
0x8: {  	[smem:$0x3F92] =	sst s0  }
0x9: {  	[smem:$0x3F93] =	sst s1  }
0xa: {  	[smem:$0x3F94] =	sst s2  }
0xb: {  	[smem:$0x3F95] =	sst s3  }
0xc: {  	[smem:$0x3F96] =	sst s4  }
0xd: {  	[smem:$0x3F97] =	sst s5  }
0xe: {  	[smem:$0x3F98] =	sst s6  }
0xf: {  	[smem:$0x3F99] =	sst s7  }
0x10: {  	[smem:$0x3F9A] =	sst s8  }
0x11: {  	[smem:$0x3F9B] =	sst s9;
	s0 =	simm.s32 @!p0 $0x0  }
0x12: {  	s1 =	sld [smem:$0x3F81];
	s0 =	simm.s32 @p0 $0x1  }
0x13: {  	[smem:$0x3F9C] =	sst s0;
	s0 =	simm.s32 @!p1 $0x0  }
0x14: {  	s2 =	sld [smem:$0x3F80];
	s0 =	simm.s32 @p1 $0x1  }
0x15: {  	[smem:$0x3F9D] =	sst s0;
	s0 =	simm.s32 @!p2 $0x0  }
0x16: {  	s3 =	sld [smem:$0x3FDB];
	s0 =	simm.s32 @p2 $0x1  }
0x17: {  	s4 =	simm.s32 $0x1BF5;
	[smem:$0x3F9F] =	sst s0  }
0x18: {  	s0 =	sld [smem:$0x3F82];
	_ =	swait.ge [sflag:s4], $0x0  }
0x19: {  	s7 =	sld [smem:$0x3F83]  }
0x1a: {  	s8 =	sadd.s32 $0xFFFFE003, lr  }
0x1b: {  	s9 =	sadd.s32 $0xFFFFFEF7, lr;
	s5 =	simm.s32 $0xFFFFFFFF;
	p2 =	slt.u32 s8, $0xFFFFF086  }
0x1c: {  	p1 =	slt.u32 s9, $0xF7A;
	s5 =	simm.s32 @!p2 $0x0  }
0x1d: {  	s5 =	simm.s32 @p1 $0x1;
	p0 =	seq.s32 s7, s2  }
0x1e: {  	s7 =	smul.u32 @!p0 $0xF7A, s2;
	p2 =	seq.s32 @!p0 s5, $0x0  }
0x1f: {  	s9 =	smul.u32 $0xF7A, s1;
	s8 =	simm.s32 @!p0 $0x1BF5;
	p2 =	por !p2, p0  }
0x20: {  	[sflag:s8] =	ssyncset.s32 @!p0 $0xFFFFF086;
	s6 =	sadd.s32 @!p0 s3, s7;
	s7 =	simm.s32 @!p0 $0x108  }
0x21: {  	s3 =	sadd.s32 s3, s9;
	s6 =	sadd.s32 @!p0 $0x88, s6;
	s7 =	simm.s32 @p2 $0x1082  }
0x22: {  	[simem:s7], [sflag:s8] =	dma.local @!p0 [hbm:s6], $0xF7A  }
0x23: {  	s9 =	sor.u32 $0xD0000000, s2;
	s6 =	simm.s32 $0x108;
	_ =	swait.ge @!p0 [sflag:s8], $0x0  }
0x24: {  	s3 =	sadd.s32 $0x88, s3;
	s6 =	simm.s32 @!p1 $0x1082;
	[sflag:s4] =	ssyncset.s32 $0xFFFFF086  }
0x25: {  	[simem:s6], [sflag:s4] =	dma.local [hbm:s3], $0xF7A  }
0x26: {  	[smem:$0x3F83] =	sst s1;
	(tag) =	ssettag s2;
	_ =	strace s9  }
0x27: {  	s1 =	sld [smem:$0x3F93]  }
0x28: {  	s2 =	sld [smem:$0x3F94]  }
0x29: {  	s4 =	sld [smem:$0x3F96]  }
0x2a: {  	p0 =	seq.s32 s5, $0x0;
	s5 =	sld [smem:$0x3F97]  }
0x2b: {  	s6 =	sld [smem:$0x3F98]  }
0x2c: {  	s7 =	sld [smem:$0x3F99]  }
0x2d: {  	s3 =	simm.s32 $0x108;
	s8 =	sld [smem:$0x3F9A]  }
0x2e: {  	s3 =	simm.s32 @!p0 $0x1082;
	s9 =	sld [smem:$0x3F9B]  }
0x2f: {  	lr =	sadd.s32 s0, s3;
	s0 =	sld [smem:$0x3F92]  }
0x30: {  	s3 =	sld [smem:$0x3F95]  }
0x31: {  	[smem:$0x3F9E] =	sst s10  }
0x32: {  	s10 =	sld [smem:$0x3F9C];
	_ =	sdelay $0x3  }
0x33: {  	p0 =	seq.s32 s10, $0x1;
	s10 =	sld [smem:$0x3F9E];
	_ =	sdelay $0x3  }
0x34: {  	[smem:$0x3F9E] =	sst s10  }
0x35: {  	s10 =	sld [smem:$0x3F9D];
	_ =	sdelay $0x3  }
0x36: {  	p1 =	seq.s32 s10, $0x1;
	s10 =	sld [smem:$0x3F9E];
	_ =	sdelay $0x3  }
0x37: {  	[smem:$0x3F9E] =	sst s10  }
0x38: {  	s10 =	sld [smem:$0x3F9F]  }
0x39: {  	_ = 	snop;
	(pc) =	sbr.ind lr, $3  }
0x3a: {  	_ = 	snop  }
0x3b: {  	_ = 	snop  }
0x3c: {  	p2 =	seq.s32 s10, $0x1;
	s10 =	sld [smem:$0x3F9E]  }
0x3d: {  	_ =	shalt  }
0x3e: {  	_ =	shalt  }
0x3f: {  	_ =	shalt  }
0x40: {  	_ =	shalt  }
0x41: {  	_ =	shalt  }
0x42: {  	_ =	shalt  }
0x43: {  	_ =	shalt  }
0x44: {  	_ =	shalt  }
0x45: {  	_ =	shalt  }
0x46: {  	_ =	shalt  }
0x47: {  	_ =	shalt  }
0x48: {  	_ =	shalt  }
0x49: {  	_ =	shalt  }
0x4a: {  	_ =	shalt  }
0x4b: {  	_ =	shalt  }
0x4c: {  	_ =	shalt  }
0x4d: {  	_ =	shalt  }
0x4e: {  	_ =	shalt  }
0x4f: {  	_ =	shalt  }
0x50: {  	_ =	shalt  }
0x51: {  	_ =	shalt  }
0x52: {  	_ =	shalt  }
0x53: {  	_ =	shalt  }
0x54: {  	_ =	shalt  }
0x55: {  	_ =	shalt  }
0x56: {  	_ =	shalt  }
0x57: {  	_ =	shalt  }
0x58: {  	_ =	shalt  }
0x59: {  	_ =	shalt  }
0x5a: {  	_ =	shalt  }
0x5b: {  	_ =	shalt  }
0x5c: {  	_ =	shalt  }
0x5d: {  	_ =	shalt  }
0x5e: {  	_ =	shalt  }
0x5f: {  	_ =	shalt  }
0x60: {  	_ =	shalt  }
0x61: {  	_ =	shalt  }
0x62: {  	_ =	shalt  }
0x63: {  	_ =	shalt  }
0x64: {  	_ =	shalt  }
0x65: {  	_ =	shalt  }
0x66: {  	_ =	shalt  }
0x67: {  	_ =	shalt  }
0x68: {  	_ =	shalt  }
0x69: {  	_ =	shalt  }
0x6a: {  	_ =	shalt  }
0x6b: {  	_ =	shalt  }
0x6c: {  	_ =	shalt  }
0x6d: {  	_ =	shalt  }
0x6e: {  	_ =	shalt  }
0x6f: {  	_ =	shalt  }
0x70: {  	_ =	shalt  }
0x71: {  	_ =	shalt  }
0x72: {  	_ =	shalt  }
0x73: {  	_ =	shalt  }
0x74: {  	_ =	shalt  }
0x75: {  	_ =	shalt  }
0x76: {  	_ =	shalt  }
0x77: {  	_ =	shalt  }
0x78: {  	_ =	shalt  }
0x79: {  	_ =	shalt  }
0x7a: {  	_ =	shalt  }
0x7b: {  	_ =	shalt  }
0x7c: {  	_ =	shalt  }
0x7d: {  	_ =	shalt  }
0x7e: {  	_ =	shalt  }
0x7f: {  	_ =	shalt  }
0x80: {  	_ =	shalt  }
0x81: {  	_ =	shalt  }
0x82: {  	_ =	shalt  }
0x83: {  	_ =	shalt  }
0x84: {  	_ =	shalt  }
0x85: {  	_ =	shalt  }
0x86: {  	_ =	shalt  }
0x87: {  	_ =	shalt  }
.Lfunc_end0:
.L_simem_size_0:
called_computation.9_lowered:
.L_overlay_start_0:
0x88: {  	s2 =	sld [smem:$0x3FD9]  }
0x89: {  	s3 =	sld [smem:$0x3FFE];
	_ =	sdelay $0x1  }
0x8a: {  	s1 =	srdreg.scid  }
0x8b: {  	s0 =	sand.u32 $0x1, s1  }
0x8c: {  	s17 =	sshll.u32 s0, $0xA;
	s2 =	sadd.s32 s3, s2  }
0x8d: {  	s2 =	sadd.s32 s2, s17  }
0x8e: {  	[smem:$0x3FAA] =	sst s2  }
0x8f: {  	_ = 	snop  }
0x90: {  	(tm) =	ssettm $0x1  }
0x91: {  	s18 =	sld [smem:$0x3FFB];
	_ =	sdelay $0x3  }
0x92: {  	_ =	strace s18  }
0x93: {  	s2 =	sld [smem:$0x3FFC];
	_ =	sdelay $0x3  }
0x94: {  	_ =	strace s2  }
0x95: {  	s2 =	sld [smem:$0x3FFD];
	_ =	sdelay $0x3  }
0x96: {  	_ =	strace s2  }
0x97: {  	_ =	strace $0x8FFFFFFF  }
0x98: {  	s19 =	sld [smem:$0x3FDB];
	_ =	sdelay $0x1  }
0x99: {  	s20 =	simm.s32 $_scs_section_size  }
0x9a: {  	s4 =	simm.s32 $_size__tile_overlayer_lowered;
	s5 =	simm.s32 $_tile_overlayer_lowered  }
0x9b: {  	s6 =	simm.s32 $0x1BFF;
	s21 =	sshll.u32 s5, $0x1;
	s3 =	sadd.s32 s20, s19  }
0x9c: {  	s22 =	simm.s32 $0x0;
	s4 =	sshll.u32 s4, $0x1;
	s5 =	sadd.s32 s21, s3  }
0x9d: {  	[timem:s22], [sflag:s6] =	dma.local [hbm:s5], s4  }
0x9e: {  	_ =	swait.ge [sflag:s6], s4  }
0x9f: {  	s4 =	ssub.s32 $0x0, s4;
	[sflag:s6] =	ssyncset.done $0x0  }
0xa0: {  	[sflag:s6] =	ssyncadd.s32 s4;
	_ =	sdelay $0x1  }
0xa1: {  	s23 =	simm.s32 $0x1B8B  }
0xa2: {  	_ =	swait.ge [sflag:s23], $0x1  }
0xa3: {  	[sflag:s23] =	ssyncset.done $0x0  }
0xa4: {  	[sflag:s23] =	ssyncadd.s32 $0xFFFFFFFF  }
0xa5: {  	s4 =	sld [smem:$0x0]  }
0xa6: {  	s5 =	sand.u32 $0xFFFFFFFE, s1  }
0xa7: {  	p0 =	sne.s32 s1, s5  }
0xa8: {  	s5 =	sshll.u32 @p0 s5, $0xE  }
0xa9: {  	s5 =	sadd.s32 @p0 $0x11B8D, s5;
	s6 =	sshll.u32 @p0 s4, $0x11  }
0xaa: {  	s5 =	sor.u32 @p0 s6, s5  }
0xab: {  	[sflag:s5] =	ssyncadd.remote.s32 @p0 $0x1;
	_ =	sdelay $0x1  }
0xac: {  	s5 =	simm.s32 @p0 $0x1B8D  }
0xad: {  	_ =	swait.eq @p0 [sflag:s5], $0x1  }
0xae: {  	[sflag:s5] =	ssyncadd.s32 @p0 $0xFFFFFFFF  }
0xaf: {  	s6 =	sshll.u32 @!p0 s1, $0xE  }
0xb0: {  	s6 =	sor.u32 @!p0 $0x4000, s6;
	s5 =	simm.s32 @!p0 $0x1B8D  }
0xb1: {  	s4 =	sshll.u32 @!p0 s4, $0x11;
	s6 =	sadd.s32 @!p0 $0x11B8D, s6;
	_ =	swait.eq @!p0 [sflag:s5], $0x1  }
0xb2: {  	s4 =	sor.u32 @!p0 s4, s6;
	[sflag:s5] =	ssyncadd.s32 @!p0 $0xFFFFFFFF  }
0xb3: {  	s25 =	simm.s32 $0x1B8E;
	s24 =	sld [smem:$0x3FFE];
	[sflag:s4] =	ssyncadd.remote.s32 @!p0 $0x1  }
0xb4: {  	s26 =	simm.s32 $execute0_lowered;
	[smem:$0x3FD2] =	sst s25  }
0xb5: {  	s5 =	sshll.u32 s26, $0x1;
	_ =	strace $0x80000061;
	[dreg:$0x1] =	wrdreg $0xFFFFFFFF  }
0xb6: {  	s28 =	simm.s32 $_size_execute0_lowered;
	s3 =	sadd.s32 s3, s5;
	[dreg:$0x0] =	wrdreg $0x0  }
0xb7: {  	s5 =	sshll.u32 s28, $0x1;
	[dreg:$0x2] =	wrdreg s3  }
0xb8: {  	[dreg:$0x3] =	wrdreg s5  }
0xb9: {  	[dreg:$0x4] =	wrdreg $0xC0  }
0xba: {  	_ =	task [dreg:s22], $0x5FFFF  }
0xbb: {  	[dreg:$0x1] =	wrdreg $0xFFFFFFFF  }
0xbc: {  	[dreg:$0x0] =	wrdreg $0x60  }
0xbd: {  	[dreg:$0x2] =	wrdreg s24  }
0xbe: {  	[dreg:$0x3] =	wrdreg $0x9  }
0xbf: {  	_ =	task.clear_ibuf [dreg:s22], $0x4FFFF;
	_ =	strace $0x90000061  }
0xc0: {  	s29 =	simm.s32 $0x9;
	_ =	strace $0x80000063  }
0xc1: {  	_ =	swait.ge [sflag:s29], $0x1  }
0xc2: {  	[sflag:s29] =	ssyncadd.s32 $0xFFFFFFFF  }
0xc3: {  	_ =	strace $0x90000063  }
0xc4: {  	_ =	sfence  }
0xc5: {  	s30 =	sld [smem:$0x0];
	_ =	sdelay $0x2  }
0xc6: {  	s31 =	sshll.u32 s1, $0xD;
	s1 =	sshrl.u32 s1, $0x2  }
0xc7: {  	s4 =	sand.u32 $0x4000, s31;
	s1 =	sadd.s32 s1, s30  }
0xc8: {  	s0 =	sor.u32 s4, s0;
	s1 =	sshll.u32 s1, $0x11  }
0xc9: {  	s0 =	sor.u32 s1, s0  }
0xca: {  	s0 =	sadd.s32 $0x8F2B, s0  }
0xcb: {  	[sflag:s0] =	ssyncadd.remote.s32 $0x1  }
0xcc: {  	_ =	sfence.sel $0xFFFF  }
0xcd: {  	[dreg:$0x0] =	wrdreg $0xFFFFFFFF;
	(pc) =	sbr.abs _section_cstart, $3  }
0xce: {  	[dreg:$0x1] =	wrdreg $0xFFFFFFFF  }
0xcf: {  	_ =	task.clear_ibuf [dreg:s22], $0x2FFFF;
	_ =	strace $0x9FFFFFFF  }
0xd0: {  	(tm) =	ssettm $0x7FFFFFFF  }
0xd1: {  	_ =	shalt  }
tec
execute0_lowered:
.L_overlay_start_1:
0x0: {  	(tag) =	ssettag $0x1  }
0x1: {  	s4 =	rddreg [dreg:$0x0]  }
0x2: {  	s0 =	rddreg [dreg:$0x1];
	s2 =	simm.s32 $0x0;
	s1 =	stileid.u32  }
0x3: {  	s3 =	srdreg.scid;
	s12 =	simm.s32 $0x1;
	s13 =	simm.s32 $0x2  }
0x4: {  	s14 =	simm.s32 $0x0;
	[smem:$0x7FF] =	sst s2;
	s5 =	smul.u32 $0xC4000, s1  }
0x5: {  	s6 =	sand.u32 $0x1, s3;
	s7 =	smul.u32 $0xC400, s1;
	s3 =	sadd.s32 $0x23BC400, s4  }
0x6: {  	s10 =	sadd.s32 $0x5A00, s4;
	s8 =	ssub.s32 $0x2, s6;
	s9 =	smul.u32 $0x6200, s6  }
0x7: {  	_ =	strace $0x80000062;
	s6 =	smul.u32 $0x62000, s6;
	s11 =	sshrl.u32 s8, $0x1  }
0x8: {  	s5 =	sadd.s32 s5, s4;
	s29 =	ssub.s32 s8, s11;
	s7 =	sadd.s32 s9, s7  }
0x9: {  	s5 =	sadd.s32 s6, s5;
	s8 =	simm.s32 $0x3;
	s9 =	simm.s32 $0x80  }
0xa: {  	s11 =	simm.s32 $0x4100;
	s4 =	smax.u32 s29, $0x1;
	s30 =	sor.u32 $0x80, s7  }
0xb: {  	s5 =	sadd.s32 $0xC5E200, s5;
	s7 =	sshrl.u32 s7, $0x3;
	s31 =	sshrl.u32 s30, $0x3  }
0xc: {  	s6 =	sadd.s32 s7, s10;
	s7 =	sadd.s32 s31, s10;
	s10 =	simm.s32 $0x100  }
.LBB2_1:
0xd: {  	s15 =	sadd.s32 $0x0, s6  }
0xe: {  	[tilespmem:s2], [sflag:$0x3] =	stream.linear.gather [hbm4b:s15+s2], $0x80, $0x38;
	[tilespmem:$0x8100] =	vst v63  }
0xf: {  	_ =	swait.ge [sflag:s8], $0x80  }
0x10: {  	[sflag:s8] =	ssyncset.done $0x0  }
0x11: {  	[sflag:s8] =	ssyncadd.s32 $0xFFFFFF80  }
0x12: {  	[tilespmem:s10], [sflag:$0x1] =	stream.indirect.gather [hbm4b:s3+s9], $0x80, s2, s9, $0xb8;
	[tilespmem:$0x8100] =	vst v63  }
0x13: {  	s30 =	sadd.s32 $0x0, s7  }
0x14: {  	[tilespmem:s9], [sflag:$0x3] =	stream.linear.gather [hbm4b:s30+s2], $0x80, $0x38;
	[tilespmem:$0x8100] =	vst v63  }
0x15: {  	_ =	swait.ge [sflag:s8], $0x80  }
0x16: {  	[sflag:s8] =	ssyncset.done $0x0  }
0x17: {  	[sflag:s8] =	ssyncadd.s32 $0xFFFFFF80  }
0x18: {  	[tilespmem:s11], [sflag:$0x1] =	stream.indirect.gather [hbm4b:s3+s9], $0x80, s9, s9, $0xb8;
	[tilespmem:$0x8100] =	vst v63  }
0x19: {  	_ =	swait.ge [sflag:s12], $0x4000  }
0x1a: {  	[sflag:s12] =	ssyncset.done $0x0  }
0x1b: {  	[sflag:s12] =	ssyncadd.s32 $0xFFFFC000  }
0x1c: {  	[hbm4b:s5+s2] =	stream.linear.scatter [tilespmem:s10], [sflag:$0x2], $0x4000, $0x38;
	[tilespmem:$0x8100] =	vst v63  }
0x1d: {  	_ =	swait.ge [sflag:s12], $0x4000  }
0x1e: {  	[sflag:s12] =	ssyncset.done $0x0  }
0x1f: {  	s31 =	sadd.s32 $0x800, s5;
	[sflag:s12] =	ssyncadd.s32 $0xFFFFC000  }
0x20: {  	[hbm4b:s31+s2] =	stream.linear.scatter [tilespmem:s11], [sflag:$0x2], $0x4000, $0x38;
	[tilespmem:$0x8100] =	vst v63  }
0x21: {  	_ =	swait.ge [sflag:s13], $0x4000  }
0x22: {  	[sflag:s13] =	ssyncset.done $0x0  }
0x23: {  	[sflag:s13] =	ssyncadd.s32 $0xFFFFC000  }
0x24: {  	s16 =	simm.s32 $0x20;
	_ =	swait.ge [sflag:s13], $0x4000  }
0x25: {  	s17 =	simm.s32 $0x40;
	s15 =	sadd.s32 $0x1000, s5;
	[sflag:s13] =	ssyncset.done $0x0  }
.LBB2_2:
0x26: {  	s18 =	sadd.s32 s16, s6  }
0x27: {  	[sflag:s13] =	ssyncadd.s32 $0xFFFFC000;
	s19 =	smov.u32 s17;
	s20 =	sadd.s32 $0x20, s17  }
0x28: {  	[tilespmem:s2], [sflag:$0x3] =	stream.linear.gather [hbm4b:s18+s2], $0x80, $0x38;
	[tilespmem:$0x8100] =	vst v63  }
0x29: {  	p0 =	sne.s32 s17, $0xC20;
	_ =	swait.ge [sflag:s8], $0x80  }
0x2a: {  	[sflag:s8] =	ssyncset.done $0x0  }
0x2b: {  	[sflag:s8] =	ssyncadd.s32 $0xFFFFFF80  }
0x2c: {  	[tilespmem:s10], [sflag:$0x1] =	stream.indirect.gather [hbm4b:s3+s9], $0x80, s2, s9, $0xb8;
	[tilespmem:$0x8100] =	vst v63  }
0x2d: {  	s17 =	sadd.s32 s16, s7;
	s16 =	smov.u32 s19  }
0x2e: {  	[tilespmem:s9], [sflag:$0x3] =	stream.linear.gather [hbm4b:s17+s2], $0x80, $0x38;
	[tilespmem:$0x8100] =	vst v63  }
0x2f: {  	_ =	swait.ge [sflag:s8], $0x80  }
0x30: {  	[sflag:s8] =	ssyncset.done $0x0  }
0x31: {  	[sflag:s8] =	ssyncadd.s32 $0xFFFFFF80  }
0x32: {  	[tilespmem:s11], [sflag:$0x1] =	stream.indirect.gather [hbm4b:s3+s9], $0x80, s9, s9, $0xb8;
	[tilespmem:$0x8100] =	vst v63  }
0x33: {  	_ =	swait.ge [sflag:s12], $0x4000  }
0x34: {  	[sflag:s12] =	ssyncset.done $0x0  }
0x35: {  	[sflag:s12] =	ssyncadd.s32 $0xFFFFC000  }
0x36: {  	[hbm4b:s15+s2] =	stream.linear.scatter [tilespmem:s10], [sflag:$0x2], $0x4000, $0x38;
	[tilespmem:$0x8100] =	vst v63  }
0x37: {  	_ =	swait.ge [sflag:s12], $0x4000  }
0x38: {  	[sflag:s12] =	ssyncset.done $0x0  }
0x39: {  	s17 =	sadd.s32 $0x800, s15;
	[sflag:s12] =	ssyncadd.s32 $0xFFFFC000  }
0x3a: {  	[hbm4b:s17+s2] =	stream.linear.scatter [tilespmem:s11], [sflag:$0x2], $0x4000, $0x38;
	[tilespmem:$0x8100] =	vst v63  }
.Ltmp0:
0x3b: {  	_ =	swait.ge [sflag:s13], $0x4000;
	(pc) =	sbr.rel @p0 .LBB2_2-.Ltmp0, $4  }
0x3c: {  	[sflag:s13] =	ssyncset.done $0x0  }
0x3d: {  	[sflag:s13] =	ssyncadd.s32 $0xFFFFC000  }
0x3e: {  	_ =	swait.ge [sflag:s13], $0x4000  }
0x3f: {  	s15 =	sadd.s32 $0x1000, s15;
	s17 =	smov.u32 s20;
	[sflag:s13] =	ssyncset.done $0x0  }
0x40: {  	s17 =	sadd.s32 s16, s6;
	[sflag:s13] =	ssyncadd.s32 $0xFFFFC000  }
0x41: {  	[tilespmem:s2], [sflag:$0x3] =	stream.linear.gather [hbm4b:s17+s2], $0x80, $0x38;
	[tilespmem:$0x8100] =	vst v63  }
0x42: {  	_ =	swait.ge [sflag:s8], $0x80  }
0x43: {  	[sflag:s8] =	ssyncset.done $0x0  }
0x44: {  	[sflag:s8] =	ssyncadd.s32 $0xFFFFFF80  }
0x45: {  	[tilespmem:s10], [sflag:$0x1] =	stream.indirect.gather [hbm4b:s3+s9], $0x80, s2, s9, $0xb8;
	[tilespmem:$0x8100] =	vst v63  }
0x46: {  	s30 =	sadd.s32 s16, s7  }
0x47: {  	[tilespmem:s9], [sflag:$0x3] =	stream.linear.gather [hbm4b:s30+s2], $0x80, $0x38;
	[tilespmem:$0x8100] =	vst v63  }
0x48: {  	_ =	swait.ge [sflag:s8], $0x80  }
0x49: {  	[sflag:s8] =	ssyncset.done $0x0  }
0x4a: {  	[sflag:s8] =	ssyncadd.s32 $0xFFFFFF80  }
0x4b: {  	[tilespmem:s11], [sflag:$0x1] =	stream.indirect.gather [hbm4b:s3+s9], $0x80, s9, s9, $0xb8;
	[tilespmem:$0x8100] =	vst v63  }
0x4c: {  	_ =	swait.ge [sflag:s12], $0x4000  }
0x4d: {  	[sflag:s12] =	ssyncset.done $0x0  }
0x4e: {  	[sflag:s12] =	ssyncadd.s32 $0xFFFFC000  }
0x4f: {  	[hbm4b:s15+s2] =	stream.linear.scatter [tilespmem:s10], [sflag:$0x2], $0x4000, $0x38;
	[tilespmem:$0x8100] =	vst v63  }
0x50: {  	_ =	swait.ge [sflag:s12], $0x4000  }
0x51: {  	[sflag:s12] =	ssyncset.done $0x0  }
0x52: {  	s31 =	sadd.s32 $0x800, s15;
	s14 =	sadd.s32 $0x1, s14;
	[sflag:s12] =	ssyncadd.s32 $0xFFFFC000  }
0x53: {  	[hbm4b:s31+s2] =	stream.linear.scatter [tilespmem:s11], [sflag:$0x2], $0x4000, $0x38;
	[tilespmem:$0x8100] =	vst v63  }
0x54: {  	p0 =	sne.s32 s14, s4;
	_ =	swait.ge [sflag:s13], $0x4000  }
.Ltmp1:
0x55: {  	[sflag:s13] =	ssyncset.done $0x0;
	(pc) =	sbr.rel @p0 .LBB2_1-.Ltmp1, $4  }
0x56: {  	[sflag:s13] =	ssyncadd.s32 $0xFFFFC000  }
0x57: {  	_ =	swait.ge [sflag:s13], $0x4000  }
0x58: {  	[sflag:s13] =	ssyncset.done $0x0  }
0x59: {  	[sflag:s13] =	ssyncadd.s32 $0xFFFFC000  }
0x5a: {  	_ =	sfence.sel $0x180000  }
0x5b: {  	[bflag:$0x0] =	sbarrier.arrive $0xFFFF  }
0x5c: {  	p0 =	sne.s32 s1, $0x0;
	_ =	strace $0x90000062  }
0x5d: {  	s0 =	sadd.s32 @!p0 $0x100000, s0;
	[bflag:$0x2] =	sbarrier.arrive $0xFFFF  }
0x5e: {  	[sflag:s0] =	ssyncadd.tile.s32 @!p0 $0x1;
	_ =	shalt  }
.Lfunc_end2:
_tile_overlayer_lowered:
.L_overlay_start_2:
0x5f: {  	(tag) =	ssettag $0x2  }
0x60: {  	s0 =	rddreg [dreg:$0x0];
	s2 =	stileid.u32  }
0x61: {  	s1 =	rddreg [dreg:$0x1];
	p0 =	sne.s32 s2, $0x0  }
0x62: {  	s3 =	rddreg [dreg:$0x2];
	[bflag:$0x3] =	sbarrier.arrive $0xFFFF;
	s2 =	simm.s32 @!p0 $0x1C03  }
0x63: {  	[timem:s3], [sflag:s2] =	dma.local @!p0 [hbm:s0], s1  }
0x64: {  	s0 =	simm.s32 @!p0 $0x3  }
0x65: {  	_ =	swait.ge @!p0 [sflag:s0], s1  }
0x66: {  	s1 =	ssub.s32 @!p0 $0x0, s1;
	[sflag:s0] =	ssyncset.done @!p0 $0x0  }
0x67: {  	[sflag:s0] =	ssyncadd.s32 @!p0 s1  }
0x68: {  	[bflag:$0x3] =	sbarrier.arrive $0xFFFF  }
0x69: {  	_ =	shalt  }

// kernel: kernel.41.cloned.1.call-start
scs
__scs_entry_jumppad:
0x0: {  	(pc) =	sbr.rel $0x88, $3  }
0x1: {  	(tag) =	ssettag $0x0;
	lr =	simm.s32 $0x1  }
0x2: {  	[smem:$0x3F83] =	sst lr;
	_ =	strace $0xD0000000  }
0x3: {  	_ = 	snop  }
0x4: {  	_ = 	snop  }
0x5: {  	_ = 	snop  }
0x6: {  	_ = 	snop  }
0x7: {  	_ = 	snop  }
__scs_overlays_trampoline_lowered:
0x8: {  	[smem:$0x3F92] =	sst s0  }
0x9: {  	[smem:$0x3F93] =	sst s1  }
0xa: {  	[smem:$0x3F94] =	sst s2  }
0xb: {  	[smem:$0x3F95] =	sst s3  }
0xc: {  	[smem:$0x3F96] =	sst s4  }
0xd: {  	[smem:$0x3F97] =	sst s5  }
0xe: {  	[smem:$0x3F98] =	sst s6  }
0xf: {  	[smem:$0x3F99] =	sst s7  }
0x10: {  	[smem:$0x3F9A] =	sst s8  }
0x11: {  	[smem:$0x3F9B] =	sst s9;
	s0 =	simm.s32 @!p0 $0x0  }
0x12: {  	s1 =	sld [smem:$0x3F81];
	s0 =	simm.s32 @p0 $0x1  }
0x13: {  	[smem:$0x3F9C] =	sst s0;
	s0 =	simm.s32 @!p1 $0x0  }
0x14: {  	s2 =	sld [smem:$0x3F80];
	s0 =	simm.s32 @p1 $0x1  }
0x15: {  	[smem:$0x3F9D] =	sst s0;
	s0 =	simm.s32 @!p2 $0x0  }
0x16: {  	s3 =	sld [smem:$0x3FDB];
	s0 =	simm.s32 @p2 $0x1  }
0x17: {  	s4 =	simm.s32 $0x1BF5;
	[smem:$0x3F9F] =	sst s0  }
0x18: {  	s0 =	sld [smem:$0x3F82];
	_ =	swait.ge [sflag:s4], $0x0  }
0x19: {  	s7 =	sld [smem:$0x3F83]  }
0x1a: {  	s8 =	sadd.s32 $0xFFFFE003, lr  }
0x1b: {  	s9 =	sadd.s32 $0xFFFFFEF7, lr;
	s5 =	simm.s32 $0xFFFFFFFF;
	p2 =	slt.u32 s8, $0xFFFFF086  }
0x1c: {  	p1 =	slt.u32 s9, $0xF7A;
	s5 =	simm.s32 @!p2 $0x0  }
0x1d: {  	s5 =	simm.s32 @p1 $0x1;
	p0 =	seq.s32 s7, s2  }
0x1e: {  	s7 =	smul.u32 @!p0 $0xF7A, s2;
	p2 =	seq.s32 @!p0 s5, $0x0  }
0x1f: {  	s9 =	smul.u32 $0xF7A, s1;
	s8 =	simm.s32 @!p0 $0x1BF5;
	p2 =	por !p2, p0  }
0x20: {  	[sflag:s8] =	ssyncset.s32 @!p0 $0xFFFFF086;
	s6 =	sadd.s32 @!p0 s3, s7;
	s7 =	simm.s32 @!p0 $0x108  }
0x21: {  	s3 =	sadd.s32 s3, s9;
	s6 =	sadd.s32 @!p0 $0x88, s6;
	s7 =	simm.s32 @p2 $0x1082  }
0x22: {  	[simem:s7], [sflag:s8] =	dma.local @!p0 [hbm:s6], $0xF7A  }
0x23: {  	s9 =	sor.u32 $0xD0000000, s2;
	s6 =	simm.s32 $0x108;
	_ =	swait.ge @!p0 [sflag:s8], $0x0  }
0x24: {  	s3 =	sadd.s32 $0x88, s3;
	s6 =	simm.s32 @!p1 $0x1082;
	[sflag:s4] =	ssyncset.s32 $0xFFFFF086  }
0x25: {  	[simem:s6], [sflag:s4] =	dma.local [hbm:s3], $0xF7A  }
0x26: {  	[smem:$0x3F83] =	sst s1;
	(tag) =	ssettag s2;
	_ =	strace s9  }
0x27: {  	s1 =	sld [smem:$0x3F93]  }
0x28: {  	s2 =	sld [smem:$0x3F94]  }
0x29: {  	s4 =	sld [smem:$0x3F96]  }
0x2a: {  	p0 =	seq.s32 s5, $0x0;
	s5 =	sld [smem:$0x3F97]  }
0x2b: {  	s6 =	sld [smem:$0x3F98]  }
0x2c: {  	s7 =	sld [smem:$0x3F99]  }
0x2d: {  	s3 =	simm.s32 $0x108;
	s8 =	sld [smem:$0x3F9A]  }
0x2e: {  	s3 =	simm.s32 @!p0 $0x1082;
	s9 =	sld [smem:$0x3F9B]  }
0x2f: {  	lr =	sadd.s32 s0, s3;
	s0 =	sld [smem:$0x3F92]  }
0x30: {  	s3 =	sld [smem:$0x3F95]  }
0x31: {  	[smem:$0x3F9E] =	sst s10  }
0x32: {  	s10 =	sld [smem:$0x3F9C];
	_ =	sdelay $0x3  }
0x33: {  	p0 =	seq.s32 s10, $0x1;
	s10 =	sld [smem:$0x3F9E];
	_ =	sdelay $0x3  }
0x34: {  	[smem:$0x3F9E] =	sst s10  }
0x35: {  	s10 =	sld [smem:$0x3F9D];
	_ =	sdelay $0x3  }
0x36: {  	p1 =	seq.s32 s10, $0x1;
	s10 =	sld [smem:$0x3F9E];
	_ =	sdelay $0x3  }
0x37: {  	[smem:$0x3F9E] =	sst s10  }
0x38: {  	s10 =	sld [smem:$0x3F9F]  }
0x39: {  	_ = 	snop;
	(pc) =	sbr.ind lr, $3  }
0x3a: {  	_ = 	snop  }
0x3b: {  	_ = 	snop  }
0x3c: {  	p2 =	seq.s32 s10, $0x1;
	s10 =	sld [smem:$0x3F9E]  }
0x3d: {  	_ =	shalt  }
0x3e: {  	_ =	shalt  }
0x3f: {  	_ =	shalt  }
0x40: {  	_ =	shalt  }
0x41: {  	_ =	shalt  }
0x42: {  	_ =	shalt  }
0x43: {  	_ =	shalt  }
0x44: {  	_ =	shalt  }
0x45: {  	_ =	shalt  }
0x46: {  	_ =	shalt  }
0x47: {  	_ =	shalt  }
0x48: {  	_ =	shalt  }
0x49: {  	_ =	shalt  }
0x4a: {  	_ =	shalt  }
0x4b: {  	_ =	shalt  }
0x4c: {  	_ =	shalt  }
0x4d: {  	_ =	shalt  }
0x4e: {  	_ =	shalt  }
0x4f: {  	_ =	shalt  }
0x50: {  	_ =	shalt  }
0x51: {  	_ =	shalt  }
0x52: {  	_ =	shalt  }
0x53: {  	_ =	shalt  }
0x54: {  	_ =	shalt  }
0x55: {  	_ =	shalt  }
0x56: {  	_ =	shalt  }
0x57: {  	_ =	shalt  }
0x58: {  	_ =	shalt  }
0x59: {  	_ =	shalt  }
0x5a: {  	_ =	shalt  }
0x5b: {  	_ =	shalt  }
0x5c: {  	_ =	shalt  }
0x5d: {  	_ =	shalt  }
0x5e: {  	_ =	shalt  }
0x5f: {  	_ =	shalt  }
0x60: {  	_ =	shalt  }
0x61: {  	_ =	shalt  }
0x62: {  	_ =	shalt  }
0x63: {  	_ =	shalt  }
0x64: {  	_ =	shalt  }
0x65: {  	_ =	shalt  }
0x66: {  	_ =	shalt  }
0x67: {  	_ =	shalt  }
0x68: {  	_ =	shalt  }
0x69: {  	_ =	shalt  }
0x6a: {  	_ =	shalt  }
0x6b: {  	_ =	shalt  }
0x6c: {  	_ =	shalt  }
0x6d: {  	_ =	shalt  }
0x6e: {  	_ =	shalt  }
0x6f: {  	_ =	shalt  }
0x70: {  	_ =	shalt  }
0x71: {  	_ =	shalt  }
0x72: {  	_ =	shalt  }
0x73: {  	_ =	shalt  }
0x74: {  	_ =	shalt  }
0x75: {  	_ =	shalt  }
0x76: {  	_ =	shalt  }
0x77: {  	_ =	shalt  }
0x78: {  	_ =	shalt  }
0x79: {  	_ =	shalt  }
0x7a: {  	_ =	shalt  }
0x7b: {  	_ =	shalt  }
0x7c: {  	_ =	shalt  }
0x7d: {  	_ =	shalt  }
0x7e: {  	_ =	shalt  }
0x7f: {  	_ =	shalt  }
0x80: {  	_ =	shalt  }
0x81: {  	_ =	shalt  }
0x82: {  	_ =	shalt  }
0x83: {  	_ =	shalt  }
0x84: {  	_ =	shalt  }
0x85: {  	_ =	shalt  }
0x86: {  	_ =	shalt  }
0x87: {  	_ =	shalt  }
.Lfunc_end0:
.L_simem_size_0:
called_computation.10_lowered:
.L_overlay_start_0:
0x88: {  	s2 =	sld [smem:$0x3FD9]  }
0x89: {  	s3 =	sld [smem:$0x3FFE];
	_ =	sdelay $0x1  }
0x8a: {  	s1 =	srdreg.scid  }
0x8b: {  	s0 =	sand.u32 $0x1, s1  }
0x8c: {  	s17 =	sshll.u32 s0, $0xA;
	s2 =	sadd.s32 s3, s2  }
0x8d: {  	s2 =	sadd.s32 s2, s17  }
0x8e: {  	[smem:$0x3FAA] =	sst s2  }
0x8f: {  	_ = 	snop  }
0x90: {  	s2 =	sld [smem:$0x3FD0];
	(tm) =	ssettm $0x1  }
0x91: {  	s18 =	sld [smem:$0x3FFB];
	_ =	sdelay $0x3  }
0x92: {  	_ =	strace s18  }
0x93: {  	s3 =	sld [smem:$0x3FFC];
	_ =	sdelay $0x3  }
0x94: {  	_ =	strace s3  }
0x95: {  	s3 =	sld [smem:$0x3FFD];
	_ =	sdelay $0x3  }
0x96: {  	_ =	strace s3  }
0x97: {  	_ =	strace $0x8FFFFFFF  }
0x98: {  	s19 =	sld [smem:$0x3FDB];
	_ =	sdelay $0x1  }
0x99: {  	s4 =	simm.s32 $_scs_section_size  }
0x9a: {  	s5 =	simm.s32 $_size__tile_overlayer_lowered;
	s6 =	simm.s32 $_tile_overlayer_lowered  }
0x9b: {  	s22 =	simm.s32 $0x1BFF;
	s21 =	sshll.u32 s6, $0x1;
	s3 =	sadd.s32 s4, s19  }
0x9c: {  	s7 =	simm.s32 $0x0;
	s20 =	sshll.u32 s5, $0x1;
	s5 =	sadd.s32 s21, s3  }
0x9d: {  	[timem:s7], [sflag:s22] =	dma.local [hbm:s5], s20  }
0x9e: {  	_ =	swait.ge [sflag:s22], s20  }
0x9f: {  	s4 =	ssub.s32 $0x0, s20;
	[sflag:s22] =	ssyncset.done $0x0  }
0xa0: {  	[sflag:s22] =	ssyncadd.s32 s4;
	_ =	sdelay $0x1  }
0xa1: {  	s23 =	simm.s32 $0x1B8B  }
0xa2: {  	_ =	swait.ge [sflag:s23], $0x1  }
0xa3: {  	[sflag:s23] =	ssyncset.done $0x0  }
0xa4: {  	s25 =	simm.s32 $0x1B8E;
	s24 =	sld [smem:$0x3FFE];
	[sflag:s23] =	ssyncadd.s32 $0xFFFFFFFF  }
0xa5: {  	s26 =	simm.s32 $execute0_lowered;
	[smem:$0x3FD2] =	sst s25  }
0xa6: {  	s5 =	sshll.u32 s26, $0x1;
	_ =	strace $0x8000005E;
	[dreg:$0x1] =	wrdreg $0xFFFFFFFF  }
0xa7: {  	s28 =	simm.s32 $_size_execute0_lowered;
	s3 =	sadd.s32 s3, s5;
	[dreg:$0x0] =	wrdreg $0x0  }
0xa8: {  	s5 =	sshll.u32 s28, $0x1;
	[dreg:$0x2] =	wrdreg s3  }
0xa9: {  	[dreg:$0x3] =	wrdreg s5  }
0xaa: {  	[dreg:$0x4] =	wrdreg $0xC0  }
0xab: {  	_ =	task [dreg:s7], $0x5FFFF  }
0xac: {  	[dreg:$0x1] =	wrdreg $0xFFFFFFFF  }
0xad: {  	[dreg:$0x0] =	wrdreg $0x60  }
0xae: {  	[dreg:$0x2] =	wrdreg s24  }
0xaf: {  	[dreg:$0x3] =	wrdreg s2  }
0xb0: {  	[dreg:$0x4] =	wrdreg $0xA  }
0xb1: {  	_ =	task.clear_ibuf [dreg:s7], $0x5FFFF;
	_ =	strace $0x9000005E  }
0xb2: {  	s29 =	simm.s32 $0xA;
	_ =	strace $0x80000060  }
0xb3: {  	_ =	swait.ge [sflag:s29], $0x1  }
0xb4: {  	[sflag:s29] =	ssyncadd.s32 $0xFFFFFFFF  }
0xb5: {  	_ =	strace $0x90000060  }
0xb6: {  	_ =	sfence  }
0xb7: {  	s30 =	sld [smem:$0x0];
	_ =	sdelay $0x2  }
0xb8: {  	s31 =	sshll.u32 s1, $0xD;
	s1 =	sshrl.u32 s1, $0x2  }
0xb9: {  	s3 =	sand.u32 $0x4000, s31;
	s1 =	sadd.s32 s1, s30  }
0xba: {  	s0 =	sor.u32 s3, s0;
	s1 =	sshll.u32 s1, $0x11  }
0xbb: {  	s0 =	sor.u32 s1, s0  }
0xbc: {  	s0 =	sadd.s32 $0x8F2B, s0  }
0xbd: {  	[sflag:s0] =	ssyncadd.remote.s32 $0x1  }
0xbe: {  	_ =	sfence.sel $0xFFFF  }
0xbf: {  	[dreg:$0x0] =	wrdreg $0xFFFFFFFF;
	(pc) =	sbr.abs _section_cstart, $3  }
0xc0: {  	[dreg:$0x1] =	wrdreg $0xFFFFFFFF  }
0xc1: {  	_ =	task.clear_ibuf [dreg:s7], $0x2FFFF;
	_ =	strace $0x9FFFFFFF  }
0xc2: {  	(tm) =	ssettm $0x7FFFFFFF  }
0xc3: {  	_ =	shalt  }
tec
execute0_lowered:
.L_overlay_start_1:
0x0: {  	(tag) =	ssettag $0x1  }
0x1: {  	s4 =	rddreg [dreg:$0x0]  }
0x2: {  	s7 =	rddreg [dreg:$0x1]  }
0x3: {  	s0 =	rddreg [dreg:$0x2];
	s1 =	stileid.u32  }
0x4: {  	s2 =	simm.s32 $0x0;
	s3 =	srdreg.scid;
	s12 =	simm.s32 $0x1  }
0x5: {  	s13 =	simm.s32 $0x2;
	s14 =	simm.s32 $0x0;
	s5 =	smul.u32 $0xC4000, s1  }
0x6: {  	[smem:$0x7FF] =	sst s2;
	s6 =	sand.u32 $0x1, s3;
	s8 =	smul.u32 $0xC400, s1  }
0x7: {  	s3 =	sadd.s32 $0x23BC400, s4;
	s9 =	ssub.s32 $0x2, s6;
	s10 =	smul.u32 $0x6200, s6  }
0x8: {  	_ =	strace $0x8000005F;
	s6 =	smul.u32 $0x62000, s6;
	s11 =	sshrl.u32 s9, $0x1  }
0x9: {  	s5 =	sadd.s32 s5, s4;
	s29 =	ssub.s32 s9, s11;
	s8 =	sadd.s32 s10, s8  }
0xa: {  	s5 =	sadd.s32 s6, s5;
	s9 =	simm.s32 $0x80;
	s10 =	simm.s32 $0x100  }
0xb: {  	s11 =	simm.s32 $0x4100;
	s4 =	smax.u32 s29, $0x1;
	s30 =	sor.u32 $0x80, s8  }
0xc: {  	s5 =	sadd.s32 $0x1E200, s5;
	s8 =	sshrl.u32 s8, $0x3;
	s31 =	sshrl.u32 s30, $0x3  }
0xd: {  	s6 =	sadd.s32 s8, s7;
	s8 =	simm.s32 $0x3;
	s7 =	sadd.s32 s31, s7  }
.LBB2_1:
0xe: {  	s15 =	sadd.s32 $0x0, s6  }
0xf: {  	[tilespmem:s2], [sflag:$0x3] =	stream.linear.gather [hbm4b:s15+s2], $0x80, $0x38;
	[tilespmem:$0x8100] =	vst v63  }
0x10: {  	_ =	swait.ge [sflag:s8], $0x80  }
0x11: {  	[sflag:s8] =	ssyncset.done $0x0  }
0x12: {  	[sflag:s8] =	ssyncadd.s32 $0xFFFFFF80  }
0x13: {  	[tilespmem:s10], [sflag:$0x1] =	stream.indirect.gather [hbm4b:s3+s9], $0x80, s2, s9, $0xb8;
	[tilespmem:$0x8100] =	vst v63  }
0x14: {  	s30 =	sadd.s32 $0x0, s7  }
0x15: {  	[tilespmem:s9], [sflag:$0x3] =	stream.linear.gather [hbm4b:s30+s2], $0x80, $0x38;
	[tilespmem:$0x8100] =	vst v63  }
0x16: {  	_ =	swait.ge [sflag:s8], $0x80  }
0x17: {  	[sflag:s8] =	ssyncset.done $0x0  }
0x18: {  	[sflag:s8] =	ssyncadd.s32 $0xFFFFFF80  }
0x19: {  	[tilespmem:s11], [sflag:$0x1] =	stream.indirect.gather [hbm4b:s3+s9], $0x80, s9, s9, $0xb8;
	[tilespmem:$0x8100] =	vst v63  }
0x1a: {  	_ =	swait.ge [sflag:s12], $0x4000  }
0x1b: {  	[sflag:s12] =	ssyncset.done $0x0  }
0x1c: {  	[sflag:s12] =	ssyncadd.s32 $0xFFFFC000  }
0x1d: {  	[hbm4b:s5+s2] =	stream.linear.scatter [tilespmem:s10], [sflag:$0x2], $0x4000, $0x38;
	[tilespmem:$0x8100] =	vst v63  }
0x1e: {  	_ =	swait.ge [sflag:s12], $0x4000  }
0x1f: {  	[sflag:s12] =	ssyncset.done $0x0  }
0x20: {  	s31 =	sadd.s32 $0x800, s5;
	[sflag:s12] =	ssyncadd.s32 $0xFFFFC000  }
0x21: {  	[hbm4b:s31+s2] =	stream.linear.scatter [tilespmem:s11], [sflag:$0x2], $0x4000, $0x38;
	[tilespmem:$0x8100] =	vst v63  }
0x22: {  	_ =	swait.ge [sflag:s13], $0x4000  }
0x23: {  	[sflag:s13] =	ssyncset.done $0x0  }
0x24: {  	[sflag:s13] =	ssyncadd.s32 $0xFFFFC000  }
0x25: {  	s16 =	simm.s32 $0x20;
	_ =	swait.ge [sflag:s13], $0x4000  }
0x26: {  	s17 =	simm.s32 $0x40;
	s15 =	sadd.s32 $0x1000, s5;
	[sflag:s13] =	ssyncset.done $0x0  }
.LBB2_2:
0x27: {  	s18 =	sadd.s32 s16, s6  }
0x28: {  	[sflag:s13] =	ssyncadd.s32 $0xFFFFC000;
	s19 =	smov.u32 s17;
	s20 =	sadd.s32 $0x20, s17  }
0x29: {  	[tilespmem:s2], [sflag:$0x3] =	stream.linear.gather [hbm4b:s18+s2], $0x80, $0x38;
	[tilespmem:$0x8100] =	vst v63  }
0x2a: {  	p0 =	sne.s32 s17, $0xC20;
	_ =	swait.ge [sflag:s8], $0x80  }
0x2b: {  	[sflag:s8] =	ssyncset.done $0x0  }
0x2c: {  	[sflag:s8] =	ssyncadd.s32 $0xFFFFFF80  }
0x2d: {  	[tilespmem:s10], [sflag:$0x1] =	stream.indirect.gather [hbm4b:s3+s9], $0x80, s2, s9, $0xb8;
	[tilespmem:$0x8100] =	vst v63  }
0x2e: {  	s17 =	sadd.s32 s16, s7;
	s16 =	smov.u32 s19  }
0x2f: {  	[tilespmem:s9], [sflag:$0x3] =	stream.linear.gather [hbm4b:s17+s2], $0x80, $0x38;
	[tilespmem:$0x8100] =	vst v63  }
0x30: {  	_ =	swait.ge [sflag:s8], $0x80  }
0x31: {  	[sflag:s8] =	ssyncset.done $0x0  }
0x32: {  	[sflag:s8] =	ssyncadd.s32 $0xFFFFFF80  }
0x33: {  	[tilespmem:s11], [sflag:$0x1] =	stream.indirect.gather [hbm4b:s3+s9], $0x80, s9, s9, $0xb8;
	[tilespmem:$0x8100] =	vst v63  }
0x34: {  	_ =	swait.ge [sflag:s12], $0x4000  }
0x35: {  	[sflag:s12] =	ssyncset.done $0x0  }
0x36: {  	[sflag:s12] =	ssyncadd.s32 $0xFFFFC000  }
0x37: {  	[hbm4b:s15+s2] =	stream.linear.scatter [tilespmem:s10], [sflag:$0x2], $0x4000, $0x38;
	[tilespmem:$0x8100] =	vst v63  }
0x38: {  	_ =	swait.ge [sflag:s12], $0x4000  }
0x39: {  	[sflag:s12] =	ssyncset.done $0x0  }
0x3a: {  	s17 =	sadd.s32 $0x800, s15;
	[sflag:s12] =	ssyncadd.s32 $0xFFFFC000  }
0x3b: {  	[hbm4b:s17+s2] =	stream.linear.scatter [tilespmem:s11], [sflag:$0x2], $0x4000, $0x38;
	[tilespmem:$0x8100] =	vst v63  }
.Ltmp0:
0x3c: {  	_ =	swait.ge [sflag:s13], $0x4000;
	(pc) =	sbr.rel @p0 .LBB2_2-.Ltmp0, $4  }
0x3d: {  	[sflag:s13] =	ssyncset.done $0x0  }
0x3e: {  	[sflag:s13] =	ssyncadd.s32 $0xFFFFC000  }
0x3f: {  	_ =	swait.ge [sflag:s13], $0x4000  }
0x40: {  	s15 =	sadd.s32 $0x1000, s15;
	s17 =	smov.u32 s20;
	[sflag:s13] =	ssyncset.done $0x0  }
0x41: {  	s17 =	sadd.s32 s16, s6;
	[sflag:s13] =	ssyncadd.s32 $0xFFFFC000  }
0x42: {  	[tilespmem:s2], [sflag:$0x3] =	stream.linear.gather [hbm4b:s17+s2], $0x80, $0x38;
	[tilespmem:$0x8100] =	vst v63  }
0x43: {  	_ =	swait.ge [sflag:s8], $0x80  }
0x44: {  	[sflag:s8] =	ssyncset.done $0x0  }
0x45: {  	[sflag:s8] =	ssyncadd.s32 $0xFFFFFF80  }
0x46: {  	[tilespmem:s10], [sflag:$0x1] =	stream.indirect.gather [hbm4b:s3+s9], $0x80, s2, s9, $0xb8;
	[tilespmem:$0x8100] =	vst v63  }
0x47: {  	s30 =	sadd.s32 s16, s7  }
0x48: {  	[tilespmem:s9], [sflag:$0x3] =	stream.linear.gather [hbm4b:s30+s2], $0x80, $0x38;
	[tilespmem:$0x8100] =	vst v63  }
0x49: {  	_ =	swait.ge [sflag:s8], $0x80  }
0x4a: {  	[sflag:s8] =	ssyncset.done $0x0  }
0x4b: {  	[sflag:s8] =	ssyncadd.s32 $0xFFFFFF80  }
0x4c: {  	[tilespmem:s11], [sflag:$0x1] =	stream.indirect.gather [hbm4b:s3+s9], $0x80, s9, s9, $0xb8;
	[tilespmem:$0x8100] =	vst v63  }
0x4d: {  	_ =	swait.ge [sflag:s12], $0x4000  }
0x4e: {  	[sflag:s12] =	ssyncset.done $0x0  }
0x4f: {  	[sflag:s12] =	ssyncadd.s32 $0xFFFFC000  }
0x50: {  	[hbm4b:s15+s2] =	stream.linear.scatter [tilespmem:s10], [sflag:$0x2], $0x4000, $0x38;
	[tilespmem:$0x8100] =	vst v63  }
0x51: {  	_ =	swait.ge [sflag:s12], $0x4000  }
0x52: {  	[sflag:s12] =	ssyncset.done $0x0  }
0x53: {  	s31 =	sadd.s32 $0x800, s15;
	s14 =	sadd.s32 $0x1, s14;
	[sflag:s12] =	ssyncadd.s32 $0xFFFFC000  }
0x54: {  	[hbm4b:s31+s2] =	stream.linear.scatter [tilespmem:s11], [sflag:$0x2], $0x4000, $0x38;
	[tilespmem:$0x8100] =	vst v63  }
0x55: {  	p0 =	sne.s32 s14, s4;
	_ =	swait.ge [sflag:s13], $0x4000  }
.Ltmp1:
0x56: {  	[sflag:s13] =	ssyncset.done $0x0;
	(pc) =	sbr.rel @p0 .LBB2_1-.Ltmp1, $4  }
0x57: {  	[sflag:s13] =	ssyncadd.s32 $0xFFFFC000  }
0x58: {  	_ =	swait.ge [sflag:s13], $0x4000  }
0x59: {  	[sflag:s13] =	ssyncset.done $0x0  }
0x5a: {  	[sflag:s13] =	ssyncadd.s32 $0xFFFFC000  }
0x5b: {  	_ =	sfence.sel $0x180000  }
0x5c: {  	[bflag:$0x0] =	sbarrier.arrive $0xFFFF  }
0x5d: {  	p0 =	sne.s32 s1, $0x0;
	_ =	strace $0x9000005F  }
0x5e: {  	s0 =	sadd.s32 @!p0 $0x100000, s0;
	[bflag:$0x2] =	sbarrier.arrive $0xFFFF  }
0x5f: {  	[sflag:s0] =	ssyncadd.tile.s32 @!p0 $0x1;
	_ =	shalt  }
.Lfunc_end2:
_tile_overlayer_lowered:
.L_overlay_start_2:
0x60: {  	(tag) =	ssettag $0x2  }
0x61: {  	s0 =	rddreg [dreg:$0x0];
	s2 =	stileid.u32  }
0x62: {  	s1 =	rddreg [dreg:$0x1];
	p0 =	sne.s32 s2, $0x0  }
0x63: {  	s3 =	rddreg [dreg:$0x2];
	[bflag:$0x3] =	sbarrier.arrive $0xFFFF;
	s2 =	simm.s32 @!p0 $0x1C03  }
0x64: {  	[timem:s3], [sflag:s2] =	dma.local @!p0 [hbm:s0], s1  }
0x65: {  	s0 =	simm.s32 @!p0 $0x3  }
0x66: {  	_ =	swait.ge @!p0 [sflag:s0], s1  }
0x67: {  	s1 =	ssub.s32 @!p0 $0x0, s1;
	[sflag:s0] =	ssyncset.done @!p0 $0x0  }
0x68: {  	[sflag:s0] =	ssyncadd.s32 @!p0 s1  }
0x69: {  	[bflag:$0x3] =	sbarrier.arrive $0xFFFF  }
0x6a: {  	_ =	shalt  }

// kernel: kernel.44.cloned.1.call-start
scs
__scs_entry_jumppad:
0x0: {  	(pc) =	sbr.rel $0x88, $3  }
0x1: {  	(tag) =	ssettag $0x0;
	lr =	simm.s32 $0x1  }
0x2: {  	[smem:$0x3F83] =	sst lr;
	_ =	strace $0xD0000000  }
0x3: {  	_ = 	snop  }
0x4: {  	_ = 	snop  }
0x5: {  	_ = 	snop  }
0x6: {  	_ = 	snop  }
0x7: {  	_ = 	snop  }
__scs_overlays_trampoline_lowered:
0x8: {  	[smem:$0x3F92] =	sst s0  }
0x9: {  	[smem:$0x3F93] =	sst s1  }
0xa: {  	[smem:$0x3F94] =	sst s2  }
0xb: {  	[smem:$0x3F95] =	sst s3  }
0xc: {  	[smem:$0x3F96] =	sst s4  }
0xd: {  	[smem:$0x3F97] =	sst s5  }
0xe: {  	[smem:$0x3F98] =	sst s6  }
0xf: {  	[smem:$0x3F99] =	sst s7  }
0x10: {  	[smem:$0x3F9A] =	sst s8  }
0x11: {  	[smem:$0x3F9B] =	sst s9;
	s0 =	simm.s32 @!p0 $0x0  }
0x12: {  	s1 =	sld [smem:$0x3F81];
	s0 =	simm.s32 @p0 $0x1  }
0x13: {  	[smem:$0x3F9C] =	sst s0;
	s0 =	simm.s32 @!p1 $0x0  }
0x14: {  	s2 =	sld [smem:$0x3F80];
	s0 =	simm.s32 @p1 $0x1  }
0x15: {  	[smem:$0x3F9D] =	sst s0;
	s0 =	simm.s32 @!p2 $0x0  }
0x16: {  	s3 =	sld [smem:$0x3FDB];
	s0 =	simm.s32 @p2 $0x1  }
0x17: {  	s4 =	simm.s32 $0x1BF5;
	[smem:$0x3F9F] =	sst s0  }
0x18: {  	s0 =	sld [smem:$0x3F82];
	_ =	swait.ge [sflag:s4], $0x0  }
0x19: {  	s7 =	sld [smem:$0x3F83]  }
0x1a: {  	s8 =	sadd.s32 $0xFFFFE003, lr  }
0x1b: {  	s9 =	sadd.s32 $0xFFFFFEF7, lr;
	s5 =	simm.s32 $0xFFFFFFFF;
	p2 =	slt.u32 s8, $0xFFFFF086  }
0x1c: {  	p1 =	slt.u32 s9, $0xF7A;
	s5 =	simm.s32 @!p2 $0x0  }
0x1d: {  	s5 =	simm.s32 @p1 $0x1;
	p0 =	seq.s32 s7, s2  }
0x1e: {  	s7 =	smul.u32 @!p0 $0xF7A, s2;
	p2 =	seq.s32 @!p0 s5, $0x0  }
0x1f: {  	s9 =	smul.u32 $0xF7A, s1;
	s8 =	simm.s32 @!p0 $0x1BF5;
	p2 =	por !p2, p0  }
0x20: {  	[sflag:s8] =	ssyncset.s32 @!p0 $0xFFFFF086;
	s6 =	sadd.s32 @!p0 s3, s7;
	s7 =	simm.s32 @!p0 $0x108  }
0x21: {  	s3 =	sadd.s32 s3, s9;
	s6 =	sadd.s32 @!p0 $0x88, s6;
	s7 =	simm.s32 @p2 $0x1082  }
0x22: {  	[simem:s7], [sflag:s8] =	dma.local @!p0 [hbm:s6], $0xF7A  }
0x23: {  	s9 =	sor.u32 $0xD0000000, s2;
	s6 =	simm.s32 $0x108;
	_ =	swait.ge @!p0 [sflag:s8], $0x0  }
0x24: {  	s3 =	sadd.s32 $0x88, s3;
	s6 =	simm.s32 @!p1 $0x1082;
	[sflag:s4] =	ssyncset.s32 $0xFFFFF086  }
0x25: {  	[simem:s6], [sflag:s4] =	dma.local [hbm:s3], $0xF7A  }
0x26: {  	[smem:$0x3F83] =	sst s1;
	(tag) =	ssettag s2;
	_ =	strace s9  }
0x27: {  	s1 =	sld [smem:$0x3F93]  }
0x28: {  	s2 =	sld [smem:$0x3F94]  }
0x29: {  	s4 =	sld [smem:$0x3F96]  }
0x2a: {  	p0 =	seq.s32 s5, $0x0;
	s5 =	sld [smem:$0x3F97]  }
0x2b: {  	s6 =	sld [smem:$0x3F98]  }
0x2c: {  	s7 =	sld [smem:$0x3F99]  }
0x2d: {  	s3 =	simm.s32 $0x108;
	s8 =	sld [smem:$0x3F9A]  }
0x2e: {  	s3 =	simm.s32 @!p0 $0x1082;
	s9 =	sld [smem:$0x3F9B]  }
0x2f: {  	lr =	sadd.s32 s0, s3;
	s0 =	sld [smem:$0x3F92]  }
0x30: {  	s3 =	sld [smem:$0x3F95]  }
0x31: {  	[smem:$0x3F9E] =	sst s10  }
0x32: {  	s10 =	sld [smem:$0x3F9C];
	_ =	sdelay $0x3  }
0x33: {  	p0 =	seq.s32 s10, $0x1;
	s10 =	sld [smem:$0x3F9E];
	_ =	sdelay $0x3  }
0x34: {  	[smem:$0x3F9E] =	sst s10  }
0x35: {  	s10 =	sld [smem:$0x3F9D];
	_ =	sdelay $0x3  }
0x36: {  	p1 =	seq.s32 s10, $0x1;
	s10 =	sld [smem:$0x3F9E];
	_ =	sdelay $0x3  }
0x37: {  	[smem:$0x3F9E] =	sst s10  }
0x38: {  	s10 =	sld [smem:$0x3F9F]  }
0x39: {  	_ = 	snop;
	(pc) =	sbr.ind lr, $3  }
0x3a: {  	_ = 	snop  }
0x3b: {  	_ = 	snop  }
0x3c: {  	p2 =	seq.s32 s10, $0x1;
	s10 =	sld [smem:$0x3F9E]  }
0x3d: {  	_ =	shalt  }
0x3e: {  	_ =	shalt  }
0x3f: {  	_ =	shalt  }
0x40: {  	_ =	shalt  }
0x41: {  	_ =	shalt  }
0x42: {  	_ =	shalt  }
0x43: {  	_ =	shalt  }
0x44: {  	_ =	shalt  }
0x45: {  	_ =	shalt  }
0x46: {  	_ =	shalt  }
0x47: {  	_ =	shalt  }
0x48: {  	_ =	shalt  }
0x49: {  	_ =	shalt  }
0x4a: {  	_ =	shalt  }
0x4b: {  	_ =	shalt  }
0x4c: {  	_ =	shalt  }
0x4d: {  	_ =	shalt  }
0x4e: {  	_ =	shalt  }
0x4f: {  	_ =	shalt  }
0x50: {  	_ =	shalt  }
0x51: {  	_ =	shalt  }
0x52: {  	_ =	shalt  }
0x53: {  	_ =	shalt  }
0x54: {  	_ =	shalt  }
0x55: {  	_ =	shalt  }
0x56: {  	_ =	shalt  }
0x57: {  	_ =	shalt  }
0x58: {  	_ =	shalt  }
0x59: {  	_ =	shalt  }
0x5a: {  	_ =	shalt  }
0x5b: {  	_ =	shalt  }
0x5c: {  	_ =	shalt  }
0x5d: {  	_ =	shalt  }
0x5e: {  	_ =	shalt  }
0x5f: {  	_ =	shalt  }
0x60: {  	_ =	shalt  }
0x61: {  	_ =	shalt  }
0x62: {  	_ =	shalt  }
0x63: {  	_ =	shalt  }
0x64: {  	_ =	shalt  }
0x65: {  	_ =	shalt  }
0x66: {  	_ =	shalt  }
0x67: {  	_ =	shalt  }
0x68: {  	_ =	shalt  }
0x69: {  	_ =	shalt  }
0x6a: {  	_ =	shalt  }
0x6b: {  	_ =	shalt  }
0x6c: {  	_ =	shalt  }
0x6d: {  	_ =	shalt  }
0x6e: {  	_ =	shalt  }
0x6f: {  	_ =	shalt  }
0x70: {  	_ =	shalt  }
0x71: {  	_ =	shalt  }
0x72: {  	_ =	shalt  }
0x73: {  	_ =	shalt  }
0x74: {  	_ =	shalt  }
0x75: {  	_ =	shalt  }
0x76: {  	_ =	shalt  }
0x77: {  	_ =	shalt  }
0x78: {  	_ =	shalt  }
0x79: {  	_ =	shalt  }
0x7a: {  	_ =	shalt  }
0x7b: {  	_ =	shalt  }
0x7c: {  	_ =	shalt  }
0x7d: {  	_ =	shalt  }
0x7e: {  	_ =	shalt  }
0x7f: {  	_ =	shalt  }
0x80: {  	_ =	shalt  }
0x81: {  	_ =	shalt  }
0x82: {  	_ =	shalt  }
0x83: {  	_ =	shalt  }
0x84: {  	_ =	shalt  }
0x85: {  	_ =	shalt  }
0x86: {  	_ =	shalt  }
0x87: {  	_ =	shalt  }
.Lfunc_end0:
.L_simem_size_0:
called_computation.11_lowered:
.L_overlay_start_0:
0x88: {  	s2 =	sld [smem:$0x3FD9]  }
0x89: {  	s3 =	sld [smem:$0x3FFE];
	_ =	sdelay $0x1  }
0x8a: {  	s1 =	srdreg.scid  }
0x8b: {  	s0 =	sand.u32 $0x1, s1  }
0x8c: {  	s17 =	sshll.u32 s0, $0xA;
	s2 =	sadd.s32 s3, s2  }
0x8d: {  	s2 =	sadd.s32 s2, s17  }
0x8e: {  	[smem:$0x3FAA] =	sst s2  }
0x8f: {  	_ = 	snop  }
0x90: {  	s2 =	sld [smem:$0x3FD0];
	(tm) =	ssettm $0x1  }
0x91: {  	s18 =	sld [smem:$0x3FFB];
	_ =	sdelay $0x3  }
0x92: {  	_ =	strace s18  }
0x93: {  	s3 =	sld [smem:$0x3FFC];
	_ =	sdelay $0x3  }
0x94: {  	_ =	strace s3  }
0x95: {  	s3 =	sld [smem:$0x3FFD];
	_ =	sdelay $0x3  }
0x96: {  	_ =	strace s3  }
0x97: {  	_ =	strace $0x8FFFFFFF  }
0x98: {  	s19 =	sld [smem:$0x3FDB];
	_ =	sdelay $0x1  }
0x99: {  	s4 =	simm.s32 $_scs_section_size  }
0x9a: {  	s5 =	simm.s32 $_size__tile_overlayer_lowered;
	s6 =	simm.s32 $_tile_overlayer_lowered  }
0x9b: {  	s22 =	simm.s32 $0x1BFF;
	s21 =	sshll.u32 s6, $0x1;
	s3 =	sadd.s32 s4, s19  }
0x9c: {  	s7 =	simm.s32 $0x0;
	s20 =	sshll.u32 s5, $0x1;
	s5 =	sadd.s32 s21, s3  }
0x9d: {  	[timem:s7], [sflag:s22] =	dma.local [hbm:s5], s20  }
0x9e: {  	_ =	swait.ge [sflag:s22], s20  }
0x9f: {  	s4 =	ssub.s32 $0x0, s20;
	[sflag:s22] =	ssyncset.done $0x0  }
0xa0: {  	[sflag:s22] =	ssyncadd.s32 s4;
	_ =	sdelay $0x1  }
0xa1: {  	s23 =	simm.s32 $0x1B8B  }
0xa2: {  	_ =	swait.ge [sflag:s23], $0x1  }
0xa3: {  	[sflag:s23] =	ssyncset.done $0x0  }
0xa4: {  	s25 =	simm.s32 $0x1B8E;
	s24 =	sld [smem:$0x3FFE];
	[sflag:s23] =	ssyncadd.s32 $0xFFFFFFFF  }
0xa5: {  	s26 =	simm.s32 $execute0_lowered;
	[smem:$0x3FD2] =	sst s25  }
0xa6: {  	s5 =	sshll.u32 s26, $0x1;
	_ =	strace $0x80000067;
	[dreg:$0x1] =	wrdreg $0xFFFFFFFF  }
0xa7: {  	s28 =	simm.s32 $_size_execute0_lowered;
	s3 =	sadd.s32 s3, s5;
	[dreg:$0x0] =	wrdreg $0x0  }
0xa8: {  	s5 =	sshll.u32 s28, $0x1;
	[dreg:$0x2] =	wrdreg s3  }
0xa9: {  	[dreg:$0x3] =	wrdreg s5  }
0xaa: {  	[dreg:$0x4] =	wrdreg $0xC0  }
0xab: {  	_ =	task [dreg:s7], $0x5FFFF  }
0xac: {  	[dreg:$0x1] =	wrdreg $0xFFFFFFFF  }
0xad: {  	[dreg:$0x0] =	wrdreg $0x60  }
0xae: {  	[dreg:$0x2] =	wrdreg s24  }
0xaf: {  	[dreg:$0x3] =	wrdreg s2  }
0xb0: {  	[dreg:$0x4] =	wrdreg $0x9  }
0xb1: {  	_ =	task.clear_ibuf [dreg:s7], $0x5FFFF;
	_ =	strace $0x90000067  }
0xb2: {  	s29 =	simm.s32 $0x9;
	_ =	strace $0x80000069  }
0xb3: {  	_ =	swait.ge [sflag:s29], $0x1  }
0xb4: {  	[sflag:s29] =	ssyncadd.s32 $0xFFFFFFFF  }
0xb5: {  	_ =	strace $0x90000069  }
0xb6: {  	_ =	sfence  }
0xb7: {  	s30 =	sld [smem:$0x0];
	_ =	sdelay $0x2  }
0xb8: {  	s31 =	sshll.u32 s1, $0xD;
	s1 =	sshrl.u32 s1, $0x2  }
0xb9: {  	s3 =	sand.u32 $0x4000, s31;
	s1 =	sadd.s32 s1, s30  }
0xba: {  	s0 =	sor.u32 s3, s0;
	s1 =	sshll.u32 s1, $0x11  }
0xbb: {  	s0 =	sor.u32 s1, s0  }
0xbc: {  	s0 =	sadd.s32 $0x8F2B, s0  }
0xbd: {  	[sflag:s0] =	ssyncadd.remote.s32 $0x1  }
0xbe: {  	_ =	sfence.sel $0xFFFF  }
0xbf: {  	[dreg:$0x0] =	wrdreg $0xFFFFFFFF;
	(pc) =	sbr.abs _section_cstart, $3  }
0xc0: {  	[dreg:$0x1] =	wrdreg $0xFFFFFFFF  }
0xc1: {  	_ =	task.clear_ibuf [dreg:s7], $0x2FFFF;
	_ =	strace $0x9FFFFFFF  }
0xc2: {  	(tm) =	ssettm $0x7FFFFFFF  }
0xc3: {  	_ =	shalt  }
tec
execute0_lowered:
.L_overlay_start_1:
0x0: {  	(tag) =	ssettag $0x1  }
0x1: {  	s3 =	rddreg [dreg:$0x0]  }
0x2: {  	s1 =	rddreg [dreg:$0x1]  }
0x3: {  	s0 =	rddreg [dreg:$0x2]  }
0x4: {  	s2 =	simm.s32 $0x0;
	s5 =	srdreg.scid;
	s13 =	simm.s32 $0x1AF80  }
0x5: {  	s15 =	simm.s32 $0x1;
	s16 =	simm.s32 $0xC380;
	[smem:$0x7FF] =	sst s2  }
0x6: {  	s4 =	sadd.s32 $0x24DDE00, s3;
	s9 =	sadd.s32 $0x5A00, s3;
	s3 =	stileid.u32  }
0x7: {  	s18 =	sand.u32 $0x1, s5;
	_ =	strace $0x80000068;
	s14 =	smul.u32 $0xC38, s3  }
0x8: {  	s5 =	ssub.s32 $0x2, s18;
	s31 =	sshllo.u32 s3, $0x1;
	s11 =	smul.u32 $0x30E0, s3  }
0x9: {  	s7 =	sshll.u32 s18, $0x4;
	s6 =	sshrl.u32 s5, $0x1;
	s12 =	smul.u32 $0x1870, s31  }
0xa: {  	s30 =	sor.u32 s3, s7;
	s10 =	ssub.s32 s5, s6;
	s5 =	smul.u32 $0x188000, s3  }
0xb: {  	s8 =	sshrl.u32 s14, $0x3;
	p0 =	slt.s32 s30, $0x10;
	s6 =	smul.u32 $0xC4000, s31  }
0xc: {  	vm0 =	vmxor vm0, vm0;
	s17 =	sadd.s32 $0xC38, s14;
	v0 =	vmov s14;
	s14 =	simm.s32 $0x1B780;
	s8 =	sadd.s32 s9, s8  }
0xd: {  	s10 =	smax.u32 s10, $0x1;
	vm0 =	vmneg @p0 vm0;
	v1 =	vmov s17;
	s17 =	simm.s32 $0x18700;
	p0 =	sne.s32 s18, $0x0  }
0xe: {  	s18 =	simm.s32 $0x0;
	s7 =	sadd.s32 $0x30E00, s8;
	s8 =	sadd.s32 s9, s11  }
0xf: {  	v2 =	vimm.f32 $0.0e+00;
	s9 =	sadd.s32 s9, s12;
	s11 =	simm.s32 $0x19F80;
	s12 =	simm.s32 $0x1A780;
	vm1 =	vmneg vm0  }
.LBB2_1:
0x10: {  	s19 =	simm.s32 $0x40;
	s20 =	simm.s32 $0x0  }
.LBB2_2:
0x11: {  	p1 =	sne.s32 s19, $0x30DC0;
	[tilespmem:s20+$0x0] =	vst v2;
	s21 =	smov.u32 s19;
	s19 =	sadd.s32 $0x40, s19  }
.Ltmp0:
0x12: {  	[tilespmem:s20+$0xC380] =	vst v2;
	(pc) =	sbr.rel @p1 .LBB2_2-.Ltmp0, $2  }
0x13: {  	_ =	sdelay $0x2  }
0x14: {  	s20 =	sshra.s32 s21, $0x2  }
0x15: {  	[tilespmem:s20+$0x0] =	vst v2  }
0x16: {  	s19 =	simm.s32 $0x0;
	[tilespmem:s20+$0xC380] =	vst v2;
	s20 =	simm.s32 $0x40;
	s21 =	simm.s32 $0x0  }
.LBB2_4:
0x17: {  	p1 =	sne.s32 s20, $0x6180;
	[tilespmem:s21+$0x18700] =	vst v2;
	s21 =	smov.u32 s20;
	s20 =	sadd.s32 $0x40, s20  }
.Ltmp1:
0x18: {  	(pc) =	sbr.rel @p1 .LBB2_4-.Ltmp1, $2  }
0x19: {  	_ =	sdelay $0x2  }
0x1a: {  	s21 =	sshra.s32 s21, $0x2  }
0x1b: {  	[tilespmem:s21+$0x18700] =	vst v2  }
.LBB2_6:
0x1c: {  	s20 =	sshll.u32 s19, $0x8;
	s21 =	sshll.u32 s19, $0xB  }
0x1d: {  	s22 =	simm.s32 $0x0;
	s20 =	sadd.s32 s1, s20;
	s28 =	sadd.s32 s5, s21  }
0x1e: {  	[tilespmem:s11], [sflag:$0x1] =	stream.linear.gather [hbm4b:s20+s22], $0x800, $0x38;
	[tilespmem:$0x1BF80] =	vst v63  }
0x1f: {  	s20 =	sshrl.u32 s28, $0x3  }
0x20: {  	s29 =	sadd.s32 s6, s21;
	s20 =	sadd.s32 s4, s20  }
0x21: {  	[tilespmem:s12], [sflag:$0x1] =	stream.linear.gather [hbm4b:s20+s22], $0x800, $0x38;
	[tilespmem:$0x1BF80] =	vst v63  }
0x22: {  	s20 =	sshrl.u32 s29, $0x3  }
0x23: {  	s30 =	sshrl.u32 s21, $0x3;
	s20 =	sadd.s32 s4, s20  }
0x24: {  	[tilespmem:s13], [sflag:$0x1] =	stream.linear.gather [hbm4b:s20+s22], $0x800, $0x38;
	[tilespmem:$0x1BF80] =	vst v63  }
0x25: {  	s20 =	sadd.s32 s4, s30  }
0x26: {  	s20 =	sadd.s32 $0x310000, s20  }
0x27: {  	[tilespmem:s14], [sflag:$0x1] =	stream.linear.gather [hbm4b:s20+s22], $0x800, $0x38;
	[tilespmem:$0x1BF80] =	vst v63  }
0x28: {  	_ =	swait.ge [sflag:s15], $0x800  }
0x29: {  	[sflag:s15] =	ssyncset.done $0x0  }
0x2a: {  	[sflag:s15] =	ssyncadd.s32 $0xFFFFF800  }
0x2b: {  	_ =	swait.ge [sflag:s15], $0x800  }
0x2c: {  	[sflag:s15] =	ssyncset.done $0x0  }
0x2d: {  	[sflag:s15] =	ssyncadd.s32 $0xFFFFF800  }
0x2e: {  	_ =	swait.ge [sflag:s15], $0x800  }
0x2f: {  	[sflag:s15] =	ssyncset.done $0x0  }
0x30: {  	[sflag:s15] =	ssyncadd.s32 $0xFFFFF800  }
0x31: {  	_ =	swait.ge [sflag:s15], $0x800  }
0x32: {  	[sflag:s15] =	ssyncset.done $0x0  }
0x33: {  	s31 =	simm.s32 $0x0;
	[sflag:s15] =	ssyncadd.s32 $0xFFFFF800  }
0x34: {  	v3 =	vld [tilespmem:s31+$0x19F80];
	_ =	sdelay $0x2  }
0x35: {  	v4 =	vld [tilespmem:s31+$0x1A780];
	_ =	sdelay $0x4  }
0x36: {  	[tilespmem:v3+s2+$0x0] =	vst.idx.add.f32.msk vm0, v4  }
0x37: {  	v4 =	vld [tilespmem:s31+$0x1AF80];
	_ =	sdelay $0x2  }
0x38: {  	v5 =	vsub.s32 v3, v0;
	vm2 =	vge.s32 v3, v0;
	vm3 =	vlt.s32 v3, v1  }
0x39: {  	vm4 =	vgt.s32 v5, $0x0;
	vm2 =	vmand vm2, vm3  }
0x3a: {  	v5 =	vnsel vm4, $0x0, v5;
	vm2 =	vmand vm2, vm1;
	[tilespmem:v3+s16+$0x0] =	vst.idx.add.f32.msk vm0, v4  }
0x3b: {  	s21 =	simm.s32 $0x80;
	s20 =	simm.s32 $0x40;
	v3 =	vmin.u32 v5, $0xC37;
	v4 =	vld [tilespmem:s31+$0x1B780]  }
.LBB2_7:
0x3c: {  	_ =	sdelay $0x2  }
0x3d: {  	p1 =	sne.s32 s21, $0x1FC0  }
0x3e: {  	s22 =	sshra.s32 s20, $0x2;
	s20 =	smov.u32 s21;
	s21 =	sadd.s32 $0x40, s21;
	[tilespmem:v3+s17+$0x0] =	vst.idx.add.f32.msk vm2, v4  }
0x3f: {  	v3 =	vld [tilespmem:s22+$0x19F80];
	_ =	sdelay $0x2  }
0x40: {  	v4 =	vld [tilespmem:s22+$0x1A780];
	_ =	sdelay $0x1  }
0x41: {  	vm2 =	vge.s32 v3, v0;
	vm3 =	vlt.s32 v3, v1;
	v5 =	vsub.s32 v3, v0  }
0x42: {  	vm2 =	vmand vm2, vm3;
	vm3 =	vgt.s32 v5, $0x0  }
0x43: {  	v5 =	vnsel vm3, $0x0, v5  }
0x44: {  	[tilespmem:v3+s2+$0x0] =	vst.idx.add.f32.msk vm0, v4  }
0x45: {  	v4 =	vld [tilespmem:s22+$0x1AF80];
	_ =	sdelay $0x1  }
.Ltmp2:
0x46: {  	(pc) =	sbr.rel @p1 .LBB2_7-.Ltmp2, $3  }
0x47: {  	_ =	sdelay $0x1  }
0x48: {  	vm2 =	vmand vm2, vm1;
	[tilespmem:v3+s16+$0x0] =	vst.idx.add.f32.msk vm0, v4  }
0x49: {  	v3 =	vmin.u32 v5, $0xC37;
	v4 =	vld [tilespmem:s22+$0x1B780]  }
0x4a: {  	_ =	sdelay $0x4  }
0x4b: {  	s20 =	sshra.s32 s20, $0x2;
	[tilespmem:v3+s17+$0x0] =	vst.idx.add.f32.msk vm2, v4  }
0x4c: {  	v3 =	vld [tilespmem:s20+$0x19F80];
	_ =	sdelay $0x2  }
0x4d: {  	v4 =	vld [tilespmem:s20+$0x1A780];
	_ =	sdelay $0x4  }
0x4e: {  	[tilespmem:v3+s2+$0x0] =	vst.idx.add.f32.msk vm0, v4  }
0x4f: {  	v4 =	vld [tilespmem:s20+$0x1AF80];
	_ =	sdelay $0x2  }
0x50: {  	vm2 =	vge.s32 v3, v0;
	vm3 =	vlt.s32 v3, v1;
	v5 =	vsub.s32 v3, v0  }
0x51: {  	vm2 =	vmand vm2, vm3;
	vm3 =	vgt.s32 v5, $0x0  }
0x52: {  	s19 =	sadd.s32 $0x1, s19;
	v5 =	vnsel vm3, $0x0, v5;
	vm2 =	vmand vm2, vm1;
	[tilespmem:v3+s16+$0x0] =	vst.idx.add.f32.msk vm0, v4  }
0x53: {  	p1 =	sne.s32 s19, $0x188;
	v3 =	vmin.u32 v5, $0xC37;
	v4 =	vld [tilespmem:s20+$0x1B780]  }
.Ltmp3:
0x54: {  	_ = 	snop;
	(pc) =	sbr.rel @p1 .LBB2_6-.Ltmp3, $2  }
0x55: {  	_ =	sdelay $0x2  }
0x56: {  	[tilespmem:v3+s17+$0x0] =	vst.idx.add.f32.msk vm2, v4  }
0x57: {  	s19 =	simm.s32 @p0 $0x0;
	s20 =	simm.s32 @p0 $0x18700  }
0x58: {  	[hbm4b:s7+s19] =	stream.linear.scatter @p0 [tilespmem:s20], [sflag:$0x2], $0xC38, $0x38;
	[tilespmem:$0x1BF80] =	vst v63  }
0x59: {  	s19 =	simm.s32 @p0 $0x2  }
0x5a: {  	_ =	swait.ge @p0 [sflag:s19], $0xC38  }
0x5b: {  	[sflag:s19] =	ssyncset.done @p0 $0x0  }
0x5c: {  	s20 =	simm.s32 @!p0 $0x2;
	[sflag:s19] =	ssyncadd.s32 @p0 $0xFFFFF3C8;
	s19 =	simm.s32 @!p0 $0x0  }
0x5d: {  	[hbm4b:s8+s19] =	stream.linear.scatter @!p0 [tilespmem:s19], [sflag:$0x2], $0xC380, $0x38;
	[tilespmem:$0x1BF80] =	vst v63  }
0x5e: {  	s18 =	sadd.s32 $0x1, s18;
	_ =	swait.ge @!p0 [sflag:s20], $0xC380  }
0x5f: {  	p1 =	sne.s32 s18, s10;
	[sflag:s20] =	ssyncset.done @!p0 $0x0  }
.Ltmp4:
0x60: {  	s21 =	simm.s32 @!p0 $0xC380;
	[sflag:s20] =	ssyncadd.s32 @!p0 $0xFFFF3C80;
	(pc) =	sbr.rel @p1 .LBB2_1-.Ltmp4, $4  }
0x61: {  	[hbm4b:s9+s19] =	stream.linear.scatter @!p0 [tilespmem:s21], [sflag:$0x2], $0xC380, $0x38;
	[tilespmem:$0x1BF80] =	vst v63  }
0x62: {  	_ =	swait.ge @!p0 [sflag:s20], $0xC380  }
0x63: {  	[sflag:s20] =	ssyncset.done @!p0 $0x0  }
0x64: {  	[sflag:s20] =	ssyncadd.s32 @!p0 $0xFFFF3C80  }
0x65: {  	_ =	sfence.sel $0x180000  }
0x66: {  	[bflag:$0x0] =	sbarrier.arrive $0xFFFF  }
0x67: {  	p0 =	sne.s32 s3, $0x0;
	_ =	strace $0x90000068  }
0x68: {  	s0 =	sadd.s32 @!p0 $0x100000, s0;
	[bflag:$0x2] =	sbarrier.arrive $0xFFFF  }
0x69: {  	[sflag:s0] =	ssyncadd.tile.s32 @!p0 $0x1;
	_ =	shalt  }
.Lfunc_end2:
_tile_overlayer_lowered:
.L_overlay_start_2:
0x6a: {  	(tag) =	ssettag $0x2  }
0x6b: {  	s0 =	rddreg [dreg:$0x0];
	s2 =	stileid.u32  }
0x6c: {  	s1 =	rddreg [dreg:$0x1];
	p0 =	sne.s32 s2, $0x0  }
0x6d: {  	s3 =	rddreg [dreg:$0x2];
	[bflag:$0x3] =	sbarrier.arrive $0xFFFF;
	s2 =	simm.s32 @!p0 $0x1C02  }
0x6e: {  	[timem:s3], [sflag:s2] =	dma.local @!p0 [hbm:s0], s1  }
0x6f: {  	s0 =	simm.s32 @!p0 $0x2  }
0x70: {  	_ =	swait.ge @!p0 [sflag:s0], s1  }
0x71: {  	s1 =	ssub.s32 @!p0 $0x0, s1;
	[sflag:s0] =	ssyncset.done @!p0 $0x0  }
0x72: {  	[sflag:s0] =	ssyncadd.s32 @!p0 s1  }
0x73: {  	[bflag:$0x3] =	sbarrier.arrive $0xFFFF  }
0x74: {  	_ =	shalt  }

// kernel: sparse-core-data-format-call.1.cloned.1.call-start
scs
called_computation.1_lowered:
.L_overlay_start_0:
0x0: {  	s1 =	sld [smem:$0x3FD9]  }
0x1: {  	s2 =	sld [smem:$0x3FFE];
	_ =	sdelay $0x1  }
0x2: {  	s3 =	srdreg.scid  }
0x3: {  	s0 =	sand.u32 $0x1, s3  }
0x4: {  	s17 =	sshll.u32 s0, $0xA;
	s1 =	sadd.s32 s2, s1  }
0x5: {  	s1 =	sadd.s32 s1, s17  }
0x6: {  	[smem:$0x3FAA] =	sst s1  }
0x7: {  	_ = 	snop  }
0x8: {  	(tm) =	ssettm $0x1  }
0x9: {  	s18 =	sld [smem:$0x3FFB];
	_ =	sdelay $0x3  }
0xa: {  	_ =	strace s18  }
0xb: {  	s1 =	sld [smem:$0x3FFC];
	_ =	sdelay $0x3  }
0xc: {  	_ =	strace s1  }
0xd: {  	s1 =	sld [smem:$0x3FFD];
	_ =	sdelay $0x3  }
0xe: {  	_ =	strace s1  }
0xf: {  	_ =	strace $0x8FFFFFFF  }
0x10: {  	s19 =	sld [smem:$0x3FDB];
	_ =	sdelay $0x1  }
0x11: {  	s20 =	simm.s32 $_scs_section_size  }
0x12: {  	s4 =	simm.s32 $_size__tile_overlayer_lowered;
	s5 =	simm.s32 $_tile_overlayer_lowered  }
0x13: {  	s23 =	simm.s32 $0x1BFF;
	s22 =	sshll.u32 s5, $0x1;
	s1 =	sadd.s32 s20, s19  }
0x14: {  	s6 =	simm.s32 $0x0;
	s21 =	sshll.u32 s4, $0x1;
	s4 =	sadd.s32 s22, s1  }
0x15: {  	[timem:s6], [sflag:s23] =	dma.local [hbm:s4], s21  }
0x16: {  	_ =	swait.ge [sflag:s23], s21  }
0x17: {  	s2 =	ssub.s32 $0x0, s21;
	[sflag:s23] =	ssyncset.done $0x0  }
0x18: {  	[sflag:s23] =	ssyncadd.s32 s2;
	_ =	sdelay $0x1  }
0x19: {  	s24 =	simm.s32 $0x1B8B  }
0x1a: {  	_ =	swait.ge [sflag:s24], $0x1  }
0x1b: {  	[sflag:s24] =	ssyncset.done $0x0  }
0x1c: {  	s26 =	simm.s32 $0x1B8E;
	s25 =	sld [smem:$0x3FFE];
	[sflag:s24] =	ssyncadd.s32 $0xFFFFFFFF  }
0x1d: {  	s27 =	simm.s32 $execute0_lowered;
	[smem:$0x3FD2] =	sst s26  }
0x1e: {  	s4 =	sshll.u32 s27, $0x1;
	_ =	strace $0x80000058;
	[dreg:$0x1] =	wrdreg $0xFFFFFFFF  }
0x1f: {  	s28 =	simm.s32 $_size_execute0_lowered;
	s1 =	sadd.s32 s1, s4;
	[dreg:$0x0] =	wrdreg $0x0  }
0x20: {  	s4 =	sshll.u32 s28, $0x1;
	[dreg:$0x2] =	wrdreg s1  }
0x21: {  	[dreg:$0x3] =	wrdreg s4  }
0x22: {  	[dreg:$0x4] =	wrdreg $0xC0  }
0x23: {  	_ =	task [dreg:s6], $0x5FFFF  }
0x24: {  	[dreg:$0x1] =	wrdreg $0xFFFFFFFF  }
0x25: {  	[dreg:$0x0] =	wrdreg $0x60  }
0x26: {  	[dreg:$0x2] =	wrdreg s25  }
0x27: {  	[dreg:$0x3] =	wrdreg $0x9  }
0x28: {  	_ =	task.clear_ibuf [dreg:s6], $0x4FFFF;
	_ =	strace $0x90000058  }
0x29: {  	s29 =	simm.s32 $0x9;
	_ =	strace $0x8000005A  }
0x2a: {  	_ =	swait.ge [sflag:s29], $0x1  }
0x2b: {  	[sflag:s29] =	ssyncadd.s32 $0xFFFFFFFF  }
0x2c: {  	_ =	strace $0x9000005A  }
0x2d: {  	_ =	sfence  }
0x2e: {  	s30 =	sld [smem:$0x0];
	_ =	sdelay $0x2  }
0x2f: {  	s31 =	sshll.u32 s3, $0xD;
	s3 =	sshrl.u32 s3, $0x2  }
0x30: {  	s2 =	sand.u32 $0x4000, s31;
	s1 =	sadd.s32 s3, s30  }
0x31: {  	s0 =	sor.u32 s2, s0;
	s1 =	sshll.u32 s1, $0x11  }
0x32: {  	s0 =	sor.u32 s1, s0  }
0x33: {  	s0 =	sadd.s32 $0x8F2B, s0  }
0x34: {  	[sflag:s0] =	ssyncadd.remote.s32 $0x1  }
0x35: {  	_ =	sfence.sel $0xFFFF  }
0x36: {  	[dreg:$0x0] =	wrdreg $0xFFFFFFFF;
	(pc) =	sbr.abs _section_cstart, $3  }
0x37: {  	[dreg:$0x1] =	wrdreg $0xFFFFFFFF  }
0x38: {  	_ =	task.clear_ibuf [dreg:s6], $0x2FFFF;
	_ =	strace $0x9FFFFFFF  }
0x39: {  	(tm) =	ssettm $0x7FFFFFFF  }
tec
execute0_lowered:
.L_overlay_start_1:
0x0: {  	(tag) =	ssettag $0x1  }
0x1: {  	s0 =	stileid.u32  }
0x2: {  	s1 =	srdreg.scid;
	s7 =	rddreg [dreg:$0x0]  }
0x3: {  	s31 =	simm.s32 $0x2;
	s15 =	simm.s32 $0x0;
	s9 =	simm.s32 $0x620000  }
0x4: {  	s16 =	simm.s32 $0x0;
	s2 =	sshll.u32 s0, $0x6;
	s1 =	sshll.u32 s1, $0xA  }
0x5: {  	s10 =	simm.s32 $0x0;
	s11 =	simm.s32 $0x0;
	s1 =	sor.u32 s2, s1  }
0x6: {  	s14 =	simm.s32 $0x0;
	s3 =	sand.u32 $0x1, s0;
	s2 =	sand.u32 $0x780, s1  }
0x7: {  	s5 =	ssub.s32 $0x2, s3;
	s1 =	rddreg [dreg:$0x1];
	s4 =	ssub.s32 $0xC4000, s2  }
0x8: {  	s8 =	sshrl.u32 s5, $0x1;
	s5 =	sand.u32 $0x1, s5;
	s6 =	sand.u32 $0x780, s4  }
0x9: {  	_ =	strace $0x80000059;
	p0 =	sne.s32 s6, $0x0;
	s6 =	simm.s32 $0x1  }
.Ltmp0:
0xa: {  	s4 =	sshrl.u32 s4, $0xB;
	s6 =	simm.s32 @!p0 $0x0;
	(pc) =	sbr.rel .LBB1_1-.Ltmp0, $4  }
0xb: {  	s8 =	sadd.s32 s5, s8;
	s5 =	simm.s32 $0x1;
	s6 =	sadd.s32 s6, s4  }
0xc: {  	s13 =	smov.u32 s3;
	[sflag:s5] =	ssyncpa.u1 $0x0;
	s6 =	smul.u32 s8, s6  }
0xd: {  	s12 =	smov.u32 s2;
	[sflag:s31] =	ssyncpa.u1 $0x0;
	p0 =	por $0x0, $0x0  }
0xe: {  	s4 =	sadd.s32 $0x31D6A00, s7;
	s7 =	sadd.s32 $0x1E200, s7;
	s8 =	sadd.s32 $0x1, s6  }
.LBB1_4:
0xf: {  	s19 =	sshll.u32 s10, $0x3;
	s21 =	sand.u32 $0x7F, s10;
	s22 =	sshra.s32 s11, $0x1F  }
0x10: {  	p1 =	sgt.s32 s11, $0x1;
	s23 =	smov.u32 s11;
	s29 =	smul.u32 $0x3D4000, s11  }
0x11: {  	s25 =	sshra.s32 s10, $0x1F;
	s20 =	smulhi.u32 $0x5397829D, s19;
	s19 =	sand.u32 $0xFFFFFC00, s19  }
0x12: {  	s22 =	sand.u32 s22, s11;
	s23 =	simm.s32 @!p1 $0x1;
	p1 =	sgt.s32 s10, $0xC3F80  }
0x13: {  	s25 =	sand.u32 s25, s10;
	s22 =	sxor.u32 $0xFFFFFFFF, s22;
	s19 =	sor.u32 s21, s19  }
0x14: {  	s20 =	sshrl.u32 s20, $0x12;
	s22 =	sadd.s32 s22, s23;
	s31 =	smulhi.u32 $0x5397829D, s19  }
0x15: {  	s23 =	smov.u32 s10;
	s24 =	smul.u32 $0xCCD, s20;
	s26 =	ssub.s32 $0x1, s22  }
0x16: {  	s23 =	simm.s32 @!p1 $0xC3F80;
	s21 =	smul.u32 $0x28, s26;
	s28 =	sshrl.u32 s31, $0x12  }
0x17: {  	s23 =	ssub.s32 s23, s25;
	s27 =	sshrl.u32 s24, $0x11;
	s24 =	smul.u32 $0xC4000, s28  }
0x18: {  	p1 =	sgt.s32 s22, $0x0;
	s26 =	sadd.s32 $0xFFF3C080, s23;
	s22 =	smul.u32 $0x28, s27  }
0x19: {  	s23 =	ssub.s32 $0xC4000, s23;
	p2 =	sgt.s32 s26, $0x7F;
	s21 =	simm.s32 @p1 $0x0  }
0x1a: {  	s23 =	simm.s32 @p2 $0x0;
	s19 =	ssub.s32 s19, s24;
	s20 =	ssub.s32 s20, s22  }
0x1b: {  	s21 =	smul.u32 s21, s23;
	s30 =	sshrl.u32 s19, $0x3;
	s20 =	sand.u32 $0xFFFF, s20  }
0x1c: {  	[tilespmem:s18+$0x810 ss:$0x81] =	vst.msk $0xffff, v2;
	s22 =	sadd.s32 s7, s29;
	s19 =	sand.u32 $0x7, s19;
	s20 =	smul.u32 $0x18800, s20  }
0x1d: {  	[tilespmem:s18+$0x1020 ss:$0x81] =	vst.msk $0xffff, v0;
	s22 =	sadd.s32 s30, s22;
	s19 =	sshll.u32 s19, $0x12  }
0x1e: {  	[tilespmem:s18+$0x0 ss:$0x81] =	vst.msk $0xffff, v1;
	s31 =	sand.u32 $0x3FFFFFF8, s21;
	s19 =	sor.u32 $0x400, s19;
	s20 =	sadd.s32 s20, s22  }
0x1f: {  	[hbm4b:s20+s19] =	stream.strided.scatter [tilespmem:s17], [sflag:$0x2], s31, s9, s19, $0x20;
	[tilespmem:$0x8080] =	vst v63  }
.LBB1_5:
0x20: {  	p1 =	slt.u32 s14, $0x2  }
0x21: {  	p2 =	sgt.s32 @!p1 s16, $0x1  }
0x22: {  	s17 =	smov.u32 s16;
	s18 =	sshra.s32 @!p1 s16, $0x1F;
	p2 =	por !p2, p1  }
0x23: {  	s19 =	sshra.s32 @!p1 s15, $0x1F;
	s17 =	simm.s32 @p2 $0x1;
	p2 =	sgt.s32 @!p1 s15, $0xC3F80  }
0x24: {  	s16 =	sand.u32 @!p1 s18, s16;
	s18 =	smov.u32 s15;
	p2 =	por !p2, p1  }
0x25: {  	s16 =	sxor.u32 @!p1 $0xFFFFFFFF, s16;
	s15 =	sand.u32 @!p1 s19, s15;
	s18 =	simm.s32 @p2 $0xC3F80  }
0x26: {  	s16 =	sadd.s32 @!p1 s16, s17;
	s15 =	ssub.s32 @!p1 s18, s15  }
0x27: {  	s19 =	smov.u32 s13;
	s17 =	ssub.s32 @!p1 $0x1, s16;
	s18 =	sadd.s32 @!p1 $0xFFF3C080, s15  }
0x28: {  	p2 =	sgt.s32 @!p1 s16, $0x0;
	s16 =	smul.u32 @!p1 $0x28, s17;
	p3 =	sgt.s32 @!p1 s18, $0x7F  }
0x29: {  	p2 =	por !p2, p1;
	s15 =	ssub.s32 @!p1 $0xC4000, s15;
	p3 =	por !p3, p1  }
0x2a: {  	s17 =	sadd.s32 $0x800, s12;
	s16 =	simm.s32 @!p2 $0x0;
	s15 =	simm.s32 @!p3 $0x0  }
0x2b: {  	p2 =	sgt.s32 s17, $0xC3FFF;
	s15 =	smul.u32 @!p1 s16, s15;
	s16 =	sadd.s32 $0x2, s13  }
0x2c: {  	s19 =	smov.u32 @p2 s16  }
0x2d: {  	s17 =	smov.u32 @p2 s2;
	p2 =	sgt.s32 s19, $0x1  }
0x2e: {  	s19 =	smov.u32 @p2 s3;
	p2 =	sne.s32 s14, s8  }
.Ltmp1:
0x2f: {  	p0 =	por !p0, !p0;
	s18 =	simm.s32 @!p1 $0x2;
	(pc) =	sbr.rel @!p2 .LBB1_6-.Ltmp1, $4  }
0x30: {  	s16 =	smov.u32 s11;
	s11 =	smov.u32 s13;
	s15 =	sand.u32 @!p1 $0x3FFFFFF8, s15  }
0x31: {  	_ =	swait.ge @!p1 [sflag:s18], s15;
	s20 =	ssub.s32 @!p1 $0x0, s15;
	s15 =	smov.u32 s10  }
0x32: {  	s14 =	sadd.s32 $0x1, s14;
	s10 =	smov.u32 s12;
	[sflag:s18] =	ssyncset.done @!p1 $0x0  }
0x33: {  	s12 =	smov.u32 s17;
	s13 =	smov.u32 s19;
	[sflag:s18] =	ssyncadd.s32 @!p1 s20  }
.LBB1_1:
0x34: {  	p1 =	sge.u32 s14, s6  }
0x35: {  	s17 =	sand.u32 @!p1 $0x1FFFFFF, s12  }
0x36: {  	s18 =	smulhi.u32 @!p1 $0x14E5E0B, s17;
	_ =	sdelay $0x1  }
0x37: {  	s18 =	sshrl.u32 @!p1 s18, $0xC  }
0x38: {  	s18 =	smul.u32 @!p1 $0xC4000, s18  }
0x39: {  	s19 =	sxor.u32 @!p1 $0xFFFFFFFF, s14;
	s20 =	smul.u32 @!p1 $0xC40000, s13  }
0x3a: {  	s31 =	sadd.s32 $0xFFFFFFFF, s14;
	s19 =	sshll.u32 @!p1 s19, $0xD;
	s17 =	ssub.s32 @!p1 s17, s18  }
0x3b: {  	s18 =	sand.u32 @!p1 $0x2000, s19;
	s19 =	sadd.s32 @!p1 s4, s20;
	s17 =	sshll.u32 @!p1 s17, $0x4  }
0x3c: {  	s20 =	simm.s32 @!p1 $0x80;
	s17 =	sadd.s32 @!p1 s17, s19;
	s19 =	simm.s32 @!p1 $0x40  }
0x3d: {  	[tilespmem:s18], [sflag:$0x1] =	stream.strided.gather @!p1 [hbm4b:s17+s19], $0x2000, s20, s19, $0x38;
	[tilespmem:$0x8080] =	vst v63  }
0x3e: {  	p1 =	sge.u32 s31, s6  }
.Ltmp2:
0x3f: {  	_ = 	snop;
	(pc) =	sbr.rel @p1 .LBB1_5-.Ltmp2, $1  }
0x40: {  	_ =	sdelay $0x3  }
0x41: {  	s17 =	simm.s32 $0x1  }
0x42: {  	_ =	swait.ge [sflag:s5], $0x2000;
	s17 =	simm.s32 @!p0 $0x0  }
0x43: {  	[sflag:s5] =	ssyncset.done $0x0;
	s18 =	sshll.u32 s17, $0xD  }
0x44: {  	[sflag:s5] =	ssyncadd.s32 $0xFFFFE000;
	s21 =	sor.u32 $0x20, s18  }
0x45: {  	s17 =	smul.u32 $0x8100, s17;
	v3 =	vld [tilespmem:s21+$0x10]  }
0x46: {  	s30 =	sand.u32 $0x1, s14;
	v2 =	vld [tilespmem:s21+$0xFFFFFFF0]  }
0x47: {  	s18 =	smul.u32 $0x8100, s30;
	s17 =	sshrl.u32 s17, $0x2;
	v0 =	vld [tilespmem:s21+$0x0]  }
0x48: {  	v1 =	vld [tilespmem:s21+$0xFFFFFFE0];
	s19 =	sor.u32 $0x4000, s17  }
0x49: {  	s31 =	sshrl.u32 s18, $0x2;
	s18 =	sadd.s32 $0x0, s19  }
0x4a: {  	s20 =	simm.s32 $0x4;
	s21 =	sadd.s32 $0x40, s21;
	s17 =	sor.u32 $0x4000, s31;
	[tilespmem:s18+$0x1830 ss:$0x81] =	vst.msk $0xffff, v3  }
.LBB1_3:
0x4b: {  	v3 =	vld [tilespmem:s21+$0x10];
	p1 =	sne.s32 s20, $0x1FC;
	[tilespmem:s18+$0x810 ss:$0x81] =	vst.msk $0xffff, v2;
	s22 =	smov.u32 s20;
	s20 =	sadd.s32 $0x4, s20  }
.Ltmp3:
0x4c: {  	v2 =	vld [tilespmem:s21+$0xFFFFFFF0];
	[tilespmem:s18+$0x1020 ss:$0x81] =	vst.msk $0xffff, v0;
	(pc) =	sbr.rel @p1 .LBB1_3-.Ltmp3, $4  }
0x4d: {  	v0 =	vld [tilespmem:s21+$0x0];
	[tilespmem:s18+$0x0 ss:$0x81] =	vst.msk $0xffff, v1  }
0x4e: {  	s18 =	sshra.s32 s22, $0x2;
	v1 =	vld [tilespmem:s21+$0xFFFFFFE0]  }
0x4f: {  	s18 =	sadd.s32 s18, s19  }
0x50: {  	s21 =	sadd.s32 $0x40, s21;
	[tilespmem:s18+$0x1830 ss:$0x81] =	vst.msk $0xffff, v3  }
.Ltmp4:
0x51: {  	_ = 	snop;
	(pc) =	sbr.rel .LBB1_4-.Ltmp4, $1  }
0x52: {  	_ =	sdelay $0x3  }
.LBB1_6:
0x53: {  	_ =	sfence.sel $0x180000  }
0x54: {  	s2 =	simm.s32 $0x1;
	[bflag:$0x0] =	sbarrier.arrive $0xFFFF  }
0x55: {  	s31 =	simm.s32 $0x2;
	[sflag:s2] =	ssyncpa.u1 $0x1  }
0x56: {  	[sflag:s31] =	ssyncpa.u1 $0x1  }
0x57: {  	p0 =	sne.s32 s0, $0x0;
	_ =	strace $0x90000059  }
0x58: {  	s0 =	sadd.s32 @!p0 $0x100000, s1;
	[bflag:$0x2] =	sbarrier.arrive $0xFFFF  }
0x59: {  	[sflag:s0] =	ssyncadd.tile.s32 @!p0 $0x1;
	_ =	shalt  }
.Lfunc_end1:
_tile_overlayer_lowered:
.L_overlay_start_2:
0x5a: {  	(tag) =	ssettag $0x2  }
0x5b: {  	s0 =	rddreg [dreg:$0x0];
	s2 =	stileid.u32  }
0x5c: {  	s1 =	rddreg [dreg:$0x1];
	p0 =	sne.s32 s2, $0x0  }
0x5d: {  	s3 =	rddreg [dreg:$0x2];
	[bflag:$0x3] =	sbarrier.arrive $0xFFFF;
	s2 =	simm.s32 @!p0 $0x1C01  }
0x5e: {  	[timem:s3], [sflag:s2] =	dma.local @!p0 [hbm:s0], s1  }
0x5f: {  	s0 =	simm.s32 @!p0 $0x1  }
0x60: {  	_ =	swait.ge @!p0 [sflag:s0], s1  }
0x61: {  	s1 =	ssub.s32 @!p0 $0x0, s1;
	[sflag:s0] =	ssyncset.done @!p0 $0x0  }
0x62: {  	[sflag:s0] =	ssyncadd.s32 @!p0 s1  }
0x63: {  	[bflag:$0x3] =	sbarrier.arrive $0xFFFF  }
0x64: {  	_ =	shalt  }

// kernel: sparse-core-data-format-call.2.cloned.1.call-start
scs
called_computation.2_lowered:
.L_overlay_start_0:
0x0: {  	s1 =	sld [smem:$0x3FD9]  }
0x1: {  	s2 =	sld [smem:$0x3FFE];
	_ =	sdelay $0x1  }
0x2: {  	s3 =	srdreg.scid  }
0x3: {  	s0 =	sand.u32 $0x1, s3  }
0x4: {  	s17 =	sshll.u32 s0, $0xA;
	s1 =	sadd.s32 s2, s1  }
0x5: {  	s1 =	sadd.s32 s1, s17  }
0x6: {  	[smem:$0x3FAA] =	sst s1  }
0x7: {  	_ = 	snop  }
0x8: {  	(tm) =	ssettm $0x1  }
0x9: {  	s18 =	sld [smem:$0x3FFB];
	_ =	sdelay $0x3  }
0xa: {  	_ =	strace s18  }
0xb: {  	s1 =	sld [smem:$0x3FFC];
	_ =	sdelay $0x3  }
0xc: {  	_ =	strace s1  }
0xd: {  	s1 =	sld [smem:$0x3FFD];
	_ =	sdelay $0x3  }
0xe: {  	_ =	strace s1  }
0xf: {  	_ =	strace $0x8FFFFFFF  }
0x10: {  	s19 =	sld [smem:$0x3FDB];
	_ =	sdelay $0x1  }
0x11: {  	s20 =	simm.s32 $_scs_section_size  }
0x12: {  	s4 =	simm.s32 $_size__tile_overlayer_lowered;
	s5 =	simm.s32 $_tile_overlayer_lowered  }
0x13: {  	s23 =	simm.s32 $0x1BFF;
	s22 =	sshll.u32 s5, $0x1;
	s1 =	sadd.s32 s20, s19  }
0x14: {  	s6 =	simm.s32 $0x0;
	s21 =	sshll.u32 s4, $0x1;
	s4 =	sadd.s32 s22, s1  }
0x15: {  	[timem:s6], [sflag:s23] =	dma.local [hbm:s4], s21  }
0x16: {  	_ =	swait.ge [sflag:s23], s21  }
0x17: {  	s2 =	ssub.s32 $0x0, s21;
	[sflag:s23] =	ssyncset.done $0x0  }
0x18: {  	[sflag:s23] =	ssyncadd.s32 s2;
	_ =	sdelay $0x1  }
0x19: {  	s24 =	simm.s32 $0x1B8B  }
0x1a: {  	_ =	swait.ge [sflag:s24], $0x1  }
0x1b: {  	[sflag:s24] =	ssyncset.done $0x0  }
0x1c: {  	s26 =	simm.s32 $0x1B8E;
	s25 =	sld [smem:$0x3FFE];
	[sflag:s24] =	ssyncadd.s32 $0xFFFFFFFF  }
0x1d: {  	s27 =	simm.s32 $execute0_lowered;
	[smem:$0x3FD2] =	sst s26  }
0x1e: {  	s4 =	sshll.u32 s27, $0x1;
	_ =	strace $0x8000004C;
	[dreg:$0x1] =	wrdreg $0xFFFFFFFF  }
0x1f: {  	s28 =	simm.s32 $_size_execute0_lowered;
	s1 =	sadd.s32 s1, s4;
	[dreg:$0x0] =	wrdreg $0x0  }
0x20: {  	s4 =	sshll.u32 s28, $0x1;
	[dreg:$0x2] =	wrdreg s1  }
0x21: {  	[dreg:$0x3] =	wrdreg s4  }
0x22: {  	[dreg:$0x4] =	wrdreg $0xC0  }
0x23: {  	_ =	task [dreg:s6], $0x5FFFF  }
0x24: {  	[dreg:$0x1] =	wrdreg $0xFFFFFFFF  }
0x25: {  	[dreg:$0x0] =	wrdreg $0x60  }
0x26: {  	[dreg:$0x2] =	wrdreg s25  }
0x27: {  	[dreg:$0x3] =	wrdreg $0x9  }
0x28: {  	_ =	task.clear_ibuf [dreg:s6], $0x4FFFF;
	_ =	strace $0x9000004C  }
0x29: {  	s29 =	simm.s32 $0x9;
	_ =	strace $0x8000004E  }
0x2a: {  	_ =	swait.ge [sflag:s29], $0x1  }
0x2b: {  	[sflag:s29] =	ssyncadd.s32 $0xFFFFFFFF  }
0x2c: {  	_ =	strace $0x9000004E  }
0x2d: {  	_ =	sfence  }
0x2e: {  	s30 =	sld [smem:$0x0];
	_ =	sdelay $0x2  }
0x2f: {  	s31 =	sshll.u32 s3, $0xD;
	s3 =	sshrl.u32 s3, $0x2  }
0x30: {  	s2 =	sand.u32 $0x4000, s31;
	s1 =	sadd.s32 s3, s30  }
0x31: {  	s0 =	sor.u32 s2, s0;
	s1 =	sshll.u32 s1, $0x11  }
0x32: {  	s0 =	sor.u32 s1, s0  }
0x33: {  	s0 =	sadd.s32 $0x8F2B, s0  }
0x34: {  	[sflag:s0] =	ssyncadd.remote.s32 $0x1  }
0x35: {  	_ =	sfence.sel $0xFFFF  }
0x36: {  	[dreg:$0x0] =	wrdreg $0xFFFFFFFF;
	(pc) =	sbr.abs _section_cstart, $3  }
0x37: {  	[dreg:$0x1] =	wrdreg $0xFFFFFFFF  }
0x38: {  	_ =	task.clear_ibuf [dreg:s6], $0x2FFFF;
	_ =	strace $0x9FFFFFFF  }
0x39: {  	(tm) =	ssettm $0x7FFFFFFF  }
tec
execute0_lowered:
.L_overlay_start_1:
0x0: {  	(tag) =	ssettag $0x1  }
0x1: {  	s0 =	stileid.u32  }
0x2: {  	s1 =	srdreg.scid;
	s7 =	rddreg [dreg:$0x0]  }
0x3: {  	s31 =	simm.s32 $0x2;
	s15 =	simm.s32 $0x0;
	s9 =	simm.s32 $0x620000  }
0x4: {  	s16 =	simm.s32 $0x0;
	s2 =	sshll.u32 s0, $0x6;
	s1 =	sshll.u32 s1, $0xA  }
0x5: {  	s10 =	simm.s32 $0x0;
	s11 =	simm.s32 $0x0;
	s1 =	sor.u32 s2, s1  }
0x6: {  	s14 =	simm.s32 $0x0;
	s3 =	sand.u32 $0x1, s0;
	s2 =	sand.u32 $0x780, s1  }
0x7: {  	s5 =	ssub.s32 $0x2, s3;
	s1 =	rddreg [dreg:$0x1];
	s4 =	ssub.s32 $0xC4000, s2  }
0x8: {  	s8 =	sshrl.u32 s5, $0x1;
	s5 =	sand.u32 $0x1, s5;
	s6 =	sand.u32 $0x780, s4  }
0x9: {  	_ =	strace $0x8000004D;
	p0 =	sne.s32 s6, $0x0;
	s6 =	simm.s32 $0x1  }
.Ltmp0:
0xa: {  	s4 =	sshrl.u32 s4, $0xB;
	s6 =	simm.s32 @!p0 $0x0;
	(pc) =	sbr.rel .LBB1_1-.Ltmp0, $4  }
0xb: {  	s8 =	sadd.s32 s5, s8;
	s5 =	simm.s32 $0x1;
	s6 =	sadd.s32 s6, s4  }
0xc: {  	s13 =	smov.u32 s3;
	[sflag:s5] =	ssyncpa.u1 $0x0;
	s6 =	smul.u32 s8, s6  }
0xd: {  	s12 =	smov.u32 s2;
	[sflag:s31] =	ssyncpa.u1 $0x0;
	p0 =	por $0x0, $0x0  }
0xe: {  	s4 =	sadd.s32 $0x31D6A00, s7;
	s7 =	sadd.s32 $0x1961C00, s7;
	s8 =	sadd.s32 $0x1, s6  }
.LBB1_4:
0xf: {  	s19 =	sshll.u32 s10, $0x3;
	s21 =	sand.u32 $0x7F, s10;
	s22 =	sshra.s32 s11, $0x1F  }
0x10: {  	p1 =	sgt.s32 s11, $0x1;
	s23 =	smov.u32 s11;
	s29 =	smul.u32 $0x3D4000, s11  }
0x11: {  	s25 =	sshra.s32 s10, $0x1F;
	s20 =	smulhi.u32 $0x5397829D, s19;
	s19 =	sand.u32 $0xFFFFFC00, s19  }
0x12: {  	s22 =	sand.u32 s22, s11;
	s23 =	simm.s32 @!p1 $0x1;
	p1 =	sgt.s32 s10, $0xC3F80  }
0x13: {  	s25 =	sand.u32 s25, s10;
	s22 =	sxor.u32 $0xFFFFFFFF, s22;
	s19 =	sor.u32 s21, s19  }
0x14: {  	s20 =	sshrl.u32 s20, $0x12;
	s22 =	sadd.s32 s22, s23;
	s31 =	smulhi.u32 $0x5397829D, s19  }
0x15: {  	s23 =	smov.u32 s10;
	s24 =	smul.u32 $0xCCD, s20;
	s26 =	ssub.s32 $0x1, s22  }
0x16: {  	s23 =	simm.s32 @!p1 $0xC3F80;
	s21 =	smul.u32 $0x28, s26;
	s28 =	sshrl.u32 s31, $0x12  }
0x17: {  	s23 =	ssub.s32 s23, s25;
	s27 =	sshrl.u32 s24, $0x11;
	s24 =	smul.u32 $0xC4000, s28  }
0x18: {  	p1 =	sgt.s32 s22, $0x0;
	s26 =	sadd.s32 $0xFFF3C080, s23;
	s22 =	smul.u32 $0x28, s27  }
0x19: {  	s23 =	ssub.s32 $0xC4000, s23;
	p2 =	sgt.s32 s26, $0x7F;
	s21 =	simm.s32 @p1 $0x0  }
0x1a: {  	s23 =	simm.s32 @p2 $0x0;
	s19 =	ssub.s32 s19, s24;
	s20 =	ssub.s32 s20, s22  }
0x1b: {  	s21 =	smul.u32 s21, s23;
	s30 =	sshrl.u32 s19, $0x3;
	s20 =	sand.u32 $0xFFFF, s20  }
0x1c: {  	[tilespmem:s18+$0x810 ss:$0x81] =	vst.msk $0xffff, v2;
	s22 =	sadd.s32 s7, s29;
	s19 =	sand.u32 $0x7, s19;
	s20 =	smul.u32 $0x18800, s20  }
0x1d: {  	[tilespmem:s18+$0x1020 ss:$0x81] =	vst.msk $0xffff, v0;
	s22 =	sadd.s32 s30, s22;
	s19 =	sshll.u32 s19, $0x12  }
0x1e: {  	[tilespmem:s18+$0x0 ss:$0x81] =	vst.msk $0xffff, v1;
	s31 =	sand.u32 $0x3FFFFFF8, s21;
	s19 =	sor.u32 $0x400, s19;
	s20 =	sadd.s32 s20, s22  }
0x1f: {  	[hbm4b:s20+s19] =	stream.strided.scatter [tilespmem:s17], [sflag:$0x2], s31, s9, s19, $0x20;
	[tilespmem:$0x8080] =	vst v63  }
.LBB1_5:
0x20: {  	p1 =	slt.u32 s14, $0x2  }
0x21: {  	p2 =	sgt.s32 @!p1 s16, $0x1  }
0x22: {  	s17 =	smov.u32 s16;
	s18 =	sshra.s32 @!p1 s16, $0x1F;
	p2 =	por !p2, p1  }
0x23: {  	s19 =	sshra.s32 @!p1 s15, $0x1F;
	s17 =	simm.s32 @p2 $0x1;
	p2 =	sgt.s32 @!p1 s15, $0xC3F80  }
0x24: {  	s16 =	sand.u32 @!p1 s18, s16;
	s18 =	smov.u32 s15;
	p2 =	por !p2, p1  }
0x25: {  	s16 =	sxor.u32 @!p1 $0xFFFFFFFF, s16;
	s15 =	sand.u32 @!p1 s19, s15;
	s18 =	simm.s32 @p2 $0xC3F80  }
0x26: {  	s16 =	sadd.s32 @!p1 s16, s17;
	s15 =	ssub.s32 @!p1 s18, s15  }
0x27: {  	s19 =	smov.u32 s13;
	s17 =	ssub.s32 @!p1 $0x1, s16;
	s18 =	sadd.s32 @!p1 $0xFFF3C080, s15  }
0x28: {  	p2 =	sgt.s32 @!p1 s16, $0x0;
	s16 =	smul.u32 @!p1 $0x28, s17;
	p3 =	sgt.s32 @!p1 s18, $0x7F  }
0x29: {  	p2 =	por !p2, p1;
	s15 =	ssub.s32 @!p1 $0xC4000, s15;
	p3 =	por !p3, p1  }
0x2a: {  	s17 =	sadd.s32 $0x800, s12;
	s16 =	simm.s32 @!p2 $0x0;
	s15 =	simm.s32 @!p3 $0x0  }
0x2b: {  	p2 =	sgt.s32 s17, $0xC3FFF;
	s15 =	smul.u32 @!p1 s16, s15;
	s16 =	sadd.s32 $0x2, s13  }
0x2c: {  	s19 =	smov.u32 @p2 s16  }
0x2d: {  	s17 =	smov.u32 @p2 s2;
	p2 =	sgt.s32 s19, $0x1  }
0x2e: {  	s19 =	smov.u32 @p2 s3;
	p2 =	sne.s32 s14, s8  }
.Ltmp1:
0x2f: {  	p0 =	por !p0, !p0;
	s18 =	simm.s32 @!p1 $0x2;
	(pc) =	sbr.rel @!p2 .LBB1_6-.Ltmp1, $4  }
0x30: {  	s16 =	smov.u32 s11;
	s11 =	smov.u32 s13;
	s15 =	sand.u32 @!p1 $0x3FFFFFF8, s15  }
0x31: {  	_ =	swait.ge @!p1 [sflag:s18], s15;
	s20 =	ssub.s32 @!p1 $0x0, s15;
	s15 =	smov.u32 s10  }
0x32: {  	s14 =	sadd.s32 $0x1, s14;
	s10 =	smov.u32 s12;
	[sflag:s18] =	ssyncset.done @!p1 $0x0  }
0x33: {  	s12 =	smov.u32 s17;
	s13 =	smov.u32 s19;
	[sflag:s18] =	ssyncadd.s32 @!p1 s20  }
.LBB1_1:
0x34: {  	p1 =	sge.u32 s14, s6  }
0x35: {  	s17 =	sand.u32 @!p1 $0x1FFFFFF, s12  }
0x36: {  	s18 =	smulhi.u32 @!p1 $0x14E5E0B, s17;
	_ =	sdelay $0x1  }
0x37: {  	s18 =	sshrl.u32 @!p1 s18, $0xC  }
0x38: {  	s18 =	smul.u32 @!p1 $0xC4000, s18  }
0x39: {  	s19 =	sxor.u32 @!p1 $0xFFFFFFFF, s14;
	s20 =	smul.u32 @!p1 $0xC40000, s13  }
0x3a: {  	s31 =	sadd.s32 $0xFFFFFFFF, s14;
	s19 =	sshll.u32 @!p1 s19, $0xD;
	s17 =	ssub.s32 @!p1 s17, s18  }
0x3b: {  	s18 =	sand.u32 @!p1 $0x2000, s19;
	s19 =	sadd.s32 @!p1 s4, s20;
	s17 =	sshll.u32 @!p1 s17, $0x4  }
0x3c: {  	s20 =	simm.s32 @!p1 $0x80;
	s17 =	sadd.s32 @!p1 s17, s19;
	s19 =	simm.s32 @!p1 $0x40  }
0x3d: {  	[tilespmem:s18], [sflag:$0x1] =	stream.strided.gather @!p1 [hbm4b:s17+s19], $0x2000, s20, s19, $0x38;
	[tilespmem:$0x8080] =	vst v63  }
0x3e: {  	p1 =	sge.u32 s31, s6  }
.Ltmp2:
0x3f: {  	_ = 	snop;
	(pc) =	sbr.rel @p1 .LBB1_5-.Ltmp2, $1  }
0x40: {  	_ =	sdelay $0x3  }
0x41: {  	s17 =	simm.s32 $0x1  }
0x42: {  	_ =	swait.ge [sflag:s5], $0x2000;
	s17 =	simm.s32 @!p0 $0x0  }
0x43: {  	[sflag:s5] =	ssyncset.done $0x0;
	s18 =	sshll.u32 s17, $0xD  }
0x44: {  	[sflag:s5] =	ssyncadd.s32 $0xFFFFE000;
	s21 =	sor.u32 $0x20, s18  }
0x45: {  	s17 =	smul.u32 $0x8100, s17;
	v3 =	vld [tilespmem:s21+$0x10]  }
0x46: {  	s30 =	sand.u32 $0x1, s14;
	v2 =	vld [tilespmem:s21+$0xFFFFFFF0]  }
0x47: {  	s18 =	smul.u32 $0x8100, s30;
	s17 =	sshrl.u32 s17, $0x2;
	v0 =	vld [tilespmem:s21+$0x0]  }
0x48: {  	v1 =	vld [tilespmem:s21+$0xFFFFFFE0];
	s19 =	sor.u32 $0x4000, s17  }
0x49: {  	s31 =	sshrl.u32 s18, $0x2;
	s18 =	sadd.s32 $0x0, s19  }
0x4a: {  	s20 =	simm.s32 $0x4;
	s21 =	sadd.s32 $0x40, s21;
	s17 =	sor.u32 $0x4000, s31;
	[tilespmem:s18+$0x1830 ss:$0x81] =	vst.msk $0xffff, v3  }
.LBB1_3:
0x4b: {  	v3 =	vld [tilespmem:s21+$0x10];
	p1 =	sne.s32 s20, $0x1FC;
	[tilespmem:s18+$0x810 ss:$0x81] =	vst.msk $0xffff, v2;
	s22 =	smov.u32 s20;
	s20 =	sadd.s32 $0x4, s20  }
.Ltmp3:
0x4c: {  	v2 =	vld [tilespmem:s21+$0xFFFFFFF0];
	[tilespmem:s18+$0x1020 ss:$0x81] =	vst.msk $0xffff, v0;
	(pc) =	sbr.rel @p1 .LBB1_3-.Ltmp3, $4  }
0x4d: {  	v0 =	vld [tilespmem:s21+$0x0];
	[tilespmem:s18+$0x0 ss:$0x81] =	vst.msk $0xffff, v1  }
0x4e: {  	s18 =	sshra.s32 s22, $0x2;
	v1 =	vld [tilespmem:s21+$0xFFFFFFE0]  }
0x4f: {  	s18 =	sadd.s32 s18, s19  }
0x50: {  	s21 =	sadd.s32 $0x40, s21;
	[tilespmem:s18+$0x1830 ss:$0x81] =	vst.msk $0xffff, v3  }
.Ltmp4:
0x51: {  	_ = 	snop;
	(pc) =	sbr.rel .LBB1_4-.Ltmp4, $1  }
0x52: {  	_ =	sdelay $0x3  }
.LBB1_6:
0x53: {  	_ =	sfence.sel $0x180000  }
0x54: {  	s2 =	simm.s32 $0x1;
	[bflag:$0x0] =	sbarrier.arrive $0xFFFF  }
0x55: {  	s31 =	simm.s32 $0x2;
	[sflag:s2] =	ssyncpa.u1 $0x1  }
0x56: {  	[sflag:s31] =	ssyncpa.u1 $0x1  }
0x57: {  	p0 =	sne.s32 s0, $0x0;
	_ =	strace $0x9000004D  }
0x58: {  	s0 =	sadd.s32 @!p0 $0x100000, s1;
	[bflag:$0x2] =	sbarrier.arrive $0xFFFF  }
0x59: {  	[sflag:s0] =	ssyncadd.tile.s32 @!p0 $0x1;
	_ =	shalt  }
.Lfunc_end1:
_tile_overlayer_lowered:
.L_overlay_start_2:
0x5a: {  	(tag) =	ssettag $0x2  }
0x5b: {  	s0 =	rddreg [dreg:$0x0];
	s2 =	stileid.u32  }
0x5c: {  	s1 =	rddreg [dreg:$0x1];
	p0 =	sne.s32 s2, $0x0  }
0x5d: {  	s3 =	rddreg [dreg:$0x2];
	[bflag:$0x3] =	sbarrier.arrive $0xFFFF;
	s2 =	simm.s32 @!p0 $0x1C01  }
0x5e: {  	[timem:s3], [sflag:s2] =	dma.local @!p0 [hbm:s0], s1  }
0x5f: {  	s0 =	simm.s32 @!p0 $0x1  }
0x60: {  	_ =	swait.ge @!p0 [sflag:s0], s1  }
0x61: {  	s1 =	ssub.s32 @!p0 $0x0, s1;
	[sflag:s0] =	ssyncset.done @!p0 $0x0  }
0x62: {  	[sflag:s0] =	ssyncadd.s32 @!p0 s1  }
0x63: {  	[bflag:$0x3] =	sbarrier.arrive $0xFFFF  }
0x64: {  	_ =	shalt  }

// kernel: sparse-core-data-format-call.cloned.1.call-start
scs
called_computation_lowered:
.L_overlay_start_0:
0x0: {  	s1 =	sld [smem:$0x3FD9]  }
0x1: {  	s2 =	sld [smem:$0x3FFE];
	_ =	sdelay $0x1  }
0x2: {  	s3 =	srdreg.scid  }
0x3: {  	s0 =	sand.u32 $0x1, s3  }
0x4: {  	s17 =	sshll.u32 s0, $0xA;
	s1 =	sadd.s32 s2, s1  }
0x5: {  	s1 =	sadd.s32 s1, s17  }
0x6: {  	[smem:$0x3FAA] =	sst s1  }
0x7: {  	_ = 	snop  }
0x8: {  	(tm) =	ssettm $0x1  }
0x9: {  	s18 =	sld [smem:$0x3FFB];
	_ =	sdelay $0x3  }
0xa: {  	_ =	strace s18  }
0xb: {  	s1 =	sld [smem:$0x3FFC];
	_ =	sdelay $0x3  }
0xc: {  	_ =	strace s1  }
0xd: {  	s1 =	sld [smem:$0x3FFD];
	_ =	sdelay $0x3  }
0xe: {  	_ =	strace s1  }
0xf: {  	_ =	strace $0x8FFFFFFF  }
0x10: {  	s19 =	sld [smem:$0x3FDB];
	_ =	sdelay $0x1  }
0x11: {  	s20 =	simm.s32 $_scs_section_size  }
0x12: {  	s4 =	simm.s32 $_size__tile_overlayer_lowered;
	s5 =	simm.s32 $_tile_overlayer_lowered  }
0x13: {  	s23 =	simm.s32 $0x1BFF;
	s22 =	sshll.u32 s5, $0x1;
	s1 =	sadd.s32 s20, s19  }
0x14: {  	s6 =	simm.s32 $0x0;
	s21 =	sshll.u32 s4, $0x1;
	s4 =	sadd.s32 s22, s1  }
0x15: {  	[timem:s6], [sflag:s23] =	dma.local [hbm:s4], s21  }
0x16: {  	_ =	swait.ge [sflag:s23], s21  }
0x17: {  	s2 =	ssub.s32 $0x0, s21;
	[sflag:s23] =	ssyncset.done $0x0  }
0x18: {  	[sflag:s23] =	ssyncadd.s32 s2;
	_ =	sdelay $0x1  }
0x19: {  	s24 =	simm.s32 $0x1B8B  }
0x1a: {  	_ =	swait.ge [sflag:s24], $0x1  }
0x1b: {  	[sflag:s24] =	ssyncset.done $0x0  }
0x1c: {  	s26 =	simm.s32 $0x1B8E;
	s25 =	sld [smem:$0x3FFE];
	[sflag:s24] =	ssyncadd.s32 $0xFFFFFFFF  }
0x1d: {  	s27 =	simm.s32 $execute0_lowered;
	[smem:$0x3FD2] =	sst s26  }
0x1e: {  	s4 =	sshll.u32 s27, $0x1;
	_ =	strace $0x80000064;
	[dreg:$0x1] =	wrdreg $0xFFFFFFFF  }
0x1f: {  	s28 =	simm.s32 $_size_execute0_lowered;
	s1 =	sadd.s32 s1, s4;
	[dreg:$0x0] =	wrdreg $0x0  }
0x20: {  	s4 =	sshll.u32 s28, $0x1;
	[dreg:$0x2] =	wrdreg s1  }
0x21: {  	[dreg:$0x3] =	wrdreg s4  }
0x22: {  	[dreg:$0x4] =	wrdreg $0xC0  }
0x23: {  	_ =	task [dreg:s6], $0x5FFFF  }
0x24: {  	[dreg:$0x1] =	wrdreg $0xFFFFFFFF  }
0x25: {  	[dreg:$0x0] =	wrdreg $0x60  }
0x26: {  	[dreg:$0x2] =	wrdreg s25  }
0x27: {  	[dreg:$0x3] =	wrdreg $0x9  }
0x28: {  	_ =	task.clear_ibuf [dreg:s6], $0x4FFFF;
	_ =	strace $0x90000064  }
0x29: {  	s29 =	simm.s32 $0x9;
	_ =	strace $0x80000066  }
0x2a: {  	_ =	swait.ge [sflag:s29], $0x1  }
0x2b: {  	[sflag:s29] =	ssyncadd.s32 $0xFFFFFFFF  }
0x2c: {  	_ =	strace $0x90000066  }
0x2d: {  	_ =	sfence  }
0x2e: {  	s30 =	sld [smem:$0x0];
	_ =	sdelay $0x2  }
0x2f: {  	s31 =	sshll.u32 s3, $0xD;
	s3 =	sshrl.u32 s3, $0x2  }
0x30: {  	s2 =	sand.u32 $0x4000, s31;
	s1 =	sadd.s32 s3, s30  }
0x31: {  	s0 =	sor.u32 s2, s0;
	s1 =	sshll.u32 s1, $0x11  }
0x32: {  	s0 =	sor.u32 s1, s0  }
0x33: {  	s0 =	sadd.s32 $0x8F2B, s0  }
0x34: {  	[sflag:s0] =	ssyncadd.remote.s32 $0x1  }
0x35: {  	_ =	sfence.sel $0xFFFF  }
0x36: {  	[dreg:$0x0] =	wrdreg $0xFFFFFFFF;
	(pc) =	sbr.abs _section_cstart, $3  }
0x37: {  	[dreg:$0x1] =	wrdreg $0xFFFFFFFF  }
0x38: {  	_ =	task.clear_ibuf [dreg:s6], $0x2FFFF;
	_ =	strace $0x9FFFFFFF  }
0x39: {  	(tm) =	ssettm $0x7FFFFFFF  }
tec
execute0_lowered:
.L_overlay_start_1:
0x0: {  	(tag) =	ssettag $0x1  }
0x1: {  	s0 =	srdreg.scid  }
0x2: {  	s5 =	rddreg [dreg:$0x0];
	s1 =	sshll.u32 s0, $0x4  }
0x3: {  	s4 =	simm.s32 $0x1;
	s0 =	stileid.u32;
	s1 =	sand.u32 $0x10, s1  }
0x4: {  	s8 =	simm.s32 $0x2;
	s12 =	simm.s32 $0x0;
	s2 =	sor.u32 s0, s1  }
0x5: {  	s9 =	simm.s32 $0x0;
	s3 =	sadd.s32 $0x31D6A00, s5;
	s2 =	sshll.u32 s2, $0x7  }
0x6: {  	s11 =	simm.s32 $0x0;
	s5 =	sadd.s32 $0x2109E00, s5;
	s6 =	ssub.s32 $0xC4000, s2  }
.Ltmp0:
0x7: {  	s1 =	rddreg [dreg:$0x1];
	s7 =	sand.u32 $0xF80, s6;
	(pc) =	sbr.rel .LBB1_1-.Ltmp0, $4  }
0x8: {  	_ =	strace $0x80000065;
	p0 =	sne.s32 s7, $0x0;
	s7 =	simm.s32 $0x1  }
0x9: {  	[sflag:s4] =	ssyncpa.u1 $0x0;
	s6 =	sshrl.u32 s6, $0xC;
	s7 =	simm.s32 @!p0 $0x0  }
0xa: {  	[sflag:s8] =	ssyncpa.u1 $0x0;
	s8 =	simm.s32 $0x620000;
	s6 =	sadd.s32 s7, s6  }
0xb: {  	s10 =	smov.u32 s2;
	p0 =	por $0x0, $0x0;
	s7 =	sadd.s32 $0x1, s6  }
.LBB1_4:
0xc: {  	s15 =	sshll.u32 s9, $0x3  }
0xd: {  	s16 =	sand.u32 $0x7F, s9;
	s17 =	sand.u32 $0xFFFFFC00, s15;
	s15 =	smulhi.u32 $0x5397829D, s15  }
0xe: {  	s16 =	sor.u32 s16, s17  }
0xf: {  	s17 =	smulhi.u32 $0x5397829D, s16;
	s15 =	sshrl.u32 s15, $0x12  }
0x10: {  	p1 =	sgt.s32 s9, $0xC3F80;
	s19 =	smov.u32 s9;
	s18 =	smul.u32 $0xCCD, s15  }
0x11: {  	s20 =	sshra.s32 s9, $0x1F;
	s19 =	simm.s32 @!p1 $0xC3F80;
	s17 =	sshrl.u32 s17, $0x12  }
0x12: {  	s20 =	sand.u32 s20, s9;
	s17 =	smul.u32 $0xC4000, s17;
	s18 =	sshrl.u32 s18, $0x11  }
0x13: {  	s27 =	ssub.s32 s19, s20;
	s18 =	smul.u32 $0x28, s18  }
0x14: {  	s28 =	sadd.s32 $0xFFF3C080, s27  }
0x15: {  	s16 =	ssub.s32 s16, s17;
	s17 =	ssub.s32 $0xC4000, s27;
	s15 =	ssub.s32 s15, s18  }
0x16: {  	p1 =	sgt.s32 s28, $0x7F;
	s17 =	smul.u32 $0xA0, s17;
	s15 =	sand.u32 $0xFFFF, s15  }
0x17: {  	[tilespmem:s14+$0x810 ss:$0x81] =	vst.msk $0xffff, v2;
	s29 =	sshrl.u32 s16, $0x3;
	s16 =	sand.u32 $0x7, s16;
	s15 =	smul.u32 $0x18800, s15  }
0x18: {  	[tilespmem:s14+$0x1020 ss:$0x81] =	vst.msk $0xffff, v0;
	s18 =	sadd.s32 s5, s29;
	s16 =	sshll.u32 s16, $0x12;
	s17 =	sshrl.u32 s17, $0x2  }
0x19: {  	[tilespmem:s14+$0x0 ss:$0x81] =	vst.msk $0xffff, v1;
	s31 =	sor.u32 $0x400, s16;
	s17 =	simm.s32 @p1 $0x0;
	s30 =	sadd.s32 s15, s18  }
0x1a: {  	[hbm4b:s30+s31] =	stream.strided.scatter [tilespmem:s13], [sflag:$0x2], s17, s8, s31, $0x20;
	[tilespmem:$0x8080] =	vst v63  }
.LBB1_5:
0x1b: {  	p1 =	slt.u32 s11, $0x2  }
0x1c: {  	p2 =	sgt.s32 @!p1 s12, $0xC3F80  }
0x1d: {  	s13 =	smov.u32 s12;
	s14 =	sshra.s32 @!p1 s12, $0x1F;
	p2 =	por !p2, p1  }
0x1e: {  	s12 =	sand.u32 @!p1 s14, s12;
	s13 =	simm.s32 @p2 $0xC3F80  }
0x1f: {  	s12 =	ssub.s32 @!p1 s13, s12  }
0x20: {  	s13 =	ssub.s32 @!p1 $0xC4000, s12  }
0x21: {  	s12 =	sadd.s32 @!p1 $0xFFF3C080, s12;
	s13 =	smul.u32 @!p1 $0xA0, s13  }
0x22: {  	p2 =	sgt.s32 @!p1 s12, $0x7F  }
0x23: {  	s14 =	sadd.s32 $0x1000, s10;
	p2 =	por !p2, p1;
	s12 =	sshrl.u32 @!p1 s13, $0x2  }
0x24: {  	s12 =	simm.s32 @!p2 $0x0;
	p2 =	sgt.s32 s14, $0xC3FFF  }
0x25: {  	s14 =	smov.u32 @p2 s2;
	p2 =	sne.s32 s11, s7  }
.Ltmp1:
0x26: {  	_ = 	snop;
	(pc) =	sbr.rel @!p2 .LBB1_6-.Ltmp1, $4  }
0x27: {  	s13 =	simm.s32 @!p1 $0x2  }
0x28: {  	p0 =	por !p0, !p0;
	_ =	swait.ge @!p1 [sflag:s13], s12;
	s15 =	ssub.s32 @!p1 $0x0, s12  }
0x29: {  	s12 =	smov.u32 s9;
	s11 =	sadd.s32 $0x1, s11;
	[sflag:s13] =	ssyncset.done @!p1 $0x0  }
0x2a: {  	s9 =	smov.u32 s10;
	s10 =	smov.u32 s14;
	[sflag:s13] =	ssyncadd.s32 @!p1 s15  }
.LBB1_1:
0x2b: {  	p1 =	sge.u32 s11, s6  }
0x2c: {  	s13 =	sand.u32 @!p1 $0x1FFFFFF, s10  }
0x2d: {  	s14 =	smulhi.u32 @!p1 $0x14E5E0B, s13;
	_ =	sdelay $0x1  }
0x2e: {  	s14 =	sshrl.u32 @!p1 s14, $0xC  }
0x2f: {  	s14 =	smul.u32 @!p1 $0xC4000, s14;
	_ =	sdelay $0x1  }
0x30: {  	s31 =	sadd.s32 $0xFFFFFFFF, s11;
	s15 =	sxor.u32 @!p1 $0xFFFFFFFF, s11;
	s13 =	ssub.s32 @!p1 s13, s14  }
0x31: {  	s16 =	simm.s32 @!p1 $0x80;
	s15 =	sshll.u32 @!p1 s15, $0xD;
	s13 =	sshll.u32 @!p1 s13, $0x4  }
0x32: {  	s14 =	sand.u32 @!p1 $0x2000, s15;
	s15 =	simm.s32 @!p1 $0x40;
	s13 =	sadd.s32 @!p1 s3, s13  }
0x33: {  	[tilespmem:s14], [sflag:$0x1] =	stream.strided.gather @!p1 [hbm4b:s13+s15], $0x2000, s16, s15, $0x38;
	[tilespmem:$0x8080] =	vst v63  }
0x34: {  	p1 =	sge.u32 s31, s6  }
.Ltmp2:
0x35: {  	_ = 	snop;
	(pc) =	sbr.rel @p1 .LBB1_5-.Ltmp2, $1  }
0x36: {  	_ =	sdelay $0x3  }
0x37: {  	s13 =	simm.s32 $0x1  }
0x38: {  	_ =	swait.ge [sflag:s4], $0x2000;
	s13 =	simm.s32 @!p0 $0x0  }
0x39: {  	[sflag:s4] =	ssyncset.done $0x0;
	s14 =	sshll.u32 s13, $0xD  }
0x3a: {  	[sflag:s4] =	ssyncadd.s32 $0xFFFFE000;
	s17 =	sor.u32 $0x20, s14  }
0x3b: {  	s13 =	smul.u32 $0x8100, s13;
	v3 =	vld [tilespmem:s17+$0x10]  }
0x3c: {  	s30 =	sand.u32 $0x1, s11;
	v2 =	vld [tilespmem:s17+$0xFFFFFFF0]  }
0x3d: {  	s14 =	smul.u32 $0x8100, s30;
	s13 =	sshrl.u32 s13, $0x2;
	v0 =	vld [tilespmem:s17+$0x0]  }
0x3e: {  	v1 =	vld [tilespmem:s17+$0xFFFFFFE0];
	s15 =	sor.u32 $0x4000, s13  }
0x3f: {  	s31 =	sshrl.u32 s14, $0x2;
	s14 =	sadd.s32 $0x0, s15  }
0x40: {  	s16 =	simm.s32 $0x4;
	s17 =	sadd.s32 $0x40, s17;
	s13 =	sor.u32 $0x4000, s31;
	[tilespmem:s14+$0x1830 ss:$0x81] =	vst.msk $0xffff, v3  }
.LBB1_3:
0x41: {  	v3 =	vld [tilespmem:s17+$0x10];
	p1 =	sne.s32 s16, $0x1FC;
	[tilespmem:s14+$0x810 ss:$0x81] =	vst.msk $0xffff, v2;
	s18 =	smov.u32 s16;
	s16 =	sadd.s32 $0x4, s16  }
.Ltmp3:
0x42: {  	v2 =	vld [tilespmem:s17+$0xFFFFFFF0];
	[tilespmem:s14+$0x1020 ss:$0x81] =	vst.msk $0xffff, v0;
	(pc) =	sbr.rel @p1 .LBB1_3-.Ltmp3, $4  }
0x43: {  	v0 =	vld [tilespmem:s17+$0x0];
	[tilespmem:s14+$0x0 ss:$0x81] =	vst.msk $0xffff, v1  }
0x44: {  	s14 =	sshra.s32 s18, $0x2;
	v1 =	vld [tilespmem:s17+$0xFFFFFFE0]  }
0x45: {  	s14 =	sadd.s32 s14, s15  }
0x46: {  	s17 =	sadd.s32 $0x40, s17;
	[tilespmem:s14+$0x1830 ss:$0x81] =	vst.msk $0xffff, v3  }
.Ltmp4:
0x47: {  	_ = 	snop;
	(pc) =	sbr.rel .LBB1_4-.Ltmp4, $1  }
0x48: {  	_ =	sdelay $0x3  }
.LBB1_6:
0x49: {  	_ =	sfence.sel $0x180000  }
0x4a: {  	s2 =	simm.s32 $0x1;
	[bflag:$0x0] =	sbarrier.arrive $0xFFFF  }
0x4b: {  	s31 =	simm.s32 $0x2;
	[sflag:s2] =	ssyncpa.u1 $0x1  }
0x4c: {  	[sflag:s31] =	ssyncpa.u1 $0x1  }
0x4d: {  	p0 =	sne.s32 s0, $0x0;
	_ =	strace $0x90000065  }
0x4e: {  	s0 =	sadd.s32 @!p0 $0x100000, s1;
	[bflag:$0x2] =	sbarrier.arrive $0xFFFF  }
0x4f: {  	[sflag:s0] =	ssyncadd.tile.s32 @!p0 $0x1;
	_ =	shalt  }
.Lfunc_end1:
_tile_overlayer_lowered:
.L_overlay_start_2:
0x50: {  	(tag) =	ssettag $0x2  }
0x51: {  	s0 =	rddreg [dreg:$0x0];
	s2 =	stileid.u32  }
0x52: {  	s1 =	rddreg [dreg:$0x1];
	p0 =	sne.s32 s2, $0x0  }
0x53: {  	s3 =	rddreg [dreg:$0x2];
	[bflag:$0x3] =	sbarrier.arrive $0xFFFF;
	s2 =	simm.s32 @!p0 $0x1C01  }
0x54: {  	[timem:s3], [sflag:s2] =	dma.local @!p0 [hbm:s0], s1  }
0x55: {  	s0 =	simm.s32 @!p0 $0x1  }
0x56: {  	_ =	swait.ge @!p0 [sflag:s0], s1  }
0x57: {  	s1 =	ssub.s32 @!p0 $0x0, s1;
	[sflag:s0] =	ssyncset.done @!p0 $0x0  }
0x58: {  	[sflag:s0] =	ssyncadd.s32 @!p0 s1  }
0x59: {  	[bflag:$0x3] =	sbarrier.arrive $0xFFFF  }
0x5a: {  	_ =	shalt  }

</sc_bundles>
